<compile_context>
chip_gen: v7x
topology: tpu7x:2x2x1
jax: 0.10.2.dev20260603
libtpu: 0.0.44.dev20260713+nightly
codegen_flags: <defaults>
</compile_context>

<pallas_src>
import jax
import jax.numpy as jnp
import numpy as np
from jax import lax
from jax.experimental import pallas as pl
from jax.experimental.pallas import tpu as pltpu
from jax.experimental.pallas import tpu_sc as plsc

_N = 10000
_E = 320000
_F = 128
_CUTOFF = 5.0
_NUM_ATOMS = 20

_NC = 2
_NS = 16
_C = 64
_NCHUNK = 8
_EB = 128
_NBATCH = 160
_G = 32
_D = 2
_SINK = _N
_NB = 1000


def _tc_body(*refs):
    (ns_ref, nv_ref, dis_ref, w1_ref, b1_ref, w2a_ref, b2a_ref,
     w2c_ref, b2c_ref, wfa_ref, bfa_ref, wfc_ref, bfc_ref, rep_ref) = refs[:14]
    out = refs[14:]
    d = dis_ref[...]
    n = lax.broadcasted_iota(jnp.int32, (d.shape[0], _NUM_ATOMS), 1
                             ).astype(jnp.float32) + 1.0
    rbf = jnp.sin(n * (np.pi / _CUTOFF) * d) / d
    cut = jnp.where(d <= _CUTOFF,
                    0.5 * (jnp.cos((np.pi / _CUTOFF) * d) + 1.0),
                    jnp.float32(0.0))
    z = jnp.dot(ns_ref[...], w1_ref[...],
                preferred_element_type=jnp.float32) + b1_ref[...]
    h = z * (1.0 / (1.0 + jnp.exp(-z)))
    sa = jnp.dot(h, w2a_ref[...], preferred_element_type=jnp.float32) + b2a_ref[...]
    sc = jnp.dot(h, w2c_ref[...], preferred_element_type=jnp.float32) + b2c_ref[...]
    fa = jnp.dot(rbf, wfa_ref[...], preferred_element_type=jnp.float32) + bfa_ref[...]
    fc = jnp.dot(rbf, wfc_ref[...], preferred_element_type=jnp.float32) + bfc_ref[...]
    g1 = fa * cut * sa
    g3 = fc * cut * sc
    g1r = jnp.dot(g1, rep_ref[...], preferred_element_type=jnp.float32)
    nv = nv_ref[...]
    v = nv * g1r
    pay = [g3[:, :_C], g3[:, _C:]] + [
        v[:, i * _C:(i + 1) * _C] for i in range(6)]
    base = [ns_ref[:, :_C], ns_ref[:, _C:]] + [
        nv[:, i * _C:(i + 1) * _C] for i in range(6)]
    for k in range(_NCHUNK):
        out[k][...] = pay[k]
        out[_NCHUNK + k][...] = base[k]


def _tc_payload(node_s, nv_flat, dis2d, w1, b1, w2a, b2a, w2c, b2c,
                wfa, bfa, wfc, bfc, rep):
    grid = (_N // _NB,)
    row = lambda i: (i, 0)
    full = lambda i: (0, 0)
    f32 = jnp.float32
    return pl.pallas_call(
        _tc_body,
        grid=grid,
        in_specs=[
            pl.BlockSpec((_NB, _F), row),
            pl.BlockSpec((_NB, 3 * _F), row),
            pl.BlockSpec((_NB, 1), row),
            pl.BlockSpec((_F, _F), full),
            pl.BlockSpec((1, _F), full),
            pl.BlockSpec((_F, _F), full),
            pl.BlockSpec((1, _F), full),
            pl.BlockSpec((_F, _F), full),
            pl.BlockSpec((1, _F), full),
            pl.BlockSpec((_NUM_ATOMS, _F), full),
            pl.BlockSpec((1, _F), full),
            pl.BlockSpec((_NUM_ATOMS, _F), full),
            pl.BlockSpec((1, _F), full),
            pl.BlockSpec((_F, 3 * _F), full),
        ],
        out_specs=[pl.BlockSpec((_NB, _C), row)] * (2 * _NCHUNK),
        out_shape=[jax.ShapeDtypeStruct((_N, _C), f32)] * (2 * _NCHUNK),
    )(node_s, nv_flat, dis2d, w1, b1, w2a, b2a, w2c, b2c, wfa, bfa, wfc, bfc,
      rep)


def _sc_body(*refs):
    qs = refs[:_NCHUNK]
    src_h, dst_h = refs[_NCHUNK], refs[_NCHUNK + 1]
    bs = refs[_NCHUNK + 2:2 * _NCHUNK + 2]
    os = refs[2 * _NCHUNK + 2:3 * _NCHUNK + 2]
    table, acc, idx_s, idx_d, bufs, sem = refs[3 * _NCHUNK + 2:]
    c = lax.axis_index("c")
    s = lax.axis_index("s")
    rpt = 624
    tail = _N - _NS * rpt
    r0 = s * rpt

    def do_chunk(q_hbm, base_hbm, out_hbm):
        pltpu.sync_copy(q_hbm.at[pl.ds(r0, rpt)], table.at[pl.ds(r0, rpt)])
        pltpu.sync_copy(base_hbm.at[pl.ds(r0, rpt)], acc.at[pl.ds(r0, rpt)])

        @pl.when(s == 0)
        def _():
            pltpu.sync_copy(q_hbm.at[pl.ds(_NS * rpt, tail)],
                            table.at[pl.ds(_NS * rpt, tail)])
            pltpu.sync_copy(base_hbm.at[pl.ds(_NS * rpt, tail)],
                            acc.at[pl.ds(_NS * rpt, tail)])

        plsc.subcore_barrier()

        def group(g, carry):
            pltpu.sync_copy(src_h.at[s, pl.ds(g * _G, _G)], idx_s)
            pltpu.sync_copy(dst_h.at[s, pl.ds(g * _G, _G)], idx_d)
            for d in range(_D):
                pltpu.async_copy(table.at[idx_s.at[d]], bufs[d], sem)

            def pipe(i, carry2):
                for d in range(_D):
                    j = i * _D + d
                    pltpu.make_async_copy(table.at[idx_s.at[j]], bufs[d],
                                          sem).wait()
                    pltpu.sync_copy(bufs[d], acc.at[idx_d.at[j]], add=True)

                    @pl.when(j + _D < _G)
                    def _():
                        pltpu.async_copy(table.at[idx_s.at[j + _D]],
                                         bufs[d], sem)
                return carry2

            lax.fori_loop(0, _G // _D, pipe, 0)
            return carry

        lax.fori_loop(0, _NBATCH // _G, group, 0)
        plsc.subcore_barrier()
        pltpu.sync_copy(acc.at[pl.ds(r0, rpt)], out_hbm.at[pl.ds(r0, rpt)])

        @pl.when(s == 0)
        def _():
            pltpu.sync_copy(acc.at[pl.ds(_NS * rpt, tail)],
                            out_hbm.at[pl.ds(_NS * rpt, tail)])

        plsc.subcore_barrier()

    @pl.when(c == 0)
    def _():
        for k in range(4):
            do_chunk(qs[k], bs[k], os[k])

    @pl.when(c == 1)
    def _():
        for k in range(4, 8):
            do_chunk(qs[k], bs[k], os[k])


def _sc_scatter(qs, src, dst, bs):
    f32 = jnp.float32
    mesh = plsc.VectorSubcoreMesh(core_axis_name="c", subcore_axis_name="s",
                                  num_cores=_NC, num_subcores=_NS)
    fn = pl.kernel(
        _sc_body,
        out_type=[jax.ShapeDtypeStruct((_N, _C), f32)] * _NCHUNK,
        mesh=mesh,
        scratch_types=[
            pltpu.VMEM_SHARED((_N, _C), f32),
            pltpu.VMEM_SHARED((_N + 8, _C), f32),
            pltpu.VMEM((_G, _EB), jnp.int32),
            pltpu.VMEM((_G, _EB), jnp.int32),
            [pltpu.VMEM((_EB, _C), f32) for _ in range(_D)],
            pltpu.SemaphoreType.DMA,
        ],
    )
    return fn(*qs, src, dst, *bs)


def _repeat3_matrix():
    r = np.zeros((_F, 3 * _F), dtype=np.float32)
    for f in range(_F):
        r[f, 3 * f:3 * f + 3] = 1.0
    return jnp.asarray(r)


@jax.jit
def kernel(node_s, node_vec, edge, edge_difference, edge_dis,
           W1, b1, W2, b2, Wf, bf):
    del edge_difference
    nv_flat = node_vec.reshape(_N, 3 * _F)
    dis2d = edge_dis.reshape(_N, 1)
    pad = _NS * _NBATCH * _EB - _E
    src = jnp.concatenate(
        [edge[:, 1], jnp.zeros((pad,), jnp.int32)]).reshape(
            _NS, _NBATCH, _EB)
    dst = jnp.concatenate(
        [edge[:, 0], jnp.full((pad,), _SINK, jnp.int32)]).reshape(
            _NS, _NBATCH, _EB)
    w2a, b2a = W2[:, :_F], b2[:_F].reshape(1, _F)
    w2c, b2c = W2[:, 2 * _F:], b2[2 * _F:].reshape(1, _F)
    wfa, bfa = Wf[:, :_F], bf[:_F].reshape(1, _F)
    wfc, bfc = Wf[:, 2 * _F:], bf[2 * _F:].reshape(1, _F)
    rep = _repeat3_matrix()

    outs = _tc_payload(
        node_s, nv_flat, dis2d, W1, b1.reshape(1, _F), w2a, b2a, w2c, b2c,
        wfa, bfa, wfc, bfc, rep)
    qs, bs = outs[:_NCHUNK], outs[_NCHUNK:]

    os = _sc_scatter(qs, src, dst, bs)

    delta_node_scalar = jnp.concatenate(os[:2], axis=1)
    delta_node_vector = jnp.concatenate(os[2:], axis=1).reshape(_N, _F, 3)
    return (delta_node_vector, delta_node_scalar)

# --- scband reference (transcript-rebuilt; emitter-appended) ---
"""Pipeline reference for scband-message-2628519985360 (READ-ONLY COPY).

The authoritative reference and input builder live on the scoring server;
editing this copy changes nothing except your own understanding.
"""

import jax, jax.numpy as jnp
import numpy as np

N = 10000
E = 320000
F = 128
CUTOFF = 5.0
NUM_ATOMS = 20


def setup_inputs(seed: int = 0) -> dict:
    key = jax.random.key(seed)
    ks = jax.random.split(key, 12)
    node_s = jax.random.normal(ks[0], (N, F), dtype=jnp.float32)
    node_vec = jax.random.normal(ks[1], (N, F, 3), dtype=jnp.float32)
    edge = jax.random.randint(ks[2], (E, 2), 0, N, dtype=jnp.int32)
    edge_difference = jax.random.normal(ks[3], (N, 3), dtype=jnp.float32)
    edge_dis = jax.random.uniform(ks[4], (N,), minval=0.1, maxval=CUTOFF * 1.2, dtype=jnp.float32)
    W1 = jax.random.normal(ks[5], (F, F), dtype=jnp.float32) * (1.0 / np.sqrt(F))
    b1 = jnp.zeros((F,), dtype=jnp.float32)
    W2 = jax.random.normal(ks[6], (F, 3 * F), dtype=jnp.float32) * (1.0 / np.sqrt(F))
    b2 = jnp.zeros((3 * F,), dtype=jnp.float32)
    Wf = jax.random.normal(ks[7], (NUM_ATOMS, 3 * F), dtype=jnp.float32) * (1.0 / np.sqrt(NUM_ATOMS))
    bf = jnp.zeros((3 * F,), dtype=jnp.float32)
    return {"node_s": node_s, "node_vec": node_vec, "edge": edge, "edge_difference": edge_difference, "edge_dis": edge_dis, "W1": W1, "b1": b1, "W2": W2, "b2": b2, "Wf": Wf, "bf": bf}


def reference(node_s, node_vec, edge, edge_difference, edge_dis, W1, b1, W2, b2, Wf, bf):
    # rbf(edge_dis, NUM_ATOMS, CUTOFF)
    n = jnp.arange(NUM_ATOMS, dtype=jnp.float32) + 1.0
    inner = n * jnp.pi / CUTOFF * edge_dis[:, None]
    rbf_feat = jnp.sin(inner) / edge_dis[:, None]
    # self.filter(rbf)[edge[:,1]]
    filt = rbf_feat @ Wf + bf
    src = edge[:, 1]
    dst = edge[:, 0]
    filter_W = jnp.take(filt, src, axis=0)
    # cos_cut(edge_dis, cutoff).unsqueeze(-1)[edge[:,1]]
    cut = jnp.where(edge_dis <= CUTOFF, 0.5 * (jnp.cos(jnp.pi * edge_dis / CUTOFF) + 1.0), jnp.float32(0.0))
    cos_cut_var = jnp.take(cut[:, None], src, axis=0)
    filter_W = filter_W * cos_cut_var
    # scalar_msg MLP
    h = jax.nn.silu(node_s @ W1 + b1)
    s_output = h @ W2 + b2
    filer_output = filter_W * jnp.take(s_output, src, axis=0)
    gate_state_vector, gate_edge_vector, message_scalar = jnp.split(filer_output, 3, axis=1)
    message_vec = jnp.take(node_vec, src, axis=0) * gate_state_vector[:, :, None]
    edge_vec = gate_edge_vector[:, None, :] * (jnp.take(edge_difference, src, axis=0) / jnp.take(edge_dis, src, axis=0)[:, None])[:, :, None]
    del edge_vec  # computed in original forward but never used in outputs
    temp_s = jnp.zeros_like(node_s).at[dst].add(message_scalar)
    temp_vec = jnp.zeros_like(node_vec).at[dst].add(message_vec)
    delta_node_scalar = node_s + temp_s
    delta_node_vector = node_vec + temp_vec
    return (delta_node_vector, delta_node_scalar)

if __name__ == "__main__":
    import jax
    _d = setup_inputs()
    print(jax.jit(kernel)(*tuple(_d.values())))

</pallas_src>

<mosaic_0001>
#map = affine_map<(d0, d1) -> (0, 0)>
#map1 = affine_map<(d0, d1) -> (0, 0, 0)>
module attributes {stable_mosaic.version = 14 : i64} {
  func.func @_sc_body(%arg0: i32, %arg1: i32, %arg2: memref<10000x64xf32, #tpu.memory_space<hbm>>, %arg3: memref<10000x64xf32, #tpu.memory_space<hbm>>, %arg4: memref<10000x64xf32, #tpu.memory_space<hbm>>, %arg5: memref<10000x64xf32, #tpu.memory_space<hbm>>, %arg6: memref<10000x64xf32, #tpu.memory_space<hbm>>, %arg7: memref<10000x64xf32, #tpu.memory_space<hbm>>, %arg8: memref<10000x64xf32, #tpu.memory_space<hbm>>, %arg9: memref<10000x64xf32, #tpu.memory_space<hbm>>, %arg10: memref<16x160x128xi32, #tpu.memory_space<hbm>>, %arg11: memref<16x160x128xi32, #tpu.memory_space<hbm>>, %arg12: memref<10000x64xf32, #tpu.memory_space<hbm>>, %arg13: memref<10000x64xf32, #tpu.memory_space<hbm>>, %arg14: memref<10000x64xf32, #tpu.memory_space<hbm>>, %arg15: memref<10000x64xf32, #tpu.memory_space<hbm>>, %arg16: memref<10000x64xf32, #tpu.memory_space<hbm>>, %arg17: memref<10000x64xf32, #tpu.memory_space<hbm>>, %arg18: memref<10000x64xf32, #tpu.memory_space<hbm>>, %arg19: memref<10000x64xf32, #tpu.memory_space<hbm>>, %arg20: memref<10000x64xf32, #tpu.memory_space<hbm>>, %arg21: memref<10000x64xf32, #tpu.memory_space<hbm>>, %arg22: memref<10000x64xf32, #tpu.memory_space<hbm>>, %arg23: memref<10000x64xf32, #tpu.memory_space<hbm>>, %arg24: memref<10000x64xf32, #tpu.memory_space<hbm>>, %arg25: memref<10000x64xf32, #tpu.memory_space<hbm>>, %arg26: memref<10000x64xf32, #tpu.memory_space<hbm>>, %arg27: memref<10000x64xf32, #tpu.memory_space<hbm>>, %arg28: memref<10000x64xf32, #tpu.memory_space<vmem_shared>>, %arg29: memref<10008x64xf32, #tpu.memory_space<vmem_shared>>, %arg30: memref<32x128xi32, #tpu.memory_space<vmem>>, %arg31: memref<32x128xi32, #tpu.memory_space<vmem>>, %arg32: memref<128x64xf32, #tpu.memory_space<vmem>>, %arg33: memref<128x64xf32, #tpu.memory_space<vmem>>, %arg34: memref<!tpu.dma_semaphore, #tpu.memory_space<semaphore_mem>>) attributes {dimension_semantics = [#tpu.dimension_semantics<core_parallel>, #tpu.dimension_semantics<subcore_parallel>], iteration_bounds = array<i64: 2, 16>, scalar_prefetch = 0 : i64, scratch_operands = 7 : i64, tpu.core_type = #tpu.core_type<sc_vector_subcore>, window_params = [{transform_indices = #map}, {transform_indices = #map}, {transform_indices = #map}, {transform_indices = #map}, {transform_indices = #map}, {transform_indices = #map}, {transform_indices = #map}, {transform_indices = #map}, {transform_indices = #map1}, {transform_indices = #map1}, {transform_indices = #map}, {transform_indices = #map}, {transform_indices = #map}, {transform_indices = #map}, {transform_indices = #map}, {transform_indices = #map}, {transform_indices = #map}, {transform_indices = #map}, {transform_indices = #map}, {transform_indices = #map}, {transform_indices = #map}, {transform_indices = #map}, {transform_indices = #map}, {transform_indices = #map}, {transform_indices = #map}, {transform_indices = #map}]} {
    %mul3A = arith.constant 624 : i32
    %mul3A_0 = arith.muli %arg1, %mul3A : i32
    %eq3A = arith.constant 0 : i32
    %eq3A_1 = arith.cmpi eq, %arg0, %eq3A : i32
    %convert_element_type3A = arith.extui %eq3A_1 : i1 to i32
    %cond3A = arith.constant 0 : i32
    %cond3A_2 = arith.cmpi ne, %convert_element_type3A, %cond3A : i32
    scf.if %cond3A_2 {
      "tpu.region"() ({
        %run_scoped3A = tpu.sem_alloc : memref<!tpu.dma_semaphore, #tpu.memory_space<semaphore_mem>>
        %dma_start3A = arith.constant 0 : i32
        %dma_start3A_82 = tpu.memref_slice %arg28[%mul3A_0, %dma_start3A] : memref<10000x64xf32, #tpu.memory_space<vmem_shared>> -> memref<624x64xf32, #tpu.memory_space<vmem_shared>>
        %dma_start3A_83 = arith.constant 0 : i32
        %dma_start3A_84 = tpu.memref_slice %arg2[%mul3A_0, %dma_start3A_83] : memref<10000x64xf32, #tpu.memory_space<hbm>> -> memref<624x64xf32, #tpu.memory_space<hbm>>
        tpu.enqueue_dma source(%dma_start3A_84 : memref<624x64xf32, #tpu.memory_space<hbm>>) target(%dma_start3A_82 : memref<624x64xf32, #tpu.memory_space<vmem_shared>>) target_semaphore(%run_scoped3A : memref<!tpu.dma_semaphore, #tpu.memory_space<semaphore_mem>>)
        %dma_wait3A = arith.constant 0 : i32
        %dma_wait3A_85 = tpu.memref_slice %arg28[%mul3A_0, %dma_wait3A] : memref<10000x64xf32, #tpu.memory_space<vmem_shared>> -> memref<624x64xf32, #tpu.memory_space<vmem_shared>>
        %dma_wait3A_86 = arith.constant 0 : i32
        %dma_wait3A_87 = tpu.memref_slice %arg2[%mul3A_0, %dma_wait3A_86] : memref<10000x64xf32, #tpu.memory_space<hbm>> -> memref<624x64xf32, #tpu.memory_space<hbm>>
        tpu.wait_dma2 semaphore(%run_scoped3A : memref<!tpu.dma_semaphore, #tpu.memory_space<semaphore_mem>>) src(%dma_wait3A_87 : memref<624x64xf32, #tpu.memory_space<hbm>>) dst(%dma_wait3A_85 : memref<624x64xf32, #tpu.memory_space<vmem_shared>>)
        tpu.yield
      }) : () -> ()
      "tpu.region"() ({
        %run_scoped3A = tpu.sem_alloc : memref<!tpu.dma_semaphore, #tpu.memory_space<semaphore_mem>>
        %dma_start3A = arith.constant 0 : i32
        %dma_start3A_82 = tpu.memref_slice %arg29[%mul3A_0, %dma_start3A] : memref<10008x64xf32, #tpu.memory_space<vmem_shared>> -> memref<624x64xf32, #tpu.memory_space<vmem_shared>>
        %dma_start3A_83 = arith.constant 0 : i32
        %dma_start3A_84 = tpu.memref_slice %arg12[%mul3A_0, %dma_start3A_83] : memref<10000x64xf32, #tpu.memory_space<hbm>> -> memref<624x64xf32, #tpu.memory_space<hbm>>
        tpu.enqueue_dma source(%dma_start3A_84 : memref<624x64xf32, #tpu.memory_space<hbm>>) target(%dma_start3A_82 : memref<624x64xf32, #tpu.memory_space<vmem_shared>>) target_semaphore(%run_scoped3A : memref<!tpu.dma_semaphore, #tpu.memory_space<semaphore_mem>>)
        %dma_wait3A = arith.constant 0 : i32
        %dma_wait3A_85 = tpu.memref_slice %arg29[%mul3A_0, %dma_wait3A] : memref<10008x64xf32, #tpu.memory_space<vmem_shared>> -> memref<624x64xf32, #tpu.memory_space<vmem_shared>>
        %dma_wait3A_86 = arith.constant 0 : i32
        %dma_wait3A_87 = tpu.memref_slice %arg12[%mul3A_0, %dma_wait3A_86] : memref<10000x64xf32, #tpu.memory_space<hbm>> -> memref<624x64xf32, #tpu.memory_space<hbm>>
        tpu.wait_dma2 semaphore(%run_scoped3A : memref<!tpu.dma_semaphore, #tpu.memory_space<semaphore_mem>>) src(%dma_wait3A_87 : memref<624x64xf32, #tpu.memory_space<hbm>>) dst(%dma_wait3A_85 : memref<624x64xf32, #tpu.memory_space<vmem_shared>>)
        tpu.yield
      }) : () -> ()
      %eq3A_8 = arith.constant 0 : i32
      %eq3A_9 = arith.cmpi eq, %arg1, %eq3A_8 : i32
      %convert_element_type3A_10 = arith.extui %eq3A_9 : i1 to i32
      %cond3A_11 = arith.constant 0 : i32
      %cond3A_12 = arith.cmpi ne, %convert_element_type3A_10, %cond3A_11 : i32
      scf.if %cond3A_12 {
        "tpu.region"() ({
          %run_scoped3A = tpu.sem_alloc : memref<!tpu.dma_semaphore, #tpu.memory_space<semaphore_mem>>
          %dma_start3A = arith.constant 9984 : i32
          %dma_start3A_82 = arith.constant 0 : i32
          %dma_start3A_83 = tpu.memref_slice %arg28[%dma_start3A, %dma_start3A_82] : memref<10000x64xf32, #tpu.memory_space<vmem_shared>> -> memref<16x64xf32, #tpu.memory_space<vmem_shared>>
          %dma_start3A_84 = arith.constant 9984 : i32
          %dma_start3A_85 = arith.constant 0 : i32
          %dma_start3A_86 = tpu.memref_slice %arg2[%dma_start3A_84, %dma_start3A_85] : memref<10000x64xf32, #tpu.memory_space<hbm>> -> memref<16x64xf32, #tpu.memory_space<hbm>>
          tpu.enqueue_dma source(%dma_start3A_86 : memref<16x64xf32, #tpu.memory_space<hbm>>) target(%dma_start3A_83 : memref<16x64xf32, #tpu.memory_space<vmem_shared>>) target_semaphore(%run_scoped3A : memref<!tpu.dma_semaphore, #tpu.memory_space<semaphore_mem>>)
          %dma_wait3A = arith.constant 9984 : i32
          %dma_wait3A_87 = arith.constant 0 : i32
          %dma_wait3A_88 = tpu.memref_slice %arg28[%dma_wait3A, %dma_wait3A_87] : memref<10000x64xf32, #tpu.memory_space<vmem_shared>> -> memref<16x64xf32, #tpu.memory_space<vmem_shared>>
          %dma_wait3A_89 = arith.constant 9984 : i32
          %dma_wait3A_90 = arith.constant 0 : i32
          %dma_wait3A_91 = tpu.memref_slice %arg2[%dma_wait3A_89, %dma_wait3A_90] : memref<10000x64xf32, #tpu.memory_space<hbm>> -> memref<16x64xf32, #tpu.memory_space<hbm>>
          tpu.wait_dma2 semaphore(%run_scoped3A : memref<!tpu.dma_semaphore, #tpu.memory_space<semaphore_mem>>) src(%dma_wait3A_91 : memref<16x64xf32, #tpu.memory_space<hbm>>) dst(%dma_wait3A_88 : memref<16x64xf32, #tpu.memory_space<vmem_shared>>)
          tpu.yield
        }) : () -> ()
        "tpu.region"() ({
          %run_scoped3A = tpu.sem_alloc : memref<!tpu.dma_semaphore, #tpu.memory_space<semaphore_mem>>
          %dma_start3A = arith.constant 9984 : i32
          %dma_start3A_82 = arith.constant 0 : i32
          %dma_start3A_83 = tpu.memref_slice %arg29[%dma_start3A, %dma_start3A_82] : memref<10008x64xf32, #tpu.memory_space<vmem_shared>> -> memref<16x64xf32, #tpu.memory_space<vmem_shared>>
          %dma_start3A_84 = arith.constant 9984 : i32
          %dma_start3A_85 = arith.constant 0 : i32
          %dma_start3A_86 = tpu.memref_slice %arg12[%dma_start3A_84, %dma_start3A_85] : memref<10000x64xf32, #tpu.memory_space<hbm>> -> memref<16x64xf32, #tpu.memory_space<hbm>>
          tpu.enqueue_dma source(%dma_start3A_86 : memref<16x64xf32, #tpu.memory_space<hbm>>) target(%dma_start3A_83 : memref<16x64xf32, #tpu.memory_space<vmem_shared>>) target_semaphore(%run_scoped3A : memref<!tpu.dma_semaphore, #tpu.memory_space<semaphore_mem>>)
          %dma_wait3A = arith.constant 9984 : i32
          %dma_wait3A_87 = arith.constant 0 : i32
          %dma_wait3A_88 = tpu.memref_slice %arg29[%dma_wait3A, %dma_wait3A_87] : memref<10008x64xf32, #tpu.memory_space<vmem_shared>> -> memref<16x64xf32, #tpu.memory_space<vmem_shared>>
          %dma_wait3A_89 = arith.constant 9984 : i32
          %dma_wait3A_90 = arith.constant 0 : i32
          %dma_wait3A_91 = tpu.memref_slice %arg12[%dma_wait3A_89, %dma_wait3A_90] : memref<10000x64xf32, #tpu.memory_space<hbm>> -> memref<16x64xf32, #tpu.memory_space<hbm>>
          tpu.wait_dma2 semaphore(%run_scoped3A : memref<!tpu.dma_semaphore, #tpu.memory_space<semaphore_mem>>) src(%dma_wait3A_91 : memref<16x64xf32, #tpu.memory_space<hbm>>) dst(%dma_wait3A_88 : memref<16x64xf32, #tpu.memory_space<vmem_shared>>)
          tpu.yield
        }) : () -> ()
      } else {
      }
      %barrier3A = arith.constant 0 : index
      tpu.barrier barrier_id(%barrier3A)
      %scan3A = arith.constant 0 : i32
      %scan3A_13 = arith.constant 0 : i32
      %scan3A_14 = arith.constant 5 : i32
      %scan3A_15 = arith.addi %scan3A_13, %scan3A_14 : i32
      %scan3A_16 = arith.constant 1 : i32
      scf.for %scan3A_82 = %scan3A_13 to %scan3A_15 step %scan3A_16  : i32 {
        %mul3A_83 = arith.constant 32 : i32
        %mul3A_84 = arith.muli %scan3A_82, %mul3A_83 : i32
        "tpu.region"() ({
          %run_scoped3A = tpu.sem_alloc : memref<!tpu.dma_semaphore, #tpu.memory_space<semaphore_mem>>
          %dma_start3A_106 = arith.constant 0 : i32
          %dma_start3A_107 = tpu.memref_slice %arg10[%arg1, %mul3A_84, %dma_start3A_106] : memref<16x160x128xi32, #tpu.memory_space<hbm>> -> memref<1x32x128xi32, #tpu.memory_space<hbm>>
          %dma_start3A_108 = tpu.memref_squeeze %dma_start3A_107 : memref<1x32x128xi32, #tpu.memory_space<hbm>> -> memref<32x128xi32, #tpu.memory_space<hbm>>
          %dma_start3A_109 = arith.constant 0 : i32
          %dma_start3A_110 = tpu.memref_slice %arg10[%arg1, %mul3A_84, %dma_start3A_109] : memref<16x160x128xi32, #tpu.memory_space<hbm>> -> memref<1x32x128xi32, #tpu.memory_space<hbm>>
          %dma_start3A_111 = tpu.memref_squeeze %dma_start3A_110 : memref<1x32x128xi32, #tpu.memory_space<hbm>> -> memref<32x128xi32, #tpu.memory_space<hbm>>
          tpu.enqueue_dma source(%dma_start3A_111 : memref<32x128xi32, #tpu.memory_space<hbm>>) target(%arg30 : memref<32x128xi32, #tpu.memory_space<vmem>>) target_semaphore(%run_scoped3A : memref<!tpu.dma_semaphore, #tpu.memory_space<semaphore_mem>>)
          %dma_wait3A = arith.constant 0 : i32
          %dma_wait3A_112 = tpu.memref_slice %arg10[%arg1, %mul3A_84, %dma_wait3A] : memref<16x160x128xi32, #tpu.memory_space<hbm>> -> memref<1x32x128xi32, #tpu.memory_space<hbm>>
          %dma_wait3A_113 = tpu.memref_squeeze %dma_wait3A_112 : memref<1x32x128xi32, #tpu.memory_space<hbm>> -> memref<32x128xi32, #tpu.memory_space<hbm>>
          %dma_wait3A_114 = arith.constant 0 : i32
          %dma_wait3A_115 = tpu.memref_slice %arg10[%arg1, %mul3A_84, %dma_wait3A_114] : memref<16x160x128xi32, #tpu.memory_space<hbm>> -> memref<1x32x128xi32, #tpu.memory_space<hbm>>
          %dma_wait3A_116 = tpu.memref_squeeze %dma_wait3A_115 : memref<1x32x128xi32, #tpu.memory_space<hbm>> -> memref<32x128xi32, #tpu.memory_space<hbm>>
          tpu.wait_dma2 semaphore(%run_scoped3A : memref<!tpu.dma_semaphore, #tpu.memory_space<semaphore_mem>>) src(%dma_wait3A_116 : memref<32x128xi32, #tpu.memory_space<hbm>>) dst(%arg30 : memref<32x128xi32, #tpu.memory_space<vmem>>)
          tpu.yield
        }) : () -> ()
        %mul3A_85 = arith.constant 32 : i32
        %mul3A_86 = arith.muli %scan3A_82, %mul3A_85 : i32
        "tpu.region"() ({
          %run_scoped3A = tpu.sem_alloc : memref<!tpu.dma_semaphore, #tpu.memory_space<semaphore_mem>>
          %dma_start3A_106 = arith.constant 0 : i32
          %dma_start3A_107 = tpu.memref_slice %arg11[%arg1, %mul3A_86, %dma_start3A_106] : memref<16x160x128xi32, #tpu.memory_space<hbm>> -> memref<1x32x128xi32, #tpu.memory_space<hbm>>
          %dma_start3A_108 = tpu.memref_squeeze %dma_start3A_107 : memref<1x32x128xi32, #tpu.memory_space<hbm>> -> memref<32x128xi32, #tpu.memory_space<hbm>>
          %dma_start3A_109 = arith.constant 0 : i32
          %dma_start3A_110 = tpu.memref_slice %arg11[%arg1, %mul3A_86, %dma_start3A_109] : memref<16x160x128xi32, #tpu.memory_space<hbm>> -> memref<1x32x128xi32, #tpu.memory_space<hbm>>
          %dma_start3A_111 = tpu.memref_squeeze %dma_start3A_110 : memref<1x32x128xi32, #tpu.memory_space<hbm>> -> memref<32x128xi32, #tpu.memory_space<hbm>>
          tpu.enqueue_dma source(%dma_start3A_111 : memref<32x128xi32, #tpu.memory_space<hbm>>) target(%arg31 : memref<32x128xi32, #tpu.memory_space<vmem>>) target_semaphore(%run_scoped3A : memref<!tpu.dma_semaphore, #tpu.memory_space<semaphore_mem>>)
          %dma_wait3A = arith.constant 0 : i32
          %dma_wait3A_112 = tpu.memref_slice %arg11[%arg1, %mul3A_86, %dma_wait3A] : memref<16x160x128xi32, #tpu.memory_space<hbm>> -> memref<1x32x128xi32, #tpu.memory_space<hbm>>
          %dma_wait3A_113 = tpu.memref_squeeze %dma_wait3A_112 : memref<1x32x128xi32, #tpu.memory_space<hbm>> -> memref<32x128xi32, #tpu.memory_space<hbm>>
          %dma_wait3A_114 = arith.constant 0 : i32
          %dma_wait3A_115 = tpu.memref_slice %arg11[%arg1, %mul3A_86, %dma_wait3A_114] : memref<16x160x128xi32, #tpu.memory_space<hbm>> -> memref<1x32x128xi32, #tpu.memory_space<hbm>>
          %dma_wait3A_116 = tpu.memref_squeeze %dma_wait3A_115 : memref<1x32x128xi32, #tpu.memory_space<hbm>> -> memref<32x128xi32, #tpu.memory_space<hbm>>
          tpu.wait_dma2 semaphore(%run_scoped3A : memref<!tpu.dma_semaphore, #tpu.memory_space<semaphore_mem>>) src(%dma_wait3A_116 : memref<32x128xi32, #tpu.memory_space<hbm>>) dst(%arg31 : memref<32x128xi32, #tpu.memory_space<vmem>>)
          tpu.yield
        }) : () -> ()
        %dma_start3A = arith.constant 0 : i32
        %dma_start3A_87 = arith.constant 0 : i32
        %dma_start3A_88 = tpu.memref_slice %arg30[%dma_start3A, %dma_start3A_87] : memref<32x128xi32, #tpu.memory_space<vmem>> -> memref<1x128xi32, #tpu.memory_space<vmem>>
        %dma_start3A_89 = tpu.memref_squeeze %dma_start3A_88 : memref<1x128xi32, #tpu.memory_space<vmem>> -> memref<128xi32, #tpu.memory_space<vmem>>
        %dma_start3A_90 = arith.constant 0 : i32
        %dma_start3A_91 = arith.constant 0 : i32
        %dma_start3A_92 = tpu.memref_slice %arg28[%dma_start3A_90, %dma_start3A_91] : memref<10000x64xf32, #tpu.memory_space<vmem_shared>> -> memref<10000x64xf32, #tpu.memory_space<vmem_shared>>
        tpu.enqueue_indirect_dma source(%dma_start3A_92 : memref<10000x64xf32, #tpu.memory_space<vmem_shared>>) target(%arg32 : memref<128x64xf32, #tpu.memory_space<vmem>>) offsets(%dma_start3A_89 : memref<128xi32, #tpu.memory_space<vmem>>) semaphore(%arg34 : memref<!tpu.dma_semaphore, #tpu.memory_space<semaphore_mem>>)
        %dma_start3A_93 = arith.constant 1 : i32
        %dma_start3A_94 = arith.constant 0 : i32
        %dma_start3A_95 = tpu.memref_slice %arg30[%dma_start3A_93, %dma_start3A_94] : memref<32x128xi32, #tpu.memory_space<vmem>> -> memref<1x128xi32, #tpu.memory_space<vmem>>
        %dma_start3A_96 = tpu.memref_squeeze %dma_start3A_95 : memref<1x128xi32, #tpu.memory_space<vmem>> -> memref<128xi32, #tpu.memory_space<vmem>>
        %dma_start3A_97 = arith.constant 0 : i32
        %dma_start3A_98 = arith.constant 0 : i32
        %dma_start3A_99 = tpu.memref_slice %arg28[%dma_start3A_97, %dma_start3A_98] : memref<10000x64xf32, #tpu.memory_space<vmem_shared>> -> memref<10000x64xf32, #tpu.memory_space<vmem_shared>>
        tpu.enqueue_indirect_dma source(%dma_start3A_99 : memref<10000x64xf32, #tpu.memory_space<vmem_shared>>) target(%arg33 : memref<128x64xf32, #tpu.memory_space<vmem>>) offsets(%dma_start3A_96 : memref<128xi32, #tpu.memory_space<vmem>>) semaphore(%arg34 : memref<!tpu.dma_semaphore, #tpu.memory_space<semaphore_mem>>)
        %scan3A_100 = arith.constant 0 : i32
        %scan3A_101 = arith.constant 0 : i32
        %scan3A_102 = arith.constant 16 : i32
        %scan3A_103 = arith.addi %scan3A_101, %scan3A_102 : i32
        %scan3A_104 = arith.constant 1 : i32
        scf.for %scan3A_106 = %scan3A_101 to %scan3A_103 step %scan3A_104  : i32 {
          %mul3A_107 = arith.constant 2 : i32
          %mul3A_108 = arith.muli %scan3A_106, %mul3A_107 : i32
          %add3A = arith.constant 0 : i32
          %add3A_109 = arith.addi %mul3A_108, %add3A : i32
          %dma_wait3A = arith.constant 0 : i32
          %dma_wait3A_110 = tpu.memref_slice %arg30[%add3A_109, %dma_wait3A] : memref<32x128xi32, #tpu.memory_space<vmem>> -> memref<1x128xi32, #tpu.memory_space<vmem>>
          %dma_wait3A_111 = tpu.memref_squeeze %dma_wait3A_110 : memref<1x128xi32, #tpu.memory_space<vmem>> -> memref<128xi32, #tpu.memory_space<vmem>>
          %dma_wait3A_112 = arith.constant 0 : i32
          %dma_wait3A_113 = arith.constant 0 : i32
          %dma_wait3A_114 = tpu.memref_slice %arg28[%dma_wait3A_112, %dma_wait3A_113] : memref<10000x64xf32, #tpu.memory_space<vmem_shared>> -> memref<10000x64xf32, #tpu.memory_space<vmem_shared>>
          tpu.wait_indirect_dma semaphore(%arg34 : memref<!tpu.dma_semaphore, #tpu.memory_space<semaphore_mem>>) src(%dma_wait3A_114 : memref<10000x64xf32, #tpu.memory_space<vmem_shared>>) dst(%arg32 : memref<128x64xf32, #tpu.memory_space<vmem>>)
          "tpu.region"() ({
            %run_scoped3A = tpu.sem_alloc : memref<!tpu.dma_semaphore, #tpu.memory_space<semaphore_mem>>
            %dma_start3A_138 = arith.constant 0 : i32
            %dma_start3A_139 = tpu.memref_slice %arg31[%add3A_109, %dma_start3A_138] : memref<32x128xi32, #tpu.memory_space<vmem>> -> memref<1x128xi32, #tpu.memory_space<vmem>>
            %dma_start3A_140 = tpu.memref_squeeze %dma_start3A_139 : memref<1x128xi32, #tpu.memory_space<vmem>> -> memref<128xi32, #tpu.memory_space<vmem>>
            %dma_start3A_141 = arith.constant 0 : i32
            %dma_start3A_142 = arith.constant 0 : i32
            %dma_start3A_143 = tpu.memref_slice %arg29[%dma_start3A_141, %dma_start3A_142] : memref<10008x64xf32, #tpu.memory_space<vmem_shared>> -> memref<10008x64xf32, #tpu.memory_space<vmem_shared>>
            tpu.enqueue_indirect_dma source(%arg32 : memref<128x64xf32, #tpu.memory_space<vmem>>) target(%dma_start3A_143 : memref<10008x64xf32, #tpu.memory_space<vmem_shared>>) offsets(%dma_start3A_140 : memref<128xi32, #tpu.memory_space<vmem>>) semaphore(%run_scoped3A : memref<!tpu.dma_semaphore, #tpu.memory_space<semaphore_mem>>) {add = true}
            %dma_wait3A_144 = arith.constant 0 : i32
            %dma_wait3A_145 = tpu.memref_slice %arg31[%add3A_109, %dma_wait3A_144] : memref<32x128xi32, #tpu.memory_space<vmem>> -> memref<1x128xi32, #tpu.memory_space<vmem>>
            %dma_wait3A_146 = tpu.memref_squeeze %dma_wait3A_145 : memref<1x128xi32, #tpu.memory_space<vmem>> -> memref<128xi32, #tpu.memory_space<vmem>>
            %dma_wait3A_147 = arith.constant 0 : i32
            %dma_wait3A_148 = arith.constant 0 : i32
            %dma_wait3A_149 = tpu.memref_slice %arg29[%dma_wait3A_147, %dma_wait3A_148] : memref<10008x64xf32, #tpu.memory_space<vmem_shared>> -> memref<10008x64xf32, #tpu.memory_space<vmem_shared>>
            tpu.wait_indirect_dma semaphore(%run_scoped3A : memref<!tpu.dma_semaphore, #tpu.memory_space<semaphore_mem>>) src(%arg32 : memref<128x64xf32, #tpu.memory_space<vmem>>) dst(%dma_wait3A_149 : memref<10008x64xf32, #tpu.memory_space<vmem_shared>>)
            tpu.yield
          }) : () -> ()
          %add3A_115 = arith.constant 2 : i32
          %add3A_116 = arith.addi %add3A_109, %add3A_115 : i32
          %lt3A = arith.constant 32 : i32
          %lt3A_117 = arith.cmpi slt, %add3A_116, %lt3A : i32
          %convert_element_type3A_118 = arith.extui %lt3A_117 : i1 to i32
          %cond3A_119 = arith.constant 0 : i32
          %cond3A_120 = arith.cmpi ne, %convert_element_type3A_118, %cond3A_119 : i32
          scf.if %cond3A_120 {
            %add3A_138 = arith.constant 2 : i32
            %add3A_139 = arith.addi %add3A_109, %add3A_138 : i32
            %dma_start3A_140 = arith.constant 0 : i32
            %dma_start3A_141 = tpu.memref_slice %arg30[%add3A_139, %dma_start3A_140] : memref<32x128xi32, #tpu.memory_space<vmem>> -> memref<1x128xi32, #tpu.memory_space<vmem>>
            %dma_start3A_142 = tpu.memref_squeeze %dma_start3A_141 : memref<1x128xi32, #tpu.memory_space<vmem>> -> memref<128xi32, #tpu.memory_space<vmem>>
            %dma_start3A_143 = arith.constant 0 : i32
            %dma_start3A_144 = arith.constant 0 : i32
            %dma_start3A_145 = tpu.memref_slice %arg28[%dma_start3A_143, %dma_start3A_144] : memref<10000x64xf32, #tpu.memory_space<vmem_shared>> -> memref<10000x64xf32, #tpu.memory_space<vmem_shared>>
            tpu.enqueue_indirect_dma source(%dma_start3A_145 : memref<10000x64xf32, #tpu.memory_space<vmem_shared>>) target(%arg32 : memref<128x64xf32, #tpu.memory_space<vmem>>) offsets(%dma_start3A_142 : memref<128xi32, #tpu.memory_space<vmem>>) semaphore(%arg34 : memref<!tpu.dma_semaphore, #tpu.memory_space<semaphore_mem>>)
          } else {
          }
          %mul3A_121 = arith.constant 2 : i32
          %mul3A_122 = arith.muli %scan3A_106, %mul3A_121 : i32
          %add3A_123 = arith.constant 1 : i32
          %add3A_124 = arith.addi %mul3A_122, %add3A_123 : i32
          %dma_wait3A_125 = arith.constant 0 : i32
          %dma_wait3A_126 = tpu.memref_slice %arg30[%add3A_124, %dma_wait3A_125] : memref<32x128xi32, #tpu.memory_space<vmem>> -> memref<1x128xi32, #tpu.memory_space<vmem>>
          %dma_wait3A_127 = tpu.memref_squeeze %dma_wait3A_126 : memref<1x128xi32, #tpu.memory_space<vmem>> -> memref<128xi32, #tpu.memory_space<vmem>>
          %dma_wait3A_128 = arith.constant 0 : i32
          %dma_wait3A_129 = arith.constant 0 : i32
          %dma_wait3A_130 = tpu.memref_slice %arg28[%dma_wait3A_128, %dma_wait3A_129] : memref<10000x64xf32, #tpu.memory_space<vmem_shared>> -> memref<10000x64xf32, #tpu.memory_space<vmem_shared>>
          tpu.wait_indirect_dma semaphore(%arg34 : memref<!tpu.dma_semaphore, #tpu.memory_space<semaphore_mem>>) src(%dma_wait3A_130 : memref<10000x64xf32, #tpu.memory_space<vmem_shared>>) dst(%arg33 : memref<128x64xf32, #tpu.memory_space<vmem>>)
          "tpu.region"() ({
            %run_scoped3A = tpu.sem_alloc : memref<!tpu.dma_semaphore, #tpu.memory_space<semaphore_mem>>
            %dma_start3A_138 = arith.constant 0 : i32
            %dma_start3A_139 = tpu.memref_slice %arg31[%add3A_124, %dma_start3A_138] : memref<32x128xi32, #tpu.memory_space<vmem>> -> memref<1x128xi32, #tpu.memory_space<vmem>>
            %dma_start3A_140 = tpu.memref_squeeze %dma_start3A_139 : memref<1x128xi32, #tpu.memory_space<vmem>> -> memref<128xi32, #tpu.memory_space<vmem>>
            %dma_start3A_141 = arith.constant 0 : i32
            %dma_start3A_142 = arith.constant 0 : i32
            %dma_start3A_143 = tpu.memref_slice %arg29[%dma_start3A_141, %dma_start3A_142] : memref<10008x64xf32, #tpu.memory_space<vmem_shared>> -> memref<10008x64xf32, #tpu.memory_space<vmem_shared>>
            tpu.enqueue_indirect_dma source(%arg33 : memref<128x64xf32, #tpu.memory_space<vmem>>) target(%dma_start3A_143 : memref<10008x64xf32, #tpu.memory_space<vmem_shared>>) offsets(%dma_start3A_140 : memref<128xi32, #tpu.memory_space<vmem>>) semaphore(%run_scoped3A : memref<!tpu.dma_semaphore, #tpu.memory_space<semaphore_mem>>) {add = true}
            %dma_wait3A_144 = arith.constant 0 : i32
            %dma_wait3A_145 = tpu.memref_slice %arg31[%add3A_124, %dma_wait3A_144] : memref<32x128xi32, #tpu.memory_space<vmem>> -> memref<1x128xi32, #tpu.memory_space<vmem>>
            %dma_wait3A_146 = tpu.memref_squeeze %dma_wait3A_145 : memref<1x128xi32, #tpu.memory_space<vmem>> -> memref<128xi32, #tpu.memory_space<vmem>>
            %dma_wait3A_147 = arith.constant 0 : i32
            %dma_wait3A_148 = arith.constant 0 : i32
            %dma_wait3A_149 = tpu.memref_slice %arg29[%dma_wait3A_147, %dma_wait3A_148] : memref<10008x64xf32, #tpu.memory_space<vmem_shared>> -> memref<10008x64xf32, #tpu.memory_space<vmem_shared>>
            tpu.wait_indirect_dma semaphore(%run_scoped3A : memref<!tpu.dma_semaphore, #tpu.memory_space<semaphore_mem>>) src(%arg33 : memref<128x64xf32, #tpu.memory_space<vmem>>) dst(%dma_wait3A_149 : memref<10008x64xf32, #tpu.memory_space<vmem_shared>>)
            tpu.yield
          }) : () -> ()
          %add3A_131 = arith.constant 2 : i32
          %add3A_132 = arith.addi %add3A_124, %add3A_131 : i32
          %lt3A_133 = arith.constant 32 : i32
          %lt3A_134 = arith.cmpi slt, %add3A_132, %lt3A_133 : i32
          %convert_element_type3A_135 = arith.extui %lt3A_134 : i1 to i32
          %cond3A_136 = arith.constant 0 : i32
          %cond3A_137 = arith.cmpi ne, %convert_element_type3A_135, %cond3A_136 : i32
          scf.if %cond3A_137 {
            %add3A_138 = arith.constant 2 : i32
            %add3A_139 = arith.addi %add3A_124, %add3A_138 : i32
            %dma_start3A_140 = arith.constant 0 : i32
            %dma_start3A_141 = tpu.memref_slice %arg30[%add3A_139, %dma_start3A_140] : memref<32x128xi32, #tpu.memory_space<vmem>> -> memref<1x128xi32, #tpu.memory_space<vmem>>
            %dma_start3A_142 = tpu.memref_squeeze %dma_start3A_141 : memref<1x128xi32, #tpu.memory_space<vmem>> -> memref<128xi32, #tpu.memory_space<vmem>>
            %dma_start3A_143 = arith.constant 0 : i32
            %dma_start3A_144 = arith.constant 0 : i32
            %dma_start3A_145 = tpu.memref_slice %arg28[%dma_start3A_143, %dma_start3A_144] : memref<10000x64xf32, #tpu.memory_space<vmem_shared>> -> memref<10000x64xf32, #tpu.memory_space<vmem_shared>>
            tpu.enqueue_indirect_dma source(%dma_start3A_145 : memref<10000x64xf32, #tpu.memory_space<vmem_shared>>) target(%arg33 : memref<128x64xf32, #tpu.memory_space<vmem>>) offsets(%dma_start3A_142 : memref<128xi32, #tpu.memory_space<vmem>>) semaphore(%arg34 : memref<!tpu.dma_semaphore, #tpu.memory_space<semaphore_mem>>)
          } else {
          }
        }
        %scan3A_105 = arith.constant 16 : i32
      }
      %scan3A_17 = arith.constant 5 : i32
      %barrier3A_18 = arith.constant 0 : index
      tpu.barrier barrier_id(%barrier3A_18)
      "tpu.region"() ({
        %run_scoped3A = tpu.sem_alloc : memref<!tpu.dma_semaphore, #tpu.memory_space<semaphore_mem>>
        %dma_start3A = arith.constant 0 : i32
        %dma_start3A_82 = tpu.memref_slice %arg20[%mul3A_0, %dma_start3A] : memref<10000x64xf32, #tpu.memory_space<hbm>> -> memref<624x64xf32, #tpu.memory_space<hbm>>
        %dma_start3A_83 = arith.constant 0 : i32
        %dma_start3A_84 = tpu.memref_slice %arg29[%mul3A_0, %dma_start3A_83] : memref<10008x64xf32, #tpu.memory_space<vmem_shared>> -> memref<624x64xf32, #tpu.memory_space<vmem_shared>>
        tpu.enqueue_dma source(%dma_start3A_84 : memref<624x64xf32, #tpu.memory_space<vmem_shared>>) target(%dma_start3A_82 : memref<624x64xf32, #tpu.memory_space<hbm>>) target_semaphore(%run_scoped3A : memref<!tpu.dma_semaphore, #tpu.memory_space<semaphore_mem>>)
        %dma_wait3A = arith.constant 0 : i32
        %dma_wait3A_85 = tpu.memref_slice %arg20[%mul3A_0, %dma_wait3A] : memref<10000x64xf32, #tpu.memory_space<hbm>> -> memref<624x64xf32, #tpu.memory_space<hbm>>
        %dma_wait3A_86 = arith.constant 0 : i32
        %dma_wait3A_87 = tpu.memref_slice %arg29[%mul3A_0, %dma_wait3A_86] : memref<10008x64xf32, #tpu.memory_space<vmem_shared>> -> memref<624x64xf32, #tpu.memory_space<vmem_shared>>
        tpu.wait_dma2 semaphore(%run_scoped3A : memref<!tpu.dma_semaphore, #tpu.memory_space<semaphore_mem>>) src(%dma_wait3A_87 : memref<624x64xf32, #tpu.memory_space<vmem_shared>>) dst(%dma_wait3A_85 : memref<624x64xf32, #tpu.memory_space<hbm>>)
        tpu.yield
      }) : () -> ()
      %eq3A_19 = arith.constant 0 : i32
      %eq3A_20 = arith.cmpi eq, %arg1, %eq3A_19 : i32
      %convert_element_type3A_21 = arith.extui %eq3A_20 : i1 to i32
      %cond3A_22 = arith.constant 0 : i32
      %cond3A_23 = arith.cmpi ne, %convert_element_type3A_21, %cond3A_22 : i32
      scf.if %cond3A_23 {
        "tpu.region"() ({
          %run_scoped3A = tpu.sem_alloc : memref<!tpu.dma_semaphore, #tpu.memory_space<semaphore_mem>>
          %dma_start3A = arith.constant 9984 : i32
          %dma_start3A_82 = arith.constant 0 : i32
          %dma_start3A_83 = tpu.memref_slice %arg20[%dma_start3A, %dma_start3A_82] : memref<10000x64xf32, #tpu.memory_space<hbm>> -> memref<16x64xf32, #tpu.memory_space<hbm>>
          %dma_start3A_84 = arith.constant 9984 : i32
          %dma_start3A_85 = arith.constant 0 : i32
          %dma_start3A_86 = tpu.memref_slice %arg29[%dma_start3A_84, %dma_start3A_85] : memref<10008x64xf32, #tpu.memory_space<vmem_shared>> -> memref<16x64xf32, #tpu.memory_space<vmem_shared>>
          tpu.enqueue_dma source(%dma_start3A_86 : memref<16x64xf32, #tpu.memory_space<vmem_shared>>) target(%dma_start3A_83 : memref<16x64xf32, #tpu.memory_space<hbm>>) target_semaphore(%run_scoped3A : memref<!tpu.dma_semaphore, #tpu.memory_space<semaphore_mem>>)
          %dma_wait3A = arith.constant 9984 : i32
          %dma_wait3A_87 = arith.constant 0 : i32
          %dma_wait3A_88 = tpu.memref_slice %arg20[%dma_wait3A, %dma_wait3A_87] : memref<10000x64xf32, #tpu.memory_space<hbm>> -> memref<16x64xf32, #tpu.memory_space<hbm>>
          %dma_wait3A_89 = arith.constant 9984 : i32
          %dma_wait3A_90 = arith.constant 0 : i32
          %dma_wait3A_91 = tpu.memref_slice %arg29[%dma_wait3A_89, %dma_wait3A_90] : memref<10008x64xf32, #tpu.memory_space<vmem_shared>> -> memref<16x64xf32, #tpu.memory_space<vmem_shared>>
          tpu.wait_dma2 semaphore(%run_scoped3A : memref<!tpu.dma_semaphore, #tpu.memory_space<semaphore_mem>>) src(%dma_wait3A_91 : memref<16x64xf32, #tpu.memory_space<vmem_shared>>) dst(%dma_wait3A_88 : memref<16x64xf32, #tpu.memory_space<hbm>>)
          tpu.yield
        }) : () -> ()
      } else {
      }
      %barrier3A_24 = arith.constant 0 : index
      tpu.barrier barrier_id(%barrier3A_24)
      "tpu.region"() ({
        %run_scoped3A = tpu.sem_alloc : memref<!tpu.dma_semaphore, #tpu.memory_space<semaphore_mem>>
        %dma_start3A = arith.constant 0 : i32
        %dma_start3A_82 = tpu.memref_slice %arg28[%mul3A_0, %dma_start3A] : memref<10000x64xf32, #tpu.memory_space<vmem_shared>> -> memref<624x64xf32, #tpu.memory_space<vmem_shared>>
        %dma_start3A_83 = arith.constant 0 : i32
        %dma_start3A_84 = tpu.memref_slice %arg3[%mul3A_0, %dma_start3A_83] : memref<10000x64xf32, #tpu.memory_space<hbm>> -> memref<624x64xf32, #tpu.memory_space<hbm>>
        tpu.enqueue_dma source(%dma_start3A_84 : memref<624x64xf32, #tpu.memory_space<hbm>>) target(%dma_start3A_82 : memref<624x64xf32, #tpu.memory_space<vmem_shared>>) target_semaphore(%run_scoped3A : memref<!tpu.dma_semaphore, #tpu.memory_space<semaphore_mem>>)
        %dma_wait3A = arith.constant 0 : i32
        %dma_wait3A_85 = tpu.memref_slice %arg28[%mul3A_0, %dma_wait3A] : memref<10000x64xf32, #tpu.memory_space<vmem_shared>> -> memref<624x64xf32, #tpu.memory_space<vmem_shared>>
        %dma_wait3A_86 = arith.constant 0 : i32
        %dma_wait3A_87 = tpu.memref_slice %arg3[%mul3A_0, %dma_wait3A_86] : memref<10000x64xf32, #tpu.memory_space<hbm>> -> memref<624x64xf32, #tpu.memory_space<hbm>>
        tpu.wait_dma2 semaphore(%run_scoped3A : memref<!tpu.dma_semaphore, #tpu.memory_space<semaphore_mem>>) src(%dma_wait3A_87 : memref<624x64xf32, #tpu.memory_space<hbm>>) dst(%dma_wait3A_85 : memref<624x64xf32, #tpu.memory_space<vmem_shared>>)
        tpu.yield
      }) : () -> ()
      "tpu.region"() ({
        %run_scoped3A = tpu.sem_alloc : memref<!tpu.dma_semaphore, #tpu.memory_space<semaphore_mem>>
        %dma_start3A = arith.constant 0 : i32
        %dma_start3A_82 = tpu.memref_slice %arg29[%mul3A_0, %dma_start3A] : memref<10008x64xf32, #tpu.memory_space<vmem_shared>> -> memref<624x64xf32, #tpu.memory_space<vmem_shared>>
        %dma_start3A_83 = arith.constant 0 : i32
        %dma_start3A_84 = tpu.memref_slice %arg13[%mul3A_0, %dma_start3A_83] : memref<10000x64xf32, #tpu.memory_space<hbm>> -> memref<624x64xf32, #tpu.memory_space<hbm>>
        tpu.enqueue_dma source(%dma_start3A_84 : memref<624x64xf32, #tpu.memory_space<hbm>>) target(%dma_start3A_82 : memref<624x64xf32, #tpu.memory_space<vmem_shared>>) target_semaphore(%run_scoped3A : memref<!tpu.dma_semaphore, #tpu.memory_space<semaphore_mem>>)
        %dma_wait3A = arith.constant 0 : i32
        %dma_wait3A_85 = tpu.memref_slice %arg29[%mul3A_0, %dma_wait3A] : memref<10008x64xf32, #tpu.memory_space<vmem_shared>> -> memref<624x64xf32, #tpu.memory_space<vmem_shared>>
        %dma_wait3A_86 = arith.constant 0 : i32
        %dma_wait3A_87 = tpu.memref_slice %arg13[%mul3A_0, %dma_wait3A_86] : memref<10000x64xf32, #tpu.memory_space<hbm>> -> memref<624x64xf32, #tpu.memory_space<hbm>>
        tpu.wait_dma2 semaphore(%run_scoped3A : memref<!tpu.dma_semaphore, #tpu.memory_space<semaphore_mem>>) src(%dma_wait3A_87 : memref<624x64xf32, #tpu.memory_space<hbm>>) dst(%dma_wait3A_85 : memref<624x64xf32, #tpu.memory_space<vmem_shared>>)
        tpu.yield
      }) : () -> ()
      %eq3A_25 = arith.constant 0 : i32
      %eq3A_26 = arith.cmpi eq, %arg1, %eq3A_25 : i32
      %convert_element_type3A_27 = arith.extui %eq3A_26 : i1 to i32
      %cond3A_28 = arith.constant 0 : i32
      %cond3A_29 = arith.cmpi ne, %convert_element_type3A_27, %cond3A_28 : i32
      scf.if %cond3A_29 {
        "tpu.region"() ({
          %run_scoped3A = tpu.sem_alloc : memref<!tpu.dma_semaphore, #tpu.memory_space<semaphore_mem>>
          %dma_start3A = arith.constant 9984 : i32
          %dma_start3A_82 = arith.constant 0 : i32
          %dma_start3A_83 = tpu.memref_slice %arg28[%dma_start3A, %dma_start3A_82] : memref<10000x64xf32, #tpu.memory_space<vmem_shared>> -> memref<16x64xf32, #tpu.memory_space<vmem_shared>>
          %dma_start3A_84 = arith.constant 9984 : i32
          %dma_start3A_85 = arith.constant 0 : i32
          %dma_start3A_86 = tpu.memref_slice %arg3[%dma_start3A_84, %dma_start3A_85] : memref<10000x64xf32, #tpu.memory_space<hbm>> -> memref<16x64xf32, #tpu.memory_space<hbm>>
          tpu.enqueue_dma source(%dma_start3A_86 : memref<16x64xf32, #tpu.memory_space<hbm>>) target(%dma_start3A_83 : memref<16x64xf32, #tpu.memory_space<vmem_shared>>) target_semaphore(%run_scoped3A : memref<!tpu.dma_semaphore, #tpu.memory_space<semaphore_mem>>)
          %dma_wait3A = arith.constant 9984 : i32
          %dma_wait3A_87 = arith.constant 0 : i32
          %dma_wait3A_88 = tpu.memref_slice %arg28[%dma_wait3A, %dma_wait3A_87] : memref<10000x64xf32, #tpu.memory_space<vmem_shared>> -> memref<16x64xf32, #tpu.memory_space<vmem_shared>>
          %dma_wait3A_89 = arith.constant 9984 : i32
          %dma_wait3A_90 = arith.constant 0 : i32
          %dma_wait3A_91 = tpu.memref_slice %arg3[%dma_wait3A_89, %dma_wait3A_90] : memref<10000x64xf32, #tpu.memory_space<hbm>> -> memref<16x64xf32, #tpu.memory_space<hbm>>
          tpu.wait_dma2 semaphore(%run_scoped3A : memref<!tpu.dma_semaphore, #tpu.memory_space<semaphore_mem>>) src(%dma_wait3A_91 : memref<16x64xf32, #tpu.memory_space<hbm>>) dst(%dma_wait3A_88 : memref<16x64xf32, #tpu.memory_space<vmem_shared>>)
          tpu.yield
        }) : () -> ()
        "tpu.region"() ({
          %run_scoped3A = tpu.sem_alloc : memref<!tpu.dma_semaphore, #tpu.memory_space<semaphore_mem>>
          %dma_start3A = arith.constant 9984 : i32
          %dma_start3A_82 = arith.constant 0 : i32
          %dma_start3A_83 = tpu.memref_slice %arg29[%dma_start3A, %dma_start3A_82] : memref<10008x64xf32, #tpu.memory_space<vmem_shared>> -> memref<16x64xf32, #tpu.memory_space<vmem_shared>>
          %dma_start3A_84 = arith.constant 9984 : i32
          %dma_start3A_85 = arith.constant 0 : i32
          %dma_start3A_86 = tpu.memref_slice %arg13[%dma_start3A_84, %dma_start3A_85] : memref<10000x64xf32, #tpu.memory_space<hbm>> -> memref<16x64xf32, #tpu.memory_space<hbm>>
          tpu.enqueue_dma source(%dma_start3A_86 : memref<16x64xf32, #tpu.memory_space<hbm>>) target(%dma_start3A_83 : memref<16x64xf32, #tpu.memory_space<vmem_shared>>) target_semaphore(%run_scoped3A : memref<!tpu.dma_semaphore, #tpu.memory_space<semaphore_mem>>)
          %dma_wait3A = arith.constant 9984 : i32
          %dma_wait3A_87 = arith.constant 0 : i32
          %dma_wait3A_88 = tpu.memref_slice %arg29[%dma_wait3A, %dma_wait3A_87] : memref<10008x64xf32, #tpu.memory_space<vmem_shared>> -> memref<16x64xf32, #tpu.memory_space<vmem_shared>>
          %dma_wait3A_89 = arith.constant 9984 : i32
          %dma_wait3A_90 = arith.constant 0 : i32
          %dma_wait3A_91 = tpu.memref_slice %arg13[%dma_wait3A_89, %dma_wait3A_90] : memref<10000x64xf32, #tpu.memory_space<hbm>> -> memref<16x64xf32, #tpu.memory_space<hbm>>
          tpu.wait_dma2 semaphore(%run_scoped3A : memref<!tpu.dma_semaphore, #tpu.memory_space<semaphore_mem>>) src(%dma_wait3A_91 : memref<16x64xf32, #tpu.memory_space<hbm>>) dst(%dma_wait3A_88 : memref<16x64xf32, #tpu.memory_space<vmem_shared>>)
          tpu.yield
        }) : () -> ()
      } else {
      }
      %barrier3A_30 = arith.constant 0 : index
      tpu.barrier barrier_id(%barrier3A_30)
      %scan3A_31 = arith.constant 0 : i32
      %scan3A_32 = arith.constant 0 : i32
      %scan3A_33 = arith.constant 5 : i32
      %scan3A_34 = arith.addi %scan3A_32, %scan3A_33 : i32
      %scan3A_35 = arith.constant 1 : i32
      scf.for %scan3A_82 = %scan3A_32 to %scan3A_34 step %scan3A_35  : i32 {
        %mul3A_83 = arith.constant 32 : i32
        %mul3A_84 = arith.muli %scan3A_82, %mul3A_83 : i32
        "tpu.region"() ({
          %run_scoped3A = tpu.sem_alloc : memref<!tpu.dma_semaphore, #tpu.memory_space<semaphore_mem>>
          %dma_start3A_106 = arith.constant 0 : i32
          %dma_start3A_107 = tpu.memref_slice %arg10[%arg1, %mul3A_84, %dma_start3A_106] : memref<16x160x128xi32, #tpu.memory_space<hbm>> -> memref<1x32x128xi32, #tpu.memory_space<hbm>>
          %dma_start3A_108 = tpu.memref_squeeze %dma_start3A_107 : memref<1x32x128xi32, #tpu.memory_space<hbm>> -> memref<32x128xi32, #tpu.memory_space<hbm>>
          %dma_start3A_109 = arith.constant 0 : i32
          %dma_start3A_110 = tpu.memref_slice %arg10[%arg1, %mul3A_84, %dma_start3A_109] : memref<16x160x128xi32, #tpu.memory_space<hbm>> -> memref<1x32x128xi32, #tpu.memory_space<hbm>>
          %dma_start3A_111 = tpu.memref_squeeze %dma_start3A_110 : memref<1x32x128xi32, #tpu.memory_space<hbm>> -> memref<32x128xi32, #tpu.memory_space<hbm>>
          tpu.enqueue_dma source(%dma_start3A_111 : memref<32x128xi32, #tpu.memory_space<hbm>>) target(%arg30 : memref<32x128xi32, #tpu.memory_space<vmem>>) target_semaphore(%run_scoped3A : memref<!tpu.dma_semaphore, #tpu.memory_space<semaphore_mem>>)
          %dma_wait3A = arith.constant 0 : i32
          %dma_wait3A_112 = tpu.memref_slice %arg10[%arg1, %mul3A_84, %dma_wait3A] : memref<16x160x128xi32, #tpu.memory_space<hbm>> -> memref<1x32x128xi32, #tpu.memory_space<hbm>>
          %dma_wait3A_113 = tpu.memref_squeeze %dma_wait3A_112 : memref<1x32x128xi32, #tpu.memory_space<hbm>> -> memref<32x128xi32, #tpu.memory_space<hbm>>
          %dma_wait3A_114 = arith.constant 0 : i32
          %dma_wait3A_115 = tpu.memref_slice %arg10[%arg1, %mul3A_84, %dma_wait3A_114] : memref<16x160x128xi32, #tpu.memory_space<hbm>> -> memref<1x32x128xi32, #tpu.memory_space<hbm>>
          %dma_wait3A_116 = tpu.memref_squeeze %dma_wait3A_115 : memref<1x32x128xi32, #tpu.memory_space<hbm>> -> memref<32x128xi32, #tpu.memory_space<hbm>>
          tpu.wait_dma2 semaphore(%run_scoped3A : memref<!tpu.dma_semaphore, #tpu.memory_space<semaphore_mem>>) src(%dma_wait3A_116 : memref<32x128xi32, #tpu.memory_space<hbm>>) dst(%arg30 : memref<32x128xi32, #tpu.memory_space<vmem>>)
          tpu.yield
        }) : () -> ()
        %mul3A_85 = arith.constant 32 : i32
        %mul3A_86 = arith.muli %scan3A_82, %mul3A_85 : i32
        "tpu.region"() ({
          %run_scoped3A = tpu.sem_alloc : memref<!tpu.dma_semaphore, #tpu.memory_space<semaphore_mem>>
          %dma_start3A_106 = arith.constant 0 : i32
          %dma_start3A_107 = tpu.memref_slice %arg11[%arg1, %mul3A_86, %dma_start3A_106] : memref<16x160x128xi32, #tpu.memory_space<hbm>> -> memref<1x32x128xi32, #tpu.memory_space<hbm>>
          %dma_start3A_108 = tpu.memref_squeeze %dma_start3A_107 : memref<1x32x128xi32, #tpu.memory_space<hbm>> -> memref<32x128xi32, #tpu.memory_space<hbm>>
          %dma_start3A_109 = arith.constant 0 : i32
          %dma_start3A_110 = tpu.memref_slice %arg11[%arg1, %mul3A_86, %dma_start3A_109] : memref<16x160x128xi32, #tpu.memory_space<hbm>> -> memref<1x32x128xi32, #tpu.memory_space<hbm>>
          %dma_start3A_111 = tpu.memref_squeeze %dma_start3A_110 : memref<1x32x128xi32, #tpu.memory_space<hbm>> -> memref<32x128xi32, #tpu.memory_space<hbm>>
          tpu.enqueue_dma source(%dma_start3A_111 : memref<32x128xi32, #tpu.memory_space<hbm>>) target(%arg31 : memref<32x128xi32, #tpu.memory_space<vmem>>) target_semaphore(%run_scoped3A : memref<!tpu.dma_semaphore, #tpu.memory_space<semaphore_mem>>)
          %dma_wait3A = arith.constant 0 : i32
          %dma_wait3A_112 = tpu.memref_slice %arg11[%arg1, %mul3A_86, %dma_wait3A] : memref<16x160x128xi32, #tpu.memory_space<hbm>> -> memref<1x32x128xi32, #tpu.memory_space<hbm>>
          %dma_wait3A_113 = tpu.memref_squeeze %dma_wait3A_112 : memref<1x32x128xi32, #tpu.memory_space<hbm>> -> memref<32x128xi32, #tpu.memory_space<hbm>>
          %dma_wait3A_114 = arith.constant 0 : i32
          %dma_wait3A_115 = tpu.memref_slice %arg11[%arg1, %mul3A_86, %dma_wait3A_114] : memref<16x160x128xi32, #tpu.memory_space<hbm>> -> memref<1x32x128xi32, #tpu.memory_space<hbm>>
          %dma_wait3A_116 = tpu.memref_squeeze %dma_wait3A_115 : memref<1x32x128xi32, #tpu.memory_space<hbm>> -> memref<32x128xi32, #tpu.memory_space<hbm>>
          tpu.wait_dma2 semaphore(%run_scoped3A : memref<!tpu.dma_semaphore, #tpu.memory_space<semaphore_mem>>) src(%dma_wait3A_116 : memref<32x128xi32, #tpu.memory_space<hbm>>) dst(%arg31 : memref<32x128xi32, #tpu.memory_space<vmem>>)
          tpu.yield
        }) : () -> ()
        %dma_start3A = arith.constant 0 : i32
        %dma_start3A_87 = arith.constant 0 : i32
        %dma_start3A_88 = tpu.memref_slice %arg30[%dma_start3A, %dma_start3A_87] : memref<32x128xi32, #tpu.memory_space<vmem>> -> memref<1x128xi32, #tpu.memory_space<vmem>>
        %dma_start3A_89 = tpu.memref_squeeze %dma_start3A_88 : memref<1x128xi32, #tpu.memory_space<vmem>> -> memref<128xi32, #tpu.memory_space<vmem>>
        %dma_start3A_90 = arith.constant 0 : i32
        %dma_start3A_91 = arith.constant 0 : i32
        %dma_start3A_92 = tpu.memref_slice %arg28[%dma_start3A_90, %dma_start3A_91] : memref<10000x64xf32, #tpu.memory_space<vmem_shared>> -> memref<10000x64xf32, #tpu.memory_space<vmem_shared>>
        tpu.enqueue_indirect_dma source(%dma_start3A_92 : memref<10000x64xf32, #tpu.memory_space<vmem_shared>>) target(%arg32 : memref<128x64xf32, #tpu.memory_space<vmem>>) offsets(%dma_start3A_89 : memref<128xi32, #tpu.memory_space<vmem>>) semaphore(%arg34 : memref<!tpu.dma_semaphore, #tpu.memory_space<semaphore_mem>>)
        %dma_start3A_93 = arith.constant 1 : i32
        %dma_start3A_94 = arith.constant 0 : i32
        %dma_start3A_95 = tpu.memref_slice %arg30[%dma_start3A_93, %dma_start3A_94] : memref<32x128xi32, #tpu.memory_space<vmem>> -> memref<1x128xi32, #tpu.memory_space<vmem>>
        %dma_start3A_96 = tpu.memref_squeeze %dma_start3A_95 : memref<1x128xi32, #tpu.memory_space<vmem>> -> memref<128xi32, #tpu.memory_space<vmem>>
        %dma_start3A_97 = arith.constant 0 : i32
        %dma_start3A_98 = arith.constant 0 : i32
        %dma_start3A_99 = tpu.memref_slice %arg28[%dma_start3A_97, %dma_start3A_98] : memref<10000x64xf32, #tpu.memory_space<vmem_shared>> -> memref<10000x64xf32, #tpu.memory_space<vmem_shared>>
        tpu.enqueue_indirect_dma source(%dma_start3A_99 : memref<10000x64xf32, #tpu.memory_space<vmem_shared>>) target(%arg33 : memref<128x64xf32, #tpu.memory_space<vmem>>) offsets(%dma_start3A_96 : memref<128xi32, #tpu.memory_space<vmem>>) semaphore(%arg34 : memref<!tpu.dma_semaphore, #tpu.memory_space<semaphore_mem>>)
        %scan3A_100 = arith.constant 0 : i32
        %scan3A_101 = arith.constant 0 : i32
        %scan3A_102 = arith.constant 16 : i32
        %scan3A_103 = arith.addi %scan3A_101, %scan3A_102 : i32
        %scan3A_104 = arith.constant 1 : i32
        scf.for %scan3A_106 = %scan3A_101 to %scan3A_103 step %scan3A_104  : i32 {
          %mul3A_107 = arith.constant 2 : i32
          %mul3A_108 = arith.muli %scan3A_106, %mul3A_107 : i32
          %add3A = arith.constant 0 : i32
          %add3A_109 = arith.addi %mul3A_108, %add3A : i32
          %dma_wait3A = arith.constant 0 : i32
          %dma_wait3A_110 = tpu.memref_slice %arg30[%add3A_109, %dma_wait3A] : memref<32x128xi32, #tpu.memory_space<vmem>> -> memref<1x128xi32, #tpu.memory_space<vmem>>
          %dma_wait3A_111 = tpu.memref_squeeze %dma_wait3A_110 : memref<1x128xi32, #tpu.memory_space<vmem>> -> memref<128xi32, #tpu.memory_space<vmem>>
          %dma_wait3A_112 = arith.constant 0 : i32
          %dma_wait3A_113 = arith.constant 0 : i32
          %dma_wait3A_114 = tpu.memref_slice %arg28[%dma_wait3A_112, %dma_wait3A_113] : memref<10000x64xf32, #tpu.memory_space<vmem_shared>> -> memref<10000x64xf32, #tpu.memory_space<vmem_shared>>
          tpu.wait_indirect_dma semaphore(%arg34 : memref<!tpu.dma_semaphore, #tpu.memory_space<semaphore_mem>>) src(%dma_wait3A_114 : memref<10000x64xf32, #tpu.memory_space<vmem_shared>>) dst(%arg32 : memref<128x64xf32, #tpu.memory_space<vmem>>)
          "tpu.region"() ({
            %run_scoped3A = tpu.sem_alloc : memref<!tpu.dma_semaphore, #tpu.memory_space<semaphore_mem>>
            %dma_start3A_138 = arith.constant 0 : i32
            %dma_start3A_139 = tpu.memref_slice %arg31[%add3A_109, %dma_start3A_138] : memref<32x128xi32, #tpu.memory_space<vmem>> -> memref<1x128xi32, #tpu.memory_space<vmem>>
            %dma_start3A_140 = tpu.memref_squeeze %dma_start3A_139 : memref<1x128xi32, #tpu.memory_space<vmem>> -> memref<128xi32, #tpu.memory_space<vmem>>
            %dma_start3A_141 = arith.constant 0 : i32
            %dma_start3A_142 = arith.constant 0 : i32
            %dma_start3A_143 = tpu.memref_slice %arg29[%dma_start3A_141, %dma_start3A_142] : memref<10008x64xf32, #tpu.memory_space<vmem_shared>> -> memref<10008x64xf32, #tpu.memory_space<vmem_shared>>
            tpu.enqueue_indirect_dma source(%arg32 : memref<128x64xf32, #tpu.memory_space<vmem>>) target(%dma_start3A_143 : memref<10008x64xf32, #tpu.memory_space<vmem_shared>>) offsets(%dma_start3A_140 : memref<128xi32, #tpu.memory_space<vmem>>) semaphore(%run_scoped3A : memref<!tpu.dma_semaphore, #tpu.memory_space<semaphore_mem>>) {add = true}
            %dma_wait3A_144 = arith.constant 0 : i32
            %dma_wait3A_145 = tpu.memref_slice %arg31[%add3A_109, %dma_wait3A_144] : memref<32x128xi32, #tpu.memory_space<vmem>> -> memref<1x128xi32, #tpu.memory_space<vmem>>
            %dma_wait3A_146 = tpu.memref_squeeze %dma_wait3A_145 : memref<1x128xi32, #tpu.memory_space<vmem>> -> memref<128xi32, #tpu.memory_space<vmem>>
            %dma_wait3A_147 = arith.constant 0 : i32
            %dma_wait3A_148 = arith.constant 0 : i32
            %dma_wait3A_149 = tpu.memref_slice %arg29[%dma_wait3A_147, %dma_wait3A_148] : memref<10008x64xf32, #tpu.memory_space<vmem_shared>> -> memref<10008x64xf32, #tpu.memory_space<vmem_shared>>
            tpu.wait_indirect_dma semaphore(%run_scoped3A : memref<!tpu.dma_semaphore, #tpu.memory_space<semaphore_mem>>) src(%arg32 : memref<128x64xf32, #tpu.memory_space<vmem>>) dst(%dma_wait3A_149 : memref<10008x64xf32, #tpu.memory_space<vmem_shared>>)
            tpu.yield
          }) : () -> ()
          %add3A_115 = arith.constant 2 : i32
          %add3A_116 = arith.addi %add3A_109, %add3A_115 : i32
          %lt3A = arith.constant 32 : i32
          %lt3A_117 = arith.cmpi slt, %add3A_116, %lt3A : i32
          %convert_element_type3A_118 = arith.extui %lt3A_117 : i1 to i32
          %cond3A_119 = arith.constant 0 : i32
          %cond3A_120 = arith.cmpi ne, %convert_element_type3A_118, %cond3A_119 : i32
          scf.if %cond3A_120 {
            %add3A_138 = arith.constant 2 : i32
            %add3A_139 = arith.addi %add3A_109, %add3A_138 : i32
            %dma_start3A_140 = arith.constant 0 : i32
            %dma_start3A_141 = tpu.memref_slice %arg30[%add3A_139, %dma_start3A_140] : memref<32x128xi32, #tpu.memory_space<vmem>> -> memref<1x128xi32, #tpu.memory_space<vmem>>
            %dma_start3A_142 = tpu.memref_squeeze %dma_start3A_141 : memref<1x128xi32, #tpu.memory_space<vmem>> -> memref<128xi32, #tpu.memory_space<vmem>>
            %dma_start3A_143 = arith.constant 0 : i32
            %dma_start3A_144 = arith.constant 0 : i32
            %dma_start3A_145 = tpu.memref_slice %arg28[%dma_start3A_143, %dma_start3A_144] : memref<10000x64xf32, #tpu.memory_space<vmem_shared>> -> memref<10000x64xf32, #tpu.memory_space<vmem_shared>>
            tpu.enqueue_indirect_dma source(%dma_start3A_145 : memref<10000x64xf32, #tpu.memory_space<vmem_shared>>) target(%arg32 : memref<128x64xf32, #tpu.memory_space<vmem>>) offsets(%dma_start3A_142 : memref<128xi32, #tpu.memory_space<vmem>>) semaphore(%arg34 : memref<!tpu.dma_semaphore, #tpu.memory_space<semaphore_mem>>)
          } else {
          }
          %mul3A_121 = arith.constant 2 : i32
          %mul3A_122 = arith.muli %scan3A_106, %mul3A_121 : i32
          %add3A_123 = arith.constant 1 : i32
          %add3A_124 = arith.addi %mul3A_122, %add3A_123 : i32
          %dma_wait3A_125 = arith.constant 0 : i32
          %dma_wait3A_126 = tpu.memref_slice %arg30[%add3A_124, %dma_wait3A_125] : memref<32x128xi32, #tpu.memory_space<vmem>> -> memref<1x128xi32, #tpu.memory_space<vmem>>
          %dma_wait3A_127 = tpu.memref_squeeze %dma_wait3A_126 : memref<1x128xi32, #tpu.memory_space<vmem>> -> memref<128xi32, #tpu.memory_space<vmem>>
          %dma_wait3A_128 = arith.constant 0 : i32
          %dma_wait3A_129 = arith.constant 0 : i32
          %dma_wait3A_130 = tpu.memref_slice %arg28[%dma_wait3A_128, %dma_wait3A_129] : memref<10000x64xf32, #tpu.memory_space<vmem_shared>> -> memref<10000x64xf32, #tpu.memory_space<vmem_shared>>
          tpu.wait_indirect_dma semaphore(%arg34 : memref<!tpu.dma_semaphore, #tpu.memory_space<semaphore_mem>>) src(%dma_wait3A_130 : memref<10000x64xf32, #tpu.memory_space<vmem_shared>>) dst(%arg33 : memref<128x64xf32, #tpu.memory_space<vmem>>)
          "tpu.region"() ({
            %run_scoped3A = tpu.sem_alloc : memref<!tpu.dma_semaphore, #tpu.memory_space<semaphore_mem>>
            %dma_start3A_138 = arith.constant 0 : i32
            %dma_start3A_139 = tpu.memref_slice %arg31[%add3A_124, %dma_start3A_138] : memref<32x128xi32, #tpu.memory_space<vmem>> -> memref<1x128xi32, #tpu.memory_space<vmem>>
            %dma_start3A_140 = tpu.memref_squeeze %dma_start3A_139 : memref<1x128xi32, #tpu.memory_space<vmem>> -> memref<128xi32, #tpu.memory_space<vmem>>
            %dma_start3A_141 = arith.constant 0 : i32
            %dma_start3A_142 = arith.constant 0 : i32
            %dma_start3A_143 = tpu.memref_slice %arg29[%dma_start3A_141, %dma_start3A_142] : memref<10008x64xf32, #tpu.memory_space<vmem_shared>> -> memref<10008x64xf32, #tpu.memory_space<vmem_shared>>
            tpu.enqueue_indirect_dma source(%arg33 : memref<128x64xf32, #tpu.memory_space<vmem>>) target(%dma_start3A_143 : memref<10008x64xf32, #tpu.memory_space<vmem_shared>>) offsets(%dma_start3A_140 : memref<128xi32, #tpu.memory_space<vmem>>) semaphore(%run_scoped3A : memref<!tpu.dma_semaphore, #tpu.memory_space<semaphore_mem>>) {add = true}
            %dma_wait3A_144 = arith.constant 0 : i32
            %dma_wait3A_145 = tpu.memref_slice %arg31[%add3A_124, %dma_wait3A_144] : memref<32x128xi32, #tpu.memory_space<vmem>> -> memref<1x128xi32, #tpu.memory_space<vmem>>
            %dma_wait3A_146 = tpu.memref_squeeze %dma_wait3A_145 : memref<1x128xi32, #tpu.memory_space<vmem>> -> memref<128xi32, #tpu.memory_space<vmem>>
            %dma_wait3A_147 = arith.constant 0 : i32
            %dma_wait3A_148 = arith.constant 0 : i32
            %dma_wait3A_149 = tpu.memref_slice %arg29[%dma_wait3A_147, %dma_wait3A_148] : memref<10008x64xf32, #tpu.memory_space<vmem_shared>> -> memref<10008x64xf32, #tpu.memory_space<vmem_shared>>
            tpu.wait_indirect_dma semaphore(%run_scoped3A : memref<!tpu.dma_semaphore, #tpu.memory_space<semaphore_mem>>) src(%arg33 : memref<128x64xf32, #tpu.memory_space<vmem>>) dst(%dma_wait3A_149 : memref<10008x64xf32, #tpu.memory_space<vmem_shared>>)
            tpu.yield
          }) : () -> ()
          %add3A_131 = arith.constant 2 : i32
          %add3A_132 = arith.addi %add3A_124, %add3A_131 : i32
          %lt3A_133 = arith.constant 32 : i32
          %lt3A_134 = arith.cmpi slt, %add3A_132, %lt3A_133 : i32
          %convert_element_type3A_135 = arith.extui %lt3A_134 : i1 to i32
          %cond3A_136 = arith.constant 0 : i32
          %cond3A_137 = arith.cmpi ne, %convert_element_type3A_135, %cond3A_136 : i32
          scf.if %cond3A_137 {
            %add3A_138 = arith.constant 2 : i32
            %add3A_139 = arith.addi %add3A_124, %add3A_138 : i32
            %dma_start3A_140 = arith.constant 0 : i32
            %dma_start3A_141 = tpu.memref_slice %arg30[%add3A_139, %dma_start3A_140] : memref<32x128xi32, #tpu.memory_space<vmem>> -> memref<1x128xi32, #tpu.memory_space<vmem>>
            %dma_start3A_142 = tpu.memref_squeeze %dma_start3A_141 : memref<1x128xi32, #tpu.memory_space<vmem>> -> memref<128xi32, #tpu.memory_space<vmem>>
            %dma_start3A_143 = arith.constant 0 : i32
            %dma_start3A_144 = arith.constant 0 : i32
            %dma_start3A_145 = tpu.memref_slice %arg28[%dma_start3A_143, %dma_start3A_144] : memref<10000x64xf32, #tpu.memory_space<vmem_shared>> -> memref<10000x64xf32, #tpu.memory_space<vmem_shared>>
            tpu.enqueue_indirect_dma source(%dma_start3A_145 : memref<10000x64xf32, #tpu.memory_space<vmem_shared>>) target(%arg33 : memref<128x64xf32, #tpu.memory_space<vmem>>) offsets(%dma_start3A_142 : memref<128xi32, #tpu.memory_space<vmem>>) semaphore(%arg34 : memref<!tpu.dma_semaphore, #tpu.memory_space<semaphore_mem>>)
          } else {
          }
        }
        %scan3A_105 = arith.constant 16 : i32
      }
      %scan3A_36 = arith.constant 5 : i32
      %barrier3A_37 = arith.constant 0 : index
      tpu.barrier barrier_id(%barrier3A_37)
      "tpu.region"() ({
        %run_scoped3A = tpu.sem_alloc : memref<!tpu.dma_semaphore, #tpu.memory_space<semaphore_mem>>
        %dma_start3A = arith.constant 0 : i32
        %dma_start3A_82 = tpu.memref_slice %arg21[%mul3A_0, %dma_start3A] : memref<10000x64xf32, #tpu.memory_space<hbm>> -> memref<624x64xf32, #tpu.memory_space<hbm>>
        %dma_start3A_83 = arith.constant 0 : i32
        %dma_start3A_84 = tpu.memref_slice %arg29[%mul3A_0, %dma_start3A_83] : memref<10008x64xf32, #tpu.memory_space<vmem_shared>> -> memref<624x64xf32, #tpu.memory_space<vmem_shared>>
        tpu.enqueue_dma source(%dma_start3A_84 : memref<624x64xf32, #tpu.memory_space<vmem_shared>>) target(%dma_start3A_82 : memref<624x64xf32, #tpu.memory_space<hbm>>) target_semaphore(%run_scoped3A : memref<!tpu.dma_semaphore, #tpu.memory_space<semaphore_mem>>)
        %dma_wait3A = arith.constant 0 : i32
        %dma_wait3A_85 = tpu.memref_slice %arg21[%mul3A_0, %dma_wait3A] : memref<10000x64xf32, #tpu.memory_space<hbm>> -> memref<624x64xf32, #tpu.memory_space<hbm>>
        %dma_wait3A_86 = arith.constant 0 : i32
        %dma_wait3A_87 = tpu.memref_slice %arg29[%mul3A_0, %dma_wait3A_86] : memref<10008x64xf32, #tpu.memory_space<vmem_shared>> -> memref<624x64xf32, #tpu.memory_space<vmem_shared>>
        tpu.wait_dma2 semaphore(%run_scoped3A : memref<!tpu.dma_semaphore, #tpu.memory_space<semaphore_mem>>) src(%dma_wait3A_87 : memref<624x64xf32, #tpu.memory_space<vmem_shared>>) dst(%dma_wait3A_85 : memref<624x64xf32, #tpu.memory_space<hbm>>)
        tpu.yield
      }) : () -> ()
      %eq3A_38 = arith.constant 0 : i32
      %eq3A_39 = arith.cmpi eq, %arg1, %eq3A_38 : i32
      %convert_element_type3A_40 = arith.extui %eq3A_39 : i1 to i32
      %cond3A_41 = arith.constant 0 : i32
      %cond3A_42 = arith.cmpi ne, %convert_element_type3A_40, %cond3A_41 : i32
      scf.if %cond3A_42 {
        "tpu.region"() ({
          %run_scoped3A = tpu.sem_alloc : memref<!tpu.dma_semaphore, #tpu.memory_space<semaphore_mem>>
          %dma_start3A = arith.constant 9984 : i32
          %dma_start3A_82 = arith.constant 0 : i32
          %dma_start3A_83 = tpu.memref_slice %arg21[%dma_start3A, %dma_start3A_82] : memref<10000x64xf32, #tpu.memory_space<hbm>> -> memref<16x64xf32, #tpu.memory_space<hbm>>
          %dma_start3A_84 = arith.constant 9984 : i32
          %dma_start3A_85 = arith.constant 0 : i32
          %dma_start3A_86 = tpu.memref_slice %arg29[%dma_start3A_84, %dma_start3A_85] : memref<10008x64xf32, #tpu.memory_space<vmem_shared>> -> memref<16x64xf32, #tpu.memory_space<vmem_shared>>
          tpu.enqueue_dma source(%dma_start3A_86 : memref<16x64xf32, #tpu.memory_space<vmem_shared>>) target(%dma_start3A_83 : memref<16x64xf32, #tpu.memory_space<hbm>>) target_semaphore(%run_scoped3A : memref<!tpu.dma_semaphore, #tpu.memory_space<semaphore_mem>>)
          %dma_wait3A = arith.constant 9984 : i32
          %dma_wait3A_87 = arith.constant 0 : i32
          %dma_wait3A_88 = tpu.memref_slice %arg21[%dma_wait3A, %dma_wait3A_87] : memref<10000x64xf32, #tpu.memory_space<hbm>> -> memref<16x64xf32, #tpu.memory_space<hbm>>
          %dma_wait3A_89 = arith.constant 9984 : i32
          %dma_wait3A_90 = arith.constant 0 : i32
          %dma_wait3A_91 = tpu.memref_slice %arg29[%dma_wait3A_89, %dma_wait3A_90] : memref<10008x64xf32, #tpu.memory_space<vmem_shared>> -> memref<16x64xf32, #tpu.memory_space<vmem_shared>>
          tpu.wait_dma2 semaphore(%run_scoped3A : memref<!tpu.dma_semaphore, #tpu.memory_space<semaphore_mem>>) src(%dma_wait3A_91 : memref<16x64xf32, #tpu.memory_space<vmem_shared>>) dst(%dma_wait3A_88 : memref<16x64xf32, #tpu.memory_space<hbm>>)
          tpu.yield
        }) : () -> ()
      } else {
      }
      %barrier3A_43 = arith.constant 0 : index
      tpu.barrier barrier_id(%barrier3A_43)
      "tpu.region"() ({
        %run_scoped3A = tpu.sem_alloc : memref<!tpu.dma_semaphore, #tpu.memory_space<semaphore_mem>>
        %dma_start3A = arith.constant 0 : i32
        %dma_start3A_82 = tpu.memref_slice %arg28[%mul3A_0, %dma_start3A] : memref<10000x64xf32, #tpu.memory_space<vmem_shared>> -> memref<624x64xf32, #tpu.memory_space<vmem_shared>>
        %dma_start3A_83 = arith.constant 0 : i32
        %dma_start3A_84 = tpu.memref_slice %arg4[%mul3A_0, %dma_start3A_83] : memref<10000x64xf32, #tpu.memory_space<hbm>> -> memref<624x64xf32, #tpu.memory_space<hbm>>
        tpu.enqueue_dma source(%dma_start3A_84 : memref<624x64xf32, #tpu.memory_space<hbm>>) target(%dma_start3A_82 : memref<624x64xf32, #tpu.memory_space<vmem_shared>>) target_semaphore(%run_scoped3A : memref<!tpu.dma_semaphore, #tpu.memory_space<semaphore_mem>>)
        %dma_wait3A = arith.constant 0 : i32
        %dma_wait3A_85 = tpu.memref_slice %arg28[%mul3A_0, %dma_wait3A] : memref<10000x64xf32, #tpu.memory_space<vmem_shared>> -> memref<624x64xf32, #tpu.memory_space<vmem_shared>>
        %dma_wait3A_86 = arith.constant 0 : i32
        %dma_wait3A_87 = tpu.memref_slice %arg4[%mul3A_0, %dma_wait3A_86] : memref<10000x64xf32, #tpu.memory_space<hbm>> -> memref<624x64xf32, #tpu.memory_space<hbm>>
        tpu.wait_dma2 semaphore(%run_scoped3A : memref<!tpu.dma_semaphore, #tpu.memory_space<semaphore_mem>>) src(%dma_wait3A_87 : memref<624x64xf32, #tpu.memory_space<hbm>>) dst(%dma_wait3A_85 : memref<624x64xf32, #tpu.memory_space<vmem_shared>>)
        tpu.yield
      }) : () -> ()
      "tpu.region"() ({
        %run_scoped3A = tpu.sem_alloc : memref<!tpu.dma_semaphore, #tpu.memory_space<semaphore_mem>>
        %dma_start3A = arith.constant 0 : i32
        %dma_start3A_82 = tpu.memref_slice %arg29[%mul3A_0, %dma_start3A] : memref<10008x64xf32, #tpu.memory_space<vmem_shared>> -> memref<624x64xf32, #tpu.memory_space<vmem_shared>>
        %dma_start3A_83 = arith.constant 0 : i32
        %dma_start3A_84 = tpu.memref_slice %arg14[%mul3A_0, %dma_start3A_83] : memref<10000x64xf32, #tpu.memory_space<hbm>> -> memref<624x64xf32, #tpu.memory_space<hbm>>
        tpu.enqueue_dma source(%dma_start3A_84 : memref<624x64xf32, #tpu.memory_space<hbm>>) target(%dma_start3A_82 : memref<624x64xf32, #tpu.memory_space<vmem_shared>>) target_semaphore(%run_scoped3A : memref<!tpu.dma_semaphore, #tpu.memory_space<semaphore_mem>>)
        %dma_wait3A = arith.constant 0 : i32
        %dma_wait3A_85 = tpu.memref_slice %arg29[%mul3A_0, %dma_wait3A] : memref<10008x64xf32, #tpu.memory_space<vmem_shared>> -> memref<624x64xf32, #tpu.memory_space<vmem_shared>>
        %dma_wait3A_86 = arith.constant 0 : i32
        %dma_wait3A_87 = tpu.memref_slice %arg14[%mul3A_0, %dma_wait3A_86] : memref<10000x64xf32, #tpu.memory_space<hbm>> -> memref<624x64xf32, #tpu.memory_space<hbm>>
        tpu.wait_dma2 semaphore(%run_scoped3A : memref<!tpu.dma_semaphore, #tpu.memory_space<semaphore_mem>>) src(%dma_wait3A_87 : memref<624x64xf32, #tpu.memory_space<hbm>>) dst(%dma_wait3A_85 : memref<624x64xf32, #tpu.memory_space<vmem_shared>>)
        tpu.yield
      }) : () -> ()
      %eq3A_44 = arith.constant 0 : i32
      %eq3A_45 = arith.cmpi eq, %arg1, %eq3A_44 : i32
      %convert_element_type3A_46 = arith.extui %eq3A_45 : i1 to i32
      %cond3A_47 = arith.constant 0 : i32
      %cond3A_48 = arith.cmpi ne, %convert_element_type3A_46, %cond3A_47 : i32
      scf.if %cond3A_48 {
        "tpu.region"() ({
          %run_scoped3A = tpu.sem_alloc : memref<!tpu.dma_semaphore, #tpu.memory_space<semaphore_mem>>
          %dma_start3A = arith.constant 9984 : i32
          %dma_start3A_82 = arith.constant 0 : i32
          %dma_start3A_83 = tpu.memref_slice %arg28[%dma_start3A, %dma_start3A_82] : memref<10000x64xf32, #tpu.memory_space<vmem_shared>> -> memref<16x64xf32, #tpu.memory_space<vmem_shared>>
          %dma_start3A_84 = arith.constant 9984 : i32
          %dma_start3A_85 = arith.constant 0 : i32
          %dma_start3A_86 = tpu.memref_slice %arg4[%dma_start3A_84, %dma_start3A_85] : memref<10000x64xf32, #tpu.memory_space<hbm>> -> memref<16x64xf32, #tpu.memory_space<hbm>>
          tpu.enqueue_dma source(%dma_start3A_86 : memref<16x64xf32, #tpu.memory_space<hbm>>) target(%dma_start3A_83 : memref<16x64xf32, #tpu.memory_space<vmem_shared>>) target_semaphore(%run_scoped3A : memref<!tpu.dma_semaphore, #tpu.memory_space<semaphore_mem>>)
          %dma_wait3A = arith.constant 9984 : i32
          %dma_wait3A_87 = arith.constant 0 : i32
          %dma_wait3A_88 = tpu.memref_slice %arg28[%dma_wait3A, %dma_wait3A_87] : memref<10000x64xf32, #tpu.memory_space<vmem_shared>> -> memref<16x64xf32, #tpu.memory_space<vmem_shared>>
          %dma_wait3A_89 = arith.constant 9984 : i32
          %dma_wait3A_90 = arith.constant 0 : i32
          %dma_wait3A_91 = tpu.memref_slice %arg4[%dma_wait3A_89, %dma_wait3A_90] : memref<10000x64xf32, #tpu.memory_space<hbm>> -> memref<16x64xf32, #tpu.memory_space<hbm>>
          tpu.wait_dma2 semaphore(%run_scoped3A : memref<!tpu.dma_semaphore, #tpu.memory_space<semaphore_mem>>) src(%dma_wait3A_91 : memref<16x64xf32, #tpu.memory_space<hbm>>) dst(%dma_wait3A_88 : memref<16x64xf32, #tpu.memory_space<vmem_shared>>)
          tpu.yield
        }) : () -> ()
        "tpu.region"() ({
          %run_scoped3A = tpu.sem_alloc : memref<!tpu.dma_semaphore, #tpu.memory_space<semaphore_mem>>
          %dma_start3A = arith.constant 9984 : i32
          %dma_start3A_82 = arith.constant 0 : i32
          %dma_start3A_83 = tpu.memref_slice %arg29[%dma_start3A, %dma_start3A_82] : memref<10008x64xf32, #tpu.memory_space<vmem_shared>> -> memref<16x64xf32, #tpu.memory_space<vmem_shared>>
          %dma_start3A_84 = arith.constant 9984 : i32
          %dma_start3A_85 = arith.constant 0 : i32
          %dma_start3A_86 = tpu.memref_slice %arg14[%dma_start3A_84, %dma_start3A_85] : memref<10000x64xf32, #tpu.memory_space<hbm>> -> memref<16x64xf32, #tpu.memory_space<hbm>>
          tpu.enqueue_dma source(%dma_start3A_86 : memref<16x64xf32, #tpu.memory_space<hbm>>) target(%dma_start3A_83 : memref<16x64xf32, #tpu.memory_space<vmem_shared>>) target_semaphore(%run_scoped3A : memref<!tpu.dma_semaphore, #tpu.memory_space<semaphore_mem>>)
          %dma_wait3A = arith.constant 9984 : i32
          %dma_wait3A_87 = arith.constant 0 : i32
          %dma_wait3A_88 = tpu.memref_slice %arg29[%dma_wait3A, %dma_wait3A_87] : memref<10008x64xf32, #tpu.memory_space<vmem_shared>> -> memref<16x64xf32, #tpu.memory_space<vmem_shared>>
          %dma_wait3A_89 = arith.constant 9984 : i32
          %dma_wait3A_90 = arith.constant 0 : i32
          %dma_wait3A_91 = tpu.memref_slice %arg14[%dma_wait3A_89, %dma_wait3A_90] : memref<10000x64xf32, #tpu.memory_space<hbm>> -> memref<16x64xf32, #tpu.memory_space<hbm>>
          tpu.wait_dma2 semaphore(%run_scoped3A : memref<!tpu.dma_semaphore, #tpu.memory_space<semaphore_mem>>) src(%dma_wait3A_91 : memref<16x64xf32, #tpu.memory_space<hbm>>) dst(%dma_wait3A_88 : memref<16x64xf32, #tpu.memory_space<vmem_shared>>)
          tpu.yield
        }) : () -> ()
      } else {
      }
      %barrier3A_49 = arith.constant 0 : index
      tpu.barrier barrier_id(%barrier3A_49)
      %scan3A_50 = arith.constant 0 : i32
      %scan3A_51 = arith.constant 0 : i32
      %scan3A_52 = arith.constant 5 : i32
      %scan3A_53 = arith.addi %scan3A_51, %scan3A_52 : i32
      %scan3A_54 = arith.constant 1 : i32
      scf.for %scan3A_82 = %scan3A_51 to %scan3A_53 step %scan3A_54  : i32 {
        %mul3A_83 = arith.constant 32 : i32
        %mul3A_84 = arith.muli %scan3A_82, %mul3A_83 : i32
        "tpu.region"() ({
          %run_scoped3A = tpu.sem_alloc : memref<!tpu.dma_semaphore, #tpu.memory_space<semaphore_mem>>
          %dma_start3A_106 = arith.constant 0 : i32
          %dma_start3A_107 = tpu.memref_slice %arg10[%arg1, %mul3A_84, %dma_start3A_106] : memref<16x160x128xi32, #tpu.memory_space<hbm>> -> memref<1x32x128xi32, #tpu.memory_space<hbm>>
          %dma_start3A_108 = tpu.memref_squeeze %dma_start3A_107 : memref<1x32x128xi32, #tpu.memory_space<hbm>> -> memref<32x128xi32, #tpu.memory_space<hbm>>
          %dma_start3A_109 = arith.constant 0 : i32
          %dma_start3A_110 = tpu.memref_slice %arg10[%arg1, %mul3A_84, %dma_start3A_109] : memref<16x160x128xi32, #tpu.memory_space<hbm>> -> memref<1x32x128xi32, #tpu.memory_space<hbm>>
          %dma_start3A_111 = tpu.memref_squeeze %dma_start3A_110 : memref<1x32x128xi32, #tpu.memory_space<hbm>> -> memref<32x128xi32, #tpu.memory_space<hbm>>
          tpu.enqueue_dma source(%dma_start3A_111 : memref<32x128xi32, #tpu.memory_space<hbm>>) target(%arg30 : memref<32x128xi32, #tpu.memory_space<vmem>>) target_semaphore(%run_scoped3A : memref<!tpu.dma_semaphore, #tpu.memory_space<semaphore_mem>>)
          %dma_wait3A = arith.constant 0 : i32
          %dma_wait3A_112 = tpu.memref_slice %arg10[%arg1, %mul3A_84, %dma_wait3A] : memref<16x160x128xi32, #tpu.memory_space<hbm>> -> memref<1x32x128xi32, #tpu.memory_space<hbm>>
          %dma_wait3A_113 = tpu.memref_squeeze %dma_wait3A_112 : memref<1x32x128xi32, #tpu.memory_space<hbm>> -> memref<32x128xi32, #tpu.memory_space<hbm>>
          %dma_wait3A_114 = arith.constant 0 : i32
          %dma_wait3A_115 = tpu.memref_slice %arg10[%arg1, %mul3A_84, %dma_wait3A_114] : memref<16x160x128xi32, #tpu.memory_space<hbm>> -> memref<1x32x128xi32, #tpu.memory_space<hbm>>
          %dma_wait3A_116 = tpu.memref_squeeze %dma_wait3A_115 : memref<1x32x128xi32, #tpu.memory_space<hbm>> -> memref<32x128xi32, #tpu.memory_space<hbm>>
          tpu.wait_dma2 semaphore(%run_scoped3A : memref<!tpu.dma_semaphore, #tpu.memory_space<semaphore_mem>>) src(%dma_wait3A_116 : memref<32x128xi32, #tpu.memory_space<hbm>>) dst(%arg30 : memref<32x128xi32, #tpu.memory_space<vmem>>)
          tpu.yield
        }) : () -> ()
        %mul3A_85 = arith.constant 32 : i32
        %mul3A_86 = arith.muli %scan3A_82, %mul3A_85 : i32
        "tpu.region"() ({
          %run_scoped3A = tpu.sem_alloc : memref<!tpu.dma_semaphore, #tpu.memory_space<semaphore_mem>>
          %dma_start3A_106 = arith.constant 0 : i32
          %dma_start3A_107 = tpu.memref_slice %arg11[%arg1, %mul3A_86, %dma_start3A_106] : memref<16x160x128xi32, #tpu.memory_space<hbm>> -> memref<1x32x128xi32, #tpu.memory_space<hbm>>
          %dma_start3A_108 = tpu.memref_squeeze %dma_start3A_107 : memref<1x32x128xi32, #tpu.memory_space<hbm>> -> memref<32x128xi32, #tpu.memory_space<hbm>>
          %dma_start3A_109 = arith.constant 0 : i32
          %dma_start3A_110 = tpu.memref_slice %arg11[%arg1, %mul3A_86, %dma_start3A_109] : memref<16x160x128xi32, #tpu.memory_space<hbm>> -> memref<1x32x128xi32, #tpu.memory_space<hbm>>
          %dma_start3A_111 = tpu.memref_squeeze %dma_start3A_110 : memref<1x32x128xi32, #tpu.memory_space<hbm>> -> memref<32x128xi32, #tpu.memory_space<hbm>>
          tpu.enqueue_dma source(%dma_start3A_111 : memref<32x128xi32, #tpu.memory_space<hbm>>) target(%arg31 : memref<32x128xi32, #tpu.memory_space<vmem>>) target_semaphore(%run_scoped3A : memref<!tpu.dma_semaphore, #tpu.memory_space<semaphore_mem>>)
          %dma_wait3A = arith.constant 0 : i32
          %dma_wait3A_112 = tpu.memref_slice %arg11[%arg1, %mul3A_86, %dma_wait3A] : memref<16x160x128xi32, #tpu.memory_space<hbm>> -> memref<1x32x128xi32, #tpu.memory_space<hbm>>
          %dma_wait3A_113 = tpu.memref_squeeze %dma_wait3A_112 : memref<1x32x128xi32, #tpu.memory_space<hbm>> -> memref<32x128xi32, #tpu.memory_space<hbm>>
          %dma_wait3A_114 = arith.constant 0 : i32
          %dma_wait3A_115 = tpu.memref_slice %arg11[%arg1, %mul3A_86, %dma_wait3A_114] : memref<16x160x128xi32, #tpu.memory_space<hbm>> -> memref<1x32x128xi32, #tpu.memory_space<hbm>>
          %dma_wait3A_116 = tpu.memref_squeeze %dma_wait3A_115 : memref<1x32x128xi32, #tpu.memory_space<hbm>> -> memref<32x128xi32, #tpu.memory_space<hbm>>
          tpu.wait_dma2 semaphore(%run_scoped3A : memref<!tpu.dma_semaphore, #tpu.memory_space<semaphore_mem>>) src(%dma_wait3A_116 : memref<32x128xi32, #tpu.memory_space<hbm>>) dst(%arg31 : memref<32x128xi32, #tpu.memory_space<vmem>>)
          tpu.yield
        }) : () -> ()
        %dma_start3A = arith.constant 0 : i32
        %dma_start3A_87 = arith.constant 0 : i32
        %dma_start3A_88 = tpu.memref_slice %arg30[%dma_start3A, %dma_start3A_87] : memref<32x128xi32, #tpu.memory_space<vmem>> -> memref<1x128xi32, #tpu.memory_space<vmem>>
        %dma_start3A_89 = tpu.memref_squeeze %dma_start3A_88 : memref<1x128xi32, #tpu.memory_space<vmem>> -> memref<128xi32, #tpu.memory_space<vmem>>
        %dma_start3A_90 = arith.constant 0 : i32
        %dma_start3A_91 = arith.constant 0 : i32
        %dma_start3A_92 = tpu.memref_slice %arg28[%dma_start3A_90, %dma_start3A_91] : memref<10000x64xf32, #tpu.memory_space<vmem_shared>> -> memref<10000x64xf32, #tpu.memory_space<vmem_shared>>
        tpu.enqueue_indirect_dma source(%dma_start3A_92 : memref<10000x64xf32, #tpu.memory_space<vmem_shared>>) target(%arg32 : memref<128x64xf32, #tpu.memory_space<vmem>>) offsets(%dma_start3A_89 : memref<128xi32, #tpu.memory_space<vmem>>) semaphore(%arg34 : memref<!tpu.dma_semaphore, #tpu.memory_space<semaphore_mem>>)
        %dma_start3A_93 = arith.constant 1 : i32
        %dma_start3A_94 = arith.constant 0 : i32
        %dma_start3A_95 = tpu.memref_slice %arg30[%dma_start3A_93, %dma_start3A_94] : memref<32x128xi32, #tpu.memory_space<vmem>> -> memref<1x128xi32, #tpu.memory_space<vmem>>
        %dma_start3A_96 = tpu.memref_squeeze %dma_start3A_95 : memref<1x128xi32, #tpu.memory_space<vmem>> -> memref<128xi32, #tpu.memory_space<vmem>>
        %dma_start3A_97 = arith.constant 0 : i32
        %dma_start3A_98 = arith.constant 0 : i32
        %dma_start3A_99 = tpu.memref_slice %arg28[%dma_start3A_97, %dma_start3A_98] : memref<10000x64xf32, #tpu.memory_space<vmem_shared>> -> memref<10000x64xf32, #tpu.memory_space<vmem_shared>>
        tpu.enqueue_indirect_dma source(%dma_start3A_99 : memref<10000x64xf32, #tpu.memory_space<vmem_shared>>) target(%arg33 : memref<128x64xf32, #tpu.memory_space<vmem>>) offsets(%dma_start3A_96 : memref<128xi32, #tpu.memory_space<vmem>>) semaphore(%arg34 : memref<!tpu.dma_semaphore, #tpu.memory_space<semaphore_mem>>)
        %scan3A_100 = arith.constant 0 : i32
        %scan3A_101 = arith.constant 0 : i32
        %scan3A_102 = arith.constant 16 : i32
        %scan3A_103 = arith.addi %scan3A_101, %scan3A_102 : i32
        %scan3A_104 = arith.constant 1 : i32
        scf.for %scan3A_106 = %scan3A_101 to %scan3A_103 step %scan3A_104  : i32 {
          %mul3A_107 = arith.constant 2 : i32
          %mul3A_108 = arith.muli %scan3A_106, %mul3A_107 : i32
          %add3A = arith.constant 0 : i32
          %add3A_109 = arith.addi %mul3A_108, %add3A : i32
          %dma_wait3A = arith.constant 0 : i32
          %dma_wait3A_110 = tpu.memref_slice %arg30[%add3A_109, %dma_wait3A] : memref<32x128xi32, #tpu.memory_space<vmem>> -> memref<1x128xi32, #tpu.memory_space<vmem>>
          %dma_wait3A_111 = tpu.memref_squeeze %dma_wait3A_110 : memref<1x128xi32, #tpu.memory_space<vmem>> -> memref<128xi32, #tpu.memory_space<vmem>>
          %dma_wait3A_112 = arith.constant 0 : i32
          %dma_wait3A_113 = arith.constant 0 : i32
          %dma_wait3A_114 = tpu.memref_slice %arg28[%dma_wait3A_112, %dma_wait3A_113] : memref<10000x64xf32, #tpu.memory_space<vmem_shared>> -> memref<10000x64xf32, #tpu.memory_space<vmem_shared>>
          tpu.wait_indirect_dma semaphore(%arg34 : memref<!tpu.dma_semaphore, #tpu.memory_space<semaphore_mem>>) src(%dma_wait3A_114 : memref<10000x64xf32, #tpu.memory_space<vmem_shared>>) dst(%arg32 : memref<128x64xf32, #tpu.memory_space<vmem>>)
          "tpu.region"() ({
            %run_scoped3A = tpu.sem_alloc : memref<!tpu.dma_semaphore, #tpu.memory_space<semaphore_mem>>
            %dma_start3A_138 = arith.constant 0 : i32
            %dma_start3A_139 = tpu.memref_slice %arg31[%add3A_109, %dma_start3A_138] : memref<32x128xi32, #tpu.memory_space<vmem>> -> memref<1x128xi32, #tpu.memory_space<vmem>>
            %dma_start3A_140 = tpu.memref_squeeze %dma_start3A_139 : memref<1x128xi32, #tpu.memory_space<vmem>> -> memref<128xi32, #tpu.memory_space<vmem>>
            %dma_start3A_141 = arith.constant 0 : i32
            %dma_start3A_142 = arith.constant 0 : i32
            %dma_start3A_143 = tpu.memref_slice %arg29[%dma_start3A_141, %dma_start3A_142] : memref<10008x64xf32, #tpu.memory_space<vmem_shared>> -> memref<10008x64xf32, #tpu.memory_space<vmem_shared>>
            tpu.enqueue_indirect_dma source(%arg32 : memref<128x64xf32, #tpu.memory_space<vmem>>) target(%dma_start3A_143 : memref<10008x64xf32, #tpu.memory_space<vmem_shared>>) offsets(%dma_start3A_140 : memref<128xi32, #tpu.memory_space<vmem>>) semaphore(%run_scoped3A : memref<!tpu.dma_semaphore, #tpu.memory_space<semaphore_mem>>) {add = true}
            %dma_wait3A_144 = arith.constant 0 : i32
            %dma_wait3A_145 = tpu.memref_slice %arg31[%add3A_109, %dma_wait3A_144] : memref<32x128xi32, #tpu.memory_space<vmem>> -> memref<1x128xi32, #tpu.memory_space<vmem>>
            %dma_wait3A_146 = tpu.memref_squeeze %dma_wait3A_145 : memref<1x128xi32, #tpu.memory_space<vmem>> -> memref<128xi32, #tpu.memory_space<vmem>>
            %dma_wait3A_147 = arith.constant 0 : i32
            %dma_wait3A_148 = arith.constant 0 : i32
            %dma_wait3A_149 = tpu.memref_slice %arg29[%dma_wait3A_147, %dma_wait3A_148] : memref<10008x64xf32, #tpu.memory_space<vmem_shared>> -> memref<10008x64xf32, #tpu.memory_space<vmem_shared>>
            tpu.wait_indirect_dma semaphore(%run_scoped3A : memref<!tpu.dma_semaphore, #tpu.memory_space<semaphore_mem>>) src(%arg32 : memref<128x64xf32, #tpu.memory_space<vmem>>) dst(%dma_wait3A_149 : memref<10008x64xf32, #tpu.memory_space<vmem_shared>>)
            tpu.yield
          }) : () -> ()
          %add3A_115 = arith.constant 2 : i32
          %add3A_116 = arith.addi %add3A_109, %add3A_115 : i32
          %lt3A = arith.constant 32 : i32
          %lt3A_117 = arith.cmpi slt, %add3A_116, %lt3A : i32
          %convert_element_type3A_118 = arith.extui %lt3A_117 : i1 to i32
          %cond3A_119 = arith.constant 0 : i32
          %cond3A_120 = arith.cmpi ne, %convert_element_type3A_118, %cond3A_119 : i32
          scf.if %cond3A_120 {
            %add3A_138 = arith.constant 2 : i32
            %add3A_139 = arith.addi %add3A_109, %add3A_138 : i32
            %dma_start3A_140 = arith.constant 0 : i32
            %dma_start3A_141 = tpu.memref_slice %arg30[%add3A_139, %dma_start3A_140] : memref<32x128xi32, #tpu.memory_space<vmem>> -> memref<1x128xi32, #tpu.memory_space<vmem>>
            %dma_start3A_142 = tpu.memref_squeeze %dma_start3A_141 : memref<1x128xi32, #tpu.memory_space<vmem>> -> memref<128xi32, #tpu.memory_space<vmem>>
            %dma_start3A_143 = arith.constant 0 : i32
            %dma_start3A_144 = arith.constant 0 : i32
            %dma_start3A_145 = tpu.memref_slice %arg28[%dma_start3A_143, %dma_start3A_144] : memref<10000x64xf32, #tpu.memory_space<vmem_shared>> -> memref<10000x64xf32, #tpu.memory_space<vmem_shared>>
            tpu.enqueue_indirect_dma source(%dma_start3A_145 : memref<10000x64xf32, #tpu.memory_space<vmem_shared>>) target(%arg32 : memref<128x64xf32, #tpu.memory_space<vmem>>) offsets(%dma_start3A_142 : memref<128xi32, #tpu.memory_space<vmem>>) semaphore(%arg34 : memref<!tpu.dma_semaphore, #tpu.memory_space<semaphore_mem>>)
          } else {
          }
          %mul3A_121 = arith.constant 2 : i32
          %mul3A_122 = arith.muli %scan3A_106, %mul3A_121 : i32
          %add3A_123 = arith.constant 1 : i32
          %add3A_124 = arith.addi %mul3A_122, %add3A_123 : i32
          %dma_wait3A_125 = arith.constant 0 : i32
          %dma_wait3A_126 = tpu.memref_slice %arg30[%add3A_124, %dma_wait3A_125] : memref<32x128xi32, #tpu.memory_space<vmem>> -> memref<1x128xi32, #tpu.memory_space<vmem>>
          %dma_wait3A_127 = tpu.memref_squeeze %dma_wait3A_126 : memref<1x128xi32, #tpu.memory_space<vmem>> -> memref<128xi32, #tpu.memory_space<vmem>>
          %dma_wait3A_128 = arith.constant 0 : i32
          %dma_wait3A_129 = arith.constant 0 : i32
          %dma_wait3A_130 = tpu.memref_slice %arg28[%dma_wait3A_128, %dma_wait3A_129] : memref<10000x64xf32, #tpu.memory_space<vmem_shared>> -> memref<10000x64xf32, #tpu.memory_space<vmem_shared>>
          tpu.wait_indirect_dma semaphore(%arg34 : memref<!tpu.dma_semaphore, #tpu.memory_space<semaphore_mem>>) src(%dma_wait3A_130 : memref<10000x64xf32, #tpu.memory_space<vmem_shared>>) dst(%arg33 : memref<128x64xf32, #tpu.memory_space<vmem>>)
          "tpu.region"() ({
            %run_scoped3A = tpu.sem_alloc : memref<!tpu.dma_semaphore, #tpu.memory_space<semaphore_mem>>
            %dma_start3A_138 = arith.constant 0 : i32
            %dma_start3A_139 = tpu.memref_slice %arg31[%add3A_124, %dma_start3A_138] : memref<32x128xi32, #tpu.memory_space<vmem>> -> memref<1x128xi32, #tpu.memory_space<vmem>>
            %dma_start3A_140 = tpu.memref_squeeze %dma_start3A_139 : memref<1x128xi32, #tpu.memory_space<vmem>> -> memref<128xi32, #tpu.memory_space<vmem>>
            %dma_start3A_141 = arith.constant 0 : i32
            %dma_start3A_142 = arith.constant 0 : i32
            %dma_start3A_143 = tpu.memref_slice %arg29[%dma_start3A_141, %dma_start3A_142] : memref<10008x64xf32, #tpu.memory_space<vmem_shared>> -> memref<10008x64xf32, #tpu.memory_space<vmem_shared>>
            tpu.enqueue_indirect_dma source(%arg33 : memref<128x64xf32, #tpu.memory_space<vmem>>) target(%dma_start3A_143 : memref<10008x64xf32, #tpu.memory_space<vmem_shared>>) offsets(%dma_start3A_140 : memref<128xi32, #tpu.memory_space<vmem>>) semaphore(%run_scoped3A : memref<!tpu.dma_semaphore, #tpu.memory_space<semaphore_mem>>) {add = true}
            %dma_wait3A_144 = arith.constant 0 : i32
            %dma_wait3A_145 = tpu.memref_slice %arg31[%add3A_124, %dma_wait3A_144] : memref<32x128xi32, #tpu.memory_space<vmem>> -> memref<1x128xi32, #tpu.memory_space<vmem>>
            %dma_wait3A_146 = tpu.memref_squeeze %dma_wait3A_145 : memref<1x128xi32, #tpu.memory_space<vmem>> -> memref<128xi32, #tpu.memory_space<vmem>>
            %dma_wait3A_147 = arith.constant 0 : i32
            %dma_wait3A_148 = arith.constant 0 : i32
            %dma_wait3A_149 = tpu.memref_slice %arg29[%dma_wait3A_147, %dma_wait3A_148] : memref<10008x64xf32, #tpu.memory_space<vmem_shared>> -> memref<10008x64xf32, #tpu.memory_space<vmem_shared>>
            tpu.wait_indirect_dma semaphore(%run_scoped3A : memref<!tpu.dma_semaphore, #tpu.memory_space<semaphore_mem>>) src(%arg33 : memref<128x64xf32, #tpu.memory_space<vmem>>) dst(%dma_wait3A_149 : memref<10008x64xf32, #tpu.memory_space<vmem_shared>>)
            tpu.yield
          }) : () -> ()
          %add3A_131 = arith.constant 2 : i32
          %add3A_132 = arith.addi %add3A_124, %add3A_131 : i32
          %lt3A_133 = arith.constant 32 : i32
          %lt3A_134 = arith.cmpi slt, %add3A_132, %lt3A_133 : i32
          %convert_element_type3A_135 = arith.extui %lt3A_134 : i1 to i32
          %cond3A_136 = arith.constant 0 : i32
          %cond3A_137 = arith.cmpi ne, %convert_element_type3A_135, %cond3A_136 : i32
          scf.if %cond3A_137 {
            %add3A_138 = arith.constant 2 : i32
            %add3A_139 = arith.addi %add3A_124, %add3A_138 : i32
            %dma_start3A_140 = arith.constant 0 : i32
            %dma_start3A_141 = tpu.memref_slice %arg30[%add3A_139, %dma_start3A_140] : memref<32x128xi32, #tpu.memory_space<vmem>> -> memref<1x128xi32, #tpu.memory_space<vmem>>
            %dma_start3A_142 = tpu.memref_squeeze %dma_start3A_141 : memref<1x128xi32, #tpu.memory_space<vmem>> -> memref<128xi32, #tpu.memory_space<vmem>>
            %dma_start3A_143 = arith.constant 0 : i32
            %dma_start3A_144 = arith.constant 0 : i32
            %dma_start3A_145 = tpu.memref_slice %arg28[%dma_start3A_143, %dma_start3A_144] : memref<10000x64xf32, #tpu.memory_space<vmem_shared>> -> memref<10000x64xf32, #tpu.memory_space<vmem_shared>>
            tpu.enqueue_indirect_dma source(%dma_start3A_145 : memref<10000x64xf32, #tpu.memory_space<vmem_shared>>) target(%arg33 : memref<128x64xf32, #tpu.memory_space<vmem>>) offsets(%dma_start3A_142 : memref<128xi32, #tpu.memory_space<vmem>>) semaphore(%arg34 : memref<!tpu.dma_semaphore, #tpu.memory_space<semaphore_mem>>)
          } else {
          }
        }
        %scan3A_105 = arith.constant 16 : i32
      }
      %scan3A_55 = arith.constant 5 : i32
      %barrier3A_56 = arith.constant 0 : index
      tpu.barrier barrier_id(%barrier3A_56)
      "tpu.region"() ({
        %run_scoped3A = tpu.sem_alloc : memref<!tpu.dma_semaphore, #tpu.memory_space<semaphore_mem>>
        %dma_start3A = arith.constant 0 : i32
        %dma_start3A_82 = tpu.memref_slice %arg22[%mul3A_0, %dma_start3A] : memref<10000x64xf32, #tpu.memory_space<hbm>> -> memref<624x64xf32, #tpu.memory_space<hbm>>
        %dma_start3A_83 = arith.constant 0 : i32
        %dma_start3A_84 = tpu.memref_slice %arg29[%mul3A_0, %dma_start3A_83] : memref<10008x64xf32, #tpu.memory_space<vmem_shared>> -> memref<624x64xf32, #tpu.memory_space<vmem_shared>>
        tpu.enqueue_dma source(%dma_start3A_84 : memref<624x64xf32, #tpu.memory_space<vmem_shared>>) target(%dma_start3A_82 : memref<624x64xf32, #tpu.memory_space<hbm>>) target_semaphore(%run_scoped3A : memref<!tpu.dma_semaphore, #tpu.memory_space<semaphore_mem>>)
        %dma_wait3A = arith.constant 0 : i32
        %dma_wait3A_85 = tpu.memref_slice %arg22[%mul3A_0, %dma_wait3A] : memref<10000x64xf32, #tpu.memory_space<hbm>> -> memref<624x64xf32, #tpu.memory_space<hbm>>
        %dma_wait3A_86 = arith.constant 0 : i32
        %dma_wait3A_87 = tpu.memref_slice %arg29[%mul3A_0, %dma_wait3A_86] : memref<10008x64xf32, #tpu.memory_space<vmem_shared>> -> memref<624x64xf32, #tpu.memory_space<vmem_shared>>
        tpu.wait_dma2 semaphore(%run_scoped3A : memref<!tpu.dma_semaphore, #tpu.memory_space<semaphore_mem>>) src(%dma_wait3A_87 : memref<624x64xf32, #tpu.memory_space<vmem_shared>>) dst(%dma_wait3A_85 : memref<624x64xf32, #tpu.memory_space<hbm>>)
        tpu.yield
      }) : () -> ()
      %eq3A_57 = arith.constant 0 : i32
      %eq3A_58 = arith.cmpi eq, %arg1, %eq3A_57 : i32
      %convert_element_type3A_59 = arith.extui %eq3A_58 : i1 to i32
      %cond3A_60 = arith.constant 0 : i32
      %cond3A_61 = arith.cmpi ne, %convert_element_type3A_59, %cond3A_60 : i32
      scf.if %cond3A_61 {
        "tpu.region"() ({
          %run_scoped3A = tpu.sem_alloc : memref<!tpu.dma_semaphore, #tpu.memory_space<semaphore_mem>>
          %dma_start3A = arith.constant 9984 : i32
          %dma_start3A_82 = arith.constant 0 : i32
          %dma_start3A_83 = tpu.memref_slice %arg22[%dma_start3A, %dma_start3A_82] : memref<10000x64xf32, #tpu.memory_space<hbm>> -> memref<16x64xf32, #tpu.memory_space<hbm>>
          %dma_start3A_84 = arith.constant 9984 : i32
          %dma_start3A_85 = arith.constant 0 : i32
          %dma_start3A_86 = tpu.memref_slice %arg29[%dma_start3A_84, %dma_start3A_85] : memref<10008x64xf32, #tpu.memory_space<vmem_shared>> -> memref<16x64xf32, #tpu.memory_space<vmem_shared>>
          tpu.enqueue_dma source(%dma_start3A_86 : memref<16x64xf32, #tpu.memory_space<vmem_shared>>) target(%dma_start3A_83 : memref<16x64xf32, #tpu.memory_space<hbm>>) target_semaphore(%run_scoped3A : memref<!tpu.dma_semaphore, #tpu.memory_space<semaphore_mem>>)
          %dma_wait3A = arith.constant 9984 : i32
          %dma_wait3A_87 = arith.constant 0 : i32
          %dma_wait3A_88 = tpu.memref_slice %arg22[%dma_wait3A, %dma_wait3A_87] : memref<10000x64xf32, #tpu.memory_space<hbm>> -> memref<16x64xf32, #tpu.memory_space<hbm>>
          %dma_wait3A_89 = arith.constant 9984 : i32
          %dma_wait3A_90 = arith.constant 0 : i32
          %dma_wait3A_91 = tpu.memref_slice %arg29[%dma_wait3A_89, %dma_wait3A_90] : memref<10008x64xf32, #tpu.memory_space<vmem_shared>> -> memref<16x64xf32, #tpu.memory_space<vmem_shared>>
          tpu.wait_dma2 semaphore(%run_scoped3A : memref<!tpu.dma_semaphore, #tpu.memory_space<semaphore_mem>>) src(%dma_wait3A_91 : memref<16x64xf32, #tpu.memory_space<vmem_shared>>) dst(%dma_wait3A_88 : memref<16x64xf32, #tpu.memory_space<hbm>>)
          tpu.yield
        }) : () -> ()
      } else {
      }
      %barrier3A_62 = arith.constant 0 : index
      tpu.barrier barrier_id(%barrier3A_62)
      "tpu.region"() ({
        %run_scoped3A = tpu.sem_alloc : memref<!tpu.dma_semaphore, #tpu.memory_space<semaphore_mem>>
        %dma_start3A = arith.constant 0 : i32
        %dma_start3A_82 = tpu.memref_slice %arg28[%mul3A_0, %dma_start3A] : memref<10000x64xf32, #tpu.memory_space<vmem_shared>> -> memref<624x64xf32, #tpu.memory_space<vmem_shared>>
        %dma_start3A_83 = arith.constant 0 : i32
        %dma_start3A_84 = tpu.memref_slice %arg5[%mul3A_0, %dma_start3A_83] : memref<10000x64xf32, #tpu.memory_space<hbm>> -> memref<624x64xf32, #tpu.memory_space<hbm>>
        tpu.enqueue_dma source(%dma_start3A_84 : memref<624x64xf32, #tpu.memory_space<hbm>>) target(%dma_start3A_82 : memref<624x64xf32, #tpu.memory_space<vmem_shared>>) target_semaphore(%run_scoped3A : memref<!tpu.dma_semaphore, #tpu.memory_space<semaphore_mem>>)
        %dma_wait3A = arith.constant 0 : i32
        %dma_wait3A_85 = tpu.memref_slice %arg28[%mul3A_0, %dma_wait3A] : memref<10000x64xf32, #tpu.memory_space<vmem_shared>> -> memref<624x64xf32, #tpu.memory_space<vmem_shared>>
        %dma_wait3A_86 = arith.constant 0 : i32
        %dma_wait3A_87 = tpu.memref_slice %arg5[%mul3A_0, %dma_wait3A_86] : memref<10000x64xf32, #tpu.memory_space<hbm>> -> memref<624x64xf32, #tpu.memory_space<hbm>>
        tpu.wait_dma2 semaphore(%run_scoped3A : memref<!tpu.dma_semaphore, #tpu.memory_space<semaphore_mem>>) src(%dma_wait3A_87 : memref<624x64xf32, #tpu.memory_space<hbm>>) dst(%dma_wait3A_85 : memref<624x64xf32, #tpu.memory_space<vmem_shared>>)
        tpu.yield
      }) : () -> ()
      "tpu.region"() ({
        %run_scoped3A = tpu.sem_alloc : memref<!tpu.dma_semaphore, #tpu.memory_space<semaphore_mem>>
        %dma_start3A = arith.constant 0 : i32
        %dma_start3A_82 = tpu.memref_slice %arg29[%mul3A_0, %dma_start3A] : memref<10008x64xf32, #tpu.memory_space<vmem_shared>> -> memref<624x64xf32, #tpu.memory_space<vmem_shared>>
        %dma_start3A_83 = arith.constant 0 : i32
        %dma_start3A_84 = tpu.memref_slice %arg15[%mul3A_0, %dma_start3A_83] : memref<10000x64xf32, #tpu.memory_space<hbm>> -> memref<624x64xf32, #tpu.memory_space<hbm>>
        tpu.enqueue_dma source(%dma_start3A_84 : memref<624x64xf32, #tpu.memory_space<hbm>>) target(%dma_start3A_82 : memref<624x64xf32, #tpu.memory_space<vmem_shared>>) target_semaphore(%run_scoped3A : memref<!tpu.dma_semaphore, #tpu.memory_space<semaphore_mem>>)
        %dma_wait3A = arith.constant 0 : i32
        %dma_wait3A_85 = tpu.memref_slice %arg29[%mul3A_0, %dma_wait3A] : memref<10008x64xf32, #tpu.memory_space<vmem_shared>> -> memref<624x64xf32, #tpu.memory_space<vmem_shared>>
        %dma_wait3A_86 = arith.constant 0 : i32
        %dma_wait3A_87 = tpu.memref_slice %arg15[%mul3A_0, %dma_wait3A_86] : memref<10000x64xf32, #tpu.memory_space<hbm>> -> memref<624x64xf32, #tpu.memory_space<hbm>>
        tpu.wait_dma2 semaphore(%run_scoped3A : memref<!tpu.dma_semaphore, #tpu.memory_space<semaphore_mem>>) src(%dma_wait3A_87 : memref<624x64xf32, #tpu.memory_space<hbm>>) dst(%dma_wait3A_85 : memref<624x64xf32, #tpu.memory_space<vmem_shared>>)
        tpu.yield
      }) : () -> ()
      %eq3A_63 = arith.constant 0 : i32
      %eq3A_64 = arith.cmpi eq, %arg1, %eq3A_63 : i32
      %convert_element_type3A_65 = arith.extui %eq3A_64 : i1 to i32
      %cond3A_66 = arith.constant 0 : i32
      %cond3A_67 = arith.cmpi ne, %convert_element_type3A_65, %cond3A_66 : i32
      scf.if %cond3A_67 {
        "tpu.region"() ({
          %run_scoped3A = tpu.sem_alloc : memref<!tpu.dma_semaphore, #tpu.memory_space<semaphore_mem>>
          %dma_start3A = arith.constant 9984 : i32
          %dma_start3A_82 = arith.constant 0 : i32
          %dma_start3A_83 = tpu.memref_slice %arg28[%dma_start3A, %dma_start3A_82] : memref<10000x64xf32, #tpu.memory_space<vmem_shared>> -> memref<16x64xf32, #tpu.memory_space<vmem_shared>>
          %dma_start3A_84 = arith.constant 9984 : i32
          %dma_start3A_85 = arith.constant 0 : i32
          %dma_start3A_86 = tpu.memref_slice %arg5[%dma_start3A_84, %dma_start3A_85] : memref<10000x64xf32, #tpu.memory_space<hbm>> -> memref<16x64xf32, #tpu.memory_space<hbm>>
          tpu.enqueue_dma source(%dma_start3A_86 : memref<16x64xf32, #tpu.memory_space<hbm>>) target(%dma_start3A_83 : memref<16x64xf32, #tpu.memory_space<vmem_shared>>) target_semaphore(%run_scoped3A : memref<!tpu.dma_semaphore, #tpu.memory_space<semaphore_mem>>)
          %dma_wait3A = arith.constant 9984 : i32
          %dma_wait3A_87 = arith.constant 0 : i32
          %dma_wait3A_88 = tpu.memref_slice %arg28[%dma_wait3A, %dma_wait3A_87] : memref<10000x64xf32, #tpu.memory_space<vmem_shared>> -> memref<16x64xf32, #tpu.memory_space<vmem_shared>>
          %dma_wait3A_89 = arith.constant 9984 : i32
          %dma_wait3A_90 = arith.constant 0 : i32
          %dma_wait3A_91 = tpu.memref_slice %arg5[%dma_wait3A_89, %dma_wait3A_90] : memref<10000x64xf32, #tpu.memory_space<hbm>> -> memref<16x64xf32, #tpu.memory_space<hbm>>
          tpu.wait_dma2 semaphore(%run_scoped3A : memref<!tpu.dma_semaphore, #tpu.memory_space<semaphore_mem>>) src(%dma_wait3A_91 : memref<16x64xf32, #tpu.memory_space<hbm>>) dst(%dma_wait3A_88 : memref<16x64xf32, #tpu.memory_space<vmem_shared>>)
          tpu.yield
        }) : () -> ()
        "tpu.region"() ({
          %run_scoped3A = tpu.sem_alloc : memref<!tpu.dma_semaphore, #tpu.memory_space<semaphore_mem>>
          %dma_start3A = arith.constant 9984 : i32
          %dma_start3A_82 = arith.constant 0 : i32
          %dma_start3A_83 = tpu.memref_slice %arg29[%dma_start3A, %dma_start3A_82] : memref<10008x64xf32, #tpu.memory_space<vmem_shared>> -> memref<16x64xf32, #tpu.memory_space<vmem_shared>>
          %dma_start3A_84 = arith.constant 9984 : i32
          %dma_start3A_85 = arith.constant 0 : i32
          %dma_start3A_86 = tpu.memref_slice %arg15[%dma_start3A_84, %dma_start3A_85] : memref<10000x64xf32, #tpu.memory_space<hbm>> -> memref<16x64xf32, #tpu.memory_space<hbm>>
          tpu.enqueue_dma source(%dma_start3A_86 : memref<16x64xf32, #tpu.memory_space<hbm>>) target(%dma_start3A_83 : memref<16x64xf32, #tpu.memory_space<vmem_shared>>) target_semaphore(%run_scoped3A : memref<!tpu.dma_semaphore, #tpu.memory_space<semaphore_mem>>)
          %dma_wait3A = arith.constant 9984 : i32
          %dma_wait3A_87 = arith.constant 0 : i32
          %dma_wait3A_88 = tpu.memref_slice %arg29[%dma_wait3A, %dma_wait3A_87] : memref<10008x64xf32, #tpu.memory_space<vmem_shared>> -> memref<16x64xf32, #tpu.memory_space<vmem_shared>>
          %dma_wait3A_89 = arith.constant 9984 : i32
          %dma_wait3A_90 = arith.constant 0 : i32
          %dma_wait3A_91 = tpu.memref_slice %arg15[%dma_wait3A_89, %dma_wait3A_90] : memref<10000x64xf32, #tpu.memory_space<hbm>> -> memref<16x64xf32, #tpu.memory_space<hbm>>
          tpu.wait_dma2 semaphore(%run_scoped3A : memref<!tpu.dma_semaphore, #tpu.memory_space<semaphore_mem>>) src(%dma_wait3A_91 : memref<16x64xf32, #tpu.memory_space<hbm>>) dst(%dma_wait3A_88 : memref<16x64xf32, #tpu.memory_space<vmem_shared>>)
          tpu.yield
        }) : () -> ()
      } else {
      }
      %barrier3A_68 = arith.constant 0 : index
      tpu.barrier barrier_id(%barrier3A_68)
      %scan3A_69 = arith.constant 0 : i32
      %scan3A_70 = arith.constant 0 : i32
      %scan3A_71 = arith.constant 5 : i32
      %scan3A_72 = arith.addi %scan3A_70, %scan3A_71 : i32
      %scan3A_73 = arith.constant 1 : i32
      scf.for %scan3A_82 = %scan3A_70 to %scan3A_72 step %scan3A_73  : i32 {
        %mul3A_83 = arith.constant 32 : i32
        %mul3A_84 = arith.muli %scan3A_82, %mul3A_83 : i32
        "tpu.region"() ({
          %run_scoped3A = tpu.sem_alloc : memref<!tpu.dma_semaphore, #tpu.memory_space<semaphore_mem>>
          %dma_start3A_106 = arith.constant 0 : i32
          %dma_start3A_107 = tpu.memref_slice %arg10[%arg1, %mul3A_84, %dma_start3A_106] : memref<16x160x128xi32, #tpu.memory_space<hbm>> -> memref<1x32x128xi32, #tpu.memory_space<hbm>>
          %dma_start3A_108 = tpu.memref_squeeze %dma_start3A_107 : memref<1x32x128xi32, #tpu.memory_space<hbm>> -> memref<32x128xi32, #tpu.memory_space<hbm>>
          %dma_start3A_109 = arith.constant 0 : i32
          %dma_start3A_110 = tpu.memref_slice %arg10[%arg1, %mul3A_84, %dma_start3A_109] : memref<16x160x128xi32, #tpu.memory_space<hbm>> -> memref<1x32x128xi32, #tpu.memory_space<hbm>>
          %dma_start3A_111 = tpu.memref_squeeze %dma_start3A_110 : memref<1x32x128xi32, #tpu.memory_space<hbm>> -> memref<32x128xi32, #tpu.memory_space<hbm>>
          tpu.enqueue_dma source(%dma_start3A_111 : memref<32x128xi32, #tpu.memory_space<hbm>>) target(%arg30 : memref<32x128xi32, #tpu.memory_space<vmem>>) target_semaphore(%run_scoped3A : memref<!tpu.dma_semaphore, #tpu.memory_space<semaphore_mem>>)
          %dma_wait3A = arith.constant 0 : i32
          %dma_wait3A_112 = tpu.memref_slice %arg10[%arg1, %mul3A_84, %dma_wait3A] : memref<16x160x128xi32, #tpu.memory_space<hbm>> -> memref<1x32x128xi32, #tpu.memory_space<hbm>>
          %dma_wait3A_113 = tpu.memref_squeeze %dma_wait3A_112 : memref<1x32x128xi32, #tpu.memory_space<hbm>> -> memref<32x128xi32, #tpu.memory_space<hbm>>
          %dma_wait3A_114 = arith.constant 0 : i32
          %dma_wait3A_115 = tpu.memref_slice %arg10[%arg1, %mul3A_84, %dma_wait3A_114] : memref<16x160x128xi32, #tpu.memory_space<hbm>> -> memref<1x32x128xi32, #tpu.memory_space<hbm>>
          %dma_wait3A_116 = tpu.memref_squeeze %dma_wait3A_115 : memref<1x32x128xi32, #tpu.memory_space<hbm>> -> memref<32x128xi32, #tpu.memory_space<hbm>>
          tpu.wait_dma2 semaphore(%run_scoped3A : memref<!tpu.dma_semaphore, #tpu.memory_space<semaphore_mem>>) src(%dma_wait3A_116 : memref<32x128xi32, #tpu.memory_space<hbm>>) dst(%arg30 : memref<32x128xi32, #tpu.memory_space<vmem>>)
          tpu.yield
        }) : () -> ()
        %mul3A_85 = arith.constant 32 : i32
        %mul3A_86 = arith.muli %scan3A_82, %mul3A_85 : i32
        "tpu.region"() ({
          %run_scoped3A = tpu.sem_alloc : memref<!tpu.dma_semaphore, #tpu.memory_space<semaphore_mem>>
          %dma_start3A_106 = arith.constant 0 : i32
          %dma_start3A_107 = tpu.memref_slice %arg11[%arg1, %mul3A_86, %dma_start3A_106] : memref<16x160x128xi32, #tpu.memory_space<hbm>> -> memref<1x32x128xi32, #tpu.memory_space<hbm>>
          %dma_start3A_108 = tpu.memref_squeeze %dma_start3A_107 : memref<1x32x128xi32, #tpu.memory_space<hbm>> -> memref<32x128xi32, #tpu.memory_space<hbm>>
          %dma_start3A_109 = arith.constant 0 : i32
          %dma_start3A_110 = tpu.memref_slice %arg11[%arg1, %mul3A_86, %dma_start3A_109] : memref<16x160x128xi32, #tpu.memory_space<hbm>> -> memref<1x32x128xi32, #tpu.memory_space<hbm>>
          %dma_start3A_111 = tpu.memref_squeeze %dma_start3A_110 : memref<1x32x128xi32, #tpu.memory_space<hbm>> -> memref<32x128xi32, #tpu.memory_space<hbm>>
          tpu.enqueue_dma source(%dma_start3A_111 : memref<32x128xi32, #tpu.memory_space<hbm>>) target(%arg31 : memref<32x128xi32, #tpu.memory_space<vmem>>) target_semaphore(%run_scoped3A : memref<!tpu.dma_semaphore, #tpu.memory_space<semaphore_mem>>)
          %dma_wait3A = arith.constant 0 : i32
          %dma_wait3A_112 = tpu.memref_slice %arg11[%arg1, %mul3A_86, %dma_wait3A] : memref<16x160x128xi32, #tpu.memory_space<hbm>> -> memref<1x32x128xi32, #tpu.memory_space<hbm>>
          %dma_wait3A_113 = tpu.memref_squeeze %dma_wait3A_112 : memref<1x32x128xi32, #tpu.memory_space<hbm>> -> memref<32x128xi32, #tpu.memory_space<hbm>>
          %dma_wait3A_114 = arith.constant 0 : i32
          %dma_wait3A_115 = tpu.memref_slice %arg11[%arg1, %mul3A_86, %dma_wait3A_114] : memref<16x160x128xi32, #tpu.memory_space<hbm>> -> memref<1x32x128xi32, #tpu.memory_space<hbm>>
          %dma_wait3A_116 = tpu.memref_squeeze %dma_wait3A_115 : memref<1x32x128xi32, #tpu.memory_space<hbm>> -> memref<32x128xi32, #tpu.memory_space<hbm>>
          tpu.wait_dma2 semaphore(%run_scoped3A : memref<!tpu.dma_semaphore, #tpu.memory_space<semaphore_mem>>) src(%dma_wait3A_116 : memref<32x128xi32, #tpu.memory_space<hbm>>) dst(%arg31 : memref<32x128xi32, #tpu.memory_space<vmem>>)
          tpu.yield
        }) : () -> ()
        %dma_start3A = arith.constant 0 : i32
        %dma_start3A_87 = arith.constant 0 : i32
        %dma_start3A_88 = tpu.memref_slice %arg30[%dma_start3A, %dma_start3A_87] : memref<32x128xi32, #tpu.memory_space<vmem>> -> memref<1x128xi32, #tpu.memory_space<vmem>>
        %dma_start3A_89 = tpu.memref_squeeze %dma_start3A_88 : memref<1x128xi32, #tpu.memory_space<vmem>> -> memref<128xi32, #tpu.memory_space<vmem>>
        %dma_start3A_90 = arith.constant 0 : i32
        %dma_start3A_91 = arith.constant 0 : i32
        %dma_start3A_92 = tpu.memref_slice %arg28[%dma_start3A_90, %dma_start3A_91] : memref<10000x64xf32, #tpu.memory_space<vmem_shared>> -> memref<10000x64xf32, #tpu.memory_space<vmem_shared>>
        tpu.enqueue_indirect_dma source(%dma_start3A_92 : memref<10000x64xf32, #tpu.memory_space<vmem_shared>>) target(%arg32 : memref<128x64xf32, #tpu.memory_space<vmem>>) offsets(%dma_start3A_89 : memref<128xi32, #tpu.memory_space<vmem>>) semaphore(%arg34 : memref<!tpu.dma_semaphore, #tpu.memory_space<semaphore_mem>>)
        %dma_start3A_93 = arith.constant 1 : i32
        %dma_start3A_94 = arith.constant 0 : i32
        %dma_start3A_95 = tpu.memref_slice %arg30[%dma_start3A_93, %dma_start3A_94] : memref<32x128xi32, #tpu.memory_space<vmem>> -> memref<1x128xi32, #tpu.memory_space<vmem>>
        %dma_start3A_96 = tpu.memref_squeeze %dma_start3A_95 : memref<1x128xi32, #tpu.memory_space<vmem>> -> memref<128xi32, #tpu.memory_space<vmem>>
        %dma_start3A_97 = arith.constant 0 : i32
        %dma_start3A_98 = arith.constant 0 : i32
        %dma_start3A_99 = tpu.memref_slice %arg28[%dma_start3A_97, %dma_start3A_98] : memref<10000x64xf32, #tpu.memory_space<vmem_shared>> -> memref<10000x64xf32, #tpu.memory_space<vmem_shared>>
        tpu.enqueue_indirect_dma source(%dma_start3A_99 : memref<10000x64xf32, #tpu.memory_space<vmem_shared>>) target(%arg33 : memref<128x64xf32, #tpu.memory_space<vmem>>) offsets(%dma_start3A_96 : memref<128xi32, #tpu.memory_space<vmem>>) semaphore(%arg34 : memref<!tpu.dma_semaphore, #tpu.memory_space<semaphore_mem>>)
        %scan3A_100 = arith.constant 0 : i32
        %scan3A_101 = arith.constant 0 : i32
        %scan3A_102 = arith.constant 16 : i32
        %scan3A_103 = arith.addi %scan3A_101, %scan3A_102 : i32
        %scan3A_104 = arith.constant 1 : i32
        scf.for %scan3A_106 = %scan3A_101 to %scan3A_103 step %scan3A_104  : i32 {
          %mul3A_107 = arith.constant 2 : i32
          %mul3A_108 = arith.muli %scan3A_106, %mul3A_107 : i32
          %add3A = arith.constant 0 : i32
          %add3A_109 = arith.addi %mul3A_108, %add3A : i32
          %dma_wait3A = arith.constant 0 : i32
          %dma_wait3A_110 = tpu.memref_slice %arg30[%add3A_109, %dma_wait3A] : memref<32x128xi32, #tpu.memory_space<vmem>> -> memref<1x128xi32, #tpu.memory_space<vmem>>
          %dma_wait3A_111 = tpu.memref_squeeze %dma_wait3A_110 : memref<1x128xi32, #tpu.memory_space<vmem>> -> memref<128xi32, #tpu.memory_space<vmem>>
          %dma_wait3A_112 = arith.constant 0 : i32
          %dma_wait3A_113 = arith.constant 0 : i32
          %dma_wait3A_114 = tpu.memref_slice %arg28[%dma_wait3A_112, %dma_wait3A_113] : memref<10000x64xf32, #tpu.memory_space<vmem_shared>> -> memref<10000x64xf32, #tpu.memory_space<vmem_shared>>
          tpu.wait_indirect_dma semaphore(%arg34 : memref<!tpu.dma_semaphore, #tpu.memory_space<semaphore_mem>>) src(%dma_wait3A_114 : memref<10000x64xf32, #tpu.memory_space<vmem_shared>>) dst(%arg32 : memref<128x64xf32, #tpu.memory_space<vmem>>)
          "tpu.region"() ({
            %run_scoped3A = tpu.sem_alloc : memref<!tpu.dma_semaphore, #tpu.memory_space<semaphore_mem>>
            %dma_start3A_138 = arith.constant 0 : i32
            %dma_start3A_139 = tpu.memref_slice %arg31[%add3A_109, %dma_start3A_138] : memref<32x128xi32, #tpu.memory_space<vmem>> -> memref<1x128xi32, #tpu.memory_space<vmem>>
            %dma_start3A_140 = tpu.memref_squeeze %dma_start3A_139 : memref<1x128xi32, #tpu.memory_space<vmem>> -> memref<128xi32, #tpu.memory_space<vmem>>
            %dma_start3A_141 = arith.constant 0 : i32
            %dma_start3A_142 = arith.constant 0 : i32
            %dma_start3A_143 = tpu.memref_slice %arg29[%dma_start3A_141, %dma_start3A_142] : memref<10008x64xf32, #tpu.memory_space<vmem_shared>> -> memref<10008x64xf32, #tpu.memory_space<vmem_shared>>
            tpu.enqueue_indirect_dma source(%arg32 : memref<128x64xf32, #tpu.memory_space<vmem>>) target(%dma_start3A_143 : memref<10008x64xf32, #tpu.memory_space<vmem_shared>>) offsets(%dma_start3A_140 : memref<128xi32, #tpu.memory_space<vmem>>) semaphore(%run_scoped3A : memref<!tpu.dma_semaphore, #tpu.memory_space<semaphore_mem>>) {add = true}
            %dma_wait3A_144 = arith.constant 0 : i32
            %dma_wait3A_145 = tpu.memref_slice %arg31[%add3A_109, %dma_wait3A_144] : memref<32x128xi32, #tpu.memory_space<vmem>> -> memref<1x128xi32, #tpu.memory_space<vmem>>
            %dma_wait3A_146 = tpu.memref_squeeze %dma_wait3A_145 : memref<1x128xi32, #tpu.memory_space<vmem>> -> memref<128xi32, #tpu.memory_space<vmem>>
            %dma_wait3A_147 = arith.constant 0 : i32
            %dma_wait3A_148 = arith.constant 0 : i32
            %dma_wait3A_149 = tpu.memref_slice %arg29[%dma_wait3A_147, %dma_wait3A_148] : memref<10008x64xf32, #tpu.memory_space<vmem_shared>> -> memref<10008x64xf32, #tpu.memory_space<vmem_shared>>
            tpu.wait_indirect_dma semaphore(%run_scoped3A : memref<!tpu.dma_semaphore, #tpu.memory_space<semaphore_mem>>) src(%arg32 : memref<128x64xf32, #tpu.memory_space<vmem>>) dst(%dma_wait3A_149 : memref<10008x64xf32, #tpu.memory_space<vmem_shared>>)
            tpu.yield
          }) : () -> ()
          %add3A_115 = arith.constant 2 : i32
          %add3A_116 = arith.addi %add3A_109, %add3A_115 : i32
          %lt3A = arith.constant 32 : i32
          %lt3A_117 = arith.cmpi slt, %add3A_116, %lt3A : i32
          %convert_element_type3A_118 = arith.extui %lt3A_117 : i1 to i32
          %cond3A_119 = arith.constant 0 : i32
          %cond3A_120 = arith.cmpi ne, %convert_element_type3A_118, %cond3A_119 : i32
          scf.if %cond3A_120 {
            %add3A_138 = arith.constant 2 : i32
            %add3A_139 = arith.addi %add3A_109, %add3A_138 : i32
            %dma_start3A_140 = arith.constant 0 : i32
            %dma_start3A_141 = tpu.memref_slice %arg30[%add3A_139, %dma_start3A_140] : memref<32x128xi32, #tpu.memory_space<vmem>> -> memref<1x128xi32, #tpu.memory_space<vmem>>
            %dma_start3A_142 = tpu.memref_squeeze %dma_start3A_141 : memref<1x128xi32, #tpu.memory_space<vmem>> -> memref<128xi32, #tpu.memory_space<vmem>>
            %dma_start3A_143 = arith.constant 0 : i32
            %dma_start3A_144 = arith.constant 0 : i32
            %dma_start3A_145 = tpu.memref_slice %arg28[%dma_start3A_143, %dma_start3A_144] : memref<10000x64xf32, #tpu.memory_space<vmem_shared>> -> memref<10000x64xf32, #tpu.memory_space<vmem_shared>>
            tpu.enqueue_indirect_dma source(%dma_start3A_145 : memref<10000x64xf32, #tpu.memory_space<vmem_shared>>) target(%arg32 : memref<128x64xf32, #tpu.memory_space<vmem>>) offsets(%dma_start3A_142 : memref<128xi32, #tpu.memory_space<vmem>>) semaphore(%arg34 : memref<!tpu.dma_semaphore, #tpu.memory_space<semaphore_mem>>)
          } else {
          }
          %mul3A_121 = arith.constant 2 : i32
          %mul3A_122 = arith.muli %scan3A_106, %mul3A_121 : i32
          %add3A_123 = arith.constant 1 : i32
          %add3A_124 = arith.addi %mul3A_122, %add3A_123 : i32
          %dma_wait3A_125 = arith.constant 0 : i32
          %dma_wait3A_126 = tpu.memref_slice %arg30[%add3A_124, %dma_wait3A_125] : memref<32x128xi32, #tpu.memory_space<vmem>> -> memref<1x128xi32, #tpu.memory_space<vmem>>
          %dma_wait3A_127 = tpu.memref_squeeze %dma_wait3A_126 : memref<1x128xi32, #tpu.memory_space<vmem>> -> memref<128xi32, #tpu.memory_space<vmem>>
          %dma_wait3A_128 = arith.constant 0 : i32
          %dma_wait3A_129 = arith.constant 0 : i32
          %dma_wait3A_130 = tpu.memref_slice %arg28[%dma_wait3A_128, %dma_wait3A_129] : memref<10000x64xf32, #tpu.memory_space<vmem_shared>> -> memref<10000x64xf32, #tpu.memory_space<vmem_shared>>
          tpu.wait_indirect_dma semaphore(%arg34 : memref<!tpu.dma_semaphore, #tpu.memory_space<semaphore_mem>>) src(%dma_wait3A_130 : memref<10000x64xf32, #tpu.memory_space<vmem_shared>>) dst(%arg33 : memref<128x64xf32, #tpu.memory_space<vmem>>)
          "tpu.region"() ({
            %run_scoped3A = tpu.sem_alloc : memref<!tpu.dma_semaphore, #tpu.memory_space<semaphore_mem>>
            %dma_start3A_138 = arith.constant 0 : i32
            %dma_start3A_139 = tpu.memref_slice %arg31[%add3A_124, %dma_start3A_138] : memref<32x128xi32, #tpu.memory_space<vmem>> -> memref<1x128xi32, #tpu.memory_space<vmem>>
            %dma_start3A_140 = tpu.memref_squeeze %dma_start3A_139 : memref<1x128xi32, #tpu.memory_space<vmem>> -> memref<128xi32, #tpu.memory_space<vmem>>
            %dma_start3A_141 = arith.constant 0 : i32
            %dma_start3A_142 = arith.constant 0 : i32
            %dma_start3A_143 = tpu.memref_slice %arg29[%dma_start3A_141, %dma_start3A_142] : memref<10008x64xf32, #tpu.memory_space<vmem_shared>> -> memref<10008x64xf32, #tpu.memory_space<vmem_shared>>
            tpu.enqueue_indirect_dma source(%arg33 : memref<128x64xf32, #tpu.memory_space<vmem>>) target(%dma_start3A_143 : memref<10008x64xf32, #tpu.memory_space<vmem_shared>>) offsets(%dma_start3A_140 : memref<128xi32, #tpu.memory_space<vmem>>) semaphore(%run_scoped3A : memref<!tpu.dma_semaphore, #tpu.memory_space<semaphore_mem>>) {add = true}
            %dma_wait3A_144 = arith.constant 0 : i32
            %dma_wait3A_145 = tpu.memref_slice %arg31[%add3A_124, %dma_wait3A_144] : memref<32x128xi32, #tpu.memory_space<vmem>> -> memref<1x128xi32, #tpu.memory_space<vmem>>
            %dma_wait3A_146 = tpu.memref_squeeze %dma_wait3A_145 : memref<1x128xi32, #tpu.memory_space<vmem>> -> memref<128xi32, #tpu.memory_space<vmem>>
            %dma_wait3A_147 = arith.constant 0 : i32
            %dma_wait3A_148 = arith.constant 0 : i32
            %dma_wait3A_149 = tpu.memref_slice %arg29[%dma_wait3A_147, %dma_wait3A_148] : memref<10008x64xf32, #tpu.memory_space<vmem_shared>> -> memref<10008x64xf32, #tpu.memory_space<vmem_shared>>
            tpu.wait_indirect_dma semaphore(%run_scoped3A : memref<!tpu.dma_semaphore, #tpu.memory_space<semaphore_mem>>) src(%arg33 : memref<128x64xf32, #tpu.memory_space<vmem>>) dst(%dma_wait3A_149 : memref<10008x64xf32, #tpu.memory_space<vmem_shared>>)
            tpu.yield
          }) : () -> ()
          %add3A_131 = arith.constant 2 : i32
          %add3A_132 = arith.addi %add3A_124, %add3A_131 : i32
          %lt3A_133 = arith.constant 32 : i32
          %lt3A_134 = arith.cmpi slt, %add3A_132, %lt3A_133 : i32
          %convert_element_type3A_135 = arith.extui %lt3A_134 : i1 to i32
          %cond3A_136 = arith.constant 0 : i32
          %cond3A_137 = arith.cmpi ne, %convert_element_type3A_135, %cond3A_136 : i32
          scf.if %cond3A_137 {
            %add3A_138 = arith.constant 2 : i32
            %add3A_139 = arith.addi %add3A_124, %add3A_138 : i32
            %dma_start3A_140 = arith.constant 0 : i32
            %dma_start3A_141 = tpu.memref_slice %arg30[%add3A_139, %dma_start3A_140] : memref<32x128xi32, #tpu.memory_space<vmem>> -> memref<1x128xi32, #tpu.memory_space<vmem>>
            %dma_start3A_142 = tpu.memref_squeeze %dma_start3A_141 : memref<1x128xi32, #tpu.memory_space<vmem>> -> memref<128xi32, #tpu.memory_space<vmem>>
            %dma_start3A_143 = arith.constant 0 : i32
            %dma_start3A_144 = arith.constant 0 : i32
            %dma_start3A_145 = tpu.memref_slice %arg28[%dma_start3A_143, %dma_start3A_144] : memref<10000x64xf32, #tpu.memory_space<vmem_shared>> -> memref<10000x64xf32, #tpu.memory_space<vmem_shared>>
            tpu.enqueue_indirect_dma source(%dma_start3A_145 : memref<10000x64xf32, #tpu.memory_space<vmem_shared>>) target(%arg33 : memref<128x64xf32, #tpu.memory_space<vmem>>) offsets(%dma_start3A_142 : memref<128xi32, #tpu.memory_space<vmem>>) semaphore(%arg34 : memref<!tpu.dma_semaphore, #tpu.memory_space<semaphore_mem>>)
          } else {
          }
        }
        %scan3A_105 = arith.constant 16 : i32
      }
      %scan3A_74 = arith.constant 5 : i32
      %barrier3A_75 = arith.constant 0 : index
      tpu.barrier barrier_id(%barrier3A_75)
      "tpu.region"() ({
        %run_scoped3A = tpu.sem_alloc : memref<!tpu.dma_semaphore, #tpu.memory_space<semaphore_mem>>
        %dma_start3A = arith.constant 0 : i32
        %dma_start3A_82 = tpu.memref_slice %arg23[%mul3A_0, %dma_start3A] : memref<10000x64xf32, #tpu.memory_space<hbm>> -> memref<624x64xf32, #tpu.memory_space<hbm>>
        %dma_start3A_83 = arith.constant 0 : i32
        %dma_start3A_84 = tpu.memref_slice %arg29[%mul3A_0, %dma_start3A_83] : memref<10008x64xf32, #tpu.memory_space<vmem_shared>> -> memref<624x64xf32, #tpu.memory_space<vmem_shared>>
        tpu.enqueue_dma source(%dma_start3A_84 : memref<624x64xf32, #tpu.memory_space<vmem_shared>>) target(%dma_start3A_82 : memref<624x64xf32, #tpu.memory_space<hbm>>) target_semaphore(%run_scoped3A : memref<!tpu.dma_semaphore, #tpu.memory_space<semaphore_mem>>)
        %dma_wait3A = arith.constant 0 : i32
        %dma_wait3A_85 = tpu.memref_slice %arg23[%mul3A_0, %dma_wait3A] : memref<10000x64xf32, #tpu.memory_space<hbm>> -> memref<624x64xf32, #tpu.memory_space<hbm>>
        %dma_wait3A_86 = arith.constant 0 : i32
        %dma_wait3A_87 = tpu.memref_slice %arg29[%mul3A_0, %dma_wait3A_86] : memref<10008x64xf32, #tpu.memory_space<vmem_shared>> -> memref<624x64xf32, #tpu.memory_space<vmem_shared>>
        tpu.wait_dma2 semaphore(%run_scoped3A : memref<!tpu.dma_semaphore, #tpu.memory_space<semaphore_mem>>) src(%dma_wait3A_87 : memref<624x64xf32, #tpu.memory_space<vmem_shared>>) dst(%dma_wait3A_85 : memref<624x64xf32, #tpu.memory_space<hbm>>)
        tpu.yield
      }) : () -> ()
      %eq3A_76 = arith.constant 0 : i32
      %eq3A_77 = arith.cmpi eq, %arg1, %eq3A_76 : i32
      %convert_element_type3A_78 = arith.extui %eq3A_77 : i1 to i32
      %cond3A_79 = arith.constant 0 : i32
      %cond3A_80 = arith.cmpi ne, %convert_element_type3A_78, %cond3A_79 : i32
      scf.if %cond3A_80 {
        "tpu.region"() ({
          %run_scoped3A = tpu.sem_alloc : memref<!tpu.dma_semaphore, #tpu.memory_space<semaphore_mem>>
          %dma_start3A = arith.constant 9984 : i32
          %dma_start3A_82 = arith.constant 0 : i32
          %dma_start3A_83 = tpu.memref_slice %arg23[%dma_start3A, %dma_start3A_82] : memref<10000x64xf32, #tpu.memory_space<hbm>> -> memref<16x64xf32, #tpu.memory_space<hbm>>
          %dma_start3A_84 = arith.constant 9984 : i32
          %dma_start3A_85 = arith.constant 0 : i32
          %dma_start3A_86 = tpu.memref_slice %arg29[%dma_start3A_84, %dma_start3A_85] : memref<10008x64xf32, #tpu.memory_space<vmem_shared>> -> memref<16x64xf32, #tpu.memory_space<vmem_shared>>
          tpu.enqueue_dma source(%dma_start3A_86 : memref<16x64xf32, #tpu.memory_space<vmem_shared>>) target(%dma_start3A_83 : memref<16x64xf32, #tpu.memory_space<hbm>>) target_semaphore(%run_scoped3A : memref<!tpu.dma_semaphore, #tpu.memory_space<semaphore_mem>>)
          %dma_wait3A = arith.constant 9984 : i32
          %dma_wait3A_87 = arith.constant 0 : i32
          %dma_wait3A_88 = tpu.memref_slice %arg23[%dma_wait3A, %dma_wait3A_87] : memref<10000x64xf32, #tpu.memory_space<hbm>> -> memref<16x64xf32, #tpu.memory_space<hbm>>
          %dma_wait3A_89 = arith.constant 9984 : i32
          %dma_wait3A_90 = arith.constant 0 : i32
          %dma_wait3A_91 = tpu.memref_slice %arg29[%dma_wait3A_89, %dma_wait3A_90] : memref<10008x64xf32, #tpu.memory_space<vmem_shared>> -> memref<16x64xf32, #tpu.memory_space<vmem_shared>>
          tpu.wait_dma2 semaphore(%run_scoped3A : memref<!tpu.dma_semaphore, #tpu.memory_space<semaphore_mem>>) src(%dma_wait3A_91 : memref<16x64xf32, #tpu.memory_space<vmem_shared>>) dst(%dma_wait3A_88 : memref<16x64xf32, #tpu.memory_space<hbm>>)
          tpu.yield
        }) : () -> ()
      } else {
      }
      %barrier3A_81 = arith.constant 0 : index
      tpu.barrier barrier_id(%barrier3A_81)
    } else {
    }
    %eq3A_3 = arith.constant 1 : i32
    %eq3A_4 = arith.cmpi eq, %arg0, %eq3A_3 : i32
    %convert_element_type3A_5 = arith.extui %eq3A_4 : i1 to i32
    %cond3A_6 = arith.constant 0 : i32
    %cond3A_7 = arith.cmpi ne, %convert_element_type3A_5, %cond3A_6 : i32
    scf.if %cond3A_7 {
      "tpu.region"() ({
        %run_scoped3A = tpu.sem_alloc : memref<!tpu.dma_semaphore, #tpu.memory_space<semaphore_mem>>
        %dma_start3A = arith.constant 0 : i32
        %dma_start3A_82 = tpu.memref_slice %arg28[%mul3A_0, %dma_start3A] : memref<10000x64xf32, #tpu.memory_space<vmem_shared>> -> memref<624x64xf32, #tpu.memory_space<vmem_shared>>
        %dma_start3A_83 = arith.constant 0 : i32
        %dma_start3A_84 = tpu.memref_slice %arg6[%mul3A_0, %dma_start3A_83] : memref<10000x64xf32, #tpu.memory_space<hbm>> -> memref<624x64xf32, #tpu.memory_space<hbm>>
        tpu.enqueue_dma source(%dma_start3A_84 : memref<624x64xf32, #tpu.memory_space<hbm>>) target(%dma_start3A_82 : memref<624x64xf32, #tpu.memory_space<vmem_shared>>) target_semaphore(%run_scoped3A : memref<!tpu.dma_semaphore, #tpu.memory_space<semaphore_mem>>)
        %dma_wait3A = arith.constant 0 : i32
        %dma_wait3A_85 = tpu.memref_slice %arg28[%mul3A_0, %dma_wait3A] : memref<10000x64xf32, #tpu.memory_space<vmem_shared>> -> memref<624x64xf32, #tpu.memory_space<vmem_shared>>
        %dma_wait3A_86 = arith.constant 0 : i32
        %dma_wait3A_87 = tpu.memref_slice %arg6[%mul3A_0, %dma_wait3A_86] : memref<10000x64xf32, #tpu.memory_space<hbm>> -> memref<624x64xf32, #tpu.memory_space<hbm>>
        tpu.wait_dma2 semaphore(%run_scoped3A : memref<!tpu.dma_semaphore, #tpu.memory_space<semaphore_mem>>) src(%dma_wait3A_87 : memref<624x64xf32, #tpu.memory_space<hbm>>) dst(%dma_wait3A_85 : memref<624x64xf32, #tpu.memory_space<vmem_shared>>)
        tpu.yield
      }) : () -> ()
      "tpu.region"() ({
        %run_scoped3A = tpu.sem_alloc : memref<!tpu.dma_semaphore, #tpu.memory_space<semaphore_mem>>
        %dma_start3A = arith.constant 0 : i32
        %dma_start3A_82 = tpu.memref_slice %arg29[%mul3A_0, %dma_start3A] : memref<10008x64xf32, #tpu.memory_space<vmem_shared>> -> memref<624x64xf32, #tpu.memory_space<vmem_shared>>
        %dma_start3A_83 = arith.constant 0 : i32
        %dma_start3A_84 = tpu.memref_slice %arg16[%mul3A_0, %dma_start3A_83] : memref<10000x64xf32, #tpu.memory_space<hbm>> -> memref<624x64xf32, #tpu.memory_space<hbm>>
        tpu.enqueue_dma source(%dma_start3A_84 : memref<624x64xf32, #tpu.memory_space<hbm>>) target(%dma_start3A_82 : memref<624x64xf32, #tpu.memory_space<vmem_shared>>) target_semaphore(%run_scoped3A : memref<!tpu.dma_semaphore, #tpu.memory_space<semaphore_mem>>)
        %dma_wait3A = arith.constant 0 : i32
        %dma_wait3A_85 = tpu.memref_slice %arg29[%mul3A_0, %dma_wait3A] : memref<10008x64xf32, #tpu.memory_space<vmem_shared>> -> memref<624x64xf32, #tpu.memory_space<vmem_shared>>
        %dma_wait3A_86 = arith.constant 0 : i32
        %dma_wait3A_87 = tpu.memref_slice %arg16[%mul3A_0, %dma_wait3A_86] : memref<10000x64xf32, #tpu.memory_space<hbm>> -> memref<624x64xf32, #tpu.memory_space<hbm>>
        tpu.wait_dma2 semaphore(%run_scoped3A : memref<!tpu.dma_semaphore, #tpu.memory_space<semaphore_mem>>) src(%dma_wait3A_87 : memref<624x64xf32, #tpu.memory_space<hbm>>) dst(%dma_wait3A_85 : memref<624x64xf32, #tpu.memory_space<vmem_shared>>)
        tpu.yield
      }) : () -> ()
      %eq3A_8 = arith.constant 0 : i32
      %eq3A_9 = arith.cmpi eq, %arg1, %eq3A_8 : i32
      %convert_element_type3A_10 = arith.extui %eq3A_9 : i1 to i32
      %cond3A_11 = arith.constant 0 : i32
      %cond3A_12 = arith.cmpi ne, %convert_element_type3A_10, %cond3A_11 : i32
      scf.if %cond3A_12 {
        "tpu.region"() ({
          %run_scoped3A = tpu.sem_alloc : memref<!tpu.dma_semaphore, #tpu.memory_space<semaphore_mem>>
          %dma_start3A = arith.constant 9984 : i32
          %dma_start3A_82 = arith.constant 0 : i32
          %dma_start3A_83 = tpu.memref_slice %arg28[%dma_start3A, %dma_start3A_82] : memref<10000x64xf32, #tpu.memory_space<vmem_shared>> -> memref<16x64xf32, #tpu.memory_space<vmem_shared>>
          %dma_start3A_84 = arith.constant 9984 : i32
          %dma_start3A_85 = arith.constant 0 : i32
          %dma_start3A_86 = tpu.memref_slice %arg6[%dma_start3A_84, %dma_start3A_85] : memref<10000x64xf32, #tpu.memory_space<hbm>> -> memref<16x64xf32, #tpu.memory_space<hbm>>
          tpu.enqueue_dma source(%dma_start3A_86 : memref<16x64xf32, #tpu.memory_space<hbm>>) target(%dma_start3A_83 : memref<16x64xf32, #tpu.memory_space<vmem_shared>>) target_semaphore(%run_scoped3A : memref<!tpu.dma_semaphore, #tpu.memory_space<semaphore_mem>>)
          %dma_wait3A = arith.constant 9984 : i32
          %dma_wait3A_87 = arith.constant 0 : i32
          %dma_wait3A_88 = tpu.memref_slice %arg28[%dma_wait3A, %dma_wait3A_87] : memref<10000x64xf32, #tpu.memory_space<vmem_shared>> -> memref<16x64xf32, #tpu.memory_space<vmem_shared>>
          %dma_wait3A_89 = arith.constant 9984 : i32
          %dma_wait3A_90 = arith.constant 0 : i32
          %dma_wait3A_91 = tpu.memref_slice %arg6[%dma_wait3A_89, %dma_wait3A_90] : memref<10000x64xf32, #tpu.memory_space<hbm>> -> memref<16x64xf32, #tpu.memory_space<hbm>>
          tpu.wait_dma2 semaphore(%run_scoped3A : memref<!tpu.dma_semaphore, #tpu.memory_space<semaphore_mem>>) src(%dma_wait3A_91 : memref<16x64xf32, #tpu.memory_space<hbm>>) dst(%dma_wait3A_88 : memref<16x64xf32, #tpu.memory_space<vmem_shared>>)
          tpu.yield
        }) : () -> ()
        "tpu.region"() ({
          %run_scoped3A = tpu.sem_alloc : memref<!tpu.dma_semaphore, #tpu.memory_space<semaphore_mem>>
          %dma_start3A = arith.constant 9984 : i32
          %dma_start3A_82 = arith.constant 0 : i32
          %dma_start3A_83 = tpu.memref_slice %arg29[%dma_start3A, %dma_start3A_82] : memref<10008x64xf32, #tpu.memory_space<vmem_shared>> -> memref<16x64xf32, #tpu.memory_space<vmem_shared>>
          %dma_start3A_84 = arith.constant 9984 : i32
          %dma_start3A_85 = arith.constant 0 : i32
          %dma_start3A_86 = tpu.memref_slice %arg16[%dma_start3A_84, %dma_start3A_85] : memref<10000x64xf32, #tpu.memory_space<hbm>> -> memref<16x64xf32, #tpu.memory_space<hbm>>
          tpu.enqueue_dma source(%dma_start3A_86 : memref<16x64xf32, #tpu.memory_space<hbm>>) target(%dma_start3A_83 : memref<16x64xf32, #tpu.memory_space<vmem_shared>>) target_semaphore(%run_scoped3A : memref<!tpu.dma_semaphore, #tpu.memory_space<semaphore_mem>>)
          %dma_wait3A = arith.constant 9984 : i32
          %dma_wait3A_87 = arith.constant 0 : i32
          %dma_wait3A_88 = tpu.memref_slice %arg29[%dma_wait3A, %dma_wait3A_87] : memref<10008x64xf32, #tpu.memory_space<vmem_shared>> -> memref<16x64xf32, #tpu.memory_space<vmem_shared>>
          %dma_wait3A_89 = arith.constant 9984 : i32
          %dma_wait3A_90 = arith.constant 0 : i32
          %dma_wait3A_91 = tpu.memref_slice %arg16[%dma_wait3A_89, %dma_wait3A_90] : memref<10000x64xf32, #tpu.memory_space<hbm>> -> memref<16x64xf32, #tpu.memory_space<hbm>>
          tpu.wait_dma2 semaphore(%run_scoped3A : memref<!tpu.dma_semaphore, #tpu.memory_space<semaphore_mem>>) src(%dma_wait3A_91 : memref<16x64xf32, #tpu.memory_space<hbm>>) dst(%dma_wait3A_88 : memref<16x64xf32, #tpu.memory_space<vmem_shared>>)
          tpu.yield
        }) : () -> ()
      } else {
      }
      %barrier3A = arith.constant 0 : index
      tpu.barrier barrier_id(%barrier3A)
      %scan3A = arith.constant 0 : i32
      %scan3A_13 = arith.constant 0 : i32
      %scan3A_14 = arith.constant 5 : i32
      %scan3A_15 = arith.addi %scan3A_13, %scan3A_14 : i32
      %scan3A_16 = arith.constant 1 : i32
      scf.for %scan3A_82 = %scan3A_13 to %scan3A_15 step %scan3A_16  : i32 {
        %mul3A_83 = arith.constant 32 : i32
        %mul3A_84 = arith.muli %scan3A_82, %mul3A_83 : i32
        "tpu.region"() ({
          %run_scoped3A = tpu.sem_alloc : memref<!tpu.dma_semaphore, #tpu.memory_space<semaphore_mem>>
          %dma_start3A_106 = arith.constant 0 : i32
          %dma_start3A_107 = tpu.memref_slice %arg10[%arg1, %mul3A_84, %dma_start3A_106] : memref<16x160x128xi32, #tpu.memory_space<hbm>> -> memref<1x32x128xi32, #tpu.memory_space<hbm>>
          %dma_start3A_108 = tpu.memref_squeeze %dma_start3A_107 : memref<1x32x128xi32, #tpu.memory_space<hbm>> -> memref<32x128xi32, #tpu.memory_space<hbm>>
          %dma_start3A_109 = arith.constant 0 : i32
          %dma_start3A_110 = tpu.memref_slice %arg10[%arg1, %mul3A_84, %dma_start3A_109] : memref<16x160x128xi32, #tpu.memory_space<hbm>> -> memref<1x32x128xi32, #tpu.memory_space<hbm>>
          %dma_start3A_111 = tpu.memref_squeeze %dma_start3A_110 : memref<1x32x128xi32, #tpu.memory_space<hbm>> -> memref<32x128xi32, #tpu.memory_space<hbm>>
          tpu.enqueue_dma source(%dma_start3A_111 : memref<32x128xi32, #tpu.memory_space<hbm>>) target(%arg30 : memref<32x128xi32, #tpu.memory_space<vmem>>) target_semaphore(%run_scoped3A : memref<!tpu.dma_semaphore, #tpu.memory_space<semaphore_mem>>)
          %dma_wait3A = arith.constant 0 : i32
          %dma_wait3A_112 = tpu.memref_slice %arg10[%arg1, %mul3A_84, %dma_wait3A] : memref<16x160x128xi32, #tpu.memory_space<hbm>> -> memref<1x32x128xi32, #tpu.memory_space<hbm>>
          %dma_wait3A_113 = tpu.memref_squeeze %dma_wait3A_112 : memref<1x32x128xi32, #tpu.memory_space<hbm>> -> memref<32x128xi32, #tpu.memory_space<hbm>>
          %dma_wait3A_114 = arith.constant 0 : i32
          %dma_wait3A_115 = tpu.memref_slice %arg10[%arg1, %mul3A_84, %dma_wait3A_114] : memref<16x160x128xi32, #tpu.memory_space<hbm>> -> memref<1x32x128xi32, #tpu.memory_space<hbm>>
          %dma_wait3A_116 = tpu.memref_squeeze %dma_wait3A_115 : memref<1x32x128xi32, #tpu.memory_space<hbm>> -> memref<32x128xi32, #tpu.memory_space<hbm>>
          tpu.wait_dma2 semaphore(%run_scoped3A : memref<!tpu.dma_semaphore, #tpu.memory_space<semaphore_mem>>) src(%dma_wait3A_116 : memref<32x128xi32, #tpu.memory_space<hbm>>) dst(%arg30 : memref<32x128xi32, #tpu.memory_space<vmem>>)
          tpu.yield
        }) : () -> ()
        %mul3A_85 = arith.constant 32 : i32
        %mul3A_86 = arith.muli %scan3A_82, %mul3A_85 : i32
        "tpu.region"() ({
          %run_scoped3A = tpu.sem_alloc : memref<!tpu.dma_semaphore, #tpu.memory_space<semaphore_mem>>
          %dma_start3A_106 = arith.constant 0 : i32
          %dma_start3A_107 = tpu.memref_slice %arg11[%arg1, %mul3A_86, %dma_start3A_106] : memref<16x160x128xi32, #tpu.memory_space<hbm>> -> memref<1x32x128xi32, #tpu.memory_space<hbm>>
          %dma_start3A_108 = tpu.memref_squeeze %dma_start3A_107 : memref<1x32x128xi32, #tpu.memory_space<hbm>> -> memref<32x128xi32, #tpu.memory_space<hbm>>
          %dma_start3A_109 = arith.constant 0 : i32
          %dma_start3A_110 = tpu.memref_slice %arg11[%arg1, %mul3A_86, %dma_start3A_109] : memref<16x160x128xi32, #tpu.memory_space<hbm>> -> memref<1x32x128xi32, #tpu.memory_space<hbm>>
          %dma_start3A_111 = tpu.memref_squeeze %dma_start3A_110 : memref<1x32x128xi32, #tpu.memory_space<hbm>> -> memref<32x128xi32, #tpu.memory_space<hbm>>
          tpu.enqueue_dma source(%dma_start3A_111 : memref<32x128xi32, #tpu.memory_space<hbm>>) target(%arg31 : memref<32x128xi32, #tpu.memory_space<vmem>>) target_semaphore(%run_scoped3A : memref<!tpu.dma_semaphore, #tpu.memory_space<semaphore_mem>>)
          %dma_wait3A = arith.constant 0 : i32
          %dma_wait3A_112 = tpu.memref_slice %arg11[%arg1, %mul3A_86, %dma_wait3A] : memref<16x160x128xi32, #tpu.memory_space<hbm>> -> memref<1x32x128xi32, #tpu.memory_space<hbm>>
          %dma_wait3A_113 = tpu.memref_squeeze %dma_wait3A_112 : memref<1x32x128xi32, #tpu.memory_space<hbm>> -> memref<32x128xi32, #tpu.memory_space<hbm>>
          %dma_wait3A_114 = arith.constant 0 : i32
          %dma_wait3A_115 = tpu.memref_slice %arg11[%arg1, %mul3A_86, %dma_wait3A_114] : memref<16x160x128xi32, #tpu.memory_space<hbm>> -> memref<1x32x128xi32, #tpu.memory_space<hbm>>
          %dma_wait3A_116 = tpu.memref_squeeze %dma_wait3A_115 : memref<1x32x128xi32, #tpu.memory_space<hbm>> -> memref<32x128xi32, #tpu.memory_space<hbm>>
          tpu.wait_dma2 semaphore(%run_scoped3A : memref<!tpu.dma_semaphore, #tpu.memory_space<semaphore_mem>>) src(%dma_wait3A_116 : memref<32x128xi32, #tpu.memory_space<hbm>>) dst(%arg31 : memref<32x128xi32, #tpu.memory_space<vmem>>)
          tpu.yield
        }) : () -> ()
        %dma_start3A = arith.constant 0 : i32
        %dma_start3A_87 = arith.constant 0 : i32
        %dma_start3A_88 = tpu.memref_slice %arg30[%dma_start3A, %dma_start3A_87] : memref<32x128xi32, #tpu.memory_space<vmem>> -> memref<1x128xi32, #tpu.memory_space<vmem>>
        %dma_start3A_89 = tpu.memref_squeeze %dma_start3A_88 : memref<1x128xi32, #tpu.memory_space<vmem>> -> memref<128xi32, #tpu.memory_space<vmem>>
        %dma_start3A_90 = arith.constant 0 : i32
        %dma_start3A_91 = arith.constant 0 : i32
        %dma_start3A_92 = tpu.memref_slice %arg28[%dma_start3A_90, %dma_start3A_91] : memref<10000x64xf32, #tpu.memory_space<vmem_shared>> -> memref<10000x64xf32, #tpu.memory_space<vmem_shared>>
        tpu.enqueue_indirect_dma source(%dma_start3A_92 : memref<10000x64xf32, #tpu.memory_space<vmem_shared>>) target(%arg32 : memref<128x64xf32, #tpu.memory_space<vmem>>) offsets(%dma_start3A_89 : memref<128xi32, #tpu.memory_space<vmem>>) semaphore(%arg34 : memref<!tpu.dma_semaphore, #tpu.memory_space<semaphore_mem>>)
        %dma_start3A_93 = arith.constant 1 : i32
        %dma_start3A_94 = arith.constant 0 : i32
        %dma_start3A_95 = tpu.memref_slice %arg30[%dma_start3A_93, %dma_start3A_94] : memref<32x128xi32, #tpu.memory_space<vmem>> -> memref<1x128xi32, #tpu.memory_space<vmem>>
        %dma_start3A_96 = tpu.memref_squeeze %dma_start3A_95 : memref<1x128xi32, #tpu.memory_space<vmem>> -> memref<128xi32, #tpu.memory_space<vmem>>
        %dma_start3A_97 = arith.constant 0 : i32
        %dma_start3A_98 = arith.constant 0 : i32
        %dma_start3A_99 = tpu.memref_slice %arg28[%dma_start3A_97, %dma_start3A_98] : memref<10000x64xf32, #tpu.memory_space<vmem_shared>> -> memref<10000x64xf32, #tpu.memory_space<vmem_shared>>
        tpu.enqueue_indirect_dma source(%dma_start3A_99 : memref<10000x64xf32, #tpu.memory_space<vmem_shared>>) target(%arg33 : memref<128x64xf32, #tpu.memory_space<vmem>>) offsets(%dma_start3A_96 : memref<128xi32, #tpu.memory_space<vmem>>) semaphore(%arg34 : memref<!tpu.dma_semaphore, #tpu.memory_space<semaphore_mem>>)
        %scan3A_100 = arith.constant 0 : i32
        %scan3A_101 = arith.constant 0 : i32
        %scan3A_102 = arith.constant 16 : i32
        %scan3A_103 = arith.addi %scan3A_101, %scan3A_102 : i32
        %scan3A_104 = arith.constant 1 : i32
        scf.for %scan3A_106 = %scan3A_101 to %scan3A_103 step %scan3A_104  : i32 {
          %mul3A_107 = arith.constant 2 : i32
          %mul3A_108 = arith.muli %scan3A_106, %mul3A_107 : i32
          %add3A = arith.constant 0 : i32
          %add3A_109 = arith.addi %mul3A_108, %add3A : i32
          %dma_wait3A = arith.constant 0 : i32
          %dma_wait3A_110 = tpu.memref_slice %arg30[%add3A_109, %dma_wait3A] : memref<32x128xi32, #tpu.memory_space<vmem>> -> memref<1x128xi32, #tpu.memory_space<vmem>>
          %dma_wait3A_111 = tpu.memref_squeeze %dma_wait3A_110 : memref<1x128xi32, #tpu.memory_space<vmem>> -> memref<128xi32, #tpu.memory_space<vmem>>
          %dma_wait3A_112 = arith.constant 0 : i32
          %dma_wait3A_113 = arith.constant 0 : i32
          %dma_wait3A_114 = tpu.memref_slice %arg28[%dma_wait3A_112, %dma_wait3A_113] : memref<10000x64xf32, #tpu.memory_space<vmem_shared>> -> memref<10000x64xf32, #tpu.memory_space<vmem_shared>>
          tpu.wait_indirect_dma semaphore(%arg34 : memref<!tpu.dma_semaphore, #tpu.memory_space<semaphore_mem>>) src(%dma_wait3A_114 : memref<10000x64xf32, #tpu.memory_space<vmem_shared>>) dst(%arg32 : memref<128x64xf32, #tpu.memory_space<vmem>>)
          "tpu.region"() ({
            %run_scoped3A = tpu.sem_alloc : memref<!tpu.dma_semaphore, #tpu.memory_space<semaphore_mem>>
            %dma_start3A_138 = arith.constant 0 : i32
            %dma_start3A_139 = tpu.memref_slice %arg31[%add3A_109, %dma_start3A_138] : memref<32x128xi32, #tpu.memory_space<vmem>> -> memref<1x128xi32, #tpu.memory_space<vmem>>
            %dma_start3A_140 = tpu.memref_squeeze %dma_start3A_139 : memref<1x128xi32, #tpu.memory_space<vmem>> -> memref<128xi32, #tpu.memory_space<vmem>>
            %dma_start3A_141 = arith.constant 0 : i32
            %dma_start3A_142 = arith.constant 0 : i32
            %dma_start3A_143 = tpu.memref_slice %arg29[%dma_start3A_141, %dma_start3A_142] : memref<10008x64xf32, #tpu.memory_space<vmem_shared>> -> memref<10008x64xf32, #tpu.memory_space<vmem_shared>>
            tpu.enqueue_indirect_dma source(%arg32 : memref<128x64xf32, #tpu.memory_space<vmem>>) target(%dma_start3A_143 : memref<10008x64xf32, #tpu.memory_space<vmem_shared>>) offsets(%dma_start3A_140 : memref<128xi32, #tpu.memory_space<vmem>>) semaphore(%run_scoped3A : memref<!tpu.dma_semaphore, #tpu.memory_space<semaphore_mem>>) {add = true}
            %dma_wait3A_144 = arith.constant 0 : i32
            %dma_wait3A_145 = tpu.memref_slice %arg31[%add3A_109, %dma_wait3A_144] : memref<32x128xi32, #tpu.memory_space<vmem>> -> memref<1x128xi32, #tpu.memory_space<vmem>>
            %dma_wait3A_146 = tpu.memref_squeeze %dma_wait3A_145 : memref<1x128xi32, #tpu.memory_space<vmem>> -> memref<128xi32, #tpu.memory_space<vmem>>
            %dma_wait3A_147 = arith.constant 0 : i32
            %dma_wait3A_148 = arith.constant 0 : i32
            %dma_wait3A_149 = tpu.memref_slice %arg29[%dma_wait3A_147, %dma_wait3A_148] : memref<10008x64xf32, #tpu.memory_space<vmem_shared>> -> memref<10008x64xf32, #tpu.memory_space<vmem_shared>>
            tpu.wait_indirect_dma semaphore(%run_scoped3A : memref<!tpu.dma_semaphore, #tpu.memory_space<semaphore_mem>>) src(%arg32 : memref<128x64xf32, #tpu.memory_space<vmem>>) dst(%dma_wait3A_149 : memref<10008x64xf32, #tpu.memory_space<vmem_shared>>)
            tpu.yield
          }) : () -> ()
          %add3A_115 = arith.constant 2 : i32
          %add3A_116 = arith.addi %add3A_109, %add3A_115 : i32
          %lt3A = arith.constant 32 : i32
          %lt3A_117 = arith.cmpi slt, %add3A_116, %lt3A : i32
          %convert_element_type3A_118 = arith.extui %lt3A_117 : i1 to i32
          %cond3A_119 = arith.constant 0 : i32
          %cond3A_120 = arith.cmpi ne, %convert_element_type3A_118, %cond3A_119 : i32
          scf.if %cond3A_120 {
            %add3A_138 = arith.constant 2 : i32
            %add3A_139 = arith.addi %add3A_109, %add3A_138 : i32
            %dma_start3A_140 = arith.constant 0 : i32
            %dma_start3A_141 = tpu.memref_slice %arg30[%add3A_139, %dma_start3A_140] : memref<32x128xi32, #tpu.memory_space<vmem>> -> memref<1x128xi32, #tpu.memory_space<vmem>>
            %dma_start3A_142 = tpu.memref_squeeze %dma_start3A_141 : memref<1x128xi32, #tpu.memory_space<vmem>> -> memref<128xi32, #tpu.memory_space<vmem>>
            %dma_start3A_143 = arith.constant 0 : i32
            %dma_start3A_144 = arith.constant 0 : i32
            %dma_start3A_145 = tpu.memref_slice %arg28[%dma_start3A_143, %dma_start3A_144] : memref<10000x64xf32, #tpu.memory_space<vmem_shared>> -> memref<10000x64xf32, #tpu.memory_space<vmem_shared>>
            tpu.enqueue_indirect_dma source(%dma_start3A_145 : memref<10000x64xf32, #tpu.memory_space<vmem_shared>>) target(%arg32 : memref<128x64xf32, #tpu.memory_space<vmem>>) offsets(%dma_start3A_142 : memref<128xi32, #tpu.memory_space<vmem>>) semaphore(%arg34 : memref<!tpu.dma_semaphore, #tpu.memory_space<semaphore_mem>>)
          } else {
          }
          %mul3A_121 = arith.constant 2 : i32
          %mul3A_122 = arith.muli %scan3A_106, %mul3A_121 : i32
          %add3A_123 = arith.constant 1 : i32
          %add3A_124 = arith.addi %mul3A_122, %add3A_123 : i32
          %dma_wait3A_125 = arith.constant 0 : i32
          %dma_wait3A_126 = tpu.memref_slice %arg30[%add3A_124, %dma_wait3A_125] : memref<32x128xi32, #tpu.memory_space<vmem>> -> memref<1x128xi32, #tpu.memory_space<vmem>>
          %dma_wait3A_127 = tpu.memref_squeeze %dma_wait3A_126 : memref<1x128xi32, #tpu.memory_space<vmem>> -> memref<128xi32, #tpu.memory_space<vmem>>
          %dma_wait3A_128 = arith.constant 0 : i32
          %dma_wait3A_129 = arith.constant 0 : i32
          %dma_wait3A_130 = tpu.memref_slice %arg28[%dma_wait3A_128, %dma_wait3A_129] : memref<10000x64xf32, #tpu.memory_space<vmem_shared>> -> memref<10000x64xf32, #tpu.memory_space<vmem_shared>>
          tpu.wait_indirect_dma semaphore(%arg34 : memref<!tpu.dma_semaphore, #tpu.memory_space<semaphore_mem>>) src(%dma_wait3A_130 : memref<10000x64xf32, #tpu.memory_space<vmem_shared>>) dst(%arg33 : memref<128x64xf32, #tpu.memory_space<vmem>>)
          "tpu.region"() ({
            %run_scoped3A = tpu.sem_alloc : memref<!tpu.dma_semaphore, #tpu.memory_space<semaphore_mem>>
            %dma_start3A_138 = arith.constant 0 : i32
            %dma_start3A_139 = tpu.memref_slice %arg31[%add3A_124, %dma_start3A_138] : memref<32x128xi32, #tpu.memory_space<vmem>> -> memref<1x128xi32, #tpu.memory_space<vmem>>
            %dma_start3A_140 = tpu.memref_squeeze %dma_start3A_139 : memref<1x128xi32, #tpu.memory_space<vmem>> -> memref<128xi32, #tpu.memory_space<vmem>>
            %dma_start3A_141 = arith.constant 0 : i32
            %dma_start3A_142 = arith.constant 0 : i32
            %dma_start3A_143 = tpu.memref_slice %arg29[%dma_start3A_141, %dma_start3A_142] : memref<10008x64xf32, #tpu.memory_space<vmem_shared>> -> memref<10008x64xf32, #tpu.memory_space<vmem_shared>>
            tpu.enqueue_indirect_dma source(%arg33 : memref<128x64xf32, #tpu.memory_space<vmem>>) target(%dma_start3A_143 : memref<10008x64xf32, #tpu.memory_space<vmem_shared>>) offsets(%dma_start3A_140 : memref<128xi32, #tpu.memory_space<vmem>>) semaphore(%run_scoped3A : memref<!tpu.dma_semaphore, #tpu.memory_space<semaphore_mem>>) {add = true}
            %dma_wait3A_144 = arith.constant 0 : i32
            %dma_wait3A_145 = tpu.memref_slice %arg31[%add3A_124, %dma_wait3A_144] : memref<32x128xi32, #tpu.memory_space<vmem>> -> memref<1x128xi32, #tpu.memory_space<vmem>>
            %dma_wait3A_146 = tpu.memref_squeeze %dma_wait3A_145 : memref<1x128xi32, #tpu.memory_space<vmem>> -> memref<128xi32, #tpu.memory_space<vmem>>
            %dma_wait3A_147 = arith.constant 0 : i32
            %dma_wait3A_148 = arith.constant 0 : i32
            %dma_wait3A_149 = tpu.memref_slice %arg29[%dma_wait3A_147, %dma_wait3A_148] : memref<10008x64xf32, #tpu.memory_space<vmem_shared>> -> memref<10008x64xf32, #tpu.memory_space<vmem_shared>>
            tpu.wait_indirect_dma semaphore(%run_scoped3A : memref<!tpu.dma_semaphore, #tpu.memory_space<semaphore_mem>>) src(%arg33 : memref<128x64xf32, #tpu.memory_space<vmem>>) dst(%dma_wait3A_149 : memref<10008x64xf32, #tpu.memory_space<vmem_shared>>)
            tpu.yield
          }) : () -> ()
          %add3A_131 = arith.constant 2 : i32
          %add3A_132 = arith.addi %add3A_124, %add3A_131 : i32
          %lt3A_133 = arith.constant 32 : i32
          %lt3A_134 = arith.cmpi slt, %add3A_132, %lt3A_133 : i32
          %convert_element_type3A_135 = arith.extui %lt3A_134 : i1 to i32
          %cond3A_136 = arith.constant 0 : i32
          %cond3A_137 = arith.cmpi ne, %convert_element_type3A_135, %cond3A_136 : i32
          scf.if %cond3A_137 {
            %add3A_138 = arith.constant 2 : i32
            %add3A_139 = arith.addi %add3A_124, %add3A_138 : i32
            %dma_start3A_140 = arith.constant 0 : i32
            %dma_start3A_141 = tpu.memref_slice %arg30[%add3A_139, %dma_start3A_140] : memref<32x128xi32, #tpu.memory_space<vmem>> -> memref<1x128xi32, #tpu.memory_space<vmem>>
            %dma_start3A_142 = tpu.memref_squeeze %dma_start3A_141 : memref<1x128xi32, #tpu.memory_space<vmem>> -> memref<128xi32, #tpu.memory_space<vmem>>
            %dma_start3A_143 = arith.constant 0 : i32
            %dma_start3A_144 = arith.constant 0 : i32
            %dma_start3A_145 = tpu.memref_slice %arg28[%dma_start3A_143, %dma_start3A_144] : memref<10000x64xf32, #tpu.memory_space<vmem_shared>> -> memref<10000x64xf32, #tpu.memory_space<vmem_shared>>
            tpu.enqueue_indirect_dma source(%dma_start3A_145 : memref<10000x64xf32, #tpu.memory_space<vmem_shared>>) target(%arg33 : memref<128x64xf32, #tpu.memory_space<vmem>>) offsets(%dma_start3A_142 : memref<128xi32, #tpu.memory_space<vmem>>) semaphore(%arg34 : memref<!tpu.dma_semaphore, #tpu.memory_space<semaphore_mem>>)
          } else {
          }
        }
        %scan3A_105 = arith.constant 16 : i32
      }
      %scan3A_17 = arith.constant 5 : i32
      %barrier3A_18 = arith.constant 0 : index
      tpu.barrier barrier_id(%barrier3A_18)
      "tpu.region"() ({
        %run_scoped3A = tpu.sem_alloc : memref<!tpu.dma_semaphore, #tpu.memory_space<semaphore_mem>>
        %dma_start3A = arith.constant 0 : i32
        %dma_start3A_82 = tpu.memref_slice %arg24[%mul3A_0, %dma_start3A] : memref<10000x64xf32, #tpu.memory_space<hbm>> -> memref<624x64xf32, #tpu.memory_space<hbm>>
        %dma_start3A_83 = arith.constant 0 : i32
        %dma_start3A_84 = tpu.memref_slice %arg29[%mul3A_0, %dma_start3A_83] : memref<10008x64xf32, #tpu.memory_space<vmem_shared>> -> memref<624x64xf32, #tpu.memory_space<vmem_shared>>
        tpu.enqueue_dma source(%dma_start3A_84 : memref<624x64xf32, #tpu.memory_space<vmem_shared>>) target(%dma_start3A_82 : memref<624x64xf32, #tpu.memory_space<hbm>>) target_semaphore(%run_scoped3A : memref<!tpu.dma_semaphore, #tpu.memory_space<semaphore_mem>>)
        %dma_wait3A = arith.constant 0 : i32
        %dma_wait3A_85 = tpu.memref_slice %arg24[%mul3A_0, %dma_wait3A] : memref<10000x64xf32, #tpu.memory_space<hbm>> -> memref<624x64xf32, #tpu.memory_space<hbm>>
        %dma_wait3A_86 = arith.constant 0 : i32
        %dma_wait3A_87 = tpu.memref_slice %arg29[%mul3A_0, %dma_wait3A_86] : memref<10008x64xf32, #tpu.memory_space<vmem_shared>> -> memref<624x64xf32, #tpu.memory_space<vmem_shared>>
        tpu.wait_dma2 semaphore(%run_scoped3A : memref<!tpu.dma_semaphore, #tpu.memory_space<semaphore_mem>>) src(%dma_wait3A_87 : memref<624x64xf32, #tpu.memory_space<vmem_shared>>) dst(%dma_wait3A_85 : memref<624x64xf32, #tpu.memory_space<hbm>>)
        tpu.yield
      }) : () -> ()
      %eq3A_19 = arith.constant 0 : i32
      %eq3A_20 = arith.cmpi eq, %arg1, %eq3A_19 : i32
      %convert_element_type3A_21 = arith.extui %eq3A_20 : i1 to i32
      %cond3A_22 = arith.constant 0 : i32
      %cond3A_23 = arith.cmpi ne, %convert_element_type3A_21, %cond3A_22 : i32
      scf.if %cond3A_23 {
        "tpu.region"() ({
          %run_scoped3A = tpu.sem_alloc : memref<!tpu.dma_semaphore, #tpu.memory_space<semaphore_mem>>
          %dma_start3A = arith.constant 9984 : i32
          %dma_start3A_82 = arith.constant 0 : i32
          %dma_start3A_83 = tpu.memref_slice %arg24[%dma_start3A, %dma_start3A_82] : memref<10000x64xf32, #tpu.memory_space<hbm>> -> memref<16x64xf32, #tpu.memory_space<hbm>>
          %dma_start3A_84 = arith.constant 9984 : i32
          %dma_start3A_85 = arith.constant 0 : i32
          %dma_start3A_86 = tpu.memref_slice %arg29[%dma_start3A_84, %dma_start3A_85] : memref<10008x64xf32, #tpu.memory_space<vmem_shared>> -> memref<16x64xf32, #tpu.memory_space<vmem_shared>>
          tpu.enqueue_dma source(%dma_start3A_86 : memref<16x64xf32, #tpu.memory_space<vmem_shared>>) target(%dma_start3A_83 : memref<16x64xf32, #tpu.memory_space<hbm>>) target_semaphore(%run_scoped3A : memref<!tpu.dma_semaphore, #tpu.memory_space<semaphore_mem>>)
          %dma_wait3A = arith.constant 9984 : i32
          %dma_wait3A_87 = arith.constant 0 : i32
          %dma_wait3A_88 = tpu.memref_slice %arg24[%dma_wait3A, %dma_wait3A_87] : memref<10000x64xf32, #tpu.memory_space<hbm>> -> memref<16x64xf32, #tpu.memory_space<hbm>>
          %dma_wait3A_89 = arith.constant 9984 : i32
          %dma_wait3A_90 = arith.constant 0 : i32
          %dma_wait3A_91 = tpu.memref_slice %arg29[%dma_wait3A_89, %dma_wait3A_90] : memref<10008x64xf32, #tpu.memory_space<vmem_shared>> -> memref<16x64xf32, #tpu.memory_space<vmem_shared>>
          tpu.wait_dma2 semaphore(%run_scoped3A : memref<!tpu.dma_semaphore, #tpu.memory_space<semaphore_mem>>) src(%dma_wait3A_91 : memref<16x64xf32, #tpu.memory_space<vmem_shared>>) dst(%dma_wait3A_88 : memref<16x64xf32, #tpu.memory_space<hbm>>)
          tpu.yield
        }) : () -> ()
      } else {
      }
      %barrier3A_24 = arith.constant 0 : index
      tpu.barrier barrier_id(%barrier3A_24)
      "tpu.region"() ({
        %run_scoped3A = tpu.sem_alloc : memref<!tpu.dma_semaphore, #tpu.memory_space<semaphore_mem>>
        %dma_start3A = arith.constant 0 : i32
        %dma_start3A_82 = tpu.memref_slice %arg28[%mul3A_0, %dma_start3A] : memref<10000x64xf32, #tpu.memory_space<vmem_shared>> -> memref<624x64xf32, #tpu.memory_space<vmem_shared>>
        %dma_start3A_83 = arith.constant 0 : i32
        %dma_start3A_84 = tpu.memref_slice %arg7[%mul3A_0, %dma_start3A_83] : memref<10000x64xf32, #tpu.memory_space<hbm>> -> memref<624x64xf32, #tpu.memory_space<hbm>>
        tpu.enqueue_dma source(%dma_start3A_84 : memref<624x64xf32, #tpu.memory_space<hbm>>) target(%dma_start3A_82 : memref<624x64xf32, #tpu.memory_space<vmem_shared>>) target_semaphore(%run_scoped3A : memref<!tpu.dma_semaphore, #tpu.memory_space<semaphore_mem>>)
        %dma_wait3A = arith.constant 0 : i32
        %dma_wait3A_85 = tpu.memref_slice %arg28[%mul3A_0, %dma_wait3A] : memref<10000x64xf32, #tpu.memory_space<vmem_shared>> -> memref<624x64xf32, #tpu.memory_space<vmem_shared>>
        %dma_wait3A_86 = arith.constant 0 : i32
        %dma_wait3A_87 = tpu.memref_slice %arg7[%mul3A_0, %dma_wait3A_86] : memref<10000x64xf32, #tpu.memory_space<hbm>> -> memref<624x64xf32, #tpu.memory_space<hbm>>
        tpu.wait_dma2 semaphore(%run_scoped3A : memref<!tpu.dma_semaphore, #tpu.memory_space<semaphore_mem>>) src(%dma_wait3A_87 : memref<624x64xf32, #tpu.memory_space<hbm>>) dst(%dma_wait3A_85 : memref<624x64xf32, #tpu.memory_space<vmem_shared>>)
        tpu.yield
      }) : () -> ()
      "tpu.region"() ({
        %run_scoped3A = tpu.sem_alloc : memref<!tpu.dma_semaphore, #tpu.memory_space<semaphore_mem>>
        %dma_start3A = arith.constant 0 : i32
        %dma_start3A_82 = tpu.memref_slice %arg29[%mul3A_0, %dma_start3A] : memref<10008x64xf32, #tpu.memory_space<vmem_shared>> -> memref<624x64xf32, #tpu.memory_space<vmem_shared>>
        %dma_start3A_83 = arith.constant 0 : i32
        %dma_start3A_84 = tpu.memref_slice %arg17[%mul3A_0, %dma_start3A_83] : memref<10000x64xf32, #tpu.memory_space<hbm>> -> memref<624x64xf32, #tpu.memory_space<hbm>>
        tpu.enqueue_dma source(%dma_start3A_84 : memref<624x64xf32, #tpu.memory_space<hbm>>) target(%dma_start3A_82 : memref<624x64xf32, #tpu.memory_space<vmem_shared>>) target_semaphore(%run_scoped3A : memref<!tpu.dma_semaphore, #tpu.memory_space<semaphore_mem>>)
        %dma_wait3A = arith.constant 0 : i32
        %dma_wait3A_85 = tpu.memref_slice %arg29[%mul3A_0, %dma_wait3A] : memref<10008x64xf32, #tpu.memory_space<vmem_shared>> -> memref<624x64xf32, #tpu.memory_space<vmem_shared>>
        %dma_wait3A_86 = arith.constant 0 : i32
        %dma_wait3A_87 = tpu.memref_slice %arg17[%mul3A_0, %dma_wait3A_86] : memref<10000x64xf32, #tpu.memory_space<hbm>> -> memref<624x64xf32, #tpu.memory_space<hbm>>
        tpu.wait_dma2 semaphore(%run_scoped3A : memref<!tpu.dma_semaphore, #tpu.memory_space<semaphore_mem>>) src(%dma_wait3A_87 : memref<624x64xf32, #tpu.memory_space<hbm>>) dst(%dma_wait3A_85 : memref<624x64xf32, #tpu.memory_space<vmem_shared>>)
        tpu.yield
      }) : () -> ()
      %eq3A_25 = arith.constant 0 : i32
      %eq3A_26 = arith.cmpi eq, %arg1, %eq3A_25 : i32
      %convert_element_type3A_27 = arith.extui %eq3A_26 : i1 to i32
      %cond3A_28 = arith.constant 0 : i32
      %cond3A_29 = arith.cmpi ne, %convert_element_type3A_27, %cond3A_28 : i32
      scf.if %cond3A_29 {
        "tpu.region"() ({
          %run_scoped3A = tpu.sem_alloc : memref<!tpu.dma_semaphore, #tpu.memory_space<semaphore_mem>>
          %dma_start3A = arith.constant 9984 : i32
          %dma_start3A_82 = arith.constant 0 : i32
          %dma_start3A_83 = tpu.memref_slice %arg28[%dma_start3A, %dma_start3A_82] : memref<10000x64xf32, #tpu.memory_space<vmem_shared>> -> memref<16x64xf32, #tpu.memory_space<vmem_shared>>
          %dma_start3A_84 = arith.constant 9984 : i32
          %dma_start3A_85 = arith.constant 0 : i32
          %dma_start3A_86 = tpu.memref_slice %arg7[%dma_start3A_84, %dma_start3A_85] : memref<10000x64xf32, #tpu.memory_space<hbm>> -> memref<16x64xf32, #tpu.memory_space<hbm>>
          tpu.enqueue_dma source(%dma_start3A_86 : memref<16x64xf32, #tpu.memory_space<hbm>>) target(%dma_start3A_83 : memref<16x64xf32, #tpu.memory_space<vmem_shared>>) target_semaphore(%run_scoped3A : memref<!tpu.dma_semaphore, #tpu.memory_space<semaphore_mem>>)
          %dma_wait3A = arith.constant 9984 : i32
          %dma_wait3A_87 = arith.constant 0 : i32
          %dma_wait3A_88 = tpu.memref_slice %arg28[%dma_wait3A, %dma_wait3A_87] : memref<10000x64xf32, #tpu.memory_space<vmem_shared>> -> memref<16x64xf32, #tpu.memory_space<vmem_shared>>
          %dma_wait3A_89 = arith.constant 9984 : i32
          %dma_wait3A_90 = arith.constant 0 : i32
          %dma_wait3A_91 = tpu.memref_slice %arg7[%dma_wait3A_89, %dma_wait3A_90] : memref<10000x64xf32, #tpu.memory_space<hbm>> -> memref<16x64xf32, #tpu.memory_space<hbm>>
          tpu.wait_dma2 semaphore(%run_scoped3A : memref<!tpu.dma_semaphore, #tpu.memory_space<semaphore_mem>>) src(%dma_wait3A_91 : memref<16x64xf32, #tpu.memory_space<hbm>>) dst(%dma_wait3A_88 : memref<16x64xf32, #tpu.memory_space<vmem_shared>>)
          tpu.yield
        }) : () -> ()
        "tpu.region"() ({
          %run_scoped3A = tpu.sem_alloc : memref<!tpu.dma_semaphore, #tpu.memory_space<semaphore_mem>>
          %dma_start3A = arith.constant 9984 : i32
          %dma_start3A_82 = arith.constant 0 : i32
          %dma_start3A_83 = tpu.memref_slice %arg29[%dma_start3A, %dma_start3A_82] : memref<10008x64xf32, #tpu.memory_space<vmem_shared>> -> memref<16x64xf32, #tpu.memory_space<vmem_shared>>
          %dma_start3A_84 = arith.constant 9984 : i32
          %dma_start3A_85 = arith.constant 0 : i32
          %dma_start3A_86 = tpu.memref_slice %arg17[%dma_start3A_84, %dma_start3A_85] : memref<10000x64xf32, #tpu.memory_space<hbm>> -> memref<16x64xf32, #tpu.memory_space<hbm>>
          tpu.enqueue_dma source(%dma_start3A_86 : memref<16x64xf32, #tpu.memory_space<hbm>>) target(%dma_start3A_83 : memref<16x64xf32, #tpu.memory_space<vmem_shared>>) target_semaphore(%run_scoped3A : memref<!tpu.dma_semaphore, #tpu.memory_space<semaphore_mem>>)
          %dma_wait3A = arith.constant 9984 : i32
          %dma_wait3A_87 = arith.constant 0 : i32
          %dma_wait3A_88 = tpu.memref_slice %arg29[%dma_wait3A, %dma_wait3A_87] : memref<10008x64xf32, #tpu.memory_space<vmem_shared>> -> memref<16x64xf32, #tpu.memory_space<vmem_shared>>
          %dma_wait3A_89 = arith.constant 9984 : i32
          %dma_wait3A_90 = arith.constant 0 : i32
          %dma_wait3A_91 = tpu.memref_slice %arg17[%dma_wait3A_89, %dma_wait3A_90] : memref<10000x64xf32, #tpu.memory_space<hbm>> -> memref<16x64xf32, #tpu.memory_space<hbm>>
          tpu.wait_dma2 semaphore(%run_scoped3A : memref<!tpu.dma_semaphore, #tpu.memory_space<semaphore_mem>>) src(%dma_wait3A_91 : memref<16x64xf32, #tpu.memory_space<hbm>>) dst(%dma_wait3A_88 : memref<16x64xf32, #tpu.memory_space<vmem_shared>>)
          tpu.yield
        }) : () -> ()
      } else {
      }
      %barrier3A_30 = arith.constant 0 : index
      tpu.barrier barrier_id(%barrier3A_30)
      %scan3A_31 = arith.constant 0 : i32
      %scan3A_32 = arith.constant 0 : i32
      %scan3A_33 = arith.constant 5 : i32
      %scan3A_34 = arith.addi %scan3A_32, %scan3A_33 : i32
      %scan3A_35 = arith.constant 1 : i32
      scf.for %scan3A_82 = %scan3A_32 to %scan3A_34 step %scan3A_35  : i32 {
        %mul3A_83 = arith.constant 32 : i32
        %mul3A_84 = arith.muli %scan3A_82, %mul3A_83 : i32
        "tpu.region"() ({
          %run_scoped3A = tpu.sem_alloc : memref<!tpu.dma_semaphore, #tpu.memory_space<semaphore_mem>>
          %dma_start3A_106 = arith.constant 0 : i32
          %dma_start3A_107 = tpu.memref_slice %arg10[%arg1, %mul3A_84, %dma_start3A_106] : memref<16x160x128xi32, #tpu.memory_space<hbm>> -> memref<1x32x128xi32, #tpu.memory_space<hbm>>
          %dma_start3A_108 = tpu.memref_squeeze %dma_start3A_107 : memref<1x32x128xi32, #tpu.memory_space<hbm>> -> memref<32x128xi32, #tpu.memory_space<hbm>>
          %dma_start3A_109 = arith.constant 0 : i32
          %dma_start3A_110 = tpu.memref_slice %arg10[%arg1, %mul3A_84, %dma_start3A_109] : memref<16x160x128xi32, #tpu.memory_space<hbm>> -> memref<1x32x128xi32, #tpu.memory_space<hbm>>
          %dma_start3A_111 = tpu.memref_squeeze %dma_start3A_110 : memref<1x32x128xi32, #tpu.memory_space<hbm>> -> memref<32x128xi32, #tpu.memory_space<hbm>>
          tpu.enqueue_dma source(%dma_start3A_111 : memref<32x128xi32, #tpu.memory_space<hbm>>) target(%arg30 : memref<32x128xi32, #tpu.memory_space<vmem>>) target_semaphore(%run_scoped3A : memref<!tpu.dma_semaphore, #tpu.memory_space<semaphore_mem>>)
          %dma_wait3A = arith.constant 0 : i32
          %dma_wait3A_112 = tpu.memref_slice %arg10[%arg1, %mul3A_84, %dma_wait3A] : memref<16x160x128xi32, #tpu.memory_space<hbm>> -> memref<1x32x128xi32, #tpu.memory_space<hbm>>
          %dma_wait3A_113 = tpu.memref_squeeze %dma_wait3A_112 : memref<1x32x128xi32, #tpu.memory_space<hbm>> -> memref<32x128xi32, #tpu.memory_space<hbm>>
          %dma_wait3A_114 = arith.constant 0 : i32
          %dma_wait3A_115 = tpu.memref_slice %arg10[%arg1, %mul3A_84, %dma_wait3A_114] : memref<16x160x128xi32, #tpu.memory_space<hbm>> -> memref<1x32x128xi32, #tpu.memory_space<hbm>>
          %dma_wait3A_116 = tpu.memref_squeeze %dma_wait3A_115 : memref<1x32x128xi32, #tpu.memory_space<hbm>> -> memref<32x128xi32, #tpu.memory_space<hbm>>
          tpu.wait_dma2 semaphore(%run_scoped3A : memref<!tpu.dma_semaphore, #tpu.memory_space<semaphore_mem>>) src(%dma_wait3A_116 : memref<32x128xi32, #tpu.memory_space<hbm>>) dst(%arg30 : memref<32x128xi32, #tpu.memory_space<vmem>>)
          tpu.yield
        }) : () -> ()
        %mul3A_85 = arith.constant 32 : i32
        %mul3A_86 = arith.muli %scan3A_82, %mul3A_85 : i32
        "tpu.region"() ({
          %run_scoped3A = tpu.sem_alloc : memref<!tpu.dma_semaphore, #tpu.memory_space<semaphore_mem>>
          %dma_start3A_106 = arith.constant 0 : i32
          %dma_start3A_107 = tpu.memref_slice %arg11[%arg1, %mul3A_86, %dma_start3A_106] : memref<16x160x128xi32, #tpu.memory_space<hbm>> -> memref<1x32x128xi32, #tpu.memory_space<hbm>>
          %dma_start3A_108 = tpu.memref_squeeze %dma_start3A_107 : memref<1x32x128xi32, #tpu.memory_space<hbm>> -> memref<32x128xi32, #tpu.memory_space<hbm>>
          %dma_start3A_109 = arith.constant 0 : i32
          %dma_start3A_110 = tpu.memref_slice %arg11[%arg1, %mul3A_86, %dma_start3A_109] : memref<16x160x128xi32, #tpu.memory_space<hbm>> -> memref<1x32x128xi32, #tpu.memory_space<hbm>>
          %dma_start3A_111 = tpu.memref_squeeze %dma_start3A_110 : memref<1x32x128xi32, #tpu.memory_space<hbm>> -> memref<32x128xi32, #tpu.memory_space<hbm>>
          tpu.enqueue_dma source(%dma_start3A_111 : memref<32x128xi32, #tpu.memory_space<hbm>>) target(%arg31 : memref<32x128xi32, #tpu.memory_space<vmem>>) target_semaphore(%run_scoped3A : memref<!tpu.dma_semaphore, #tpu.memory_space<semaphore_mem>>)
          %dma_wait3A = arith.constant 0 : i32
          %dma_wait3A_112 = tpu.memref_slice %arg11[%arg1, %mul3A_86, %dma_wait3A] : memref<16x160x128xi32, #tpu.memory_space<hbm>> -> memref<1x32x128xi32, #tpu.memory_space<hbm>>
          %dma_wait3A_113 = tpu.memref_squeeze %dma_wait3A_112 : memref<1x32x128xi32, #tpu.memory_space<hbm>> -> memref<32x128xi32, #tpu.memory_space<hbm>>
          %dma_wait3A_114 = arith.constant 0 : i32
          %dma_wait3A_115 = tpu.memref_slice %arg11[%arg1, %mul3A_86, %dma_wait3A_114] : memref<16x160x128xi32, #tpu.memory_space<hbm>> -> memref<1x32x128xi32, #tpu.memory_space<hbm>>
          %dma_wait3A_116 = tpu.memref_squeeze %dma_wait3A_115 : memref<1x32x128xi32, #tpu.memory_space<hbm>> -> memref<32x128xi32, #tpu.memory_space<hbm>>
          tpu.wait_dma2 semaphore(%run_scoped3A : memref<!tpu.dma_semaphore, #tpu.memory_space<semaphore_mem>>) src(%dma_wait3A_116 : memref<32x128xi32, #tpu.memory_space<hbm>>) dst(%arg31 : memref<32x128xi32, #tpu.memory_space<vmem>>)
          tpu.yield
        }) : () -> ()
        %dma_start3A = arith.constant 0 : i32
        %dma_start3A_87 = arith.constant 0 : i32
        %dma_start3A_88 = tpu.memref_slice %arg30[%dma_start3A, %dma_start3A_87] : memref<32x128xi32, #tpu.memory_space<vmem>> -> memref<1x128xi32, #tpu.memory_space<vmem>>
        %dma_start3A_89 = tpu.memref_squeeze %dma_start3A_88 : memref<1x128xi32, #tpu.memory_space<vmem>> -> memref<128xi32, #tpu.memory_space<vmem>>
        %dma_start3A_90 = arith.constant 0 : i32
        %dma_start3A_91 = arith.constant 0 : i32
        %dma_start3A_92 = tpu.memref_slice %arg28[%dma_start3A_90, %dma_start3A_91] : memref<10000x64xf32, #tpu.memory_space<vmem_shared>> -> memref<10000x64xf32, #tpu.memory_space<vmem_shared>>
        tpu.enqueue_indirect_dma source(%dma_start3A_92 : memref<10000x64xf32, #tpu.memory_space<vmem_shared>>) target(%arg32 : memref<128x64xf32, #tpu.memory_space<vmem>>) offsets(%dma_start3A_89 : memref<128xi32, #tpu.memory_space<vmem>>) semaphore(%arg34 : memref<!tpu.dma_semaphore, #tpu.memory_space<semaphore_mem>>)
        %dma_start3A_93 = arith.constant 1 : i32
        %dma_start3A_94 = arith.constant 0 : i32
        %dma_start3A_95 = tpu.memref_slice %arg30[%dma_start3A_93, %dma_start3A_94] : memref<32x128xi32, #tpu.memory_space<vmem>> -> memref<1x128xi32, #tpu.memory_space<vmem>>
        %dma_start3A_96 = tpu.memref_squeeze %dma_start3A_95 : memref<1x128xi32, #tpu.memory_space<vmem>> -> memref<128xi32, #tpu.memory_space<vmem>>
        %dma_start3A_97 = arith.constant 0 : i32
        %dma_start3A_98 = arith.constant 0 : i32
        %dma_start3A_99 = tpu.memref_slice %arg28[%dma_start3A_97, %dma_start3A_98] : memref<10000x64xf32, #tpu.memory_space<vmem_shared>> -> memref<10000x64xf32, #tpu.memory_space<vmem_shared>>
        tpu.enqueue_indirect_dma source(%dma_start3A_99 : memref<10000x64xf32, #tpu.memory_space<vmem_shared>>) target(%arg33 : memref<128x64xf32, #tpu.memory_space<vmem>>) offsets(%dma_start3A_96 : memref<128xi32, #tpu.memory_space<vmem>>) semaphore(%arg34 : memref<!tpu.dma_semaphore, #tpu.memory_space<semaphore_mem>>)
        %scan3A_100 = arith.constant 0 : i32
        %scan3A_101 = arith.constant 0 : i32
        %scan3A_102 = arith.constant 16 : i32
        %scan3A_103 = arith.addi %scan3A_101, %scan3A_102 : i32
        %scan3A_104 = arith.constant 1 : i32
        scf.for %scan3A_106 = %scan3A_101 to %scan3A_103 step %scan3A_104  : i32 {
          %mul3A_107 = arith.constant 2 : i32
          %mul3A_108 = arith.muli %scan3A_106, %mul3A_107 : i32
          %add3A = arith.constant 0 : i32
          %add3A_109 = arith.addi %mul3A_108, %add3A : i32
          %dma_wait3A = arith.constant 0 : i32
          %dma_wait3A_110 = tpu.memref_slice %arg30[%add3A_109, %dma_wait3A] : memref<32x128xi32, #tpu.memory_space<vmem>> -> memref<1x128xi32, #tpu.memory_space<vmem>>
          %dma_wait3A_111 = tpu.memref_squeeze %dma_wait3A_110 : memref<1x128xi32, #tpu.memory_space<vmem>> -> memref<128xi32, #tpu.memory_space<vmem>>
          %dma_wait3A_112 = arith.constant 0 : i32
          %dma_wait3A_113 = arith.constant 0 : i32
          %dma_wait3A_114 = tpu.memref_slice %arg28[%dma_wait3A_112, %dma_wait3A_113] : memref<10000x64xf32, #tpu.memory_space<vmem_shared>> -> memref<10000x64xf32, #tpu.memory_space<vmem_shared>>
          tpu.wait_indirect_dma semaphore(%arg34 : memref<!tpu.dma_semaphore, #tpu.memory_space<semaphore_mem>>) src(%dma_wait3A_114 : memref<10000x64xf32, #tpu.memory_space<vmem_shared>>) dst(%arg32 : memref<128x64xf32, #tpu.memory_space<vmem>>)
          "tpu.region"() ({
            %run_scoped3A = tpu.sem_alloc : memref<!tpu.dma_semaphore, #tpu.memory_space<semaphore_mem>>
            %dma_start3A_138 = arith.constant 0 : i32
            %dma_start3A_139 = tpu.memref_slice %arg31[%add3A_109, %dma_start3A_138] : memref<32x128xi32, #tpu.memory_space<vmem>> -> memref<1x128xi32, #tpu.memory_space<vmem>>
            %dma_start3A_140 = tpu.memref_squeeze %dma_start3A_139 : memref<1x128xi32, #tpu.memory_space<vmem>> -> memref<128xi32, #tpu.memory_space<vmem>>
            %dma_start3A_141 = arith.constant 0 : i32
            %dma_start3A_142 = arith.constant 0 : i32
            %dma_start3A_143 = tpu.memref_slice %arg29[%dma_start3A_141, %dma_start3A_142] : memref<10008x64xf32, #tpu.memory_space<vmem_shared>> -> memref<10008x64xf32, #tpu.memory_space<vmem_shared>>
            tpu.enqueue_indirect_dma source(%arg32 : memref<128x64xf32, #tpu.memory_space<vmem>>) target(%dma_start3A_143 : memref<10008x64xf32, #tpu.memory_space<vmem_shared>>) offsets(%dma_start3A_140 : memref<128xi32, #tpu.memory_space<vmem>>) semaphore(%run_scoped3A : memref<!tpu.dma_semaphore, #tpu.memory_space<semaphore_mem>>) {add = true}
            %dma_wait3A_144 = arith.constant 0 : i32
            %dma_wait3A_145 = tpu.memref_slice %arg31[%add3A_109, %dma_wait3A_144] : memref<32x128xi32, #tpu.memory_space<vmem>> -> memref<1x128xi32, #tpu.memory_space<vmem>>
            %dma_wait3A_146 = tpu.memref_squeeze %dma_wait3A_145 : memref<1x128xi32, #tpu.memory_space<vmem>> -> memref<128xi32, #tpu.memory_space<vmem>>
            %dma_wait3A_147 = arith.constant 0 : i32
            %dma_wait3A_148 = arith.constant 0 : i32
            %dma_wait3A_149 = tpu.memref_slice %arg29[%dma_wait3A_147, %dma_wait3A_148] : memref<10008x64xf32, #tpu.memory_space<vmem_shared>> -> memref<10008x64xf32, #tpu.memory_space<vmem_shared>>
            tpu.wait_indirect_dma semaphore(%run_scoped3A : memref<!tpu.dma_semaphore, #tpu.memory_space<semaphore_mem>>) src(%arg32 : memref<128x64xf32, #tpu.memory_space<vmem>>) dst(%dma_wait3A_149 : memref<10008x64xf32, #tpu.memory_space<vmem_shared>>)
            tpu.yield
          }) : () -> ()
          %add3A_115 = arith.constant 2 : i32
          %add3A_116 = arith.addi %add3A_109, %add3A_115 : i32
          %lt3A = arith.constant 32 : i32
          %lt3A_117 = arith.cmpi slt, %add3A_116, %lt3A : i32
          %convert_element_type3A_118 = arith.extui %lt3A_117 : i1 to i32
          %cond3A_119 = arith.constant 0 : i32
          %cond3A_120 = arith.cmpi ne, %convert_element_type3A_118, %cond3A_119 : i32
          scf.if %cond3A_120 {
            %add3A_138 = arith.constant 2 : i32
            %add3A_139 = arith.addi %add3A_109, %add3A_138 : i32
            %dma_start3A_140 = arith.constant 0 : i32
            %dma_start3A_141 = tpu.memref_slice %arg30[%add3A_139, %dma_start3A_140] : memref<32x128xi32, #tpu.memory_space<vmem>> -> memref<1x128xi32, #tpu.memory_space<vmem>>
            %dma_start3A_142 = tpu.memref_squeeze %dma_start3A_141 : memref<1x128xi32, #tpu.memory_space<vmem>> -> memref<128xi32, #tpu.memory_space<vmem>>
            %dma_start3A_143 = arith.constant 0 : i32
            %dma_start3A_144 = arith.constant 0 : i32
            %dma_start3A_145 = tpu.memref_slice %arg28[%dma_start3A_143, %dma_start3A_144] : memref<10000x64xf32, #tpu.memory_space<vmem_shared>> -> memref<10000x64xf32, #tpu.memory_space<vmem_shared>>
            tpu.enqueue_indirect_dma source(%dma_start3A_145 : memref<10000x64xf32, #tpu.memory_space<vmem_shared>>) target(%arg32 : memref<128x64xf32, #tpu.memory_space<vmem>>) offsets(%dma_start3A_142 : memref<128xi32, #tpu.memory_space<vmem>>) semaphore(%arg34 : memref<!tpu.dma_semaphore, #tpu.memory_space<semaphore_mem>>)
          } else {
          }
          %mul3A_121 = arith.constant 2 : i32
          %mul3A_122 = arith.muli %scan3A_106, %mul3A_121 : i32
          %add3A_123 = arith.constant 1 : i32
          %add3A_124 = arith.addi %mul3A_122, %add3A_123 : i32
          %dma_wait3A_125 = arith.constant 0 : i32
          %dma_wait3A_126 = tpu.memref_slice %arg30[%add3A_124, %dma_wait3A_125] : memref<32x128xi32, #tpu.memory_space<vmem>> -> memref<1x128xi32, #tpu.memory_space<vmem>>
          %dma_wait3A_127 = tpu.memref_squeeze %dma_wait3A_126 : memref<1x128xi32, #tpu.memory_space<vmem>> -> memref<128xi32, #tpu.memory_space<vmem>>
          %dma_wait3A_128 = arith.constant 0 : i32
          %dma_wait3A_129 = arith.constant 0 : i32
          %dma_wait3A_130 = tpu.memref_slice %arg28[%dma_wait3A_128, %dma_wait3A_129] : memref<10000x64xf32, #tpu.memory_space<vmem_shared>> -> memref<10000x64xf32, #tpu.memory_space<vmem_shared>>
          tpu.wait_indirect_dma semaphore(%arg34 : memref<!tpu.dma_semaphore, #tpu.memory_space<semaphore_mem>>) src(%dma_wait3A_130 : memref<10000x64xf32, #tpu.memory_space<vmem_shared>>) dst(%arg33 : memref<128x64xf32, #tpu.memory_space<vmem>>)
          "tpu.region"() ({
            %run_scoped3A = tpu.sem_alloc : memref<!tpu.dma_semaphore, #tpu.memory_space<semaphore_mem>>
            %dma_start3A_138 = arith.constant 0 : i32
            %dma_start3A_139 = tpu.memref_slice %arg31[%add3A_124, %dma_start3A_138] : memref<32x128xi32, #tpu.memory_space<vmem>> -> memref<1x128xi32, #tpu.memory_space<vmem>>
            %dma_start3A_140 = tpu.memref_squeeze %dma_start3A_139 : memref<1x128xi32, #tpu.memory_space<vmem>> -> memref<128xi32, #tpu.memory_space<vmem>>
            %dma_start3A_141 = arith.constant 0 : i32
            %dma_start3A_142 = arith.constant 0 : i32
            %dma_start3A_143 = tpu.memref_slice %arg29[%dma_start3A_141, %dma_start3A_142] : memref<10008x64xf32, #tpu.memory_space<vmem_shared>> -> memref<10008x64xf32, #tpu.memory_space<vmem_shared>>
            tpu.enqueue_indirect_dma source(%arg33 : memref<128x64xf32, #tpu.memory_space<vmem>>) target(%dma_start3A_143 : memref<10008x64xf32, #tpu.memory_space<vmem_shared>>) offsets(%dma_start3A_140 : memref<128xi32, #tpu.memory_space<vmem>>) semaphore(%run_scoped3A : memref<!tpu.dma_semaphore, #tpu.memory_space<semaphore_mem>>) {add = true}
            %dma_wait3A_144 = arith.constant 0 : i32
            %dma_wait3A_145 = tpu.memref_slice %arg31[%add3A_124, %dma_wait3A_144] : memref<32x128xi32, #tpu.memory_space<vmem>> -> memref<1x128xi32, #tpu.memory_space<vmem>>
            %dma_wait3A_146 = tpu.memref_squeeze %dma_wait3A_145 : memref<1x128xi32, #tpu.memory_space<vmem>> -> memref<128xi32, #tpu.memory_space<vmem>>
            %dma_wait3A_147 = arith.constant 0 : i32
            %dma_wait3A_148 = arith.constant 0 : i32
            %dma_wait3A_149 = tpu.memref_slice %arg29[%dma_wait3A_147, %dma_wait3A_148] : memref<10008x64xf32, #tpu.memory_space<vmem_shared>> -> memref<10008x64xf32, #tpu.memory_space<vmem_shared>>
            tpu.wait_indirect_dma semaphore(%run_scoped3A : memref<!tpu.dma_semaphore, #tpu.memory_space<semaphore_mem>>) src(%arg33 : memref<128x64xf32, #tpu.memory_space<vmem>>) dst(%dma_wait3A_149 : memref<10008x64xf32, #tpu.memory_space<vmem_shared>>)
            tpu.yield
          }) : () -> ()
          %add3A_131 = arith.constant 2 : i32
          %add3A_132 = arith.addi %add3A_124, %add3A_131 : i32
          %lt3A_133 = arith.constant 32 : i32
          %lt3A_134 = arith.cmpi slt, %add3A_132, %lt3A_133 : i32
          %convert_element_type3A_135 = arith.extui %lt3A_134 : i1 to i32
          %cond3A_136 = arith.constant 0 : i32
          %cond3A_137 = arith.cmpi ne, %convert_element_type3A_135, %cond3A_136 : i32
          scf.if %cond3A_137 {
            %add3A_138 = arith.constant 2 : i32
            %add3A_139 = arith.addi %add3A_124, %add3A_138 : i32
            %dma_start3A_140 = arith.constant 0 : i32
            %dma_start3A_141 = tpu.memref_slice %arg30[%add3A_139, %dma_start3A_140] : memref<32x128xi32, #tpu.memory_space<vmem>> -> memref<1x128xi32, #tpu.memory_space<vmem>>
            %dma_start3A_142 = tpu.memref_squeeze %dma_start3A_141 : memref<1x128xi32, #tpu.memory_space<vmem>> -> memref<128xi32, #tpu.memory_space<vmem>>
            %dma_start3A_143 = arith.constant 0 : i32
            %dma_start3A_144 = arith.constant 0 : i32
            %dma_start3A_145 = tpu.memref_slice %arg28[%dma_start3A_143, %dma_start3A_144] : memref<10000x64xf32, #tpu.memory_space<vmem_shared>> -> memref<10000x64xf32, #tpu.memory_space<vmem_shared>>
            tpu.enqueue_indirect_dma source(%dma_start3A_145 : memref<10000x64xf32, #tpu.memory_space<vmem_shared>>) target(%arg33 : memref<128x64xf32, #tpu.memory_space<vmem>>) offsets(%dma_start3A_142 : memref<128xi32, #tpu.memory_space<vmem>>) semaphore(%arg34 : memref<!tpu.dma_semaphore, #tpu.memory_space<semaphore_mem>>)
          } else {
          }
        }
        %scan3A_105 = arith.constant 16 : i32
      }
      %scan3A_36 = arith.constant 5 : i32
      %barrier3A_37 = arith.constant 0 : index
      tpu.barrier barrier_id(%barrier3A_37)
      "tpu.region"() ({
        %run_scoped3A = tpu.sem_alloc : memref<!tpu.dma_semaphore, #tpu.memory_space<semaphore_mem>>
        %dma_start3A = arith.constant 0 : i32
        %dma_start3A_82 = tpu.memref_slice %arg25[%mul3A_0, %dma_start3A] : memref<10000x64xf32, #tpu.memory_space<hbm>> -> memref<624x64xf32, #tpu.memory_space<hbm>>
        %dma_start3A_83 = arith.constant 0 : i32
        %dma_start3A_84 = tpu.memref_slice %arg29[%mul3A_0, %dma_start3A_83] : memref<10008x64xf32, #tpu.memory_space<vmem_shared>> -> memref<624x64xf32, #tpu.memory_space<vmem_shared>>
        tpu.enqueue_dma source(%dma_start3A_84 : memref<624x64xf32, #tpu.memory_space<vmem_shared>>) target(%dma_start3A_82 : memref<624x64xf32, #tpu.memory_space<hbm>>) target_semaphore(%run_scoped3A : memref<!tpu.dma_semaphore, #tpu.memory_space<semaphore_mem>>)
        %dma_wait3A = arith.constant 0 : i32
        %dma_wait3A_85 = tpu.memref_slice %arg25[%mul3A_0, %dma_wait3A] : memref<10000x64xf32, #tpu.memory_space<hbm>> -> memref<624x64xf32, #tpu.memory_space<hbm>>
        %dma_wait3A_86 = arith.constant 0 : i32
        %dma_wait3A_87 = tpu.memref_slice %arg29[%mul3A_0, %dma_wait3A_86] : memref<10008x64xf32, #tpu.memory_space<vmem_shared>> -> memref<624x64xf32, #tpu.memory_space<vmem_shared>>
        tpu.wait_dma2 semaphore(%run_scoped3A : memref<!tpu.dma_semaphore, #tpu.memory_space<semaphore_mem>>) src(%dma_wait3A_87 : memref<624x64xf32, #tpu.memory_space<vmem_shared>>) dst(%dma_wait3A_85 : memref<624x64xf32, #tpu.memory_space<hbm>>)
        tpu.yield
      }) : () -> ()
      %eq3A_38 = arith.constant 0 : i32
      %eq3A_39 = arith.cmpi eq, %arg1, %eq3A_38 : i32
      %convert_element_type3A_40 = arith.extui %eq3A_39 : i1 to i32
      %cond3A_41 = arith.constant 0 : i32
      %cond3A_42 = arith.cmpi ne, %convert_element_type3A_40, %cond3A_41 : i32
      scf.if %cond3A_42 {
        "tpu.region"() ({
          %run_scoped3A = tpu.sem_alloc : memref<!tpu.dma_semaphore, #tpu.memory_space<semaphore_mem>>
          %dma_start3A = arith.constant 9984 : i32
          %dma_start3A_82 = arith.constant 0 : i32
          %dma_start3A_83 = tpu.memref_slice %arg25[%dma_start3A, %dma_start3A_82] : memref<10000x64xf32, #tpu.memory_space<hbm>> -> memref<16x64xf32, #tpu.memory_space<hbm>>
          %dma_start3A_84 = arith.constant 9984 : i32
          %dma_start3A_85 = arith.constant 0 : i32
          %dma_start3A_86 = tpu.memref_slice %arg29[%dma_start3A_84, %dma_start3A_85] : memref<10008x64xf32, #tpu.memory_space<vmem_shared>> -> memref<16x64xf32, #tpu.memory_space<vmem_shared>>
          tpu.enqueue_dma source(%dma_start3A_86 : memref<16x64xf32, #tpu.memory_space<vmem_shared>>) target(%dma_start3A_83 : memref<16x64xf32, #tpu.memory_space<hbm>>) target_semaphore(%run_scoped3A : memref<!tpu.dma_semaphore, #tpu.memory_space<semaphore_mem>>)
          %dma_wait3A = arith.constant 9984 : i32
          %dma_wait3A_87 = arith.constant 0 : i32
          %dma_wait3A_88 = tpu.memref_slice %arg25[%dma_wait3A, %dma_wait3A_87] : memref<10000x64xf32, #tpu.memory_space<hbm>> -> memref<16x64xf32, #tpu.memory_space<hbm>>
          %dma_wait3A_89 = arith.constant 9984 : i32
          %dma_wait3A_90 = arith.constant 0 : i32
          %dma_wait3A_91 = tpu.memref_slice %arg29[%dma_wait3A_89, %dma_wait3A_90] : memref<10008x64xf32, #tpu.memory_space<vmem_shared>> -> memref<16x64xf32, #tpu.memory_space<vmem_shared>>
          tpu.wait_dma2 semaphore(%run_scoped3A : memref<!tpu.dma_semaphore, #tpu.memory_space<semaphore_mem>>) src(%dma_wait3A_91 : memref<16x64xf32, #tpu.memory_space<vmem_shared>>) dst(%dma_wait3A_88 : memref<16x64xf32, #tpu.memory_space<hbm>>)
          tpu.yield
        }) : () -> ()
      } else {
      }
      %barrier3A_43 = arith.constant 0 : index
      tpu.barrier barrier_id(%barrier3A_43)
      "tpu.region"() ({
        %run_scoped3A = tpu.sem_alloc : memref<!tpu.dma_semaphore, #tpu.memory_space<semaphore_mem>>
        %dma_start3A = arith.constant 0 : i32
        %dma_start3A_82 = tpu.memref_slice %arg28[%mul3A_0, %dma_start3A] : memref<10000x64xf32, #tpu.memory_space<vmem_shared>> -> memref<624x64xf32, #tpu.memory_space<vmem_shared>>
        %dma_start3A_83 = arith.constant 0 : i32
        %dma_start3A_84 = tpu.memref_slice %arg8[%mul3A_0, %dma_start3A_83] : memref<10000x64xf32, #tpu.memory_space<hbm>> -> memref<624x64xf32, #tpu.memory_space<hbm>>
        tpu.enqueue_dma source(%dma_start3A_84 : memref<624x64xf32, #tpu.memory_space<hbm>>) target(%dma_start3A_82 : memref<624x64xf32, #tpu.memory_space<vmem_shared>>) target_semaphore(%run_scoped3A : memref<!tpu.dma_semaphore, #tpu.memory_space<semaphore_mem>>)
        %dma_wait3A = arith.constant 0 : i32
        %dma_wait3A_85 = tpu.memref_slice %arg28[%mul3A_0, %dma_wait3A] : memref<10000x64xf32, #tpu.memory_space<vmem_shared>> -> memref<624x64xf32, #tpu.memory_space<vmem_shared>>
        %dma_wait3A_86 = arith.constant 0 : i32
        %dma_wait3A_87 = tpu.memref_slice %arg8[%mul3A_0, %dma_wait3A_86] : memref<10000x64xf32, #tpu.memory_space<hbm>> -> memref<624x64xf32, #tpu.memory_space<hbm>>
        tpu.wait_dma2 semaphore(%run_scoped3A : memref<!tpu.dma_semaphore, #tpu.memory_space<semaphore_mem>>) src(%dma_wait3A_87 : memref<624x64xf32, #tpu.memory_space<hbm>>) dst(%dma_wait3A_85 : memref<624x64xf32, #tpu.memory_space<vmem_shared>>)
        tpu.yield
      }) : () -> ()
      "tpu.region"() ({
        %run_scoped3A = tpu.sem_alloc : memref<!tpu.dma_semaphore, #tpu.memory_space<semaphore_mem>>
        %dma_start3A = arith.constant 0 : i32
        %dma_start3A_82 = tpu.memref_slice %arg29[%mul3A_0, %dma_start3A] : memref<10008x64xf32, #tpu.memory_space<vmem_shared>> -> memref<624x64xf32, #tpu.memory_space<vmem_shared>>
        %dma_start3A_83 = arith.constant 0 : i32
        %dma_start3A_84 = tpu.memref_slice %arg18[%mul3A_0, %dma_start3A_83] : memref<10000x64xf32, #tpu.memory_space<hbm>> -> memref<624x64xf32, #tpu.memory_space<hbm>>
        tpu.enqueue_dma source(%dma_start3A_84 : memref<624x64xf32, #tpu.memory_space<hbm>>) target(%dma_start3A_82 : memref<624x64xf32, #tpu.memory_space<vmem_shared>>) target_semaphore(%run_scoped3A : memref<!tpu.dma_semaphore, #tpu.memory_space<semaphore_mem>>)
        %dma_wait3A = arith.constant 0 : i32
        %dma_wait3A_85 = tpu.memref_slice %arg29[%mul3A_0, %dma_wait3A] : memref<10008x64xf32, #tpu.memory_space<vmem_shared>> -> memref<624x64xf32, #tpu.memory_space<vmem_shared>>
        %dma_wait3A_86 = arith.constant 0 : i32
        %dma_wait3A_87 = tpu.memref_slice %arg18[%mul3A_0, %dma_wait3A_86] : memref<10000x64xf32, #tpu.memory_space<hbm>> -> memref<624x64xf32, #tpu.memory_space<hbm>>
        tpu.wait_dma2 semaphore(%run_scoped3A : memref<!tpu.dma_semaphore, #tpu.memory_space<semaphore_mem>>) src(%dma_wait3A_87 : memref<624x64xf32, #tpu.memory_space<hbm>>) dst(%dma_wait3A_85 : memref<624x64xf32, #tpu.memory_space<vmem_shared>>)
        tpu.yield
      }) : () -> ()
      %eq3A_44 = arith.constant 0 : i32
      %eq3A_45 = arith.cmpi eq, %arg1, %eq3A_44 : i32
      %convert_element_type3A_46 = arith.extui %eq3A_45 : i1 to i32
      %cond3A_47 = arith.constant 0 : i32
      %cond3A_48 = arith.cmpi ne, %convert_element_type3A_46, %cond3A_47 : i32
      scf.if %cond3A_48 {
        "tpu.region"() ({
          %run_scoped3A = tpu.sem_alloc : memref<!tpu.dma_semaphore, #tpu.memory_space<semaphore_mem>>
          %dma_start3A = arith.constant 9984 : i32
          %dma_start3A_82 = arith.constant 0 : i32
          %dma_start3A_83 = tpu.memref_slice %arg28[%dma_start3A, %dma_start3A_82] : memref<10000x64xf32, #tpu.memory_space<vmem_shared>> -> memref<16x64xf32, #tpu.memory_space<vmem_shared>>
          %dma_start3A_84 = arith.constant 9984 : i32
          %dma_start3A_85 = arith.constant 0 : i32
          %dma_start3A_86 = tpu.memref_slice %arg8[%dma_start3A_84, %dma_start3A_85] : memref<10000x64xf32, #tpu.memory_space<hbm>> -> memref<16x64xf32, #tpu.memory_space<hbm>>
          tpu.enqueue_dma source(%dma_start3A_86 : memref<16x64xf32, #tpu.memory_space<hbm>>) target(%dma_start3A_83 : memref<16x64xf32, #tpu.memory_space<vmem_shared>>) target_semaphore(%run_scoped3A : memref<!tpu.dma_semaphore, #tpu.memory_space<semaphore_mem>>)
          %dma_wait3A = arith.constant 9984 : i32
          %dma_wait3A_87 = arith.constant 0 : i32
          %dma_wait3A_88 = tpu.memref_slice %arg28[%dma_wait3A, %dma_wait3A_87] : memref<10000x64xf32, #tpu.memory_space<vmem_shared>> -> memref<16x64xf32, #tpu.memory_space<vmem_shared>>
          %dma_wait3A_89 = arith.constant 9984 : i32
          %dma_wait3A_90 = arith.constant 0 : i32
          %dma_wait3A_91 = tpu.memref_slice %arg8[%dma_wait3A_89, %dma_wait3A_90] : memref<10000x64xf32, #tpu.memory_space<hbm>> -> memref<16x64xf32, #tpu.memory_space<hbm>>
          tpu.wait_dma2 semaphore(%run_scoped3A : memref<!tpu.dma_semaphore, #tpu.memory_space<semaphore_mem>>) src(%dma_wait3A_91 : memref<16x64xf32, #tpu.memory_space<hbm>>) dst(%dma_wait3A_88 : memref<16x64xf32, #tpu.memory_space<vmem_shared>>)
          tpu.yield
        }) : () -> ()
        "tpu.region"() ({
          %run_scoped3A = tpu.sem_alloc : memref<!tpu.dma_semaphore, #tpu.memory_space<semaphore_mem>>
          %dma_start3A = arith.constant 9984 : i32
          %dma_start3A_82 = arith.constant 0 : i32
          %dma_start3A_83 = tpu.memref_slice %arg29[%dma_start3A, %dma_start3A_82] : memref<10008x64xf32, #tpu.memory_space<vmem_shared>> -> memref<16x64xf32, #tpu.memory_space<vmem_shared>>
          %dma_start3A_84 = arith.constant 9984 : i32
          %dma_start3A_85 = arith.constant 0 : i32
          %dma_start3A_86 = tpu.memref_slice %arg18[%dma_start3A_84, %dma_start3A_85] : memref<10000x64xf32, #tpu.memory_space<hbm>> -> memref<16x64xf32, #tpu.memory_space<hbm>>
          tpu.enqueue_dma source(%dma_start3A_86 : memref<16x64xf32, #tpu.memory_space<hbm>>) target(%dma_start3A_83 : memref<16x64xf32, #tpu.memory_space<vmem_shared>>) target_semaphore(%run_scoped3A : memref<!tpu.dma_semaphore, #tpu.memory_space<semaphore_mem>>)
          %dma_wait3A = arith.constant 9984 : i32
          %dma_wait3A_87 = arith.constant 0 : i32
          %dma_wait3A_88 = tpu.memref_slice %arg29[%dma_wait3A, %dma_wait3A_87] : memref<10008x64xf32, #tpu.memory_space<vmem_shared>> -> memref<16x64xf32, #tpu.memory_space<vmem_shared>>
          %dma_wait3A_89 = arith.constant 9984 : i32
          %dma_wait3A_90 = arith.constant 0 : i32
          %dma_wait3A_91 = tpu.memref_slice %arg18[%dma_wait3A_89, %dma_wait3A_90] : memref<10000x64xf32, #tpu.memory_space<hbm>> -> memref<16x64xf32, #tpu.memory_space<hbm>>
          tpu.wait_dma2 semaphore(%run_scoped3A : memref<!tpu.dma_semaphore, #tpu.memory_space<semaphore_mem>>) src(%dma_wait3A_91 : memref<16x64xf32, #tpu.memory_space<hbm>>) dst(%dma_wait3A_88 : memref<16x64xf32, #tpu.memory_space<vmem_shared>>)
          tpu.yield
        }) : () -> ()
      } else {
      }
      %barrier3A_49 = arith.constant 0 : index
      tpu.barrier barrier_id(%barrier3A_49)
      %scan3A_50 = arith.constant 0 : i32
      %scan3A_51 = arith.constant 0 : i32
      %scan3A_52 = arith.constant 5 : i32
      %scan3A_53 = arith.addi %scan3A_51, %scan3A_52 : i32
      %scan3A_54 = arith.constant 1 : i32
      scf.for %scan3A_82 = %scan3A_51 to %scan3A_53 step %scan3A_54  : i32 {
        %mul3A_83 = arith.constant 32 : i32
        %mul3A_84 = arith.muli %scan3A_82, %mul3A_83 : i32
        "tpu.region"() ({
          %run_scoped3A = tpu.sem_alloc : memref<!tpu.dma_semaphore, #tpu.memory_space<semaphore_mem>>
          %dma_start3A_106 = arith.constant 0 : i32
          %dma_start3A_107 = tpu.memref_slice %arg10[%arg1, %mul3A_84, %dma_start3A_106] : memref<16x160x128xi32, #tpu.memory_space<hbm>> -> memref<1x32x128xi32, #tpu.memory_space<hbm>>
          %dma_start3A_108 = tpu.memref_squeeze %dma_start3A_107 : memref<1x32x128xi32, #tpu.memory_space<hbm>> -> memref<32x128xi32, #tpu.memory_space<hbm>>
          %dma_start3A_109 = arith.constant 0 : i32
          %dma_start3A_110 = tpu.memref_slice %arg10[%arg1, %mul3A_84, %dma_start3A_109] : memref<16x160x128xi32, #tpu.memory_space<hbm>> -> memref<1x32x128xi32, #tpu.memory_space<hbm>>
          %dma_start3A_111 = tpu.memref_squeeze %dma_start3A_110 : memref<1x32x128xi32, #tpu.memory_space<hbm>> -> memref<32x128xi32, #tpu.memory_space<hbm>>
          tpu.enqueue_dma source(%dma_start3A_111 : memref<32x128xi32, #tpu.memory_space<hbm>>) target(%arg30 : memref<32x128xi32, #tpu.memory_space<vmem>>) target_semaphore(%run_scoped3A : memref<!tpu.dma_semaphore, #tpu.memory_space<semaphore_mem>>)
          %dma_wait3A = arith.constant 0 : i32
          %dma_wait3A_112 = tpu.memref_slice %arg10[%arg1, %mul3A_84, %dma_wait3A] : memref<16x160x128xi32, #tpu.memory_space<hbm>> -> memref<1x32x128xi32, #tpu.memory_space<hbm>>
          %dma_wait3A_113 = tpu.memref_squeeze %dma_wait3A_112 : memref<1x32x128xi32, #tpu.memory_space<hbm>> -> memref<32x128xi32, #tpu.memory_space<hbm>>
          %dma_wait3A_114 = arith.constant 0 : i32
          %dma_wait3A_115 = tpu.memref_slice %arg10[%arg1, %mul3A_84, %dma_wait3A_114] : memref<16x160x128xi32, #tpu.memory_space<hbm>> -> memref<1x32x128xi32, #tpu.memory_space<hbm>>
          %dma_wait3A_116 = tpu.memref_squeeze %dma_wait3A_115 : memref<1x32x128xi32, #tpu.memory_space<hbm>> -> memref<32x128xi32, #tpu.memory_space<hbm>>
          tpu.wait_dma2 semaphore(%run_scoped3A : memref<!tpu.dma_semaphore, #tpu.memory_space<semaphore_mem>>) src(%dma_wait3A_116 : memref<32x128xi32, #tpu.memory_space<hbm>>) dst(%arg30 : memref<32x128xi32, #tpu.memory_space<vmem>>)
          tpu.yield
        }) : () -> ()
        %mul3A_85 = arith.constant 32 : i32
        %mul3A_86 = arith.muli %scan3A_82, %mul3A_85 : i32
        "tpu.region"() ({
          %run_scoped3A = tpu.sem_alloc : memref<!tpu.dma_semaphore, #tpu.memory_space<semaphore_mem>>
          %dma_start3A_106 = arith.constant 0 : i32
          %dma_start3A_107 = tpu.memref_slice %arg11[%arg1, %mul3A_86, %dma_start3A_106] : memref<16x160x128xi32, #tpu.memory_space<hbm>> -> memref<1x32x128xi32, #tpu.memory_space<hbm>>
          %dma_start3A_108 = tpu.memref_squeeze %dma_start3A_107 : memref<1x32x128xi32, #tpu.memory_space<hbm>> -> memref<32x128xi32, #tpu.memory_space<hbm>>
          %dma_start3A_109 = arith.constant 0 : i32
          %dma_start3A_110 = tpu.memref_slice %arg11[%arg1, %mul3A_86, %dma_start3A_109] : memref<16x160x128xi32, #tpu.memory_space<hbm>> -> memref<1x32x128xi32, #tpu.memory_space<hbm>>
          %dma_start3A_111 = tpu.memref_squeeze %dma_start3A_110 : memref<1x32x128xi32, #tpu.memory_space<hbm>> -> memref<32x128xi32, #tpu.memory_space<hbm>>
          tpu.enqueue_dma source(%dma_start3A_111 : memref<32x128xi32, #tpu.memory_space<hbm>>) target(%arg31 : memref<32x128xi32, #tpu.memory_space<vmem>>) target_semaphore(%run_scoped3A : memref<!tpu.dma_semaphore, #tpu.memory_space<semaphore_mem>>)
          %dma_wait3A = arith.constant 0 : i32
          %dma_wait3A_112 = tpu.memref_slice %arg11[%arg1, %mul3A_86, %dma_wait3A] : memref<16x160x128xi32, #tpu.memory_space<hbm>> -> memref<1x32x128xi32, #tpu.memory_space<hbm>>
          %dma_wait3A_113 = tpu.memref_squeeze %dma_wait3A_112 : memref<1x32x128xi32, #tpu.memory_space<hbm>> -> memref<32x128xi32, #tpu.memory_space<hbm>>
          %dma_wait3A_114 = arith.constant 0 : i32
          %dma_wait3A_115 = tpu.memref_slice %arg11[%arg1, %mul3A_86, %dma_wait3A_114] : memref<16x160x128xi32, #tpu.memory_space<hbm>> -> memref<1x32x128xi32, #tpu.memory_space<hbm>>
          %dma_wait3A_116 = tpu.memref_squeeze %dma_wait3A_115 : memref<1x32x128xi32, #tpu.memory_space<hbm>> -> memref<32x128xi32, #tpu.memory_space<hbm>>
          tpu.wait_dma2 semaphore(%run_scoped3A : memref<!tpu.dma_semaphore, #tpu.memory_space<semaphore_mem>>) src(%dma_wait3A_116 : memref<32x128xi32, #tpu.memory_space<hbm>>) dst(%arg31 : memref<32x128xi32, #tpu.memory_space<vmem>>)
          tpu.yield
        }) : () -> ()
        %dma_start3A = arith.constant 0 : i32
        %dma_start3A_87 = arith.constant 0 : i32
        %dma_start3A_88 = tpu.memref_slice %arg30[%dma_start3A, %dma_start3A_87] : memref<32x128xi32, #tpu.memory_space<vmem>> -> memref<1x128xi32, #tpu.memory_space<vmem>>
        %dma_start3A_89 = tpu.memref_squeeze %dma_start3A_88 : memref<1x128xi32, #tpu.memory_space<vmem>> -> memref<128xi32, #tpu.memory_space<vmem>>
        %dma_start3A_90 = arith.constant 0 : i32
        %dma_start3A_91 = arith.constant 0 : i32
        %dma_start3A_92 = tpu.memref_slice %arg28[%dma_start3A_90, %dma_start3A_91] : memref<10000x64xf32, #tpu.memory_space<vmem_shared>> -> memref<10000x64xf32, #tpu.memory_space<vmem_shared>>
        tpu.enqueue_indirect_dma source(%dma_start3A_92 : memref<10000x64xf32, #tpu.memory_space<vmem_shared>>) target(%arg32 : memref<128x64xf32, #tpu.memory_space<vmem>>) offsets(%dma_start3A_89 : memref<128xi32, #tpu.memory_space<vmem>>) semaphore(%arg34 : memref<!tpu.dma_semaphore, #tpu.memory_space<semaphore_mem>>)
        %dma_start3A_93 = arith.constant 1 : i32
        %dma_start3A_94 = arith.constant 0 : i32
        %dma_start3A_95 = tpu.memref_slice %arg30[%dma_start3A_93, %dma_start3A_94] : memref<32x128xi32, #tpu.memory_space<vmem>> -> memref<1x128xi32, #tpu.memory_space<vmem>>
        %dma_start3A_96 = tpu.memref_squeeze %dma_start3A_95 : memref<1x128xi32, #tpu.memory_space<vmem>> -> memref<128xi32, #tpu.memory_space<vmem>>
        %dma_start3A_97 = arith.constant 0 : i32
        %dma_start3A_98 = arith.constant 0 : i32
        %dma_start3A_99 = tpu.memref_slice %arg28[%dma_start3A_97, %dma_start3A_98] : memref<10000x64xf32, #tpu.memory_space<vmem_shared>> -> memref<10000x64xf32, #tpu.memory_space<vmem_shared>>
        tpu.enqueue_indirect_dma source(%dma_start3A_99 : memref<10000x64xf32, #tpu.memory_space<vmem_shared>>) target(%arg33 : memref<128x64xf32, #tpu.memory_space<vmem>>) offsets(%dma_start3A_96 : memref<128xi32, #tpu.memory_space<vmem>>) semaphore(%arg34 : memref<!tpu.dma_semaphore, #tpu.memory_space<semaphore_mem>>)
        %scan3A_100 = arith.constant 0 : i32
        %scan3A_101 = arith.constant 0 : i32
        %scan3A_102 = arith.constant 16 : i32
        %scan3A_103 = arith.addi %scan3A_101, %scan3A_102 : i32
        %scan3A_104 = arith.constant 1 : i32
        scf.for %scan3A_106 = %scan3A_101 to %scan3A_103 step %scan3A_104  : i32 {
          %mul3A_107 = arith.constant 2 : i32
          %mul3A_108 = arith.muli %scan3A_106, %mul3A_107 : i32
          %add3A = arith.constant 0 : i32
          %add3A_109 = arith.addi %mul3A_108, %add3A : i32
          %dma_wait3A = arith.constant 0 : i32
          %dma_wait3A_110 = tpu.memref_slice %arg30[%add3A_109, %dma_wait3A] : memref<32x128xi32, #tpu.memory_space<vmem>> -> memref<1x128xi32, #tpu.memory_space<vmem>>
          %dma_wait3A_111 = tpu.memref_squeeze %dma_wait3A_110 : memref<1x128xi32, #tpu.memory_space<vmem>> -> memref<128xi32, #tpu.memory_space<vmem>>
          %dma_wait3A_112 = arith.constant 0 : i32
          %dma_wait3A_113 = arith.constant 0 : i32
          %dma_wait3A_114 = tpu.memref_slice %arg28[%dma_wait3A_112, %dma_wait3A_113] : memref<10000x64xf32, #tpu.memory_space<vmem_shared>> -> memref<10000x64xf32, #tpu.memory_space<vmem_shared>>
          tpu.wait_indirect_dma semaphore(%arg34 : memref<!tpu.dma_semaphore, #tpu.memory_space<semaphore_mem>>) src(%dma_wait3A_114 : memref<10000x64xf32, #tpu.memory_space<vmem_shared>>) dst(%arg32 : memref<128x64xf32, #tpu.memory_space<vmem>>)
          "tpu.region"() ({
            %run_scoped3A = tpu.sem_alloc : memref<!tpu.dma_semaphore, #tpu.memory_space<semaphore_mem>>
            %dma_start3A_138 = arith.constant 0 : i32
            %dma_start3A_139 = tpu.memref_slice %arg31[%add3A_109, %dma_start3A_138] : memref<32x128xi32, #tpu.memory_space<vmem>> -> memref<1x128xi32, #tpu.memory_space<vmem>>
            %dma_start3A_140 = tpu.memref_squeeze %dma_start3A_139 : memref<1x128xi32, #tpu.memory_space<vmem>> -> memref<128xi32, #tpu.memory_space<vmem>>
            %dma_start3A_141 = arith.constant 0 : i32
            %dma_start3A_142 = arith.constant 0 : i32
            %dma_start3A_143 = tpu.memref_slice %arg29[%dma_start3A_141, %dma_start3A_142] : memref<10008x64xf32, #tpu.memory_space<vmem_shared>> -> memref<10008x64xf32, #tpu.memory_space<vmem_shared>>
            tpu.enqueue_indirect_dma source(%arg32 : memref<128x64xf32, #tpu.memory_space<vmem>>) target(%dma_start3A_143 : memref<10008x64xf32, #tpu.memory_space<vmem_shared>>) offsets(%dma_start3A_140 : memref<128xi32, #tpu.memory_space<vmem>>) semaphore(%run_scoped3A : memref<!tpu.dma_semaphore, #tpu.memory_space<semaphore_mem>>) {add = true}
            %dma_wait3A_144 = arith.constant 0 : i32
            %dma_wait3A_145 = tpu.memref_slice %arg31[%add3A_109, %dma_wait3A_144] : memref<32x128xi32, #tpu.memory_space<vmem>> -> memref<1x128xi32, #tpu.memory_space<vmem>>
            %dma_wait3A_146 = tpu.memref_squeeze %dma_wait3A_145 : memref<1x128xi32, #tpu.memory_space<vmem>> -> memref<128xi32, #tpu.memory_space<vmem>>
            %dma_wait3A_147 = arith.constant 0 : i32
            %dma_wait3A_148 = arith.constant 0 : i32
            %dma_wait3A_149 = tpu.memref_slice %arg29[%dma_wait3A_147, %dma_wait3A_148] : memref<10008x64xf32, #tpu.memory_space<vmem_shared>> -> memref<10008x64xf32, #tpu.memory_space<vmem_shared>>
            tpu.wait_indirect_dma semaphore(%run_scoped3A : memref<!tpu.dma_semaphore, #tpu.memory_space<semaphore_mem>>) src(%arg32 : memref<128x64xf32, #tpu.memory_space<vmem>>) dst(%dma_wait3A_149 : memref<10008x64xf32, #tpu.memory_space<vmem_shared>>)
            tpu.yield
          }) : () -> ()
          %add3A_115 = arith.constant 2 : i32
          %add3A_116 = arith.addi %add3A_109, %add3A_115 : i32
          %lt3A = arith.constant 32 : i32
          %lt3A_117 = arith.cmpi slt, %add3A_116, %lt3A : i32
          %convert_element_type3A_118 = arith.extui %lt3A_117 : i1 to i32
          %cond3A_119 = arith.constant 0 : i32
          %cond3A_120 = arith.cmpi ne, %convert_element_type3A_118, %cond3A_119 : i32
          scf.if %cond3A_120 {
            %add3A_138 = arith.constant 2 : i32
            %add3A_139 = arith.addi %add3A_109, %add3A_138 : i32
            %dma_start3A_140 = arith.constant 0 : i32
            %dma_start3A_141 = tpu.memref_slice %arg30[%add3A_139, %dma_start3A_140] : memref<32x128xi32, #tpu.memory_space<vmem>> -> memref<1x128xi32, #tpu.memory_space<vmem>>
            %dma_start3A_142 = tpu.memref_squeeze %dma_start3A_141 : memref<1x128xi32, #tpu.memory_space<vmem>> -> memref<128xi32, #tpu.memory_space<vmem>>
            %dma_start3A_143 = arith.constant 0 : i32
            %dma_start3A_144 = arith.constant 0 : i32
            %dma_start3A_145 = tpu.memref_slice %arg28[%dma_start3A_143, %dma_start3A_144] : memref<10000x64xf32, #tpu.memory_space<vmem_shared>> -> memref<10000x64xf32, #tpu.memory_space<vmem_shared>>
            tpu.enqueue_indirect_dma source(%dma_start3A_145 : memref<10000x64xf32, #tpu.memory_space<vmem_shared>>) target(%arg32 : memref<128x64xf32, #tpu.memory_space<vmem>>) offsets(%dma_start3A_142 : memref<128xi32, #tpu.memory_space<vmem>>) semaphore(%arg34 : memref<!tpu.dma_semaphore, #tpu.memory_space<semaphore_mem>>)
          } else {
          }
          %mul3A_121 = arith.constant 2 : i32
          %mul3A_122 = arith.muli %scan3A_106, %mul3A_121 : i32
          %add3A_123 = arith.constant 1 : i32
          %add3A_124 = arith.addi %mul3A_122, %add3A_123 : i32
          %dma_wait3A_125 = arith.constant 0 : i32
          %dma_wait3A_126 = tpu.memref_slice %arg30[%add3A_124, %dma_wait3A_125] : memref<32x128xi32, #tpu.memory_space<vmem>> -> memref<1x128xi32, #tpu.memory_space<vmem>>
          %dma_wait3A_127 = tpu.memref_squeeze %dma_wait3A_126 : memref<1x128xi32, #tpu.memory_space<vmem>> -> memref<128xi32, #tpu.memory_space<vmem>>
          %dma_wait3A_128 = arith.constant 0 : i32
          %dma_wait3A_129 = arith.constant 0 : i32
          %dma_wait3A_130 = tpu.memref_slice %arg28[%dma_wait3A_128, %dma_wait3A_129] : memref<10000x64xf32, #tpu.memory_space<vmem_shared>> -> memref<10000x64xf32, #tpu.memory_space<vmem_shared>>
          tpu.wait_indirect_dma semaphore(%arg34 : memref<!tpu.dma_semaphore, #tpu.memory_space<semaphore_mem>>) src(%dma_wait3A_130 : memref<10000x64xf32, #tpu.memory_space<vmem_shared>>) dst(%arg33 : memref<128x64xf32, #tpu.memory_space<vmem>>)
          "tpu.region"() ({
            %run_scoped3A = tpu.sem_alloc : memref<!tpu.dma_semaphore, #tpu.memory_space<semaphore_mem>>
            %dma_start3A_138 = arith.constant 0 : i32
            %dma_start3A_139 = tpu.memref_slice %arg31[%add3A_124, %dma_start3A_138] : memref<32x128xi32, #tpu.memory_space<vmem>> -> memref<1x128xi32, #tpu.memory_space<vmem>>
            %dma_start3A_140 = tpu.memref_squeeze %dma_start3A_139 : memref<1x128xi32, #tpu.memory_space<vmem>> -> memref<128xi32, #tpu.memory_space<vmem>>
            %dma_start3A_141 = arith.constant 0 : i32
            %dma_start3A_142 = arith.constant 0 : i32
            %dma_start3A_143 = tpu.memref_slice %arg29[%dma_start3A_141, %dma_start3A_142] : memref<10008x64xf32, #tpu.memory_space<vmem_shared>> -> memref<10008x64xf32, #tpu.memory_space<vmem_shared>>
            tpu.enqueue_indirect_dma source(%arg33 : memref<128x64xf32, #tpu.memory_space<vmem>>) target(%dma_start3A_143 : memref<10008x64xf32, #tpu.memory_space<vmem_shared>>) offsets(%dma_start3A_140 : memref<128xi32, #tpu.memory_space<vmem>>) semaphore(%run_scoped3A : memref<!tpu.dma_semaphore, #tpu.memory_space<semaphore_mem>>) {add = true}
            %dma_wait3A_144 = arith.constant 0 : i32
            %dma_wait3A_145 = tpu.memref_slice %arg31[%add3A_124, %dma_wait3A_144] : memref<32x128xi32, #tpu.memory_space<vmem>> -> memref<1x128xi32, #tpu.memory_space<vmem>>
            %dma_wait3A_146 = tpu.memref_squeeze %dma_wait3A_145 : memref<1x128xi32, #tpu.memory_space<vmem>> -> memref<128xi32, #tpu.memory_space<vmem>>
            %dma_wait3A_147 = arith.constant 0 : i32
            %dma_wait3A_148 = arith.constant 0 : i32
            %dma_wait3A_149 = tpu.memref_slice %arg29[%dma_wait3A_147, %dma_wait3A_148] : memref<10008x64xf32, #tpu.memory_space<vmem_shared>> -> memref<10008x64xf32, #tpu.memory_space<vmem_shared>>
            tpu.wait_indirect_dma semaphore(%run_scoped3A : memref<!tpu.dma_semaphore, #tpu.memory_space<semaphore_mem>>) src(%arg33 : memref<128x64xf32, #tpu.memory_space<vmem>>) dst(%dma_wait3A_149 : memref<10008x64xf32, #tpu.memory_space<vmem_shared>>)
            tpu.yield
          }) : () -> ()
          %add3A_131 = arith.constant 2 : i32
          %add3A_132 = arith.addi %add3A_124, %add3A_131 : i32
          %lt3A_133 = arith.constant 32 : i32
          %lt3A_134 = arith.cmpi slt, %add3A_132, %lt3A_133 : i32
          %convert_element_type3A_135 = arith.extui %lt3A_134 : i1 to i32
          %cond3A_136 = arith.constant 0 : i32
          %cond3A_137 = arith.cmpi ne, %convert_element_type3A_135, %cond3A_136 : i32
          scf.if %cond3A_137 {
            %add3A_138 = arith.constant 2 : i32
            %add3A_139 = arith.addi %add3A_124, %add3A_138 : i32
            %dma_start3A_140 = arith.constant 0 : i32
            %dma_start3A_141 = tpu.memref_slice %arg30[%add3A_139, %dma_start3A_140] : memref<32x128xi32, #tpu.memory_space<vmem>> -> memref<1x128xi32, #tpu.memory_space<vmem>>
            %dma_start3A_142 = tpu.memref_squeeze %dma_start3A_141 : memref<1x128xi32, #tpu.memory_space<vmem>> -> memref<128xi32, #tpu.memory_space<vmem>>
            %dma_start3A_143 = arith.constant 0 : i32
            %dma_start3A_144 = arith.constant 0 : i32
            %dma_start3A_145 = tpu.memref_slice %arg28[%dma_start3A_143, %dma_start3A_144] : memref<10000x64xf32, #tpu.memory_space<vmem_shared>> -> memref<10000x64xf32, #tpu.memory_space<vmem_shared>>
            tpu.enqueue_indirect_dma source(%dma_start3A_145 : memref<10000x64xf32, #tpu.memory_space<vmem_shared>>) target(%arg33 : memref<128x64xf32, #tpu.memory_space<vmem>>) offsets(%dma_start3A_142 : memref<128xi32, #tpu.memory_space<vmem>>) semaphore(%arg34 : memref<!tpu.dma_semaphore, #tpu.memory_space<semaphore_mem>>)
          } else {
          }
        }
        %scan3A_105 = arith.constant 16 : i32
      }
      %scan3A_55 = arith.constant 5 : i32
      %barrier3A_56 = arith.constant 0 : index
      tpu.barrier barrier_id(%barrier3A_56)
      "tpu.region"() ({
        %run_scoped3A = tpu.sem_alloc : memref<!tpu.dma_semaphore, #tpu.memory_space<semaphore_mem>>
        %dma_start3A = arith.constant 0 : i32
        %dma_start3A_82 = tpu.memref_slice %arg26[%mul3A_0, %dma_start3A] : memref<10000x64xf32, #tpu.memory_space<hbm>> -> memref<624x64xf32, #tpu.memory_space<hbm>>
        %dma_start3A_83 = arith.constant 0 : i32
        %dma_start3A_84 = tpu.memref_slice %arg29[%mul3A_0, %dma_start3A_83] : memref<10008x64xf32, #tpu.memory_space<vmem_shared>> -> memref<624x64xf32, #tpu.memory_space<vmem_shared>>
        tpu.enqueue_dma source(%dma_start3A_84 : memref<624x64xf32, #tpu.memory_space<vmem_shared>>) target(%dma_start3A_82 : memref<624x64xf32, #tpu.memory_space<hbm>>) target_semaphore(%run_scoped3A : memref<!tpu.dma_semaphore, #tpu.memory_space<semaphore_mem>>)
        %dma_wait3A = arith.constant 0 : i32
        %dma_wait3A_85 = tpu.memref_slice %arg26[%mul3A_0, %dma_wait3A] : memref<10000x64xf32, #tpu.memory_space<hbm>> -> memref<624x64xf32, #tpu.memory_space<hbm>>
        %dma_wait3A_86 = arith.constant 0 : i32
        %dma_wait3A_87 = tpu.memref_slice %arg29[%mul3A_0, %dma_wait3A_86] : memref<10008x64xf32, #tpu.memory_space<vmem_shared>> -> memref<624x64xf32, #tpu.memory_space<vmem_shared>>
        tpu.wait_dma2 semaphore(%run_scoped3A : memref<!tpu.dma_semaphore, #tpu.memory_space<semaphore_mem>>) src(%dma_wait3A_87 : memref<624x64xf32, #tpu.memory_space<vmem_shared>>) dst(%dma_wait3A_85 : memref<624x64xf32, #tpu.memory_space<hbm>>)
        tpu.yield
      }) : () -> ()
      %eq3A_57 = arith.constant 0 : i32
      %eq3A_58 = arith.cmpi eq, %arg1, %eq3A_57 : i32
      %convert_element_type3A_59 = arith.extui %eq3A_58 : i1 to i32
      %cond3A_60 = arith.constant 0 : i32
      %cond3A_61 = arith.cmpi ne, %convert_element_type3A_59, %cond3A_60 : i32
      scf.if %cond3A_61 {
        "tpu.region"() ({
          %run_scoped3A = tpu.sem_alloc : memref<!tpu.dma_semaphore, #tpu.memory_space<semaphore_mem>>
          %dma_start3A = arith.constant 9984 : i32
          %dma_start3A_82 = arith.constant 0 : i32
          %dma_start3A_83 = tpu.memref_slice %arg26[%dma_start3A, %dma_start3A_82] : memref<10000x64xf32, #tpu.memory_space<hbm>> -> memref<16x64xf32, #tpu.memory_space<hbm>>
          %dma_start3A_84 = arith.constant 9984 : i32
          %dma_start3A_85 = arith.constant 0 : i32
          %dma_start3A_86 = tpu.memref_slice %arg29[%dma_start3A_84, %dma_start3A_85] : memref<10008x64xf32, #tpu.memory_space<vmem_shared>> -> memref<16x64xf32, #tpu.memory_space<vmem_shared>>
          tpu.enqueue_dma source(%dma_start3A_86 : memref<16x64xf32, #tpu.memory_space<vmem_shared>>) target(%dma_start3A_83 : memref<16x64xf32, #tpu.memory_space<hbm>>) target_semaphore(%run_scoped3A : memref<!tpu.dma_semaphore, #tpu.memory_space<semaphore_mem>>)
          %dma_wait3A = arith.constant 9984 : i32
          %dma_wait3A_87 = arith.constant 0 : i32
          %dma_wait3A_88 = tpu.memref_slice %arg26[%dma_wait3A, %dma_wait3A_87] : memref<10000x64xf32, #tpu.memory_space<hbm>> -> memref<16x64xf32, #tpu.memory_space<hbm>>
          %dma_wait3A_89 = arith.constant 9984 : i32
          %dma_wait3A_90 = arith.constant 0 : i32
          %dma_wait3A_91 = tpu.memref_slice %arg29[%dma_wait3A_89, %dma_wait3A_90] : memref<10008x64xf32, #tpu.memory_space<vmem_shared>> -> memref<16x64xf32, #tpu.memory_space<vmem_shared>>
          tpu.wait_dma2 semaphore(%run_scoped3A : memref<!tpu.dma_semaphore, #tpu.memory_space<semaphore_mem>>) src(%dma_wait3A_91 : memref<16x64xf32, #tpu.memory_space<vmem_shared>>) dst(%dma_wait3A_88 : memref<16x64xf32, #tpu.memory_space<hbm>>)
          tpu.yield
        }) : () -> ()
      } else {
      }
      %barrier3A_62 = arith.constant 0 : index
      tpu.barrier barrier_id(%barrier3A_62)
      "tpu.region"() ({
        %run_scoped3A = tpu.sem_alloc : memref<!tpu.dma_semaphore, #tpu.memory_space<semaphore_mem>>
        %dma_start3A = arith.constant 0 : i32
        %dma_start3A_82 = tpu.memref_slice %arg28[%mul3A_0, %dma_start3A] : memref<10000x64xf32, #tpu.memory_space<vmem_shared>> -> memref<624x64xf32, #tpu.memory_space<vmem_shared>>
        %dma_start3A_83 = arith.constant 0 : i32
        %dma_start3A_84 = tpu.memref_slice %arg9[%mul3A_0, %dma_start3A_83] : memref<10000x64xf32, #tpu.memory_space<hbm>> -> memref<624x64xf32, #tpu.memory_space<hbm>>
        tpu.enqueue_dma source(%dma_start3A_84 : memref<624x64xf32, #tpu.memory_space<hbm>>) target(%dma_start3A_82 : memref<624x64xf32, #tpu.memory_space<vmem_shared>>) target_semaphore(%run_scoped3A : memref<!tpu.dma_semaphore, #tpu.memory_space<semaphore_mem>>)
        %dma_wait3A = arith.constant 0 : i32
        %dma_wait3A_85 = tpu.memref_slice %arg28[%mul3A_0, %dma_wait3A] : memref<10000x64xf32, #tpu.memory_space<vmem_shared>> -> memref<624x64xf32, #tpu.memory_space<vmem_shared>>
        %dma_wait3A_86 = arith.constant 0 : i32
        %dma_wait3A_87 = tpu.memref_slice %arg9[%mul3A_0, %dma_wait3A_86] : memref<10000x64xf32, #tpu.memory_space<hbm>> -> memref<624x64xf32, #tpu.memory_space<hbm>>
        tpu.wait_dma2 semaphore(%run_scoped3A : memref<!tpu.dma_semaphore, #tpu.memory_space<semaphore_mem>>) src(%dma_wait3A_87 : memref<624x64xf32, #tpu.memory_space<hbm>>) dst(%dma_wait3A_85 : memref<624x64xf32, #tpu.memory_space<vmem_shared>>)
        tpu.yield
      }) : () -> ()
      "tpu.region"() ({
        %run_scoped3A = tpu.sem_alloc : memref<!tpu.dma_semaphore, #tpu.memory_space<semaphore_mem>>
        %dma_start3A = arith.constant 0 : i32
        %dma_start3A_82 = tpu.memref_slice %arg29[%mul3A_0, %dma_start3A] : memref<10008x64xf32, #tpu.memory_space<vmem_shared>> -> memref<624x64xf32, #tpu.memory_space<vmem_shared>>
        %dma_start3A_83 = arith.constant 0 : i32
        %dma_start3A_84 = tpu.memref_slice %arg19[%mul3A_0, %dma_start3A_83] : memref<10000x64xf32, #tpu.memory_space<hbm>> -> memref<624x64xf32, #tpu.memory_space<hbm>>
        tpu.enqueue_dma source(%dma_start3A_84 : memref<624x64xf32, #tpu.memory_space<hbm>>) target(%dma_start3A_82 : memref<624x64xf32, #tpu.memory_space<vmem_shared>>) target_semaphore(%run_scoped3A : memref<!tpu.dma_semaphore, #tpu.memory_space<semaphore_mem>>)
        %dma_wait3A = arith.constant 0 : i32
        %dma_wait3A_85 = tpu.memref_slice %arg29[%mul3A_0, %dma_wait3A] : memref<10008x64xf32, #tpu.memory_space<vmem_shared>> -> memref<624x64xf32, #tpu.memory_space<vmem_shared>>
        %dma_wait3A_86 = arith.constant 0 : i32
        %dma_wait3A_87 = tpu.memref_slice %arg19[%mul3A_0, %dma_wait3A_86] : memref<10000x64xf32, #tpu.memory_space<hbm>> -> memref<624x64xf32, #tpu.memory_space<hbm>>
        tpu.wait_dma2 semaphore(%run_scoped3A : memref<!tpu.dma_semaphore, #tpu.memory_space<semaphore_mem>>) src(%dma_wait3A_87 : memref<624x64xf32, #tpu.memory_space<hbm>>) dst(%dma_wait3A_85 : memref<624x64xf32, #tpu.memory_space<vmem_shared>>)
        tpu.yield
      }) : () -> ()
      %eq3A_63 = arith.constant 0 : i32
      %eq3A_64 = arith.cmpi eq, %arg1, %eq3A_63 : i32
      %convert_element_type3A_65 = arith.extui %eq3A_64 : i1 to i32
      %cond3A_66 = arith.constant 0 : i32
      %cond3A_67 = arith.cmpi ne, %convert_element_type3A_65, %cond3A_66 : i32
      scf.if %cond3A_67 {
        "tpu.region"() ({
          %run_scoped3A = tpu.sem_alloc : memref<!tpu.dma_semaphore, #tpu.memory_space<semaphore_mem>>
          %dma_start3A = arith.constant 9984 : i32
          %dma_start3A_82 = arith.constant 0 : i32
          %dma_start3A_83 = tpu.memref_slice %arg28[%dma_start3A, %dma_start3A_82] : memref<10000x64xf32, #tpu.memory_space<vmem_shared>> -> memref<16x64xf32, #tpu.memory_space<vmem_shared>>
          %dma_start3A_84 = arith.constant 9984 : i32
          %dma_start3A_85 = arith.constant 0 : i32
          %dma_start3A_86 = tpu.memref_slice %arg9[%dma_start3A_84, %dma_start3A_85] : memref<10000x64xf32, #tpu.memory_space<hbm>> -> memref<16x64xf32, #tpu.memory_space<hbm>>
          tpu.enqueue_dma source(%dma_start3A_86 : memref<16x64xf32, #tpu.memory_space<hbm>>) target(%dma_start3A_83 : memref<16x64xf32, #tpu.memory_space<vmem_shared>>) target_semaphore(%run_scoped3A : memref<!tpu.dma_semaphore, #tpu.memory_space<semaphore_mem>>)
          %dma_wait3A = arith.constant 9984 : i32
          %dma_wait3A_87 = arith.constant 0 : i32
          %dma_wait3A_88 = tpu.memref_slice %arg28[%dma_wait3A, %dma_wait3A_87] : memref<10000x64xf32, #tpu.memory_space<vmem_shared>> -> memref<16x64xf32, #tpu.memory_space<vmem_shared>>
          %dma_wait3A_89 = arith.constant 9984 : i32
          %dma_wait3A_90 = arith.constant 0 : i32
          %dma_wait3A_91 = tpu.memref_slice %arg9[%dma_wait3A_89, %dma_wait3A_90] : memref<10000x64xf32, #tpu.memory_space<hbm>> -> memref<16x64xf32, #tpu.memory_space<hbm>>
          tpu.wait_dma2 semaphore(%run_scoped3A : memref<!tpu.dma_semaphore, #tpu.memory_space<semaphore_mem>>) src(%dma_wait3A_91 : memref<16x64xf32, #tpu.memory_space<hbm>>) dst(%dma_wait3A_88 : memref<16x64xf32, #tpu.memory_space<vmem_shared>>)
          tpu.yield
        }) : () -> ()
        "tpu.region"() ({
          %run_scoped3A = tpu.sem_alloc : memref<!tpu.dma_semaphore, #tpu.memory_space<semaphore_mem>>
          %dma_start3A = arith.constant 9984 : i32
          %dma_start3A_82 = arith.constant 0 : i32
          %dma_start3A_83 = tpu.memref_slice %arg29[%dma_start3A, %dma_start3A_82] : memref<10008x64xf32, #tpu.memory_space<vmem_shared>> -> memref<16x64xf32, #tpu.memory_space<vmem_shared>>
          %dma_start3A_84 = arith.constant 9984 : i32
          %dma_start3A_85 = arith.constant 0 : i32
          %dma_start3A_86 = tpu.memref_slice %arg19[%dma_start3A_84, %dma_start3A_85] : memref<10000x64xf32, #tpu.memory_space<hbm>> -> memref<16x64xf32, #tpu.memory_space<hbm>>
          tpu.enqueue_dma source(%dma_start3A_86 : memref<16x64xf32, #tpu.memory_space<hbm>>) target(%dma_start3A_83 : memref<16x64xf32, #tpu.memory_space<vmem_shared>>) target_semaphore(%run_scoped3A : memref<!tpu.dma_semaphore, #tpu.memory_space<semaphore_mem>>)
          %dma_wait3A = arith.constant 9984 : i32
          %dma_wait3A_87 = arith.constant 0 : i32
          %dma_wait3A_88 = tpu.memref_slice %arg29[%dma_wait3A, %dma_wait3A_87] : memref<10008x64xf32, #tpu.memory_space<vmem_shared>> -> memref<16x64xf32, #tpu.memory_space<vmem_shared>>
          %dma_wait3A_89 = arith.constant 9984 : i32
          %dma_wait3A_90 = arith.constant 0 : i32
          %dma_wait3A_91 = tpu.memref_slice %arg19[%dma_wait3A_89, %dma_wait3A_90] : memref<10000x64xf32, #tpu.memory_space<hbm>> -> memref<16x64xf32, #tpu.memory_space<hbm>>
          tpu.wait_dma2 semaphore(%run_scoped3A : memref<!tpu.dma_semaphore, #tpu.memory_space<semaphore_mem>>) src(%dma_wait3A_91 : memref<16x64xf32, #tpu.memory_space<hbm>>) dst(%dma_wait3A_88 : memref<16x64xf32, #tpu.memory_space<vmem_shared>>)
          tpu.yield
        }) : () -> ()
      } else {
      }
      %barrier3A_68 = arith.constant 0 : index
      tpu.barrier barrier_id(%barrier3A_68)
      %scan3A_69 = arith.constant 0 : i32
      %scan3A_70 = arith.constant 0 : i32
      %scan3A_71 = arith.constant 5 : i32
      %scan3A_72 = arith.addi %scan3A_70, %scan3A_71 : i32
      %scan3A_73 = arith.constant 1 : i32
      scf.for %scan3A_82 = %scan3A_70 to %scan3A_72 step %scan3A_73  : i32 {
        %mul3A_83 = arith.constant 32 : i32
        %mul3A_84 = arith.muli %scan3A_82, %mul3A_83 : i32
        "tpu.region"() ({
          %run_scoped3A = tpu.sem_alloc : memref<!tpu.dma_semaphore, #tpu.memory_space<semaphore_mem>>
          %dma_start3A_106 = arith.constant 0 : i32
          %dma_start3A_107 = tpu.memref_slice %arg10[%arg1, %mul3A_84, %dma_start3A_106] : memref<16x160x128xi32, #tpu.memory_space<hbm>> -> memref<1x32x128xi32, #tpu.memory_space<hbm>>
          %dma_start3A_108 = tpu.memref_squeeze %dma_start3A_107 : memref<1x32x128xi32, #tpu.memory_space<hbm>> -> memref<32x128xi32, #tpu.memory_space<hbm>>
          %dma_start3A_109 = arith.constant 0 : i32
          %dma_start3A_110 = tpu.memref_slice %arg10[%arg1, %mul3A_84, %dma_start3A_109] : memref<16x160x128xi32, #tpu.memory_space<hbm>> -> memref<1x32x128xi32, #tpu.memory_space<hbm>>
          %dma_start3A_111 = tpu.memref_squeeze %dma_start3A_110 : memref<1x32x128xi32, #tpu.memory_space<hbm>> -> memref<32x128xi32, #tpu.memory_space<hbm>>
          tpu.enqueue_dma source(%dma_start3A_111 : memref<32x128xi32, #tpu.memory_space<hbm>>) target(%arg30 : memref<32x128xi32, #tpu.memory_space<vmem>>) target_semaphore(%run_scoped3A : memref<!tpu.dma_semaphore, #tpu.memory_space<semaphore_mem>>)
          %dma_wait3A = arith.constant 0 : i32
          %dma_wait3A_112 = tpu.memref_slice %arg10[%arg1, %mul3A_84, %dma_wait3A] : memref<16x160x128xi32, #tpu.memory_space<hbm>> -> memref<1x32x128xi32, #tpu.memory_space<hbm>>
          %dma_wait3A_113 = tpu.memref_squeeze %dma_wait3A_112 : memref<1x32x128xi32, #tpu.memory_space<hbm>> -> memref<32x128xi32, #tpu.memory_space<hbm>>
          %dma_wait3A_114 = arith.constant 0 : i32
          %dma_wait3A_115 = tpu.memref_slice %arg10[%arg1, %mul3A_84, %dma_wait3A_114] : memref<16x160x128xi32, #tpu.memory_space<hbm>> -> memref<1x32x128xi32, #tpu.memory_space<hbm>>
          %dma_wait3A_116 = tpu.memref_squeeze %dma_wait3A_115 : memref<1x32x128xi32, #tpu.memory_space<hbm>> -> memref<32x128xi32, #tpu.memory_space<hbm>>
          tpu.wait_dma2 semaphore(%run_scoped3A : memref<!tpu.dma_semaphore, #tpu.memory_space<semaphore_mem>>) src(%dma_wait3A_116 : memref<32x128xi32, #tpu.memory_space<hbm>>) dst(%arg30 : memref<32x128xi32, #tpu.memory_space<vmem>>)
          tpu.yield
        }) : () -> ()
        %mul3A_85 = arith.constant 32 : i32
        %mul3A_86 = arith.muli %scan3A_82, %mul3A_85 : i32
        "tpu.region"() ({
          %run_scoped3A = tpu.sem_alloc : memref<!tpu.dma_semaphore, #tpu.memory_space<semaphore_mem>>
          %dma_start3A_106 = arith.constant 0 : i32
          %dma_start3A_107 = tpu.memref_slice %arg11[%arg1, %mul3A_86, %dma_start3A_106] : memref<16x160x128xi32, #tpu.memory_space<hbm>> -> memref<1x32x128xi32, #tpu.memory_space<hbm>>
          %dma_start3A_108 = tpu.memref_squeeze %dma_start3A_107 : memref<1x32x128xi32, #tpu.memory_space<hbm>> -> memref<32x128xi32, #tpu.memory_space<hbm>>
          %dma_start3A_109 = arith.constant 0 : i32
          %dma_start3A_110 = tpu.memref_slice %arg11[%arg1, %mul3A_86, %dma_start3A_109] : memref<16x160x128xi32, #tpu.memory_space<hbm>> -> memref<1x32x128xi32, #tpu.memory_space<hbm>>
          %dma_start3A_111 = tpu.memref_squeeze %dma_start3A_110 : memref<1x32x128xi32, #tpu.memory_space<hbm>> -> memref<32x128xi32, #tpu.memory_space<hbm>>
          tpu.enqueue_dma source(%dma_start3A_111 : memref<32x128xi32, #tpu.memory_space<hbm>>) target(%arg31 : memref<32x128xi32, #tpu.memory_space<vmem>>) target_semaphore(%run_scoped3A : memref<!tpu.dma_semaphore, #tpu.memory_space<semaphore_mem>>)
          %dma_wait3A = arith.constant 0 : i32
          %dma_wait3A_112 = tpu.memref_slice %arg11[%arg1, %mul3A_86, %dma_wait3A] : memref<16x160x128xi32, #tpu.memory_space<hbm>> -> memref<1x32x128xi32, #tpu.memory_space<hbm>>
          %dma_wait3A_113 = tpu.memref_squeeze %dma_wait3A_112 : memref<1x32x128xi32, #tpu.memory_space<hbm>> -> memref<32x128xi32, #tpu.memory_space<hbm>>
          %dma_wait3A_114 = arith.constant 0 : i32
          %dma_wait3A_115 = tpu.memref_slice %arg11[%arg1, %mul3A_86, %dma_wait3A_114] : memref<16x160x128xi32, #tpu.memory_space<hbm>> -> memref<1x32x128xi32, #tpu.memory_space<hbm>>
          %dma_wait3A_116 = tpu.memref_squeeze %dma_wait3A_115 : memref<1x32x128xi32, #tpu.memory_space<hbm>> -> memref<32x128xi32, #tpu.memory_space<hbm>>
          tpu.wait_dma2 semaphore(%run_scoped3A : memref<!tpu.dma_semaphore, #tpu.memory_space<semaphore_mem>>) src(%dma_wait3A_116 : memref<32x128xi32, #tpu.memory_space<hbm>>) dst(%arg31 : memref<32x128xi32, #tpu.memory_space<vmem>>)
          tpu.yield
        }) : () -> ()
        %dma_start3A = arith.constant 0 : i32
        %dma_start3A_87 = arith.constant 0 : i32
        %dma_start3A_88 = tpu.memref_slice %arg30[%dma_start3A, %dma_start3A_87] : memref<32x128xi32, #tpu.memory_space<vmem>> -> memref<1x128xi32, #tpu.memory_space<vmem>>
        %dma_start3A_89 = tpu.memref_squeeze %dma_start3A_88 : memref<1x128xi32, #tpu.memory_space<vmem>> -> memref<128xi32, #tpu.memory_space<vmem>>
        %dma_start3A_90 = arith.constant 0 : i32
        %dma_start3A_91 = arith.constant 0 : i32
        %dma_start3A_92 = tpu.memref_slice %arg28[%dma_start3A_90, %dma_start3A_91] : memref<10000x64xf32, #tpu.memory_space<vmem_shared>> -> memref<10000x64xf32, #tpu.memory_space<vmem_shared>>
        tpu.enqueue_indirect_dma source(%dma_start3A_92 : memref<10000x64xf32, #tpu.memory_space<vmem_shared>>) target(%arg32 : memref<128x64xf32, #tpu.memory_space<vmem>>) offsets(%dma_start3A_89 : memref<128xi32, #tpu.memory_space<vmem>>) semaphore(%arg34 : memref<!tpu.dma_semaphore, #tpu.memory_space<semaphore_mem>>)
        %dma_start3A_93 = arith.constant 1 : i32
        %dma_start3A_94 = arith.constant 0 : i32
        %dma_start3A_95 = tpu.memref_slice %arg30[%dma_start3A_93, %dma_start3A_94] : memref<32x128xi32, #tpu.memory_space<vmem>> -> memref<1x128xi32, #tpu.memory_space<vmem>>
        %dma_start3A_96 = tpu.memref_squeeze %dma_start3A_95 : memref<1x128xi32, #tpu.memory_space<vmem>> -> memref<128xi32, #tpu.memory_space<vmem>>
        %dma_start3A_97 = arith.constant 0 : i32
        %dma_start3A_98 = arith.constant 0 : i32
        %dma_start3A_99 = tpu.memref_slice %arg28[%dma_start3A_97, %dma_start3A_98] : memref<10000x64xf32, #tpu.memory_space<vmem_shared>> -> memref<10000x64xf32, #tpu.memory_space<vmem_shared>>
        tpu.enqueue_indirect_dma source(%dma_start3A_99 : memref<10000x64xf32, #tpu.memory_space<vmem_shared>>) target(%arg33 : memref<128x64xf32, #tpu.memory_space<vmem>>) offsets(%dma_start3A_96 : memref<128xi32, #tpu.memory_space<vmem>>) semaphore(%arg34 : memref<!tpu.dma_semaphore, #tpu.memory_space<semaphore_mem>>)
        %scan3A_100 = arith.constant 0 : i32
        %scan3A_101 = arith.constant 0 : i32
        %scan3A_102 = arith.constant 16 : i32
        %scan3A_103 = arith.addi %scan3A_101, %scan3A_102 : i32
        %scan3A_104 = arith.constant 1 : i32
        scf.for %scan3A_106 = %scan3A_101 to %scan3A_103 step %scan3A_104  : i32 {
          %mul3A_107 = arith.constant 2 : i32
          %mul3A_108 = arith.muli %scan3A_106, %mul3A_107 : i32
          %add3A = arith.constant 0 : i32
          %add3A_109 = arith.addi %mul3A_108, %add3A : i32
          %dma_wait3A = arith.constant 0 : i32
          %dma_wait3A_110 = tpu.memref_slice %arg30[%add3A_109, %dma_wait3A] : memref<32x128xi32, #tpu.memory_space<vmem>> -> memref<1x128xi32, #tpu.memory_space<vmem>>
          %dma_wait3A_111 = tpu.memref_squeeze %dma_wait3A_110 : memref<1x128xi32, #tpu.memory_space<vmem>> -> memref<128xi32, #tpu.memory_space<vmem>>
          %dma_wait3A_112 = arith.constant 0 : i32
          %dma_wait3A_113 = arith.constant 0 : i32
          %dma_wait3A_114 = tpu.memref_slice %arg28[%dma_wait3A_112, %dma_wait3A_113] : memref<10000x64xf32, #tpu.memory_space<vmem_shared>> -> memref<10000x64xf32, #tpu.memory_space<vmem_shared>>
          tpu.wait_indirect_dma semaphore(%arg34 : memref<!tpu.dma_semaphore, #tpu.memory_space<semaphore_mem>>) src(%dma_wait3A_114 : memref<10000x64xf32, #tpu.memory_space<vmem_shared>>) dst(%arg32 : memref<128x64xf32, #tpu.memory_space<vmem>>)
          "tpu.region"() ({
            %run_scoped3A = tpu.sem_alloc : memref<!tpu.dma_semaphore, #tpu.memory_space<semaphore_mem>>
            %dma_start3A_138 = arith.constant 0 : i32
            %dma_start3A_139 = tpu.memref_slice %arg31[%add3A_109, %dma_start3A_138] : memref<32x128xi32, #tpu.memory_space<vmem>> -> memref<1x128xi32, #tpu.memory_space<vmem>>
            %dma_start3A_140 = tpu.memref_squeeze %dma_start3A_139 : memref<1x128xi32, #tpu.memory_space<vmem>> -> memref<128xi32, #tpu.memory_space<vmem>>
            %dma_start3A_141 = arith.constant 0 : i32
            %dma_start3A_142 = arith.constant 0 : i32
            %dma_start3A_143 = tpu.memref_slice %arg29[%dma_start3A_141, %dma_start3A_142] : memref<10008x64xf32, #tpu.memory_space<vmem_shared>> -> memref<10008x64xf32, #tpu.memory_space<vmem_shared>>
            tpu.enqueue_indirect_dma source(%arg32 : memref<128x64xf32, #tpu.memory_space<vmem>>) target(%dma_start3A_143 : memref<10008x64xf32, #tpu.memory_space<vmem_shared>>) offsets(%dma_start3A_140 : memref<128xi32, #tpu.memory_space<vmem>>) semaphore(%run_scoped3A : memref<!tpu.dma_semaphore, #tpu.memory_space<semaphore_mem>>) {add = true}
            %dma_wait3A_144 = arith.constant 0 : i32
            %dma_wait3A_145 = tpu.memref_slice %arg31[%add3A_109, %dma_wait3A_144] : memref<32x128xi32, #tpu.memory_space<vmem>> -> memref<1x128xi32, #tpu.memory_space<vmem>>
            %dma_wait3A_146 = tpu.memref_squeeze %dma_wait3A_145 : memref<1x128xi32, #tpu.memory_space<vmem>> -> memref<128xi32, #tpu.memory_space<vmem>>
            %dma_wait3A_147 = arith.constant 0 : i32
            %dma_wait3A_148 = arith.constant 0 : i32
            %dma_wait3A_149 = tpu.memref_slice %arg29[%dma_wait3A_147, %dma_wait3A_148] : memref<10008x64xf32, #tpu.memory_space<vmem_shared>> -> memref<10008x64xf32, #tpu.memory_space<vmem_shared>>
            tpu.wait_indirect_dma semaphore(%run_scoped3A : memref<!tpu.dma_semaphore, #tpu.memory_space<semaphore_mem>>) src(%arg32 : memref<128x64xf32, #tpu.memory_space<vmem>>) dst(%dma_wait3A_149 : memref<10008x64xf32, #tpu.memory_space<vmem_shared>>)
            tpu.yield
          }) : () -> ()
          %add3A_115 = arith.constant 2 : i32
          %add3A_116 = arith.addi %add3A_109, %add3A_115 : i32
          %lt3A = arith.constant 32 : i32
          %lt3A_117 = arith.cmpi slt, %add3A_116, %lt3A : i32
          %convert_element_type3A_118 = arith.extui %lt3A_117 : i1 to i32
          %cond3A_119 = arith.constant 0 : i32
          %cond3A_120 = arith.cmpi ne, %convert_element_type3A_118, %cond3A_119 : i32
          scf.if %cond3A_120 {
            %add3A_138 = arith.constant 2 : i32
            %add3A_139 = arith.addi %add3A_109, %add3A_138 : i32
            %dma_start3A_140 = arith.constant 0 : i32
            %dma_start3A_141 = tpu.memref_slice %arg30[%add3A_139, %dma_start3A_140] : memref<32x128xi32, #tpu.memory_space<vmem>> -> memref<1x128xi32, #tpu.memory_space<vmem>>
            %dma_start3A_142 = tpu.memref_squeeze %dma_start3A_141 : memref<1x128xi32, #tpu.memory_space<vmem>> -> memref<128xi32, #tpu.memory_space<vmem>>
            %dma_start3A_143 = arith.constant 0 : i32
            %dma_start3A_144 = arith.constant 0 : i32
            %dma_start3A_145 = tpu.memref_slice %arg28[%dma_start3A_143, %dma_start3A_144] : memref<10000x64xf32, #tpu.memory_space<vmem_shared>> -> memref<10000x64xf32, #tpu.memory_space<vmem_shared>>
            tpu.enqueue_indirect_dma source(%dma_start3A_145 : memref<10000x64xf32, #tpu.memory_space<vmem_shared>>) target(%arg32 : memref<128x64xf32, #tpu.memory_space<vmem>>) offsets(%dma_start3A_142 : memref<128xi32, #tpu.memory_space<vmem>>) semaphore(%arg34 : memref<!tpu.dma_semaphore, #tpu.memory_space<semaphore_mem>>)
          } else {
          }
          %mul3A_121 = arith.constant 2 : i32
          %mul3A_122 = arith.muli %scan3A_106, %mul3A_121 : i32
          %add3A_123 = arith.constant 1 : i32
          %add3A_124 = arith.addi %mul3A_122, %add3A_123 : i32
          %dma_wait3A_125 = arith.constant 0 : i32
          %dma_wait3A_126 = tpu.memref_slice %arg30[%add3A_124, %dma_wait3A_125] : memref<32x128xi32, #tpu.memory_space<vmem>> -> memref<1x128xi32, #tpu.memory_space<vmem>>
          %dma_wait3A_127 = tpu.memref_squeeze %dma_wait3A_126 : memref<1x128xi32, #tpu.memory_space<vmem>> -> memref<128xi32, #tpu.memory_space<vmem>>
          %dma_wait3A_128 = arith.constant 0 : i32
          %dma_wait3A_129 = arith.constant 0 : i32
          %dma_wait3A_130 = tpu.memref_slice %arg28[%dma_wait3A_128, %dma_wait3A_129] : memref<10000x64xf32, #tpu.memory_space<vmem_shared>> -> memref<10000x64xf32, #tpu.memory_space<vmem_shared>>
          tpu.wait_indirect_dma semaphore(%arg34 : memref<!tpu.dma_semaphore, #tpu.memory_space<semaphore_mem>>) src(%dma_wait3A_130 : memref<10000x64xf32, #tpu.memory_space<vmem_shared>>) dst(%arg33 : memref<128x64xf32, #tpu.memory_space<vmem>>)
          "tpu.region"() ({
            %run_scoped3A = tpu.sem_alloc : memref<!tpu.dma_semaphore, #tpu.memory_space<semaphore_mem>>
            %dma_start3A_138 = arith.constant 0 : i32
            %dma_start3A_139 = tpu.memref_slice %arg31[%add3A_124, %dma_start3A_138] : memref<32x128xi32, #tpu.memory_space<vmem>> -> memref<1x128xi32, #tpu.memory_space<vmem>>
            %dma_start3A_140 = tpu.memref_squeeze %dma_start3A_139 : memref<1x128xi32, #tpu.memory_space<vmem>> -> memref<128xi32, #tpu.memory_space<vmem>>
            %dma_start3A_141 = arith.constant 0 : i32
            %dma_start3A_142 = arith.constant 0 : i32
            %dma_start3A_143 = tpu.memref_slice %arg29[%dma_start3A_141, %dma_start3A_142] : memref<10008x64xf32, #tpu.memory_space<vmem_shared>> -> memref<10008x64xf32, #tpu.memory_space<vmem_shared>>
            tpu.enqueue_indirect_dma source(%arg33 : memref<128x64xf32, #tpu.memory_space<vmem>>) target(%dma_start3A_143 : memref<10008x64xf32, #tpu.memory_space<vmem_shared>>) offsets(%dma_start3A_140 : memref<128xi32, #tpu.memory_space<vmem>>) semaphore(%run_scoped3A : memref<!tpu.dma_semaphore, #tpu.memory_space<semaphore_mem>>) {add = true}
            %dma_wait3A_144 = arith.constant 0 : i32
            %dma_wait3A_145 = tpu.memref_slice %arg31[%add3A_124, %dma_wait3A_144] : memref<32x128xi32, #tpu.memory_space<vmem>> -> memref<1x128xi32, #tpu.memory_space<vmem>>
            %dma_wait3A_146 = tpu.memref_squeeze %dma_wait3A_145 : memref<1x128xi32, #tpu.memory_space<vmem>> -> memref<128xi32, #tpu.memory_space<vmem>>
            %dma_wait3A_147 = arith.constant 0 : i32
            %dma_wait3A_148 = arith.constant 0 : i32
            %dma_wait3A_149 = tpu.memref_slice %arg29[%dma_wait3A_147, %dma_wait3A_148] : memref<10008x64xf32, #tpu.memory_space<vmem_shared>> -> memref<10008x64xf32, #tpu.memory_space<vmem_shared>>
            tpu.wait_indirect_dma semaphore(%run_scoped3A : memref<!tpu.dma_semaphore, #tpu.memory_space<semaphore_mem>>) src(%arg33 : memref<128x64xf32, #tpu.memory_space<vmem>>) dst(%dma_wait3A_149 : memref<10008x64xf32, #tpu.memory_space<vmem_shared>>)
            tpu.yield
          }) : () -> ()
          %add3A_131 = arith.constant 2 : i32
          %add3A_132 = arith.addi %add3A_124, %add3A_131 : i32
          %lt3A_133 = arith.constant 32 : i32
          %lt3A_134 = arith.cmpi slt, %add3A_132, %lt3A_133 : i32
          %convert_element_type3A_135 = arith.extui %lt3A_134 : i1 to i32
          %cond3A_136 = arith.constant 0 : i32
          %cond3A_137 = arith.cmpi ne, %convert_element_type3A_135, %cond3A_136 : i32
          scf.if %cond3A_137 {
            %add3A_138 = arith.constant 2 : i32
            %add3A_139 = arith.addi %add3A_124, %add3A_138 : i32
            %dma_start3A_140 = arith.constant 0 : i32
            %dma_start3A_141 = tpu.memref_slice %arg30[%add3A_139, %dma_start3A_140] : memref<32x128xi32, #tpu.memory_space<vmem>> -> memref<1x128xi32, #tpu.memory_space<vmem>>
            %dma_start3A_142 = tpu.memref_squeeze %dma_start3A_141 : memref<1x128xi32, #tpu.memory_space<vmem>> -> memref<128xi32, #tpu.memory_space<vmem>>
            %dma_start3A_143 = arith.constant 0 : i32
            %dma_start3A_144 = arith.constant 0 : i32
            %dma_start3A_145 = tpu.memref_slice %arg28[%dma_start3A_143, %dma_start3A_144] : memref<10000x64xf32, #tpu.memory_space<vmem_shared>> -> memref<10000x64xf32, #tpu.memory_space<vmem_shared>>
            tpu.enqueue_indirect_dma source(%dma_start3A_145 : memref<10000x64xf32, #tpu.memory_space<vmem_shared>>) target(%arg33 : memref<128x64xf32, #tpu.memory_space<vmem>>) offsets(%dma_start3A_142 : memref<128xi32, #tpu.memory_space<vmem>>) semaphore(%arg34 : memref<!tpu.dma_semaphore, #tpu.memory_space<semaphore_mem>>)
          } else {
          }
        }
        %scan3A_105 = arith.constant 16 : i32
      }
      %scan3A_74 = arith.constant 5 : i32
      %barrier3A_75 = arith.constant 0 : index
      tpu.barrier barrier_id(%barrier3A_75)
      "tpu.region"() ({
        %run_scoped3A = tpu.sem_alloc : memref<!tpu.dma_semaphore, #tpu.memory_space<semaphore_mem>>
        %dma_start3A = arith.constant 0 : i32
        %dma_start3A_82 = tpu.memref_slice %arg27[%mul3A_0, %dma_start3A] : memref<10000x64xf32, #tpu.memory_space<hbm>> -> memref<624x64xf32, #tpu.memory_space<hbm>>
        %dma_start3A_83 = arith.constant 0 : i32
        %dma_start3A_84 = tpu.memref_slice %arg29[%mul3A_0, %dma_start3A_83] : memref<10008x64xf32, #tpu.memory_space<vmem_shared>> -> memref<624x64xf32, #tpu.memory_space<vmem_shared>>
        tpu.enqueue_dma source(%dma_start3A_84 : memref<624x64xf32, #tpu.memory_space<vmem_shared>>) target(%dma_start3A_82 : memref<624x64xf32, #tpu.memory_space<hbm>>) target_semaphore(%run_scoped3A : memref<!tpu.dma_semaphore, #tpu.memory_space<semaphore_mem>>)
        %dma_wait3A = arith.constant 0 : i32
        %dma_wait3A_85 = tpu.memref_slice %arg27[%mul3A_0, %dma_wait3A] : memref<10000x64xf32, #tpu.memory_space<hbm>> -> memref<624x64xf32, #tpu.memory_space<hbm>>
        %dma_wait3A_86 = arith.constant 0 : i32
        %dma_wait3A_87 = tpu.memref_slice %arg29[%mul3A_0, %dma_wait3A_86] : memref<10008x64xf32, #tpu.memory_space<vmem_shared>> -> memref<624x64xf32, #tpu.memory_space<vmem_shared>>
        tpu.wait_dma2 semaphore(%run_scoped3A : memref<!tpu.dma_semaphore, #tpu.memory_space<semaphore_mem>>) src(%dma_wait3A_87 : memref<624x64xf32, #tpu.memory_space<vmem_shared>>) dst(%dma_wait3A_85 : memref<624x64xf32, #tpu.memory_space<hbm>>)
        tpu.yield
      }) : () -> ()
      %eq3A_76 = arith.constant 0 : i32
      %eq3A_77 = arith.cmpi eq, %arg1, %eq3A_76 : i32
      %convert_element_type3A_78 = arith.extui %eq3A_77 : i1 to i32
      %cond3A_79 = arith.constant 0 : i32
      %cond3A_80 = arith.cmpi ne, %convert_element_type3A_78, %cond3A_79 : i32
      scf.if %cond3A_80 {
        "tpu.region"() ({
          %run_scoped3A = tpu.sem_alloc : memref<!tpu.dma_semaphore, #tpu.memory_space<semaphore_mem>>
          %dma_start3A = arith.constant 9984 : i32
          %dma_start3A_82 = arith.constant 0 : i32
          %dma_start3A_83 = tpu.memref_slice %arg27[%dma_start3A, %dma_start3A_82] : memref<10000x64xf32, #tpu.memory_space<hbm>> -> memref<16x64xf32, #tpu.memory_space<hbm>>
          %dma_start3A_84 = arith.constant 9984 : i32
          %dma_start3A_85 = arith.constant 0 : i32
          %dma_start3A_86 = tpu.memref_slice %arg29[%dma_start3A_84, %dma_start3A_85] : memref<10008x64xf32, #tpu.memory_space<vmem_shared>> -> memref<16x64xf32, #tpu.memory_space<vmem_shared>>
          tpu.enqueue_dma source(%dma_start3A_86 : memref<16x64xf32, #tpu.memory_space<vmem_shared>>) target(%dma_start3A_83 : memref<16x64xf32, #tpu.memory_space<hbm>>) target_semaphore(%run_scoped3A : memref<!tpu.dma_semaphore, #tpu.memory_space<semaphore_mem>>)
          %dma_wait3A = arith.constant 9984 : i32
          %dma_wait3A_87 = arith.constant 0 : i32
          %dma_wait3A_88 = tpu.memref_slice %arg27[%dma_wait3A, %dma_wait3A_87] : memref<10000x64xf32, #tpu.memory_space<hbm>> -> memref<16x64xf32, #tpu.memory_space<hbm>>
          %dma_wait3A_89 = arith.constant 9984 : i32
          %dma_wait3A_90 = arith.constant 0 : i32
          %dma_wait3A_91 = tpu.memref_slice %arg29[%dma_wait3A_89, %dma_wait3A_90] : memref<10008x64xf32, #tpu.memory_space<vmem_shared>> -> memref<16x64xf32, #tpu.memory_space<vmem_shared>>
          tpu.wait_dma2 semaphore(%run_scoped3A : memref<!tpu.dma_semaphore, #tpu.memory_space<semaphore_mem>>) src(%dma_wait3A_91 : memref<16x64xf32, #tpu.memory_space<vmem_shared>>) dst(%dma_wait3A_88 : memref<16x64xf32, #tpu.memory_space<hbm>>)
          tpu.yield
        }) : () -> ()
      } else {
      }
      %barrier3A_81 = arith.constant 0 : index
      tpu.barrier barrier_id(%barrier3A_81)
    } else {
    }
    return
  }
}

module attributes {stable_mosaic.version = 14 : i64} {
  func.func @_tc_body(%arg0: i32, %arg1: memref<1000x128xf32, #tpu.memory_space<vmem>>, %arg2: memref<1000x384xf32, #tpu.memory_space<vmem>>, %arg3: memref<1000x1xf32, #tpu.memory_space<vmem>>, %arg4: memref<128x128xf32, #tpu.memory_space<vmem>>, %arg5: memref<1x128xf32, #tpu.memory_space<vmem>>, %arg6: memref<128x128xf32, #tpu.memory_space<vmem>>, %arg7: memref<1x128xf32, #tpu.memory_space<vmem>>, %arg8: memref<128x128xf32, #tpu.memory_space<vmem>>, %arg9: memref<1x128xf32, #tpu.memory_space<vmem>>, %arg10: memref<20x128xf32, #tpu.memory_space<vmem>>, %arg11: memref<1x128xf32, #tpu.memory_space<vmem>>, %arg12: memref<20x128xf32, #tpu.memory_space<vmem>>, %arg13: memref<1x128xf32, #tpu.memory_space<vmem>>, %arg14: memref<128x384xf32, #tpu.memory_space<vmem>>, %arg15: memref<1000x64xf32, #tpu.memory_space<vmem>>, %arg16: memref<1000x64xf32, #tpu.memory_space<vmem>>, %arg17: memref<1000x64xf32, #tpu.memory_space<vmem>>, %arg18: memref<1000x64xf32, #tpu.memory_space<vmem>>, %arg19: memref<1000x64xf32, #tpu.memory_space<vmem>>, %arg20: memref<1000x64xf32, #tpu.memory_space<vmem>>, %arg21: memref<1000x64xf32, #tpu.memory_space<vmem>>, %arg22: memref<1000x64xf32, #tpu.memory_space<vmem>>, %arg23: memref<1000x64xf32, #tpu.memory_space<vmem>>, %arg24: memref<1000x64xf32, #tpu.memory_space<vmem>>, %arg25: memref<1000x64xf32, #tpu.memory_space<vmem>>, %arg26: memref<1000x64xf32, #tpu.memory_space<vmem>>, %arg27: memref<1000x64xf32, #tpu.memory_space<vmem>>, %arg28: memref<1000x64xf32, #tpu.memory_space<vmem>>, %arg29: memref<1000x64xf32, #tpu.memory_space<vmem>>, %arg30: memref<1000x64xf32, #tpu.memory_space<vmem>>) attributes {dimension_semantics = [#tpu.dimension_semantics<arbitrary>], iteration_bounds = array<i64: 10>, scalar_prefetch = 0 : i64, scratch_operands = 0 : i64, tpu.core_type = #tpu.core_type<tc>, window_params = [{transform_indices = @transform_0, window_bounds = array<i64: 1000, 128>}, {transform_indices = @transform_1, window_bounds = array<i64: 1000, 384>}, {transform_indices = @transform_2, window_bounds = array<i64: 1000, 1>}, {pipeline_mode = #tpu.pipeline_mode<synchronous>, transform_indices = @transform_3, window_bounds = array<i64: 128, 128>}, {pipeline_mode = #tpu.pipeline_mode<synchronous>, transform_indices = @transform_4, window_bounds = array<i64: 1, 128>}, {pipeline_mode = #tpu.pipeline_mode<synchronous>, transform_indices = @transform_5, window_bounds = array<i64: 128, 128>}, {pipeline_mode = #tpu.pipeline_mode<synchronous>, transform_indices = @transform_6, window_bounds = array<i64: 1, 128>}, {pipeline_mode = #tpu.pipeline_mode<synchronous>, transform_indices = @transform_7, window_bounds = array<i64: 128, 128>}, {pipeline_mode = #tpu.pipeline_mode<synchronous>, transform_indices = @transform_8, window_bounds = array<i64: 1, 128>}, {pipeline_mode = #tpu.pipeline_mode<synchronous>, transform_indices = @transform_9, window_bounds = array<i64: 20, 128>}, {pipeline_mode = #tpu.pipeline_mode<synchronous>, transform_indices = @transform_10, window_bounds = array<i64: 1, 128>}, {pipeline_mode = #tpu.pipeline_mode<synchronous>, transform_indices = @transform_11, window_bounds = array<i64: 20, 128>}, {pipeline_mode = #tpu.pipeline_mode<synchronous>, transform_indices = @transform_12, window_bounds = array<i64: 1, 128>}, {pipeline_mode = #tpu.pipeline_mode<synchronous>, transform_indices = @transform_13, window_bounds = array<i64: 128, 384>}, {transform_indices = @transform_14, window_bounds = array<i64: 1000, 64>}, {transform_indices = @transform_15, window_bounds = array<i64: 1000, 64>}, {transform_indices = @transform_16, window_bounds = array<i64: 1000, 64>}, {transform_indices = @transform_17, window_bounds = array<i64: 1000, 64>}, {transform_indices = @transform_18, window_bounds = array<i64: 1000, 64>}, {transform_indices = @transform_19, window_bounds = array<i64: 1000, 64>}, {transform_indices = @transform_20, window_bounds = array<i64: 1000, 64>}, {transform_indices = @transform_21, window_bounds = array<i64: 1000, 64>}, {transform_indices = @transform_22, window_bounds = array<i64: 1000, 64>}, {transform_indices = @transform_23, window_bounds = array<i64: 1000, 64>}, {transform_indices = @transform_24, window_bounds = array<i64: 1000, 64>}, {transform_indices = @transform_25, window_bounds = array<i64: 1000, 64>}, {transform_indices = @transform_26, window_bounds = array<i64: 1000, 64>}, {transform_indices = @transform_27, window_bounds = array<i64: 1000, 64>}, {transform_indices = @transform_28, window_bounds = array<i64: 1000, 64>}, {transform_indices = @transform_29, window_bounds = array<i64: 1000, 64>}]} {
    %get3A = arith.constant 0 : index
    %get3A_0 = arith.constant 0 : index
    %get3A_1 = vector.load %arg3[%get3A, %get3A_0] : memref<1000x1xf32, #tpu.memory_space<vmem>>, vector<1000x1xf32>
    %iota3A = tpu.iota {dimensions = array<i32: 1>} : vector<1000x20xi32>
    %convert_element_type3A = arith.sitofp %iota3A : vector<1000x20xi32> to vector<1000x20xf32>
    %add3A = arith.constant 1.000000e+00 : f32
    %add3A_2 = vector.broadcast %add3A : f32 to vector<1000x20xf32>
    %add3A_3 = arith.addf %convert_element_type3A, %add3A_2 : vector<1000x20xf32>
    %mul3A = arith.constant 0.628318548 : f32
    %mul3A_4 = vector.broadcast %mul3A : f32 to vector<1000x20xf32>
    %mul3A_5 = arith.mulf %add3A_3, %mul3A_4 : vector<1000x20xf32>
    %mul3A_6 = vector.broadcast %get3A_1 : vector<1000x1xf32> to vector<1000x20xf32>
    %mul3A_7 = arith.mulf %mul3A_5, %mul3A_6 : vector<1000x20xf32>
    %sin3A = math.sin %mul3A_7 : vector<1000x20xf32>
    %div3A = vector.broadcast %get3A_1 : vector<1000x1xf32> to vector<1000x20xf32>
    %div3A_8 = arith.divf %sin3A, %div3A : vector<1000x20xf32>
    %le3A = arith.constant 5.000000e+00 : f32
    %le3A_9 = vector.broadcast %le3A : f32 to vector<1000x1xf32>
    %le3A_10 = arith.cmpf ole, %get3A_1, %le3A_9 : vector<1000x1xf32>
    %mul3A_11 = arith.constant 0.628318548 : f32
    %mul3A_12 = vector.broadcast %mul3A_11 : f32 to vector<1000x1xf32>
    %mul3A_13 = arith.mulf %mul3A_12, %get3A_1 : vector<1000x1xf32>
    %cos3A = math.cos %mul3A_13 : vector<1000x1xf32>
    %add3A_14 = arith.constant 1.000000e+00 : f32
    %add3A_15 = vector.broadcast %add3A_14 : f32 to vector<1000x1xf32>
    %add3A_16 = arith.addf %cos3A, %add3A_15 : vector<1000x1xf32>
    %mul3A_17 = arith.constant 5.000000e-01 : f32
    %mul3A_18 = vector.broadcast %mul3A_17 : f32 to vector<1000x1xf32>
    %mul3A_19 = arith.mulf %mul3A_18, %add3A_16 : vector<1000x1xf32>
    %jit3A = arith.constant 0.000000e+00 : f32
    %broadcast_in_dim3A = vector.broadcast %jit3A : f32 to vector<1000x1xf32>
    %select_n3A = arith.select %le3A_10, %mul3A_19, %broadcast_in_dim3A : vector<1000x1xi1>, vector<1000x1xf32>
    %get3A_20 = arith.constant 0 : index
    %get3A_21 = arith.constant 0 : index
    %get3A_22 = vector.load %arg1[%get3A_20, %get3A_21] : memref<1000x128xf32, #tpu.memory_space<vmem>>, vector<1000x128xf32>
    %get3A_23 = arith.constant 0 : index
    %get3A_24 = arith.constant 0 : index
    %get3A_25 = vector.load %arg4[%get3A_23, %get3A_24] : memref<128x128xf32, #tpu.memory_space<vmem>>, vector<128x128xf32>
    %dot_general3A = arith.constant dense<0.000000e+00> : vector<1000x128xf32>
    %dot_general3A_26 = tpu.matmul %get3A_22, %get3A_25, %dot_general3A {dimension_numbers = #tpu.dot_dimension_numbers<[1], [0], [0], [1], [0, 0, 1, 1], [], []>, transpose_lhs_hint = false} : vector<1000x128xf32>, vector<128x128xf32>, vector<1000x128xf32> -> vector<1000x128xf32>
    %get3A_27 = arith.constant 0 : index
    %get3A_28 = arith.constant 0 : index
    %get3A_29 = vector.load %arg5[%get3A_27, %get3A_28] : memref<1x128xf32, #tpu.memory_space<vmem>>, vector<1x128xf32>
    %add3A_30 = vector.broadcast %get3A_29 : vector<1x128xf32> to vector<1000x128xf32>
    %add3A_31 = arith.addf %dot_general3A_26, %add3A_30 : vector<1000x128xf32>
    %neg3A = arith.constant 0.000000e+00 : f32
    %neg3A_32 = vector.broadcast %neg3A : f32 to vector<1000x128xf32>
    %neg3A_33 = arith.subf %neg3A_32, %add3A_31 : vector<1000x128xf32>
    %exp3A = math.exp %neg3A_33 : vector<1000x128xf32>
    %add3A_34 = arith.constant 1.000000e+00 : f32
    %add3A_35 = vector.broadcast %add3A_34 : f32 to vector<1000x128xf32>
    %add3A_36 = arith.addf %add3A_35, %exp3A : vector<1000x128xf32>
    %div3A_37 = arith.constant 1.000000e+00 : f32
    %div3A_38 = vector.broadcast %div3A_37 : f32 to vector<1000x128xf32>
    %div3A_39 = arith.divf %div3A_38, %add3A_36 : vector<1000x128xf32>
    %mul3A_40 = arith.mulf %add3A_31, %div3A_39 : vector<1000x128xf32>
    %get3A_41 = arith.constant 0 : index
    %get3A_42 = arith.constant 0 : index
    %get3A_43 = vector.load %arg6[%get3A_41, %get3A_42] : memref<128x128xf32, #tpu.memory_space<vmem>>, vector<128x128xf32>
    %dot_general3A_44 = arith.constant dense<0.000000e+00> : vector<1000x128xf32>
    %dot_general3A_45 = tpu.matmul %mul3A_40, %get3A_43, %dot_general3A_44 {dimension_numbers = #tpu.dot_dimension_numbers<[1], [0], [0], [1], [0, 0, 1, 1], [], []>, transpose_lhs_hint = false} : vector<1000x128xf32>, vector<128x128xf32>, vector<1000x128xf32> -> vector<1000x128xf32>
    %get3A_46 = arith.constant 0 : index
    %get3A_47 = arith.constant 0 : index
    %get3A_48 = vector.load %arg7[%get3A_46, %get3A_47] : memref<1x128xf32, #tpu.memory_space<vmem>>, vector<1x128xf32>
    %add3A_49 = vector.broadcast %get3A_48 : vector<1x128xf32> to vector<1000x128xf32>
    %add3A_50 = arith.addf %dot_general3A_45, %add3A_49 : vector<1000x128xf32>
    %get3A_51 = arith.constant 0 : index
    %get3A_52 = arith.constant 0 : index
    %get3A_53 = vector.load %arg8[%get3A_51, %get3A_52] : memref<128x128xf32, #tpu.memory_space<vmem>>, vector<128x128xf32>
    %dot_general3A_54 = arith.constant dense<0.000000e+00> : vector<1000x128xf32>
    %dot_general3A_55 = tpu.matmul %mul3A_40, %get3A_53, %dot_general3A_54 {dimension_numbers = #tpu.dot_dimension_numbers<[1], [0], [0], [1], [0, 0, 1, 1], [], []>, transpose_lhs_hint = false} : vector<1000x128xf32>, vector<128x128xf32>, vector<1000x128xf32> -> vector<1000x128xf32>
    %get3A_56 = arith.constant 0 : index
    %get3A_57 = arith.constant 0 : index
    %get3A_58 = vector.load %arg9[%get3A_56, %get3A_57] : memref<1x128xf32, #tpu.memory_space<vmem>>, vector<1x128xf32>
    %add3A_59 = vector.broadcast %get3A_58 : vector<1x128xf32> to vector<1000x128xf32>
    %add3A_60 = arith.addf %dot_general3A_55, %add3A_59 : vector<1000x128xf32>
    %get3A_61 = arith.constant 0 : index
    %get3A_62 = arith.constant 0 : index
    %get3A_63 = vector.load %arg10[%get3A_61, %get3A_62] : memref<20x128xf32, #tpu.memory_space<vmem>>, vector<20x128xf32>
    %dot_general3A_64 = arith.constant dense<0.000000e+00> : vector<1000x128xf32>
    %dot_general3A_65 = tpu.matmul %div3A_8, %get3A_63, %dot_general3A_64 {dimension_numbers = #tpu.dot_dimension_numbers<[1], [0], [0], [1], [0, 0, 1, 1], [], []>, transpose_lhs_hint = false} : vector<1000x20xf32>, vector<20x128xf32>, vector<1000x128xf32> -> vector<1000x128xf32>
    %get3A_66 = arith.constant 0 : index
    %get3A_67 = arith.constant 0 : index
    %get3A_68 = vector.load %arg11[%get3A_66, %get3A_67] : memref<1x128xf32, #tpu.memory_space<vmem>>, vector<1x128xf32>
    %add3A_69 = vector.broadcast %get3A_68 : vector<1x128xf32> to vector<1000x128xf32>
    %add3A_70 = arith.addf %dot_general3A_65, %add3A_69 : vector<1000x128xf32>
    %get3A_71 = arith.constant 0 : index
    %get3A_72 = arith.constant 0 : index
    %get3A_73 = vector.load %arg12[%get3A_71, %get3A_72] : memref<20x128xf32, #tpu.memory_space<vmem>>, vector<20x128xf32>
    %dot_general3A_74 = arith.constant dense<0.000000e+00> : vector<1000x128xf32>
    %dot_general3A_75 = tpu.matmul %div3A_8, %get3A_73, %dot_general3A_74 {dimension_numbers = #tpu.dot_dimension_numbers<[1], [0], [0], [1], [0, 0, 1, 1], [], []>, transpose_lhs_hint = false} : vector<1000x20xf32>, vector<20x128xf32>, vector<1000x128xf32> -> vector<1000x128xf32>
    %get3A_76 = arith.constant 0 : index
    %get3A_77 = arith.constant 0 : index
    %get3A_78 = vector.load %arg13[%get3A_76, %get3A_77] : memref<1x128xf32, #tpu.memory_space<vmem>>, vector<1x128xf32>
    %add3A_79 = vector.broadcast %get3A_78 : vector<1x128xf32> to vector<1000x128xf32>
    %add3A_80 = arith.addf %dot_general3A_75, %add3A_79 : vector<1000x128xf32>
    %mul3A_81 = vector.broadcast %select_n3A : vector<1000x1xf32> to vector<1000x128xf32>
    %mul3A_82 = arith.mulf %add3A_70, %mul3A_81 : vector<1000x128xf32>
    %mul3A_83 = arith.mulf %mul3A_82, %add3A_50 : vector<1000x128xf32>
    %mul3A_84 = vector.broadcast %select_n3A : vector<1000x1xf32> to vector<1000x128xf32>
    %mul3A_85 = arith.mulf %add3A_80, %mul3A_84 : vector<1000x128xf32>
    %mul3A_86 = arith.mulf %mul3A_85, %add3A_60 : vector<1000x128xf32>
    %get3A_87 = arith.constant 0 : index
    %get3A_88 = arith.constant 0 : index
    %get3A_89 = vector.load %arg14[%get3A_87, %get3A_88] : memref<128x384xf32, #tpu.memory_space<vmem>>, vector<128x384xf32>
    %dot_general3A_90 = arith.constant dense<0.000000e+00> : vector<1000x384xf32>
    %dot_general3A_91 = tpu.matmul %mul3A_83, %get3A_89, %dot_general3A_90 {dimension_numbers = #tpu.dot_dimension_numbers<[1], [0], [0], [1], [0, 0, 1, 1], [], []>, transpose_lhs_hint = false} : vector<1000x128xf32>, vector<128x384xf32>, vector<1000x384xf32> -> vector<1000x384xf32>
    %get3A_92 = arith.constant 0 : index
    %get3A_93 = arith.constant 0 : index
    %get3A_94 = vector.load %arg2[%get3A_92, %get3A_93] : memref<1000x384xf32, #tpu.memory_space<vmem>>, vector<1000x384xf32>
    %mul3A_95 = arith.mulf %get3A_94, %dot_general3A_91 : vector<1000x384xf32>
    %slice3A = vector.extract_strided_slice %mul3A_86 {offsets = [0, 0], sizes = [1000, 64], strides = [1, 1]} : vector<1000x128xf32> to vector<1000x64xf32>
    %slice3A_96 = vector.extract_strided_slice %mul3A_86 {offsets = [0, 64], sizes = [1000, 64], strides = [1, 1]} : vector<1000x128xf32> to vector<1000x64xf32>
    %slice3A_97 = vector.extract_strided_slice %mul3A_95 {offsets = [0, 0], sizes = [1000, 64], strides = [1, 1]} : vector<1000x384xf32> to vector<1000x64xf32>
    %slice3A_98 = vector.extract_strided_slice %mul3A_95 {offsets = [0, 64], sizes = [1000, 64], strides = [1, 1]} : vector<1000x384xf32> to vector<1000x64xf32>
    %slice3A_99 = vector.extract_strided_slice %mul3A_95 {offsets = [0, 128], sizes = [1000, 64], strides = [1, 1]} : vector<1000x384xf32> to vector<1000x64xf32>
    %slice3A_100 = vector.extract_strided_slice %mul3A_95 {offsets = [0, 192], sizes = [1000, 64], strides = [1, 1]} : vector<1000x384xf32> to vector<1000x64xf32>
    %slice3A_101 = vector.extract_strided_slice %mul3A_95 {offsets = [0, 256], sizes = [1000, 64], strides = [1, 1]} : vector<1000x384xf32> to vector<1000x64xf32>
    %slice3A_102 = vector.extract_strided_slice %mul3A_95 {offsets = [0, 320], sizes = [1000, 64], strides = [1, 1]} : vector<1000x384xf32> to vector<1000x64xf32>
    %get3A_103 = arith.constant 0 : index
    %get3A_104 = arith.constant 0 : index
    %get3A_105 = vector.load %arg1[%get3A_103, %get3A_104] : memref<1000x128xf32, #tpu.memory_space<vmem>>, vector<1000x64xf32>
    %get3A_106 = arith.constant 0 : index
    %get3A_107 = arith.constant 64 : index
    %get3A_108 = vector.load %arg1[%get3A_106, %get3A_107] : memref<1000x128xf32, #tpu.memory_space<vmem>>, vector<1000x64xf32>
    %slice3A_109 = vector.extract_strided_slice %get3A_94 {offsets = [0, 0], sizes = [1000, 64], strides = [1, 1]} : vector<1000x384xf32> to vector<1000x64xf32>
    %slice3A_110 = vector.extract_strided_slice %get3A_94 {offsets = [0, 64], sizes = [1000, 64], strides = [1, 1]} : vector<1000x384xf32> to vector<1000x64xf32>
    %slice3A_111 = vector.extract_strided_slice %get3A_94 {offsets = [0, 128], sizes = [1000, 64], strides = [1, 1]} : vector<1000x384xf32> to vector<1000x64xf32>
    %slice3A_112 = vector.extract_strided_slice %get3A_94 {offsets = [0, 192], sizes = [1000, 64], strides = [1, 1]} : vector<1000x384xf32> to vector<1000x64xf32>
    %slice3A_113 = vector.extract_strided_slice %get3A_94 {offsets = [0, 256], sizes = [1000, 64], strides = [1, 1]} : vector<1000x384xf32> to vector<1000x64xf32>
    %slice3A_114 = vector.extract_strided_slice %get3A_94 {offsets = [0, 320], sizes = [1000, 64], strides = [1, 1]} : vector<1000x384xf32> to vector<1000x64xf32>
    %swap3A = arith.constant 0 : index
    %swap3A_115 = arith.constant 0 : index
    %swap3A_116 = vector.load %arg15[%swap3A, %swap3A_115] : memref<1000x64xf32, #tpu.memory_space<vmem>>, vector<1000x64xf32>
    tpu.vector_store %arg15[%swap3A, %swap3A_115], %slice3A {strides = array<i32>} : memref<1000x64xf32, #tpu.memory_space<vmem>>, vector<1000x64xf32>,
    %swap3A_117 = arith.constant 0 : index
    %swap3A_118 = arith.constant 0 : index
    %swap3A_119 = vector.load %arg23[%swap3A_117, %swap3A_118] : memref<1000x64xf32, #tpu.memory_space<vmem>>, vector<1000x64xf32>
    tpu.vector_store %arg23[%swap3A_117, %swap3A_118], %get3A_105 {strides = array<i32>} : memref<1000x64xf32, #tpu.memory_space<vmem>>, vector<1000x64xf32>,
    %swap3A_120 = arith.constant 0 : index
    %swap3A_121 = arith.constant 0 : index
    %swap3A_122 = vector.load %arg16[%swap3A_120, %swap3A_121] : memref<1000x64xf32, #tpu.memory_space<vmem>>, vector<1000x64xf32>
    tpu.vector_store %arg16[%swap3A_120, %swap3A_121], %slice3A_96 {strides = array<i32>} : memref<1000x64xf32, #tpu.memory_space<vmem>>, vector<1000x64xf32>,
    %swap3A_123 = arith.constant 0 : index
    %swap3A_124 = arith.constant 0 : index
    %swap3A_125 = vector.load %arg24[%swap3A_123, %swap3A_124] : memref<1000x64xf32, #tpu.memory_space<vmem>>, vector<1000x64xf32>
    tpu.vector_store %arg24[%swap3A_123, %swap3A_124], %get3A_108 {strides = array<i32>} : memref<1000x64xf32, #tpu.memory_space<vmem>>, vector<1000x64xf32>,
    %swap3A_126 = arith.constant 0 : index
    %swap3A_127 = arith.constant 0 : index
    %swap3A_128 = vector.load %arg17[%swap3A_126, %swap3A_127] : memref<1000x64xf32, #tpu.memory_space<vmem>>, vector<1000x64xf32>
    tpu.vector_store %arg17[%swap3A_126, %swap3A_127], %slice3A_97 {strides = array<i32>} : memref<1000x64xf32, #tpu.memory_space<vmem>>, vector<1000x64xf32>,
    %swap3A_129 = arith.constant 0 : index
    %swap3A_130 = arith.constant 0 : index
    %swap3A_131 = vector.load %arg25[%swap3A_129, %swap3A_130] : memref<1000x64xf32, #tpu.memory_space<vmem>>, vector<1000x64xf32>
    tpu.vector_store %arg25[%swap3A_129, %swap3A_130], %slice3A_109 {strides = array<i32>} : memref<1000x64xf32, #tpu.memory_space<vmem>>, vector<1000x64xf32>,
    %swap3A_132 = arith.constant 0 : index
    %swap3A_133 = arith.constant 0 : index
    %swap3A_134 = vector.load %arg18[%swap3A_132, %swap3A_133] : memref<1000x64xf32, #tpu.memory_space<vmem>>, vector<1000x64xf32>
    tpu.vector_store %arg18[%swap3A_132, %swap3A_133], %slice3A_98 {strides = array<i32>} : memref<1000x64xf32, #tpu.memory_space<vmem>>, vector<1000x64xf32>,
    %swap3A_135 = arith.constant 0 : index
    %swap3A_136 = arith.constant 0 : index
    %swap3A_137 = vector.load %arg26[%swap3A_135, %swap3A_136] : memref<1000x64xf32, #tpu.memory_space<vmem>>, vector<1000x64xf32>
    tpu.vector_store %arg26[%swap3A_135, %swap3A_136], %slice3A_110 {strides = array<i32>} : memref<1000x64xf32, #tpu.memory_space<vmem>>, vector<1000x64xf32>,
    %swap3A_138 = arith.constant 0 : index
    %swap3A_139 = arith.constant 0 : index
    %swap3A_140 = vector.load %arg19[%swap3A_138, %swap3A_139] : memref<1000x64xf32, #tpu.memory_space<vmem>>, vector<1000x64xf32>
    tpu.vector_store %arg19[%swap3A_138, %swap3A_139], %slice3A_99 {strides = array<i32>} : memref<1000x64xf32, #tpu.memory_space<vmem>>, vector<1000x64xf32>,
    %swap3A_141 = arith.constant 0 : index
    %swap3A_142 = arith.constant 0 : index
    %swap3A_143 = vector.load %arg27[%swap3A_141, %swap3A_142] : memref<1000x64xf32, #tpu.memory_space<vmem>>, vector<1000x64xf32>
    tpu.vector_store %arg27[%swap3A_141, %swap3A_142], %slice3A_111 {strides = array<i32>} : memref<1000x64xf32, #tpu.memory_space<vmem>>, vector<1000x64xf32>,
    %swap3A_144 = arith.constant 0 : index
    %swap3A_145 = arith.constant 0 : index
    %swap3A_146 = vector.load %arg20[%swap3A_144, %swap3A_145] : memref<1000x64xf32, #tpu.memory_space<vmem>>, vector<1000x64xf32>
    tpu.vector_store %arg20[%swap3A_144, %swap3A_145], %slice3A_100 {strides = array<i32>} : memref<1000x64xf32, #tpu.memory_space<vmem>>, vector<1000x64xf32>,
    %swap3A_147 = arith.constant 0 : index
    %swap3A_148 = arith.constant 0 : index
    %swap3A_149 = vector.load %arg28[%swap3A_147, %swap3A_148] : memref<1000x64xf32, #tpu.memory_space<vmem>>, vector<1000x64xf32>
    tpu.vector_store %arg28[%swap3A_147, %swap3A_148], %slice3A_112 {strides = array<i32>} : memref<1000x64xf32, #tpu.memory_space<vmem>>, vector<1000x64xf32>,
    %swap3A_150 = arith.constant 0 : index
    %swap3A_151 = arith.constant 0 : index
    %swap3A_152 = vector.load %arg21[%swap3A_150, %swap3A_151] : memref<1000x64xf32, #tpu.memory_space<vmem>>, vector<1000x64xf32>
    tpu.vector_store %arg21[%swap3A_150, %swap3A_151], %slice3A_101 {strides = array<i32>} : memref<1000x64xf32, #tpu.memory_space<vmem>>, vector<1000x64xf32>,
    %swap3A_153 = arith.constant 0 : index
    %swap3A_154 = arith.constant 0 : index
    %swap3A_155 = vector.load %arg29[%swap3A_153, %swap3A_154] : memref<1000x64xf32, #tpu.memory_space<vmem>>, vector<1000x64xf32>
    tpu.vector_store %arg29[%swap3A_153, %swap3A_154], %slice3A_113 {strides = array<i32>} : memref<1000x64xf32, #tpu.memory_space<vmem>>, vector<1000x64xf32>,
    %swap3A_156 = arith.constant 0 : index
    %swap3A_157 = arith.constant 0 : index
    %swap3A_158 = vector.load %arg22[%swap3A_156, %swap3A_157] : memref<1000x64xf32, #tpu.memory_space<vmem>>, vector<1000x64xf32>
    tpu.vector_store %arg22[%swap3A_156, %swap3A_157], %slice3A_102 {strides = array<i32>} : memref<1000x64xf32, #tpu.memory_space<vmem>>, vector<1000x64xf32>,
    %swap3A_159 = arith.constant 0 : index
    %swap3A_160 = arith.constant 0 : index
    %swap3A_161 = vector.load %arg30[%swap3A_159, %swap3A_160] : memref<1000x64xf32, #tpu.memory_space<vmem>>, vector<1000x64xf32>
    tpu.vector_store %arg30[%swap3A_159, %swap3A_160], %slice3A_114 {strides = array<i32>} : memref<1000x64xf32, #tpu.memory_space<vmem>>, vector<1000x64xf32>,
    return
  }
  func.func @transform_0(%arg0: i32) -> (i32, i32) {
    %c0_i32 = arith.constant 0 : i32
    %c0_i32_0 = arith.constant 0 : i32
    return %arg0, %c0_i32 : i32, i32
  }
  func.func @transform_1(%arg0: i32) -> (i32, i32) {
    %c0_i32 = arith.constant 0 : i32
    %c0_i32_0 = arith.constant 0 : i32
    return %arg0, %c0_i32 : i32, i32
  }
  func.func @transform_2(%arg0: i32) -> (i32, i32) {
    %c0_i32 = arith.constant 0 : i32
    %c0_i32_0 = arith.constant 0 : i32
    return %arg0, %c0_i32 : i32, i32
  }
  func.func @transform_3(%arg0: i32) -> (i32, i32) {
    %c0_i32 = arith.constant 0 : i32
    %c0_i32_0 = arith.constant 0 : i32
    %c0_i32_1 = arith.constant 0 : i32
    return %c0_i32, %c0_i32_0 : i32, i32
  }
  func.func @transform_4(%arg0: i32) -> (i32, i32) {
    %c0_i32 = arith.constant 0 : i32
    %c0_i32_0 = arith.constant 0 : i32
    %c0_i32_1 = arith.constant 0 : i32
    return %c0_i32, %c0_i32_0 : i32, i32
  }
  func.func @transform_5(%arg0: i32) -> (i32, i32) {
    %c0_i32 = arith.constant 0 : i32
    %c0_i32_0 = arith.constant 0 : i32
    %c0_i32_1 = arith.constant 0 : i32
    return %c0_i32, %c0_i32_0 : i32, i32
  }
  func.func @transform_6(%arg0: i32) -> (i32, i32) {
    %c0_i32 = arith.constant 0 : i32
    %c0_i32_0 = arith.constant 0 : i32
    %c0_i32_1 = arith.constant 0 : i32
    return %c0_i32, %c0_i32_0 : i32, i32
  }
  func.func @transform_7(%arg0: i32) -> (i32, i32) {
    %c0_i32 = arith.constant 0 : i32
    %c0_i32_0 = arith.constant 0 : i32
    %c0_i32_1 = arith.constant 0 : i32
    return %c0_i32, %c0_i32_0 : i32, i32
  }
  func.func @transform_8(%arg0: i32) -> (i32, i32) {
    %c0_i32 = arith.constant 0 : i32
    %c0_i32_0 = arith.constant 0 : i32
    %c0_i32_1 = arith.constant 0 : i32
    return %c0_i32, %c0_i32_0 : i32, i32
  }
  func.func @transform_9(%arg0: i32) -> (i32, i32) {
    %c0_i32 = arith.constant 0 : i32
    %c0_i32_0 = arith.constant 0 : i32
    %c0_i32_1 = arith.constant 0 : i32
    return %c0_i32, %c0_i32_0 : i32, i32
  }
  func.func @transform_10(%arg0: i32) -> (i32, i32) {
    %c0_i32 = arith.constant 0 : i32
    %c0_i32_0 = arith.constant 0 : i32
    %c0_i32_1 = arith.constant 0 : i32
    return %c0_i32, %c0_i32_0 : i32, i32
  }
  func.func @transform_11(%arg0: i32) -> (i32, i32) {
    %c0_i32 = arith.constant 0 : i32
    %c0_i32_0 = arith.constant 0 : i32
    %c0_i32_1 = arith.constant 0 : i32
    return %c0_i32, %c0_i32_0 : i32, i32
  }
  func.func @transform_12(%arg0: i32) -> (i32, i32) {
    %c0_i32 = arith.constant 0 : i32
    %c0_i32_0 = arith.constant 0 : i32
    %c0_i32_1 = arith.constant 0 : i32
    return %c0_i32, %c0_i32_0 : i32, i32
  }
  func.func @transform_13(%arg0: i32) -> (i32, i32) {
    %c0_i32 = arith.constant 0 : i32
    %c0_i32_0 = arith.constant 0 : i32
    %c0_i32_1 = arith.constant 0 : i32
    return %c0_i32, %c0_i32_0 : i32, i32
  }
  func.func @transform_14(%arg0: i32) -> (i32, i32) {
    %c0_i32 = arith.constant 0 : i32
    %c0_i32_0 = arith.constant 0 : i32
    return %arg0, %c0_i32 : i32, i32
  }
  func.func @transform_15(%arg0: i32) -> (i32, i32) {
    %c0_i32 = arith.constant 0 : i32
    %c0_i32_0 = arith.constant 0 : i32
    return %arg0, %c0_i32 : i32, i32
  }
  func.func @transform_16(%arg0: i32) -> (i32, i32) {
    %c0_i32 = arith.constant 0 : i32
    %c0_i32_0 = arith.constant 0 : i32
    return %arg0, %c0_i32 : i32, i32
  }
  func.func @transform_17(%arg0: i32) -> (i32, i32) {
    %c0_i32 = arith.constant 0 : i32
    %c0_i32_0 = arith.constant 0 : i32
    return %arg0, %c0_i32 : i32, i32
  }
  func.func @transform_18(%arg0: i32) -> (i32, i32) {
    %c0_i32 = arith.constant 0 : i32
    %c0_i32_0 = arith.constant 0 : i32
    return %arg0, %c0_i32 : i32, i32
  }
  func.func @transform_19(%arg0: i32) -> (i32, i32) {
    %c0_i32 = arith.constant 0 : i32
    %c0_i32_0 = arith.constant 0 : i32
    return %arg0, %c0_i32 : i32, i32
  }
  func.func @transform_20(%arg0: i32) -> (i32, i32) {
    %c0_i32 = arith.constant 0 : i32
    %c0_i32_0 = arith.constant 0 : i32
    return %arg0, %c0_i32 : i32, i32
  }
  func.func @transform_21(%arg0: i32) -> (i32, i32) {
    %c0_i32 = arith.constant 0 : i32
    %c0_i32_0 = arith.constant 0 : i32
    return %arg0, %c0_i32 : i32, i32
  }
  func.func @transform_22(%arg0: i32) -> (i32, i32) {
    %c0_i32 = arith.constant 0 : i32
    %c0_i32_0 = arith.constant 0 : i32
    return %arg0, %c0_i32 : i32, i32
  }
  func.func @transform_23(%arg0: i32) -> (i32, i32) {
    %c0_i32 = arith.constant 0 : i32
    %c0_i32_0 = arith.constant 0 : i32
    return %arg0, %c0_i32 : i32, i32
  }
  func.func @transform_24(%arg0: i32) -> (i32, i32) {
    %c0_i32 = arith.constant 0 : i32
    %c0_i32_0 = arith.constant 0 : i32
    return %arg0, %c0_i32 : i32, i32
  }
  func.func @transform_25(%arg0: i32) -> (i32, i32) {
    %c0_i32 = arith.constant 0 : i32
    %c0_i32_0 = arith.constant 0 : i32
    return %arg0, %c0_i32 : i32, i32
  }
  func.func @transform_26(%arg0: i32) -> (i32, i32) {
    %c0_i32 = arith.constant 0 : i32
    %c0_i32_0 = arith.constant 0 : i32
    return %arg0, %c0_i32 : i32, i32
  }
  func.func @transform_27(%arg0: i32) -> (i32, i32) {
    %c0_i32 = arith.constant 0 : i32
    %c0_i32_0 = arith.constant 0 : i32
    return %arg0, %c0_i32 : i32, i32
  }
  func.func @transform_28(%arg0: i32) -> (i32, i32) {
    %c0_i32 = arith.constant 0 : i32
    %c0_i32_0 = arith.constant 0 : i32
    return %arg0, %c0_i32 : i32, i32
  }
  func.func @transform_29(%arg0: i32) -> (i32, i32) {
    %c0_i32 = arith.constant 0 : i32
    %c0_i32_0 = arith.constant 0 : i32
    return %arg0, %c0_i32 : i32, i32
  }
}

</mosaic_0001>

<sc_bundles>
// kernel: kernel.4.cloned.1.call-start
scs
__scs_entry_jumppad:
0x0: {  	(pc) =	sbr.rel $0x88, $3  }
0x1: {  	(tag) =	ssettag $0x0;
	lr =	simm.s32 $0x1  }
0x2: {  	[smem:$0x3F97] =	sst lr;
	_ =	strace $0xD0000000  }
0x3: {  	_ = 	snop  }
0x4: {  	_ = 	snop  }
0x5: {  	_ = 	snop  }
0x6: {  	_ = 	snop  }
0x7: {  	_ = 	snop  }
__scs_overlays_trampoline_lowered:
0x8: {  	[smem:$0x3FA6] =	sst s0  }
0x9: {  	[smem:$0x3FA7] =	sst s1  }
0xa: {  	[smem:$0x3FA8] =	sst s2  }
0xb: {  	[smem:$0x3FA9] =	sst s3  }
0xc: {  	[smem:$0x3FAA] =	sst s4  }
0xd: {  	[smem:$0x3FAB] =	sst s5  }
0xe: {  	[smem:$0x3FAC] =	sst s6  }
0xf: {  	[smem:$0x3FAD] =	sst s7  }
0x10: {  	[smem:$0x3FAE] =	sst s8  }
0x11: {  	[smem:$0x3FAF] =	sst s9;
	s0 =	simm.s32 @!p0 $0x0  }
0x12: {  	s1 =	sld [smem:$0x3F95];
	s0 =	simm.s32 @p0 $0x1  }
0x13: {  	[smem:$0x3FB0] =	sst s0;
	s0 =	simm.s32 @!p1 $0x0  }
0x14: {  	s2 =	sld [smem:$0x3F94];
	s0 =	simm.s32 @p1 $0x1  }
0x15: {  	[smem:$0x3FB1] =	sst s0;
	s0 =	simm.s32 @!p2 $0x0  }
0x16: {  	s3 =	sld [smem:$0x3FDB];
	s0 =	simm.s32 @p2 $0x1  }
0x17: {  	s4 =	simm.s32 $0x1BF5;
	[smem:$0x3FB3] =	sst s0  }
0x18: {  	s0 =	sld [smem:$0x3F96];
	_ =	swait.ge [sflag:s4], $0x0  }
0x19: {  	s7 =	sld [smem:$0x3F97]  }
0x1a: {  	s8 =	sadd.s32 $0xFFFFE003, lr  }
0x1b: {  	s9 =	sadd.s32 $0xFFFFFEF7, lr;
	s5 =	simm.s32 $0xFFFFFFFF;
	p2 =	slt.u32 s8, $0xFFFFF086  }
0x1c: {  	p1 =	slt.u32 s9, $0xF7A;
	s5 =	simm.s32 @!p2 $0x0  }
0x1d: {  	s5 =	simm.s32 @p1 $0x1;
	p0 =	seq.s32 s7, s2  }
0x1e: {  	s7 =	smul.u32 @!p0 $0xF7A, s2;
	p2 =	seq.s32 @!p0 s5, $0x0  }
0x1f: {  	s9 =	smul.u32 $0xF7A, s1;
	s8 =	simm.s32 @!p0 $0x1BF5;
	p2 =	por !p2, p0  }
0x20: {  	[sflag:s8] =	ssyncset.s32 @!p0 $0xFFFFF086;
	s6 =	sadd.s32 @!p0 s3, s7;
	s7 =	simm.s32 @!p0 $0x108  }
0x21: {  	s3 =	sadd.s32 s3, s9;
	s6 =	sadd.s32 @!p0 $0x88, s6;
	s7 =	simm.s32 @p2 $0x1082  }
0x22: {  	[simem:s7], [sflag:s8] =	dma.local @!p0 [hbm:s6], $0xF7A  }
0x23: {  	s9 =	sor.u32 $0xD0000000, s2;
	s6 =	simm.s32 $0x108;
	_ =	swait.ge @!p0 [sflag:s8], $0x0  }
0x24: {  	s3 =	sadd.s32 $0x88, s3;
	s6 =	simm.s32 @!p1 $0x1082;
	[sflag:s4] =	ssyncset.s32 $0xFFFFF086  }
0x25: {  	[simem:s6], [sflag:s4] =	dma.local [hbm:s3], $0xF7A  }
0x26: {  	[smem:$0x3F97] =	sst s1;
	(tag) =	ssettag s2;
	_ =	strace s9  }
0x27: {  	s1 =	sld [smem:$0x3FA7]  }
0x28: {  	s2 =	sld [smem:$0x3FA8]  }
0x29: {  	s4 =	sld [smem:$0x3FAA]  }
0x2a: {  	p0 =	seq.s32 s5, $0x0;
	s5 =	sld [smem:$0x3FAB]  }
0x2b: {  	s6 =	sld [smem:$0x3FAC]  }
0x2c: {  	s7 =	sld [smem:$0x3FAD]  }
0x2d: {  	s3 =	simm.s32 $0x108;
	s8 =	sld [smem:$0x3FAE]  }
0x2e: {  	s3 =	simm.s32 @!p0 $0x1082;
	s9 =	sld [smem:$0x3FAF]  }
0x2f: {  	lr =	sadd.s32 s0, s3;
	s0 =	sld [smem:$0x3FA6]  }
0x30: {  	s3 =	sld [smem:$0x3FA9]  }
0x31: {  	[smem:$0x3FB2] =	sst s10  }
0x32: {  	s10 =	sld [smem:$0x3FB0];
	_ =	sdelay $0x3  }
0x33: {  	p0 =	seq.s32 s10, $0x1;
	s10 =	sld [smem:$0x3FB2];
	_ =	sdelay $0x3  }
0x34: {  	[smem:$0x3FB2] =	sst s10  }
0x35: {  	s10 =	sld [smem:$0x3FB1];
	_ =	sdelay $0x3  }
0x36: {  	p1 =	seq.s32 s10, $0x1;
	s10 =	sld [smem:$0x3FB2];
	_ =	sdelay $0x3  }
0x37: {  	[smem:$0x3FB2] =	sst s10  }
0x38: {  	s10 =	sld [smem:$0x3FB3]  }
0x39: {  	_ = 	snop;
	(pc) =	sbr.ind lr, $3  }
0x3a: {  	_ = 	snop  }
0x3b: {  	_ = 	snop  }
0x3c: {  	p2 =	seq.s32 s10, $0x1;
	s10 =	sld [smem:$0x3FB2]  }
0x3d: {  	_ =	shalt  }
0x3e: {  	_ =	shalt  }
0x3f: {  	_ =	shalt  }
0x40: {  	_ =	shalt  }
0x41: {  	_ =	shalt  }
0x42: {  	_ =	shalt  }
0x43: {  	_ =	shalt  }
0x44: {  	_ =	shalt  }
0x45: {  	_ =	shalt  }
0x46: {  	_ =	shalt  }
0x47: {  	_ =	shalt  }
0x48: {  	_ =	shalt  }
0x49: {  	_ =	shalt  }
0x4a: {  	_ =	shalt  }
0x4b: {  	_ =	shalt  }
0x4c: {  	_ =	shalt  }
0x4d: {  	_ =	shalt  }
0x4e: {  	_ =	shalt  }
0x4f: {  	_ =	shalt  }
0x50: {  	_ =	shalt  }
0x51: {  	_ =	shalt  }
0x52: {  	_ =	shalt  }
0x53: {  	_ =	shalt  }
0x54: {  	_ =	shalt  }
0x55: {  	_ =	shalt  }
0x56: {  	_ =	shalt  }
0x57: {  	_ =	shalt  }
0x58: {  	_ =	shalt  }
0x59: {  	_ =	shalt  }
0x5a: {  	_ =	shalt  }
0x5b: {  	_ =	shalt  }
0x5c: {  	_ =	shalt  }
0x5d: {  	_ =	shalt  }
0x5e: {  	_ =	shalt  }
0x5f: {  	_ =	shalt  }
0x60: {  	_ =	shalt  }
0x61: {  	_ =	shalt  }
0x62: {  	_ =	shalt  }
0x63: {  	_ =	shalt  }
0x64: {  	_ =	shalt  }
0x65: {  	_ =	shalt  }
0x66: {  	_ =	shalt  }
0x67: {  	_ =	shalt  }
0x68: {  	_ =	shalt  }
0x69: {  	_ =	shalt  }
0x6a: {  	_ =	shalt  }
0x6b: {  	_ =	shalt  }
0x6c: {  	_ =	shalt  }
0x6d: {  	_ =	shalt  }
0x6e: {  	_ =	shalt  }
0x6f: {  	_ =	shalt  }
0x70: {  	_ =	shalt  }
0x71: {  	_ =	shalt  }
0x72: {  	_ =	shalt  }
0x73: {  	_ =	shalt  }
0x74: {  	_ =	shalt  }
0x75: {  	_ =	shalt  }
0x76: {  	_ =	shalt  }
0x77: {  	_ =	shalt  }
0x78: {  	_ =	shalt  }
0x79: {  	_ =	shalt  }
0x7a: {  	_ =	shalt  }
0x7b: {  	_ =	shalt  }
0x7c: {  	_ =	shalt  }
0x7d: {  	_ =	shalt  }
0x7e: {  	_ =	shalt  }
0x7f: {  	_ =	shalt  }
0x80: {  	_ =	shalt  }
0x81: {  	_ =	shalt  }
0x82: {  	_ =	shalt  }
0x83: {  	_ =	shalt  }
0x84: {  	_ =	shalt  }
0x85: {  	_ =	shalt  }
0x86: {  	_ =	shalt  }
0x87: {  	_ =	shalt  }
.Lfunc_end0:
.L_simem_size_0:
called_computation_lowered:
.L_overlay_start_0:
0x88: {  	s2 =	sld [smem:$0x3FD9]  }
0x89: {  	s3 =	sld [smem:$0x3FFE];
	_ =	sdelay $0x1  }
0x8a: {  	s1 =	srdreg.scid  }
0x8b: {  	s0 =	sand.u32 $0x1, s1  }
0x8c: {  	s14 =	sshll.u32 s0, $0xA;
	s2 =	sadd.s32 s3, s2  }
0x8d: {  	s2 =	sadd.s32 s2, s14  }
0x8e: {  	[smem:$0x3FBE] =	sst s2  }
0x8f: {  	_ = 	snop  }
0x90: {  	s2 =	sld [smem:$0x3FD0];
	_ =	sdelay $0x2  }
0x91: {  	s15 =	simm.s32 $0xA;
	s4 =	simm.s32 $0x10  }
0x92: {  	[smem:s4], [sflag:s15] =	dma.local [hbm:s2], $0x1  }
0x93: {  	_ =	swait.eq [sflag:s15], $0x1  }
0x94: {  	[sflag:s15] =	ssyncset.done $0x0  }
0x95: {  	s16 =	sld [smem:$0x10];
	[sflag:s15] =	ssyncadd.s32 $0xFFFFFFFF  }
0x96: {  	s17 =	sld [smem:$0x11];
	(tm) =	ssettm $0x1  }
0x97: {  	s18 =	sld [smem:$0x3FFB];
	_ =	sdelay $0x3  }
0x98: {  	_ =	strace s18  }
0x99: {  	s4 =	sld [smem:$0x3FFC];
	_ =	sdelay $0x3  }
0x9a: {  	_ =	strace s4  }
0x9b: {  	s4 =	sld [smem:$0x3FFD];
	_ =	sdelay $0x3  }
0x9c: {  	_ =	strace s4  }
0x9d: {  	_ =	strace $0x8FFFFFFF  }
0x9e: {  	s19 =	sld [smem:$0x3FDB];
	_ =	sdelay $0x1  }
0x9f: {  	s5 =	simm.s32 $_scs_section_size  }
0xa0: {  	s6 =	simm.s32 $_size__tile_overlayer_lowered;
	s7 =	simm.s32 $_tile_overlayer_lowered  }
0xa1: {  	s22 =	simm.s32 $0x1BFF;
	s21 =	sshll.u32 s7, $0x1;
	s4 =	sadd.s32 s5, s19  }
0xa2: {  	s8 =	simm.s32 $0x0;
	s20 =	sshll.u32 s6, $0x1;
	s6 =	sadd.s32 s21, s4  }
0xa3: {  	[timem:s8], [sflag:s22] =	dma.local [hbm:s6], s20  }
0xa4: {  	_ =	swait.ge [sflag:s22], s20  }
0xa5: {  	s5 =	ssub.s32 $0x0, s20;
	[sflag:s22] =	ssyncset.done $0x0  }
0xa6: {  	[sflag:s22] =	ssyncadd.s32 s5;
	_ =	sdelay $0x1  }
0xa7: {  	s23 =	simm.s32 $0x1B8B  }
0xa8: {  	_ =	swait.ge [sflag:s23], $0x1  }
0xa9: {  	[sflag:s23] =	ssyncset.done $0x0  }
0xaa: {  	s25 =	simm.s32 $0x1B8E;
	s24 =	sld [smem:$0x3FFE];
	[sflag:s23] =	ssyncadd.s32 $0xFFFFFFFF  }
0xab: {  	s26 =	simm.s32 $execute0_lowered;
	[smem:$0x3FD2] =	sst s25  }
0xac: {  	s6 =	sshll.u32 s26, $0x1;
	_ =	strace $0x80000046;
	[dreg:$0x1] =	wrdreg $0xFFFFFFFF  }
0xad: {  	s28 =	simm.s32 $_size_execute0_lowered;
	s4 =	sadd.s32 s4, s6;
	[dreg:$0x0] =	wrdreg $0x0  }
0xae: {  	s6 =	sshll.u32 s28, $0x1;
	[dreg:$0x2] =	wrdreg s4  }
0xaf: {  	[dreg:$0x3] =	wrdreg s6  }
0xb0: {  	[dreg:$0x4] =	wrdreg $0xC0  }
0xb1: {  	_ =	task [dreg:s8], $0x5FFFF  }
0xb2: {  	[dreg:$0x1] =	wrdreg $0xFFFFFFFF  }
0xb3: {  	[dreg:$0x0] =	wrdreg $0x60  }
0xb4: {  	[dreg:$0x2] =	wrdreg s17  }
0xb5: {  	[dreg:$0x3] =	wrdreg s16  }
0xb6: {  	[dreg:$0x4] =	wrdreg s24  }
0xb7: {  	[dreg:$0x5] =	wrdreg $0x0  }
0xb8: {  	[dreg:$0x6] =	wrdreg $0x9C400  }
0xb9: {  	[dreg:$0x7] =	wrdreg $0x9  }
0xba: {  	_ =	task.clear_ibuf [dreg:s8], $0x8FFFF;
	_ =	strace $0x90000046  }
0xbb: {  	s29 =	simm.s32 $0x9;
	_ =	strace $0x80000048  }
0xbc: {  	_ =	swait.ge [sflag:s29], $0x1  }
0xbd: {  	[sflag:s29] =	ssyncadd.s32 $0xFFFFFFFF  }
0xbe: {  	_ =	strace $0x90000048  }
0xbf: {  	_ =	sfence  }
0xc0: {  	s30 =	sld [smem:$0x0];
	_ =	sdelay $0x2  }
0xc1: {  	s31 =	sshll.u32 s1, $0xD;
	s1 =	sshrl.u32 s1, $0x2  }
0xc2: {  	s3 =	sand.u32 $0x4000, s31;
	s1 =	sadd.s32 s1, s30  }
0xc3: {  	s0 =	sor.u32 s3, s0;
	s1 =	sshll.u32 s1, $0x11  }
0xc4: {  	s0 =	sor.u32 s1, s0  }
0xc5: {  	s0 =	sadd.s32 $0x8F2B, s0  }
0xc6: {  	[sflag:s0] =	ssyncadd.remote.s32 $0x1  }
0xc7: {  	_ =	sfence.sel $0xFFFF  }
0xc8: {  	[dreg:$0x0] =	wrdreg $0xFFFFFFFF;
	(pc) =	sbr.abs _section_cstart, $3  }
0xc9: {  	[dreg:$0x1] =	wrdreg $0xFFFFFFFF  }
0xca: {  	_ =	task.clear_ibuf [dreg:s8], $0x2FFFF;
	_ =	strace $0x9FFFFFFF  }
0xcb: {  	(tm) =	ssettm $0x7FFFFFFF  }
tec
execute0_lowered:
.L_overlay_start_1:
0x0: {  	(tag) =	ssettag $0x1  }
0x1: {  	s5 =	rddreg [dreg:$0x0]  }
0x2: {  	s6 =	rddreg [dreg:$0x1]  }
0x3: {  	s0 =	rddreg [dreg:$0x2]  }
0x4: {  	s1 =	rddreg [dreg:$0x3]  }
0x5: {  	s2 =	rddreg [dreg:$0x4]  }
0x6: {  	s3 =	stileid.u32;
	s9 =	srdreg.scid  }
0x7: {  	s4 =	simm.s32 $0x0;
	s7 =	smul.u32 $0x2700, s3;
	s9 =	sand.u32 $0x1, s9  }
0x8: {  	[smem:$0x7FF] =	sst s4;
	s24 =	ssub.s32 $0x2, s9  }
0x9: {  	p0 =	seq.s32 s9, $0x1;
	s9 =	sadd.s32 $0x261A00, s0;
	s8 =	sadd.s32 s7, s0  }
0xa: {  	_ =	strace $0x80000047;
	[dreg:$0x1a] =	wrdreg s9;
	s10 =	sadd.s32 $0xB3400, s8  }
0xb: {  	s21 =	sadd.s32 $0x325400, s8;
	[dreg:$0x6] =	wrdreg s10  }
0xc: {  	s22 =	sadd.s32 $0x34C600, s8;
	[dreg:$0x7] =	wrdreg s21  }
0xd: {  	s23 =	sadd.s32 $0x1EC400, s8;
	[dreg:$0x8] =	wrdreg s22  }
0xe: {  	s11 =	sadd.s32 $0x101800, s8;
	[dreg:$0x9] =	wrdreg s23  }
0xf: {  	s25 =	sadd.s32 $0x23A800, s8;
	[dreg:$0xa] =	wrdreg s11  }
0x10: {  	s12 =	sadd.s32 $0x213600, s8;
	[dreg:$0xb] =	wrdreg s25  }
0x11: {  	s28 =	sadd.s32 $0x128A00, s8;
	[dreg:$0xc] =	wrdreg s12  }
0x12: {  	s29 =	sadd.s32 $0xDA600, s8;
	[dreg:$0xd] =	wrdreg s28  }
0x13: {  	s30 =	sadd.s32 $0x16C00, s8;
	[dreg:$0xe] =	wrdreg s29  }
0x14: {  	s31 =	sadd.s32 $0x14FC00, s8;
	[dreg:$0xf] =	wrdreg s30  }
0x15: {  	s13 =	sadd.s32 $0x176E00, s8;
	[dreg:$0x10] =	wrdreg s31  }
0x16: {  	s14 =	sadd.s32 $0x3DE00, s8;
	[dreg:$0x12] =	wrdreg s13  }
0x17: {  	s15 =	sadd.s32 $0x2AFE00, s8;
	[dreg:$0x13] =	wrdreg s14  }
0x18: {  	s16 =	sadd.s32 $0x65000, s8;
	[dreg:$0x14] =	wrdreg s15  }
0x19: {  	s17 =	sadd.s32 $0x19E000, s8;
	[dreg:$0x15] =	wrdreg s16  }
0x1a: {  	s18 =	sadd.s32 $0x2D7000, s8;
	[dreg:$0x16] =	wrdreg s17  }
0x1b: {  	s19 =	sadd.s32 $0x8C200, s8;
	[dreg:$0x17] =	wrdreg s18  }
0x1c: {  	s12 =	sadd.s32 $0x288C00, s8;
	[dreg:$0x18] =	wrdreg s19  }
0x1d: {  	s8 =	sadd.s32 $0x1C5200, s8;
	[dreg:$0x11] =	wrdreg s12  }
0x1e: {  	s21 =	sadd.s32 $0x27000, s5;
	[dreg:$0x19] =	wrdreg s8  }
0x1f: {  	s22 =	sadd.s32 $0x34C400, s0;
	[dreg:$0x1c] =	wrdreg s21  }
0x20: {  	s26 =	sshrl.u32 s24, $0x1;
	s23 =	sadd.s32 $0xDA400, s0;
	[dreg:$0x1d] =	wrdreg s22  }
0x21: {  	s11 =	ssub.s32 s24, s26;
	s24 =	sadd.s32 $0x27000, s6;
	[dreg:$0x1e] =	wrdreg s23  }
0x22: {  	s28 =	sadd.s32 $0x101600, s0;
	[dreg:$0x1f] =	wrdreg s24  }
0x23: {  	s5 =	sadd.s32 s5, s7;
	[smem:$0x7E8] =	sst s28  }
0x24: {  	s29 =	sadd.s32 $0x373600, s0;
	[smem:$0x7E9] =	sst s5  }
0x25: {  	s30 =	sadd.s32 $0x213400, s0;
	[smem:$0x7EA] =	sst s29  }
0x26: {  	s31 =	sadd.s32 $0x128800, s0;
	[smem:$0x7EB] =	sst s30  }
0x27: {  	s13 =	sadd.s32 $0x261800, s0;
	[smem:$0x7EC] =	sst s31  }
0x28: {  	s20 =	smul.u32 $0x13800, s3;
	s14 =	sadd.s32 $0x23A600, s0;
	[smem:$0x7ED] =	sst s13  }
0x29: {  	p1 =	sne.s32 s3, $0x0;
	s15 =	sadd.s32 $0x14FA00, s0;
	[smem:$0x7EE] =	sst s14  }
0x2a: {  	p2 =	seq.s32 s3, $0x0;
	s16 =	sadd.s32 s6, s7;
	[smem:$0x7EF] =	sst s15  }
0x2b: {  	s25 =	sadd.s32 $0xCC00, s0;
	s17 =	sadd.s32 $0x176C00, s0;
	[smem:$0x7F0] =	sst s16  }
0x2c: {  	s10 =	sadd.s32 s20, s1;
	s18 =	sadd.s32 $0x2AFC00, s0;
	[smem:$0x7F1] =	sst s17  }
0x2d: {  	s19 =	sadd.s32 $0x3DC00, s0;
	s12 =	sadd.s32 $0x2FE200, s0;
	[smem:$0x7F2] =	sst s18  }
0x2e: {  	s13 =	sadd.s32 s20, s2;
	[smem:$0x7F3] =	sst s19;
	s20 =	sadd.s32 $0x64E00, s0  }
0x2f: {  	s26 =	sadd.s32 $0x2C00, s0;
	s21 =	sadd.s32 $0x19DE00, s0;
	[smem:$0x7F4] =	sst s20  }
0x30: {  	s22 =	sadd.s32 $0x2D6E00, s0;
	s23 =	sadd.s32 $0x8C000, s0;
	[smem:$0x7F5] =	sst s21  }
0x31: {  	s24 =	sadd.s32 $0x1C5000, s0;
	s28 =	sadd.s32 $0x2FE000, s0;
	[smem:$0x7F6] =	sst s22  }
0x32: {  	s29 =	sadd.s32 $0xB3200, s0;
	s0 =	sadd.s32 $0x1EC200, s0;
	[smem:$0x7F7] =	sst s23  }
0x33: {  	s30 =	sadd.s32 s9, s7;
	s8 =	sadd.s32 $0x138000, s1;
	[smem:$0x7F8] =	sst s24  }
0x34: {  	s9 =	sadd.s32 $0x138000, s2;
	s14 =	simm.s32 $0x138A0;
	[smem:$0x7F9] =	sst s28  }
0x35: {  	s15 =	simm.s32 $0x148A0;
	s16 =	simm.s32 $0x80;
	[smem:$0x7FA] =	sst s29  }
.Ltmp0:
0x36: {  	s17 =	simm.s32 $0x158A0;
	[smem:$0x7FB] =	sst s0;
	(pc) =	sbr.rel .LBB2_1-.Ltmp0, $4  }
0x37: {  	s18 =	simm.s32 $0x13920;
	s19 =	simm.s32 $0x198A0;
	[smem:$0x7FC] =	sst s30  }
0x38: {  	[dreg:$0x1b] =	wrdreg s12;
	s31 =	sadd.s32 s12, s7;
	s7 =	smax.u32 s11, $0x1  }
0x39: {  	s11 =	smul.u32 $0x5000, s3;
	s12 =	simm.s32 $0x2;
	s20 =	simm.s32 $0x1  }
0x3a: {  	s21 =	simm.s32 $0x157A0;
	s22 =	simm.s32 $0x15820;
	[smem:$0x7FD] =	sst s31  }
.LBB2_36:
0x3b: {  	s0 =	sadd.s32 $0x27000, s0;
	s3 =	sshrl.u32 s9, $0x3  }
0x3c: {  	[hbm:s0], [sflag:s23] =	dma.local [spmem:s3], $0x100  }
0x3d: {  	_ =	swait.ge [sflag:s12], $0x100  }
0x3e: {  	[sflag:s12] =	ssyncset.done $0x0  }
0x3f: {  	[sflag:s12] =	ssyncadd.s32 $0xFFFFFF00  }
.LBB2_37:
0x40: {  	s4 =	sadd.s32 $0x1, s4  }
0x41: {  	p3 =	sne.s32 s4, s7  }
.Ltmp1:
0x42: {  	_ = 	snop;
	(pc) =	sbr.rel @!p3 .LBB2_38-.Ltmp1, $2  }
0x43: {  	_ =	sdelay $0x1  }
0x44: {  	[bflag:$0x0] =	sbarrier.arrive $0xFFFF;
	_ =	sdelay $0x1  }
.LBB2_1:
.Ltmp2:
0x45: {  	(pc) =	sbr.rel @!p0 .LBB2_2-.Ltmp2, $4  }
0x46: {  	_ = 	snop  }
0x47: {  	s0 =	stileid.u32  }
0x48: {  	s31 =	sshrl.u32 s10, $0x3;
	s0 =	sshll.u32 s0, $0x6  }
0x49: {  	s30 =	sshrl.u32 @!p1 s8, $0x3;
	s24 =	sshrl.u32 @!p1 s9, $0x3;
	s23 =	sor.u32 $0x1C02, s0  }
0x4a: {  	s23 =	sor.u32 $0x1C02, s0;
	s29 =	rddreg [dreg:$0xf]  }
0x4b: {  	[spmem:s31], [sflag:s23] =	dma.local [hbm:s29], $0x2700  }
0x4c: {  	_ =	swait.ge [sflag:s12], $0x2700  }
0x4d: {  	[sflag:s12] =	ssyncset.done $0x0  }
0x4e: {  	s0 =	sshrl.u32 s13, $0x3;
	s3 =	rddreg [dreg:$0x10];
	[sflag:s12] =	ssyncadd.s32 $0xFFFFD900  }
0x4f: {  	[spmem:s0], [sflag:s23] =	dma.local [hbm:s3], $0x2700  }
0x50: {  	_ =	swait.ge [sflag:s12], $0x2700  }
0x51: {  	s3 =	sld [smem:$0x7F3]  }
0x52: {  	[sflag:s12] =	ssyncset.done $0x0  }
0x53: {  	[sflag:s12] =	ssyncadd.s32 $0xFFFFD900  }
0x54: {  	[spmem:s30], [sflag:s23] =	dma.local @!p1 [hbm:s3], $0x100  }
0x55: {  	s3 =	simm.s32 @!p1 $0x2  }
0x56: {  	_ =	swait.ge @!p1 [sflag:s3], $0x100  }
0x57: {  	s5 =	sld [smem:$0x7F1]  }
0x58: {  	[sflag:s3] =	ssyncset.done @!p1 $0x0  }
0x59: {  	[sflag:s3] =	ssyncadd.s32 @!p1 $0xFFFFFF00  }
0x5a: {  	[spmem:s24], [sflag:s23] =	dma.local @!p1 [hbm:s5], $0x100  }
0x5b: {  	_ =	swait.ge @!p1 [sflag:s3], $0x100  }
0x5c: {  	[sflag:s3] =	ssyncset.done @!p1 $0x0  }
0x5d: {  	[sflag:s3] =	ssyncadd.s32 @!p1 $0xFFFFFF00  }
0x5e: {  	s6 =	simm.s32 $0x0;
	s5 =	simm.s32 $0x0;
	[bflag:$0x0] =	sbarrier.arrive $0xFFFF  }
.LBB2_20:
0x5f: {  	s3 =	sshll.u32 s6, $0xC  }
0x60: {  	s3 =	sadd.s32 s11, s3  }
0x61: {  	s3 =	sshrl.u32 s3, $0x3  }
0x62: {  	s28 =	sadd.s32 s25, s3  }
0x63: {  	[tilespmem:s14], [sflag:$0x2] =	stream.linear.gather [hbm4b:s28+s5], $0x1000, $0x38;
	[tilespmem:$0x1D8A0] =	vst v63  }
0x64: {  	_ =	swait.ge [sflag:s12], $0x1000  }
0x65: {  	[sflag:s12] =	ssyncset.done $0x0  }
0x66: {  	s3 =	sadd.s32 s26, s3;
	[sflag:s12] =	ssyncadd.s32 $0xFFFFF000  }
0x67: {  	[tilespmem:s15], [sflag:$0x2] =	stream.linear.gather [hbm4b:s3+s5], $0x1000, $0x38;
	[tilespmem:$0x1D8A0] =	vst v63  }
0x68: {  	_ =	swait.ge [sflag:s12], $0x1000  }
0x69: {  	[sflag:s12] =	ssyncset.done $0x0  }
0x6a: {  	[sflag:s12] =	ssyncadd.s32 $0xFFFFF000  }
0x6b: {  	[tilespmem:s17], [sflag:$0x1] =	stream.indirect.gather [spmem:s1], $0x40, s14, s16, $0xb8;
	[tilespmem:$0x1D8A0] =	vst v63  }
0x6c: {  	_ = 	snop  }
0x6d: {  	[tilespmem:s19], [sflag:$0x1] =	stream.indirect.gather [spmem:s1], $0x40, s18, s16, $0xb8;
	[tilespmem:$0x1D8A0] =	vst v63  }
0x6e: {  	_ =	swait.ge [sflag:s20], $0x2000  }
0x6f: {  	[sflag:s20] =	ssyncset.done $0x0  }
0x70: {  	s3 =	simm.s32 $0x148A0;
	[sflag:s20] =	ssyncadd.s32 $0xFFFFE000  }
0x71: {  	[spmem:s2] =	stream.indirect.scatter.add.f32 [tilespmem:s17], [sflag:$0x2], $0x40, s3, s16, $0xb8;
	[tilespmem:$0x1D8A0] =	vst v63  }
0x72: {  	_ =	swait.ge [sflag:s12], $0x2000  }
0x73: {  	[sflag:s12] =	ssyncset.done $0x0  }
0x74: {  	s3 =	simm.s32 $0x139A0;
	[sflag:s12] =	ssyncadd.s32 $0xFFFFE000  }
0x75: {  	[tilespmem:s17], [sflag:$0x1] =	stream.indirect.gather [spmem:s1], $0x40, s3, s16, $0xb8;
	[tilespmem:$0x1D8A0] =	vst v63  }
0x76: {  	_ =	swait.ge [sflag:s20], $0x2000  }
0x77: {  	[sflag:s20] =	ssyncset.done $0x0  }
0x78: {  	s3 =	simm.s32 $0x14920;
	[sflag:s20] =	ssyncadd.s32 $0xFFFFE000  }
0x79: {  	[spmem:s2] =	stream.indirect.scatter.add.f32 [tilespmem:s19], [sflag:$0x2], $0x40, s3, s16, $0xb8;
	[tilespmem:$0x1D8A0] =	vst v63  }
0x7a: {  	_ =	swait.ge [sflag:s12], $0x2000  }
0x7b: {  	[sflag:s12] =	ssyncset.done $0x0  }
0x7c: {  	s29 =	simm.s32 $0x13A20;
	s28 =	simm.s32 $0x400;
	[sflag:s12] =	ssyncadd.s32 $0xFFFFE000  }
.LBB2_21:
0x7d: {  	[tilespmem:s19], [sflag:$0x1] =	stream.indirect.gather [spmem:s1], $0x40, s29, s16, $0xb8;
	[tilespmem:$0x1D8A0] =	vst v63  }
0x7e: {  	s3 =	smov.u32 s28  }
0x7f: {  	p3 =	sne.s32 s28, $0x3800;
	s28 =	sadd.s32 $0x400, s28;
	_ =	swait.ge [sflag:s20], $0x2000  }
0x80: {  	s3 =	sshra.s32 s3, $0x2;
	[sflag:s20] =	ssyncset.done $0x0  }
0x81: {  	s29 =	sadd.s32 $0x148A0, s3;
	[sflag:s20] =	ssyncadd.s32 $0xFFFFE000  }
0x82: {  	[spmem:s2] =	stream.indirect.scatter.add.f32 [tilespmem:s17], [sflag:$0x2], $0x40, s29, s16, $0xb8;
	[tilespmem:$0x1D8A0] =	vst v63  }
0x83: {  	_ =	swait.ge [sflag:s12], $0x2000  }
0x84: {  	[sflag:s12] =	ssyncset.done $0x0  }
0x85: {  	s29 =	sadd.s32 $0x139A0, s3;
	[sflag:s12] =	ssyncadd.s32 $0xFFFFE000  }
0x86: {  	[tilespmem:s17], [sflag:$0x1] =	stream.indirect.gather [spmem:s1], $0x40, s29, s16, $0xb8;
	[tilespmem:$0x1D8A0] =	vst v63  }
0x87: {  	_ =	swait.ge [sflag:s20], $0x2000  }
0x88: {  	[sflag:s20] =	ssyncset.done $0x0  }
.Ltmp3:
0x89: {  	s29 =	sadd.s32 $0x14920, s3;
	[sflag:s20] =	ssyncadd.s32 $0xFFFFE000;
	(pc) =	sbr.rel @p3 .LBB2_21-.Ltmp3, $4  }
0x8a: {  	[spmem:s2] =	stream.indirect.scatter.add.f32 [tilespmem:s19], [sflag:$0x2], $0x40, s29, s16, $0xb8;
	[tilespmem:$0x1D8A0] =	vst v63  }
0x8b: {  	_ =	swait.ge [sflag:s12], $0x2000  }
0x8c: {  	[sflag:s12] =	ssyncset.done $0x0  }
0x8d: {  	s29 =	sadd.s32 $0x13A20, s3;
	[sflag:s12] =	ssyncadd.s32 $0xFFFFE000  }
0x8e: {  	[tilespmem:s19], [sflag:$0x1] =	stream.indirect.gather [spmem:s1], $0x40, s29, s16, $0xb8;
	[tilespmem:$0x1D8A0] =	vst v63  }
0x8f: {  	_ =	swait.ge [sflag:s20], $0x2000  }
0x90: {  	[sflag:s20] =	ssyncset.done $0x0  }
0x91: {  	[sflag:s20] =	ssyncadd.s32 $0xFFFFE000  }
0x92: {  	[spmem:s2] =	stream.indirect.scatter.add.f32 [tilespmem:s17], [sflag:$0x2], $0x40, s21, s16, $0xb8;
	[tilespmem:$0x1D8A0] =	vst v63  }
0x93: {  	_ =	swait.ge [sflag:s12], $0x2000  }
0x94: {  	[sflag:s12] =	ssyncset.done $0x0  }
0x95: {  	[sflag:s12] =	ssyncadd.s32 $0xFFFFE000  }
0x96: {  	s6 =	sadd.s32 $0x1, s6;
	_ =	swait.ge [sflag:s20], $0x2000  }
0x97: {  	p3 =	sne.s32 s6, $0x5;
	[sflag:s20] =	ssyncset.done $0x0  }
.Ltmp4:
0x98: {  	[sflag:s20] =	ssyncadd.s32 $0xFFFFE000;
	(pc) =	sbr.rel @p3 .LBB2_20-.Ltmp4, $4  }
0x99: {  	[spmem:s2] =	stream.indirect.scatter.add.f32 [tilespmem:s19], [sflag:$0x2], $0x40, s22, s16, $0xb8;
	[tilespmem:$0x1D8A0] =	vst v63  }
0x9a: {  	_ =	swait.ge [sflag:s12], $0x2000  }
0x9b: {  	[sflag:s12] =	ssyncset.done $0x0  }
0x9c: {  	[sflag:s12] =	ssyncadd.s32 $0xFFFFE000  }
0x9d: {  	[bflag:$0x0] =	sbarrier.arrive $0xFFFF  }
0x9e: {  	s3 =	rddreg [dreg:$0x11]  }
0x9f: {  	[hbm:s3], [sflag:s23] =	dma.local [spmem:s0], $0x2700  }
0xa0: {  	_ =	swait.ge [sflag:s12], $0x2700  }
0xa1: {  	s3 =	sld [smem:$0x7F2]  }
0xa2: {  	[sflag:s12] =	ssyncset.done $0x0  }
0xa3: {  	[sflag:s12] =	ssyncadd.s32 $0xFFFFD900  }
0xa4: {  	[hbm:s3], [sflag:s23] =	dma.local @!p1 [spmem:s24], $0x100  }
0xa5: {  	s3 =	simm.s32 @!p1 $0x2  }
0xa6: {  	_ =	swait.ge @!p1 [sflag:s3], $0x100  }
0xa7: {  	[sflag:s3] =	ssyncset.done @!p1 $0x0  }
0xa8: {  	[sflag:s3] =	ssyncadd.s32 @!p1 $0xFFFFFF00  }
0xa9: {  	[bflag:$0x0] =	sbarrier.arrive $0xFFFF  }
0xaa: {  	s5 =	rddreg [dreg:$0x13]  }
0xab: {  	[spmem:s31], [sflag:s23] =	dma.local [hbm:s5], $0x2700  }
0xac: {  	_ =	swait.ge [sflag:s12], $0x2700  }
0xad: {  	[sflag:s12] =	ssyncset.done $0x0  }
0xae: {  	s29 =	rddreg [dreg:$0x12];
	[sflag:s12] =	ssyncadd.s32 $0xFFFFD900  }
0xaf: {  	[spmem:s0], [sflag:s23] =	dma.local [hbm:s29], $0x2700  }
0xb0: {  	_ =	swait.ge [sflag:s12], $0x2700  }
0xb1: {  	s5 =	sld [smem:$0x7F4]  }
0xb2: {  	[sflag:s12] =	ssyncset.done $0x0  }
0xb3: {  	[sflag:s12] =	ssyncadd.s32 $0xFFFFD900  }
0xb4: {  	[spmem:s30], [sflag:s23] =	dma.local @!p1 [hbm:s5], $0x100  }
0xb5: {  	_ =	swait.ge @!p1 [sflag:s3], $0x100  }
0xb6: {  	s5 =	sld [smem:$0x7F5]  }
0xb7: {  	[sflag:s3] =	ssyncset.done @!p1 $0x0  }
0xb8: {  	[sflag:s3] =	ssyncadd.s32 @!p1 $0xFFFFFF00  }
0xb9: {  	[spmem:s24], [sflag:s23] =	dma.local @!p1 [hbm:s5], $0x100  }
0xba: {  	_ =	swait.ge @!p1 [sflag:s3], $0x100  }
0xbb: {  	[sflag:s3] =	ssyncset.done @!p1 $0x0  }
0xbc: {  	[sflag:s3] =	ssyncadd.s32 @!p1 $0xFFFFFF00  }
0xbd: {  	s6 =	simm.s32 $0x0;
	s5 =	simm.s32 $0x0;
	[bflag:$0x0] =	sbarrier.arrive $0xFFFF  }
.LBB2_24:
0xbe: {  	s3 =	sshll.u32 s6, $0xC  }
0xbf: {  	s3 =	sadd.s32 s11, s3  }
0xc0: {  	s3 =	sshrl.u32 s3, $0x3  }
0xc1: {  	s28 =	sadd.s32 s25, s3  }
0xc2: {  	[tilespmem:s14], [sflag:$0x2] =	stream.linear.gather [hbm4b:s28+s5], $0x1000, $0x38;
	[tilespmem:$0x1D8A0] =	vst v63  }
0xc3: {  	_ =	swait.ge [sflag:s12], $0x1000  }
0xc4: {  	[sflag:s12] =	ssyncset.done $0x0  }
0xc5: {  	s3 =	sadd.s32 s26, s3;
	[sflag:s12] =	ssyncadd.s32 $0xFFFFF000  }
0xc6: {  	[tilespmem:s15], [sflag:$0x2] =	stream.linear.gather [hbm4b:s3+s5], $0x1000, $0x38;
	[tilespmem:$0x1D8A0] =	vst v63  }
0xc7: {  	_ =	swait.ge [sflag:s12], $0x1000  }
0xc8: {  	[sflag:s12] =	ssyncset.done $0x0  }
0xc9: {  	[sflag:s12] =	ssyncadd.s32 $0xFFFFF000  }
0xca: {  	[tilespmem:s17], [sflag:$0x1] =	stream.indirect.gather [spmem:s1], $0x40, s14, s16, $0xb8;
	[tilespmem:$0x1D8A0] =	vst v63  }
0xcb: {  	_ = 	snop  }
0xcc: {  	[tilespmem:s19], [sflag:$0x1] =	stream.indirect.gather [spmem:s1], $0x40, s18, s16, $0xb8;
	[tilespmem:$0x1D8A0] =	vst v63  }
0xcd: {  	_ =	swait.ge [sflag:s20], $0x2000  }
0xce: {  	[sflag:s20] =	ssyncset.done $0x0  }
0xcf: {  	s3 =	simm.s32 $0x148A0;
	[sflag:s20] =	ssyncadd.s32 $0xFFFFE000  }
0xd0: {  	[spmem:s2] =	stream.indirect.scatter.add.f32 [tilespmem:s17], [sflag:$0x2], $0x40, s3, s16, $0xb8;
	[tilespmem:$0x1D8A0] =	vst v63  }
0xd1: {  	_ =	swait.ge [sflag:s12], $0x2000  }
0xd2: {  	[sflag:s12] =	ssyncset.done $0x0  }
0xd3: {  	s3 =	simm.s32 $0x139A0;
	[sflag:s12] =	ssyncadd.s32 $0xFFFFE000  }
0xd4: {  	[tilespmem:s17], [sflag:$0x1] =	stream.indirect.gather [spmem:s1], $0x40, s3, s16, $0xb8;
	[tilespmem:$0x1D8A0] =	vst v63  }
0xd5: {  	_ =	swait.ge [sflag:s20], $0x2000  }
0xd6: {  	[sflag:s20] =	ssyncset.done $0x0  }
0xd7: {  	s3 =	simm.s32 $0x14920;
	[sflag:s20] =	ssyncadd.s32 $0xFFFFE000  }
0xd8: {  	[spmem:s2] =	stream.indirect.scatter.add.f32 [tilespmem:s19], [sflag:$0x2], $0x40, s3, s16, $0xb8;
	[tilespmem:$0x1D8A0] =	vst v63  }
0xd9: {  	_ =	swait.ge [sflag:s12], $0x2000  }
0xda: {  	[sflag:s12] =	ssyncset.done $0x0  }
0xdb: {  	s29 =	simm.s32 $0x13A20;
	s28 =	simm.s32 $0x400;
	[sflag:s12] =	ssyncadd.s32 $0xFFFFE000  }
.LBB2_25:
0xdc: {  	[tilespmem:s19], [sflag:$0x1] =	stream.indirect.gather [spmem:s1], $0x40, s29, s16, $0xb8;
	[tilespmem:$0x1D8A0] =	vst v63  }
0xdd: {  	s3 =	smov.u32 s28  }
0xde: {  	p3 =	sne.s32 s28, $0x3800;
	s28 =	sadd.s32 $0x400, s28;
	_ =	swait.ge [sflag:s20], $0x2000  }
0xdf: {  	s3 =	sshra.s32 s3, $0x2;
	[sflag:s20] =	ssyncset.done $0x0  }
0xe0: {  	s29 =	sadd.s32 $0x148A0, s3;
	[sflag:s20] =	ssyncadd.s32 $0xFFFFE000  }
0xe1: {  	[spmem:s2] =	stream.indirect.scatter.add.f32 [tilespmem:s17], [sflag:$0x2], $0x40, s29, s16, $0xb8;
	[tilespmem:$0x1D8A0] =	vst v63  }
0xe2: {  	_ =	swait.ge [sflag:s12], $0x2000  }
0xe3: {  	[sflag:s12] =	ssyncset.done $0x0  }
0xe4: {  	s29 =	sadd.s32 $0x139A0, s3;
	[sflag:s12] =	ssyncadd.s32 $0xFFFFE000  }
0xe5: {  	[tilespmem:s17], [sflag:$0x1] =	stream.indirect.gather [spmem:s1], $0x40, s29, s16, $0xb8;
	[tilespmem:$0x1D8A0] =	vst v63  }
0xe6: {  	_ =	swait.ge [sflag:s20], $0x2000  }
0xe7: {  	[sflag:s20] =	ssyncset.done $0x0  }
.Ltmp5:
0xe8: {  	s29 =	sadd.s32 $0x14920, s3;
	[sflag:s20] =	ssyncadd.s32 $0xFFFFE000;
	(pc) =	sbr.rel @p3 .LBB2_25-.Ltmp5, $4  }
0xe9: {  	[spmem:s2] =	stream.indirect.scatter.add.f32 [tilespmem:s19], [sflag:$0x2], $0x40, s29, s16, $0xb8;
	[tilespmem:$0x1D8A0] =	vst v63  }
0xea: {  	_ =	swait.ge [sflag:s12], $0x2000  }
0xeb: {  	[sflag:s12] =	ssyncset.done $0x0  }
0xec: {  	s29 =	sadd.s32 $0x13A20, s3;
	[sflag:s12] =	ssyncadd.s32 $0xFFFFE000  }
0xed: {  	[tilespmem:s19], [sflag:$0x1] =	stream.indirect.gather [spmem:s1], $0x40, s29, s16, $0xb8;
	[tilespmem:$0x1D8A0] =	vst v63  }
0xee: {  	_ =	swait.ge [sflag:s20], $0x2000  }
0xef: {  	[sflag:s20] =	ssyncset.done $0x0  }
0xf0: {  	[sflag:s20] =	ssyncadd.s32 $0xFFFFE000  }
0xf1: {  	[spmem:s2] =	stream.indirect.scatter.add.f32 [tilespmem:s17], [sflag:$0x2], $0x40, s21, s16, $0xb8;
	[tilespmem:$0x1D8A0] =	vst v63  }
0xf2: {  	_ =	swait.ge [sflag:s12], $0x2000  }
0xf3: {  	[sflag:s12] =	ssyncset.done $0x0  }
0xf4: {  	[sflag:s12] =	ssyncadd.s32 $0xFFFFE000  }
0xf5: {  	s6 =	sadd.s32 $0x1, s6;
	_ =	swait.ge [sflag:s20], $0x2000  }
0xf6: {  	p3 =	sne.s32 s6, $0x5;
	[sflag:s20] =	ssyncset.done $0x0  }
.Ltmp6:
0xf7: {  	[sflag:s20] =	ssyncadd.s32 $0xFFFFE000;
	(pc) =	sbr.rel @p3 .LBB2_24-.Ltmp6, $4  }
0xf8: {  	[spmem:s2] =	stream.indirect.scatter.add.f32 [tilespmem:s19], [sflag:$0x2], $0x40, s22, s16, $0xb8;
	[tilespmem:$0x1D8A0] =	vst v63  }
0xf9: {  	_ =	swait.ge [sflag:s12], $0x2000  }
0xfa: {  	[sflag:s12] =	ssyncset.done $0x0  }
0xfb: {  	[sflag:s12] =	ssyncadd.s32 $0xFFFFE000  }
0xfc: {  	[bflag:$0x0] =	sbarrier.arrive $0xFFFF  }
0xfd: {  	s3 =	rddreg [dreg:$0x14]  }
0xfe: {  	[hbm:s3], [sflag:s23] =	dma.local [spmem:s0], $0x2700  }
0xff: {  	_ =	swait.ge [sflag:s12], $0x2700  }
0x100: {  	s3 =	sld [smem:$0x7F6]  }
0x101: {  	[sflag:s12] =	ssyncset.done $0x0  }
0x102: {  	[sflag:s12] =	ssyncadd.s32 $0xFFFFD900  }
0x103: {  	[hbm:s3], [sflag:s23] =	dma.local @!p1 [spmem:s24], $0x100  }
0x104: {  	s3 =	simm.s32 @!p1 $0x2  }
0x105: {  	_ =	swait.ge @!p1 [sflag:s3], $0x100  }
0x106: {  	[sflag:s3] =	ssyncset.done @!p1 $0x0  }
0x107: {  	[sflag:s3] =	ssyncadd.s32 @!p1 $0xFFFFFF00  }
0x108: {  	[bflag:$0x0] =	sbarrier.arrive $0xFFFF  }
0x109: {  	s5 =	rddreg [dreg:$0x15]  }
0x10a: {  	[spmem:s31], [sflag:s23] =	dma.local [hbm:s5], $0x2700  }
0x10b: {  	_ =	swait.ge [sflag:s12], $0x2700  }
0x10c: {  	[sflag:s12] =	ssyncset.done $0x0  }
0x10d: {  	s29 =	rddreg [dreg:$0x16];
	[sflag:s12] =	ssyncadd.s32 $0xFFFFD900  }
0x10e: {  	[spmem:s0], [sflag:s23] =	dma.local [hbm:s29], $0x2700  }
0x10f: {  	_ =	swait.ge [sflag:s12], $0x2700  }
0x110: {  	s5 =	sld [smem:$0x7F7]  }
0x111: {  	[sflag:s12] =	ssyncset.done $0x0  }
0x112: {  	[sflag:s12] =	ssyncadd.s32 $0xFFFFD900  }
0x113: {  	[spmem:s30], [sflag:s23] =	dma.local @!p1 [hbm:s5], $0x100  }
0x114: {  	_ =	swait.ge @!p1 [sflag:s3], $0x100  }
0x115: {  	s5 =	sld [smem:$0x7F8]  }
0x116: {  	[sflag:s3] =	ssyncset.done @!p1 $0x0  }
0x117: {  	[sflag:s3] =	ssyncadd.s32 @!p1 $0xFFFFFF00  }
0x118: {  	[spmem:s24], [sflag:s23] =	dma.local @!p1 [hbm:s5], $0x100  }
0x119: {  	_ =	swait.ge @!p1 [sflag:s3], $0x100  }
0x11a: {  	[sflag:s3] =	ssyncset.done @!p1 $0x0  }
0x11b: {  	[sflag:s3] =	ssyncadd.s32 @!p1 $0xFFFFFF00  }
0x11c: {  	s6 =	simm.s32 $0x0;
	s5 =	simm.s32 $0x0;
	[bflag:$0x0] =	sbarrier.arrive $0xFFFF  }
.LBB2_28:
0x11d: {  	s3 =	sshll.u32 s6, $0xC  }
0x11e: {  	s3 =	sadd.s32 s11, s3  }
0x11f: {  	s3 =	sshrl.u32 s3, $0x3  }
0x120: {  	s28 =	sadd.s32 s25, s3  }
0x121: {  	[tilespmem:s14], [sflag:$0x2] =	stream.linear.gather [hbm4b:s28+s5], $0x1000, $0x38;
	[tilespmem:$0x1D8A0] =	vst v63  }
0x122: {  	_ =	swait.ge [sflag:s12], $0x1000  }
0x123: {  	[sflag:s12] =	ssyncset.done $0x0  }
0x124: {  	s3 =	sadd.s32 s26, s3;
	[sflag:s12] =	ssyncadd.s32 $0xFFFFF000  }
0x125: {  	[tilespmem:s15], [sflag:$0x2] =	stream.linear.gather [hbm4b:s3+s5], $0x1000, $0x38;
	[tilespmem:$0x1D8A0] =	vst v63  }
0x126: {  	_ =	swait.ge [sflag:s12], $0x1000  }
0x127: {  	[sflag:s12] =	ssyncset.done $0x0  }
0x128: {  	[sflag:s12] =	ssyncadd.s32 $0xFFFFF000  }
0x129: {  	[tilespmem:s17], [sflag:$0x1] =	stream.indirect.gather [spmem:s1], $0x40, s14, s16, $0xb8;
	[tilespmem:$0x1D8A0] =	vst v63  }
0x12a: {  	_ = 	snop  }
0x12b: {  	[tilespmem:s19], [sflag:$0x1] =	stream.indirect.gather [spmem:s1], $0x40, s18, s16, $0xb8;
	[tilespmem:$0x1D8A0] =	vst v63  }
0x12c: {  	_ =	swait.ge [sflag:s20], $0x2000  }
0x12d: {  	[sflag:s20] =	ssyncset.done $0x0  }
0x12e: {  	s3 =	simm.s32 $0x148A0;
	[sflag:s20] =	ssyncadd.s32 $0xFFFFE000  }
0x12f: {  	[spmem:s2] =	stream.indirect.scatter.add.f32 [tilespmem:s17], [sflag:$0x2], $0x40, s3, s16, $0xb8;
	[tilespmem:$0x1D8A0] =	vst v63  }
0x130: {  	_ =	swait.ge [sflag:s12], $0x2000  }
0x131: {  	[sflag:s12] =	ssyncset.done $0x0  }
0x132: {  	s3 =	simm.s32 $0x139A0;
	[sflag:s12] =	ssyncadd.s32 $0xFFFFE000  }
0x133: {  	[tilespmem:s17], [sflag:$0x1] =	stream.indirect.gather [spmem:s1], $0x40, s3, s16, $0xb8;
	[tilespmem:$0x1D8A0] =	vst v63  }
0x134: {  	_ =	swait.ge [sflag:s20], $0x2000  }
0x135: {  	[sflag:s20] =	ssyncset.done $0x0  }
0x136: {  	s3 =	simm.s32 $0x14920;
	[sflag:s20] =	ssyncadd.s32 $0xFFFFE000  }
0x137: {  	[spmem:s2] =	stream.indirect.scatter.add.f32 [tilespmem:s19], [sflag:$0x2], $0x40, s3, s16, $0xb8;
	[tilespmem:$0x1D8A0] =	vst v63  }
0x138: {  	_ =	swait.ge [sflag:s12], $0x2000  }
0x139: {  	[sflag:s12] =	ssyncset.done $0x0  }
0x13a: {  	s29 =	simm.s32 $0x13A20;
	s28 =	simm.s32 $0x400;
	[sflag:s12] =	ssyncadd.s32 $0xFFFFE000  }
.LBB2_29:
0x13b: {  	[tilespmem:s19], [sflag:$0x1] =	stream.indirect.gather [spmem:s1], $0x40, s29, s16, $0xb8;
	[tilespmem:$0x1D8A0] =	vst v63  }
0x13c: {  	s3 =	smov.u32 s28  }
0x13d: {  	p3 =	sne.s32 s28, $0x3800;
	s28 =	sadd.s32 $0x400, s28;
	_ =	swait.ge [sflag:s20], $0x2000  }
0x13e: {  	s3 =	sshra.s32 s3, $0x2;
	[sflag:s20] =	ssyncset.done $0x0  }
0x13f: {  	s29 =	sadd.s32 $0x148A0, s3;
	[sflag:s20] =	ssyncadd.s32 $0xFFFFE000  }
0x140: {  	[spmem:s2] =	stream.indirect.scatter.add.f32 [tilespmem:s17], [sflag:$0x2], $0x40, s29, s16, $0xb8;
	[tilespmem:$0x1D8A0] =	vst v63  }
0x141: {  	_ =	swait.ge [sflag:s12], $0x2000  }
0x142: {  	[sflag:s12] =	ssyncset.done $0x0  }
0x143: {  	s29 =	sadd.s32 $0x139A0, s3;
	[sflag:s12] =	ssyncadd.s32 $0xFFFFE000  }
0x144: {  	[tilespmem:s17], [sflag:$0x1] =	stream.indirect.gather [spmem:s1], $0x40, s29, s16, $0xb8;
	[tilespmem:$0x1D8A0] =	vst v63  }
0x145: {  	_ =	swait.ge [sflag:s20], $0x2000  }
0x146: {  	[sflag:s20] =	ssyncset.done $0x0  }
.Ltmp7:
0x147: {  	s29 =	sadd.s32 $0x14920, s3;
	[sflag:s20] =	ssyncadd.s32 $0xFFFFE000;
	(pc) =	sbr.rel @p3 .LBB2_29-.Ltmp7, $4  }
0x148: {  	[spmem:s2] =	stream.indirect.scatter.add.f32 [tilespmem:s19], [sflag:$0x2], $0x40, s29, s16, $0xb8;
	[tilespmem:$0x1D8A0] =	vst v63  }
0x149: {  	_ =	swait.ge [sflag:s12], $0x2000  }
0x14a: {  	[sflag:s12] =	ssyncset.done $0x0  }
0x14b: {  	s29 =	sadd.s32 $0x13A20, s3;
	[sflag:s12] =	ssyncadd.s32 $0xFFFFE000  }
0x14c: {  	[tilespmem:s19], [sflag:$0x1] =	stream.indirect.gather [spmem:s1], $0x40, s29, s16, $0xb8;
	[tilespmem:$0x1D8A0] =	vst v63  }
0x14d: {  	_ =	swait.ge [sflag:s20], $0x2000  }
0x14e: {  	[sflag:s20] =	ssyncset.done $0x0  }
0x14f: {  	[sflag:s20] =	ssyncadd.s32 $0xFFFFE000  }
0x150: {  	[spmem:s2] =	stream.indirect.scatter.add.f32 [tilespmem:s17], [sflag:$0x2], $0x40, s21, s16, $0xb8;
	[tilespmem:$0x1D8A0] =	vst v63  }
0x151: {  	_ =	swait.ge [sflag:s12], $0x2000  }
0x152: {  	[sflag:s12] =	ssyncset.done $0x0  }
0x153: {  	[sflag:s12] =	ssyncadd.s32 $0xFFFFE000  }
0x154: {  	s6 =	sadd.s32 $0x1, s6;
	_ =	swait.ge [sflag:s20], $0x2000  }
0x155: {  	p3 =	sne.s32 s6, $0x5;
	[sflag:s20] =	ssyncset.done $0x0  }
.Ltmp8:
0x156: {  	[sflag:s20] =	ssyncadd.s32 $0xFFFFE000;
	(pc) =	sbr.rel @p3 .LBB2_28-.Ltmp8, $4  }
0x157: {  	[spmem:s2] =	stream.indirect.scatter.add.f32 [tilespmem:s19], [sflag:$0x2], $0x40, s22, s16, $0xb8;
	[tilespmem:$0x1D8A0] =	vst v63  }
0x158: {  	_ =	swait.ge [sflag:s12], $0x2000  }
0x159: {  	[sflag:s12] =	ssyncset.done $0x0  }
0x15a: {  	[sflag:s12] =	ssyncadd.s32 $0xFFFFE000  }
0x15b: {  	[bflag:$0x0] =	sbarrier.arrive $0xFFFF  }
0x15c: {  	s3 =	rddreg [dreg:$0x17]  }
0x15d: {  	[hbm:s3], [sflag:s23] =	dma.local [spmem:s0], $0x2700  }
0x15e: {  	_ =	swait.ge [sflag:s12], $0x2700  }
0x15f: {  	s3 =	sld [smem:$0x7F9]  }
0x160: {  	[sflag:s12] =	ssyncset.done $0x0  }
0x161: {  	[sflag:s12] =	ssyncadd.s32 $0xFFFFD900  }
0x162: {  	[hbm:s3], [sflag:s23] =	dma.local @!p1 [spmem:s24], $0x100  }
0x163: {  	s3 =	simm.s32 @!p1 $0x2  }
0x164: {  	_ =	swait.ge @!p1 [sflag:s3], $0x100  }
0x165: {  	[sflag:s3] =	ssyncset.done @!p1 $0x0  }
0x166: {  	[sflag:s3] =	ssyncadd.s32 @!p1 $0xFFFFFF00  }
0x167: {  	[bflag:$0x0] =	sbarrier.arrive $0xFFFF  }
0x168: {  	s5 =	rddreg [dreg:$0x18]  }
0x169: {  	[spmem:s31], [sflag:s23] =	dma.local [hbm:s5], $0x2700  }
0x16a: {  	_ =	swait.ge [sflag:s12], $0x2700  }
0x16b: {  	[sflag:s12] =	ssyncset.done $0x0  }
0x16c: {  	s31 =	rddreg [dreg:$0x19];
	[sflag:s12] =	ssyncadd.s32 $0xFFFFD900  }
0x16d: {  	[spmem:s0], [sflag:s23] =	dma.local [hbm:s31], $0x2700  }
0x16e: {  	_ =	swait.ge [sflag:s12], $0x2700  }
0x16f: {  	s5 =	sld [smem:$0x7FA]  }
0x170: {  	[sflag:s12] =	ssyncset.done $0x0  }
0x171: {  	[sflag:s12] =	ssyncadd.s32 $0xFFFFD900  }
0x172: {  	[spmem:s30], [sflag:s23] =	dma.local @!p1 [hbm:s5], $0x100  }
0x173: {  	_ =	swait.ge @!p1 [sflag:s3], $0x100  }
0x174: {  	s5 =	sld [smem:$0x7FB]  }
0x175: {  	[sflag:s3] =	ssyncset.done @!p1 $0x0  }
0x176: {  	[sflag:s3] =	ssyncadd.s32 @!p1 $0xFFFFFF00  }
0x177: {  	[spmem:s24], [sflag:s23] =	dma.local @!p1 [hbm:s5], $0x100  }
0x178: {  	_ =	swait.ge @!p1 [sflag:s3], $0x100  }
0x179: {  	[sflag:s3] =	ssyncset.done @!p1 $0x0  }
0x17a: {  	[sflag:s3] =	ssyncadd.s32 @!p1 $0xFFFFFF00  }
0x17b: {  	s6 =	simm.s32 $0x0;
	s5 =	simm.s32 $0x0;
	[bflag:$0x0] =	sbarrier.arrive $0xFFFF  }
.LBB2_32:
0x17c: {  	s3 =	sshll.u32 s6, $0xC  }
0x17d: {  	s3 =	sadd.s32 s11, s3  }
0x17e: {  	s3 =	sshrl.u32 s3, $0x3  }
0x17f: {  	s24 =	sadd.s32 s25, s3  }
0x180: {  	[tilespmem:s14], [sflag:$0x2] =	stream.linear.gather [hbm4b:s24+s5], $0x1000, $0x38;
	[tilespmem:$0x1D8A0] =	vst v63  }
0x181: {  	_ =	swait.ge [sflag:s12], $0x1000  }
0x182: {  	[sflag:s12] =	ssyncset.done $0x0  }
0x183: {  	s3 =	sadd.s32 s26, s3;
	[sflag:s12] =	ssyncadd.s32 $0xFFFFF000  }
0x184: {  	[tilespmem:s15], [sflag:$0x2] =	stream.linear.gather [hbm4b:s3+s5], $0x1000, $0x38;
	[tilespmem:$0x1D8A0] =	vst v63  }
0x185: {  	_ =	swait.ge [sflag:s12], $0x1000  }
0x186: {  	[sflag:s12] =	ssyncset.done $0x0  }
0x187: {  	[sflag:s12] =	ssyncadd.s32 $0xFFFFF000  }
0x188: {  	[tilespmem:s17], [sflag:$0x1] =	stream.indirect.gather [spmem:s1], $0x40, s14, s16, $0xb8;
	[tilespmem:$0x1D8A0] =	vst v63  }
0x189: {  	_ = 	snop  }
0x18a: {  	[tilespmem:s19], [sflag:$0x1] =	stream.indirect.gather [spmem:s1], $0x40, s18, s16, $0xb8;
	[tilespmem:$0x1D8A0] =	vst v63  }
0x18b: {  	_ =	swait.ge [sflag:s20], $0x2000  }
0x18c: {  	[sflag:s20] =	ssyncset.done $0x0  }
0x18d: {  	s29 =	simm.s32 $0x148A0;
	[sflag:s20] =	ssyncadd.s32 $0xFFFFE000  }
0x18e: {  	[spmem:s2] =	stream.indirect.scatter.add.f32 [tilespmem:s17], [sflag:$0x2], $0x40, s29, s16, $0xb8;
	[tilespmem:$0x1D8A0] =	vst v63  }
0x18f: {  	_ =	swait.ge [sflag:s12], $0x2000  }
0x190: {  	[sflag:s12] =	ssyncset.done $0x0  }
0x191: {  	s30 =	simm.s32 $0x139A0;
	[sflag:s12] =	ssyncadd.s32 $0xFFFFE000  }
0x192: {  	[tilespmem:s17], [sflag:$0x1] =	stream.indirect.gather [spmem:s1], $0x40, s30, s16, $0xb8;
	[tilespmem:$0x1D8A0] =	vst v63  }
0x193: {  	_ =	swait.ge [sflag:s20], $0x2000  }
0x194: {  	[sflag:s20] =	ssyncset.done $0x0  }
0x195: {  	s31 =	simm.s32 $0x14920;
	[sflag:s20] =	ssyncadd.s32 $0xFFFFE000  }
0x196: {  	[spmem:s2] =	stream.indirect.scatter.add.f32 [tilespmem:s19], [sflag:$0x2], $0x40, s31, s16, $0xb8;
	[tilespmem:$0x1D8A0] =	vst v63  }
0x197: {  	_ =	swait.ge [sflag:s12], $0x2000  }
0x198: {  	[sflag:s12] =	ssyncset.done $0x0  }
0x199: {  	s28 =	simm.s32 $0x13A20;
	s24 =	simm.s32 $0x400;
	[sflag:s12] =	ssyncadd.s32 $0xFFFFE000  }
.LBB2_33:
0x19a: {  	[tilespmem:s19], [sflag:$0x1] =	stream.indirect.gather [spmem:s1], $0x40, s28, s16, $0xb8;
	[tilespmem:$0x1D8A0] =	vst v63  }
0x19b: {  	s3 =	smov.u32 s24  }
0x19c: {  	p3 =	sne.s32 s24, $0x3800;
	s24 =	sadd.s32 $0x400, s24;
	_ =	swait.ge [sflag:s20], $0x2000  }
0x19d: {  	s3 =	sshra.s32 s3, $0x2;
	[sflag:s20] =	ssyncset.done $0x0  }
0x19e: {  	s28 =	sadd.s32 $0x148A0, s3;
	[sflag:s20] =	ssyncadd.s32 $0xFFFFE000  }
0x19f: {  	[spmem:s2] =	stream.indirect.scatter.add.f32 [tilespmem:s17], [sflag:$0x2], $0x40, s28, s16, $0xb8;
	[tilespmem:$0x1D8A0] =	vst v63  }
0x1a0: {  	_ =	swait.ge [sflag:s12], $0x2000  }
0x1a1: {  	[sflag:s12] =	ssyncset.done $0x0  }
0x1a2: {  	s28 =	sadd.s32 $0x139A0, s3;
	[sflag:s12] =	ssyncadd.s32 $0xFFFFE000  }
0x1a3: {  	[tilespmem:s17], [sflag:$0x1] =	stream.indirect.gather [spmem:s1], $0x40, s28, s16, $0xb8;
	[tilespmem:$0x1D8A0] =	vst v63  }
0x1a4: {  	_ =	swait.ge [sflag:s20], $0x2000  }
0x1a5: {  	[sflag:s20] =	ssyncset.done $0x0  }
.Ltmp9:
0x1a6: {  	s28 =	sadd.s32 $0x14920, s3;
	[sflag:s20] =	ssyncadd.s32 $0xFFFFE000;
	(pc) =	sbr.rel @p3 .LBB2_33-.Ltmp9, $4  }
0x1a7: {  	[spmem:s2] =	stream.indirect.scatter.add.f32 [tilespmem:s19], [sflag:$0x2], $0x40, s28, s16, $0xb8;
	[tilespmem:$0x1D8A0] =	vst v63  }
0x1a8: {  	_ =	swait.ge [sflag:s12], $0x2000  }
0x1a9: {  	[sflag:s12] =	ssyncset.done $0x0  }
0x1aa: {  	s28 =	sadd.s32 $0x13A20, s3;
	[sflag:s12] =	ssyncadd.s32 $0xFFFFE000  }
0x1ab: {  	[tilespmem:s19], [sflag:$0x1] =	stream.indirect.gather [spmem:s1], $0x40, s28, s16, $0xb8;
	[tilespmem:$0x1D8A0] =	vst v63  }
0x1ac: {  	_ =	swait.ge [sflag:s20], $0x2000  }
0x1ad: {  	[sflag:s20] =	ssyncset.done $0x0  }
0x1ae: {  	[sflag:s20] =	ssyncadd.s32 $0xFFFFE000  }
0x1af: {  	[spmem:s2] =	stream.indirect.scatter.add.f32 [tilespmem:s17], [sflag:$0x2], $0x40, s21, s16, $0xb8;
	[tilespmem:$0x1D8A0] =	vst v63  }
0x1b0: {  	_ =	swait.ge [sflag:s12], $0x2000  }
0x1b1: {  	[sflag:s12] =	ssyncset.done $0x0  }
0x1b2: {  	[sflag:s12] =	ssyncadd.s32 $0xFFFFE000  }
0x1b3: {  	s6 =	sadd.s32 $0x1, s6;
	_ =	swait.ge [sflag:s20], $0x2000  }
0x1b4: {  	p3 =	sne.s32 s6, $0x5;
	[sflag:s20] =	ssyncset.done $0x0  }
.Ltmp10:
0x1b5: {  	[sflag:s20] =	ssyncadd.s32 $0xFFFFE000;
	(pc) =	sbr.rel @p3 .LBB2_32-.Ltmp10, $4  }
0x1b6: {  	[spmem:s2] =	stream.indirect.scatter.add.f32 [tilespmem:s19], [sflag:$0x2], $0x40, s22, s16, $0xb8;
	[tilespmem:$0x1D8A0] =	vst v63  }
0x1b7: {  	_ =	swait.ge [sflag:s12], $0x2000  }
0x1b8: {  	[sflag:s12] =	ssyncset.done $0x0  }
0x1b9: {  	[sflag:s12] =	ssyncadd.s32 $0xFFFFE000  }
0x1ba: {  	[bflag:$0x0] =	sbarrier.arrive $0xFFFF  }
0x1bb: {  	s3 =	sld [smem:$0x7FD];
	_ =	sdelay $0x2  }
0x1bc: {  	[hbm:s3], [sflag:s23] =	dma.local [spmem:s0], $0x2700  }
.Ltmp11:
0x1bd: {  	_ = 	snop;
	(pc) =	sbr.rel @p1 .LBB2_37-.Ltmp11, $4  }
.Ltmp12:
0x1be: {  	_ = 	snop;
	(pc) =	sbr.rel @!p1 .LBB2_36-.Ltmp12, $4  }
0x1bf: {  	_ =	swait.ge [sflag:s12], $0x2700  }
0x1c0: {  	[sflag:s12] =	ssyncset.done $0x0  }
0x1c1: {  	s0 =	rddreg [dreg:$0x1b];
	[sflag:s12] =	ssyncadd.s32 $0xFFFFD900  }
0x1c2: {  	_ = 	snop  }
.LBB2_2:
0x1c3: {  	s0 =	sld [smem:$0x7E9];
	_ =	sdelay $0x2  }
0x1c4: {  	[spmem:s31], [sflag:s23] =	dma.local [hbm:s0], $0x2700  }
0x1c5: {  	_ =	swait.ge [sflag:s12], $0x2700  }
0x1c6: {  	[sflag:s12] =	ssyncset.done $0x0  }
0x1c7: {  	s0 =	sshrl.u32 s13, $0x3;
	s3 =	rddreg [dreg:$0x6];
	[sflag:s12] =	ssyncadd.s32 $0xFFFFD900  }
0x1c8: {  	[spmem:s0], [sflag:s23] =	dma.local [hbm:s3], $0x2700  }
0x1c9: {  	_ =	swait.ge [sflag:s12], $0x2700  }
0x1ca: {  	[sflag:s12] =	ssyncset.done $0x0  }
0x1cb: {  	s5 =	simm.s32 @!p1 $0x2;
	s3 =	rddreg [dreg:$0x1c];
	[sflag:s12] =	ssyncadd.s32 $0xFFFFD900  }
0x1cc: {  	[spmem:s30], [sflag:s23] =	dma.local @!p1 [hbm:s3], $0x100  }
0x1cd: {  	_ =	swait.ge @!p1 [sflag:s5], $0x100  }
0x1ce: {  	[sflag:s5] =	ssyncset.done @!p1 $0x0  }
0x1cf: {  	s3 =	rddreg [dreg:$0x1e];
	[sflag:s5] =	ssyncadd.s32 @!p1 $0xFFFFFF00  }
0x1d0: {  	[spmem:s24], [sflag:s23] =	dma.local @!p1 [hbm:s3], $0x100  }
0x1d1: {  	_ =	swait.ge @!p1 [sflag:s5], $0x100  }
0x1d2: {  	[sflag:s5] =	ssyncset.done @!p1 $0x0  }
0x1d3: {  	[sflag:s5] =	ssyncadd.s32 @!p1 $0xFFFFFF00  }
0x1d4: {  	s6 =	simm.s32 $0x0;
	s5 =	simm.s32 $0x0;
	[bflag:$0x0] =	sbarrier.arrive $0xFFFF  }
.LBB2_3:
0x1d5: {  	s28 =	sshll.u32 s6, $0xC  }
0x1d6: {  	s28 =	sadd.s32 s11, s28  }
0x1d7: {  	s28 =	sshrl.u32 s28, $0x3  }
0x1d8: {  	s29 =	sadd.s32 s25, s28  }
0x1d9: {  	[tilespmem:s14], [sflag:$0x2] =	stream.linear.gather [hbm4b:s29+s5], $0x1000, $0x38;
	[tilespmem:$0x1D8A0] =	vst v63  }
0x1da: {  	_ =	swait.ge [sflag:s12], $0x1000  }
0x1db: {  	[sflag:s12] =	ssyncset.done $0x0  }
0x1dc: {  	s28 =	sadd.s32 s26, s28;
	[sflag:s12] =	ssyncadd.s32 $0xFFFFF000  }
0x1dd: {  	[tilespmem:s15], [sflag:$0x2] =	stream.linear.gather [hbm4b:s28+s5], $0x1000, $0x38;
	[tilespmem:$0x1D8A0] =	vst v63  }
0x1de: {  	_ =	swait.ge [sflag:s12], $0x1000  }
0x1df: {  	[sflag:s12] =	ssyncset.done $0x0  }
0x1e0: {  	[sflag:s12] =	ssyncadd.s32 $0xFFFFF000  }
0x1e1: {  	[tilespmem:s17], [sflag:$0x1] =	stream.indirect.gather [spmem:s1], $0x40, s14, s16, $0xb8;
	[tilespmem:$0x1D8A0] =	vst v63  }
0x1e2: {  	_ = 	snop  }
0x1e3: {  	[tilespmem:s19], [sflag:$0x1] =	stream.indirect.gather [spmem:s1], $0x40, s18, s16, $0xb8;
	[tilespmem:$0x1D8A0] =	vst v63  }
0x1e4: {  	_ =	swait.ge [sflag:s20], $0x2000  }
0x1e5: {  	[sflag:s20] =	ssyncset.done $0x0  }
0x1e6: {  	s28 =	simm.s32 $0x148A0;
	[sflag:s20] =	ssyncadd.s32 $0xFFFFE000  }
0x1e7: {  	[spmem:s2] =	stream.indirect.scatter.add.f32 [tilespmem:s17], [sflag:$0x2], $0x40, s28, s16, $0xb8;
	[tilespmem:$0x1D8A0] =	vst v63  }
0x1e8: {  	_ =	swait.ge [sflag:s12], $0x2000  }
0x1e9: {  	[sflag:s12] =	ssyncset.done $0x0  }
0x1ea: {  	s28 =	simm.s32 $0x139A0;
	[sflag:s12] =	ssyncadd.s32 $0xFFFFE000  }
0x1eb: {  	[tilespmem:s17], [sflag:$0x1] =	stream.indirect.gather [spmem:s1], $0x40, s28, s16, $0xb8;
	[tilespmem:$0x1D8A0] =	vst v63  }
0x1ec: {  	_ =	swait.ge [sflag:s20], $0x2000  }
0x1ed: {  	[sflag:s20] =	ssyncset.done $0x0  }
0x1ee: {  	s28 =	simm.s32 $0x14920;
	[sflag:s20] =	ssyncadd.s32 $0xFFFFE000  }
0x1ef: {  	[spmem:s2] =	stream.indirect.scatter.add.f32 [tilespmem:s19], [sflag:$0x2], $0x40, s28, s16, $0xb8;
	[tilespmem:$0x1D8A0] =	vst v63  }
0x1f0: {  	_ =	swait.ge [sflag:s12], $0x2000  }
0x1f1: {  	[sflag:s12] =	ssyncset.done $0x0  }
0x1f2: {  	s29 =	simm.s32 $0x13A20;
	s28 =	simm.s32 $0x400;
	[sflag:s12] =	ssyncadd.s32 $0xFFFFE000  }
.LBB2_4:
0x1f3: {  	[tilespmem:s19], [sflag:$0x1] =	stream.indirect.gather [spmem:s1], $0x40, s29, s16, $0xb8;
	[tilespmem:$0x1D8A0] =	vst v63  }
0x1f4: {  	s29 =	smov.u32 s28  }
0x1f5: {  	p3 =	sne.s32 s28, $0x3800;
	s28 =	sadd.s32 $0x400, s28;
	_ =	swait.ge [sflag:s20], $0x2000  }
0x1f6: {  	s29 =	sshra.s32 s29, $0x2;
	[sflag:s20] =	ssyncset.done $0x0  }
0x1f7: {  	s3 =	sadd.s32 $0x148A0, s29;
	[sflag:s20] =	ssyncadd.s32 $0xFFFFE000  }
0x1f8: {  	[spmem:s2] =	stream.indirect.scatter.add.f32 [tilespmem:s17], [sflag:$0x2], $0x40, s3, s16, $0xb8;
	[tilespmem:$0x1D8A0] =	vst v63  }
0x1f9: {  	_ =	swait.ge [sflag:s12], $0x2000  }
0x1fa: {  	[sflag:s12] =	ssyncset.done $0x0  }
0x1fb: {  	s3 =	sadd.s32 $0x139A0, s29;
	[sflag:s12] =	ssyncadd.s32 $0xFFFFE000  }
0x1fc: {  	[tilespmem:s17], [sflag:$0x1] =	stream.indirect.gather [spmem:s1], $0x40, s3, s16, $0xb8;
	[tilespmem:$0x1D8A0] =	vst v63  }
0x1fd: {  	_ =	swait.ge [sflag:s20], $0x2000  }
0x1fe: {  	[sflag:s20] =	ssyncset.done $0x0  }
.Ltmp13:
0x1ff: {  	s3 =	sadd.s32 $0x14920, s29;
	[sflag:s20] =	ssyncadd.s32 $0xFFFFE000;
	(pc) =	sbr.rel @p3 .LBB2_4-.Ltmp13, $4  }
0x200: {  	[spmem:s2] =	stream.indirect.scatter.add.f32 [tilespmem:s19], [sflag:$0x2], $0x40, s3, s16, $0xb8;
	[tilespmem:$0x1D8A0] =	vst v63  }
0x201: {  	_ =	swait.ge [sflag:s12], $0x2000  }
0x202: {  	[sflag:s12] =	ssyncset.done $0x0  }
0x203: {  	s29 =	sadd.s32 $0x13A20, s29;
	[sflag:s12] =	ssyncadd.s32 $0xFFFFE000  }
0x204: {  	[tilespmem:s19], [sflag:$0x1] =	stream.indirect.gather [spmem:s1], $0x40, s29, s16, $0xb8;
	[tilespmem:$0x1D8A0] =	vst v63  }
0x205: {  	_ =	swait.ge [sflag:s20], $0x2000  }
0x206: {  	[sflag:s20] =	ssyncset.done $0x0  }
0x207: {  	[sflag:s20] =	ssyncadd.s32 $0xFFFFE000  }
0x208: {  	[spmem:s2] =	stream.indirect.scatter.add.f32 [tilespmem:s17], [sflag:$0x2], $0x40, s21, s16, $0xb8;
	[tilespmem:$0x1D8A0] =	vst v63  }
0x209: {  	_ =	swait.ge [sflag:s12], $0x2000  }
0x20a: {  	[sflag:s12] =	ssyncset.done $0x0  }
0x20b: {  	[sflag:s12] =	ssyncadd.s32 $0xFFFFE000  }
0x20c: {  	s6 =	sadd.s32 $0x1, s6;
	_ =	swait.ge [sflag:s20], $0x2000  }
0x20d: {  	p3 =	sne.s32 s6, $0x5;
	[sflag:s20] =	ssyncset.done $0x0  }
.Ltmp14:
0x20e: {  	[sflag:s20] =	ssyncadd.s32 $0xFFFFE000;
	(pc) =	sbr.rel @p3 .LBB2_3-.Ltmp14, $4  }
0x20f: {  	[spmem:s2] =	stream.indirect.scatter.add.f32 [tilespmem:s19], [sflag:$0x2], $0x40, s22, s16, $0xb8;
	[tilespmem:$0x1D8A0] =	vst v63  }
0x210: {  	_ =	swait.ge [sflag:s12], $0x2000  }
0x211: {  	[sflag:s12] =	ssyncset.done $0x0  }
0x212: {  	[sflag:s12] =	ssyncadd.s32 $0xFFFFE000  }
0x213: {  	[bflag:$0x0] =	sbarrier.arrive $0xFFFF  }
0x214: {  	s3 =	rddreg [dreg:$0x7]  }
0x215: {  	[hbm:s3], [sflag:s23] =	dma.local [spmem:s0], $0x2700  }
0x216: {  	_ =	swait.ge [sflag:s12], $0x2700  }
0x217: {  	[sflag:s12] =	ssyncset.done $0x0  }
0x218: {  	s3 =	rddreg [dreg:$0x1d];
	[sflag:s12] =	ssyncadd.s32 $0xFFFFD900  }
0x219: {  	[hbm:s3], [sflag:s23] =	dma.local @!p1 [spmem:s24], $0x100  }
0x21a: {  	s3 =	simm.s32 @!p1 $0x2  }
0x21b: {  	_ =	swait.ge @!p1 [sflag:s3], $0x100  }
0x21c: {  	[sflag:s3] =	ssyncset.done @!p1 $0x0  }
0x21d: {  	[sflag:s3] =	ssyncadd.s32 @!p1 $0xFFFFFF00  }
0x21e: {  	[bflag:$0x0] =	sbarrier.arrive $0xFFFF  }
0x21f: {  	s5 =	sld [smem:$0x7F0];
	_ =	sdelay $0x2  }
0x220: {  	[spmem:s31], [sflag:s23] =	dma.local [hbm:s5], $0x2700  }
0x221: {  	_ =	swait.ge [sflag:s12], $0x2700  }
0x222: {  	[sflag:s12] =	ssyncset.done $0x0  }
0x223: {  	s29 =	rddreg [dreg:$0xe];
	[sflag:s12] =	ssyncadd.s32 $0xFFFFD900  }
0x224: {  	[spmem:s0], [sflag:s23] =	dma.local [hbm:s29], $0x2700  }
0x225: {  	_ =	swait.ge [sflag:s12], $0x2700  }
0x226: {  	[sflag:s12] =	ssyncset.done $0x0  }
0x227: {  	s5 =	rddreg [dreg:$0x1f];
	[sflag:s12] =	ssyncadd.s32 $0xFFFFD900  }
0x228: {  	[spmem:s30], [sflag:s23] =	dma.local @!p1 [hbm:s5], $0x100  }
0x229: {  	_ =	swait.ge @!p1 [sflag:s3], $0x100  }
0x22a: {  	s5 =	sld [smem:$0x7E8]  }
0x22b: {  	[sflag:s3] =	ssyncset.done @!p1 $0x0  }
0x22c: {  	[sflag:s3] =	ssyncadd.s32 @!p1 $0xFFFFFF00  }
0x22d: {  	[spmem:s24], [sflag:s23] =	dma.local @!p1 [hbm:s5], $0x100  }
0x22e: {  	_ =	swait.ge @!p1 [sflag:s3], $0x100  }
0x22f: {  	[sflag:s3] =	ssyncset.done @!p1 $0x0  }
0x230: {  	[sflag:s3] =	ssyncadd.s32 @!p1 $0xFFFFFF00  }
0x231: {  	s6 =	simm.s32 $0x0;
	s5 =	simm.s32 $0x0;
	[bflag:$0x0] =	sbarrier.arrive $0xFFFF  }
.LBB2_7:
0x232: {  	s3 =	sshll.u32 s6, $0xC  }
0x233: {  	s3 =	sadd.s32 s11, s3  }
0x234: {  	s3 =	sshrl.u32 s3, $0x3  }
0x235: {  	s28 =	sadd.s32 s25, s3  }
0x236: {  	[tilespmem:s14], [sflag:$0x2] =	stream.linear.gather [hbm4b:s28+s5], $0x1000, $0x38;
	[tilespmem:$0x1D8A0] =	vst v63  }
0x237: {  	_ =	swait.ge [sflag:s12], $0x1000  }
0x238: {  	[sflag:s12] =	ssyncset.done $0x0  }
0x239: {  	s3 =	sadd.s32 s26, s3;
	[sflag:s12] =	ssyncadd.s32 $0xFFFFF000  }
0x23a: {  	[tilespmem:s15], [sflag:$0x2] =	stream.linear.gather [hbm4b:s3+s5], $0x1000, $0x38;
	[tilespmem:$0x1D8A0] =	vst v63  }
0x23b: {  	_ =	swait.ge [sflag:s12], $0x1000  }
0x23c: {  	[sflag:s12] =	ssyncset.done $0x0  }
0x23d: {  	[sflag:s12] =	ssyncadd.s32 $0xFFFFF000  }
0x23e: {  	[tilespmem:s17], [sflag:$0x1] =	stream.indirect.gather [spmem:s1], $0x40, s14, s16, $0xb8;
	[tilespmem:$0x1D8A0] =	vst v63  }
0x23f: {  	_ = 	snop  }
0x240: {  	[tilespmem:s19], [sflag:$0x1] =	stream.indirect.gather [spmem:s1], $0x40, s18, s16, $0xb8;
	[tilespmem:$0x1D8A0] =	vst v63  }
0x241: {  	_ =	swait.ge [sflag:s20], $0x2000  }
0x242: {  	[sflag:s20] =	ssyncset.done $0x0  }
0x243: {  	s3 =	simm.s32 $0x148A0;
	[sflag:s20] =	ssyncadd.s32 $0xFFFFE000  }
0x244: {  	[spmem:s2] =	stream.indirect.scatter.add.f32 [tilespmem:s17], [sflag:$0x2], $0x40, s3, s16, $0xb8;
	[tilespmem:$0x1D8A0] =	vst v63  }
0x245: {  	_ =	swait.ge [sflag:s12], $0x2000  }
0x246: {  	[sflag:s12] =	ssyncset.done $0x0  }
0x247: {  	s3 =	simm.s32 $0x139A0;
	[sflag:s12] =	ssyncadd.s32 $0xFFFFE000  }
0x248: {  	[tilespmem:s17], [sflag:$0x1] =	stream.indirect.gather [spmem:s1], $0x40, s3, s16, $0xb8;
	[tilespmem:$0x1D8A0] =	vst v63  }
0x249: {  	_ =	swait.ge [sflag:s20], $0x2000  }
0x24a: {  	[sflag:s20] =	ssyncset.done $0x0  }
0x24b: {  	s3 =	simm.s32 $0x14920;
	[sflag:s20] =	ssyncadd.s32 $0xFFFFE000  }
0x24c: {  	[spmem:s2] =	stream.indirect.scatter.add.f32 [tilespmem:s19], [sflag:$0x2], $0x40, s3, s16, $0xb8;
	[tilespmem:$0x1D8A0] =	vst v63  }
0x24d: {  	_ =	swait.ge [sflag:s12], $0x2000  }
0x24e: {  	[sflag:s12] =	ssyncset.done $0x0  }
0x24f: {  	s29 =	simm.s32 $0x13A20;
	s28 =	simm.s32 $0x400;
	[sflag:s12] =	ssyncadd.s32 $0xFFFFE000  }
.LBB2_8:
0x250: {  	[tilespmem:s19], [sflag:$0x1] =	stream.indirect.gather [spmem:s1], $0x40, s29, s16, $0xb8;
	[tilespmem:$0x1D8A0] =	vst v63  }
0x251: {  	s3 =	smov.u32 s28  }
0x252: {  	p3 =	sne.s32 s28, $0x3800;
	s28 =	sadd.s32 $0x400, s28;
	_ =	swait.ge [sflag:s20], $0x2000  }
0x253: {  	s3 =	sshra.s32 s3, $0x2;
	[sflag:s20] =	ssyncset.done $0x0  }
0x254: {  	s29 =	sadd.s32 $0x148A0, s3;
	[sflag:s20] =	ssyncadd.s32 $0xFFFFE000  }
0x255: {  	[spmem:s2] =	stream.indirect.scatter.add.f32 [tilespmem:s17], [sflag:$0x2], $0x40, s29, s16, $0xb8;
	[tilespmem:$0x1D8A0] =	vst v63  }
0x256: {  	_ =	swait.ge [sflag:s12], $0x2000  }
0x257: {  	[sflag:s12] =	ssyncset.done $0x0  }
0x258: {  	s29 =	sadd.s32 $0x139A0, s3;
	[sflag:s12] =	ssyncadd.s32 $0xFFFFE000  }
0x259: {  	[tilespmem:s17], [sflag:$0x1] =	stream.indirect.gather [spmem:s1], $0x40, s29, s16, $0xb8;
	[tilespmem:$0x1D8A0] =	vst v63  }
0x25a: {  	_ =	swait.ge [sflag:s20], $0x2000  }
0x25b: {  	[sflag:s20] =	ssyncset.done $0x0  }
.Ltmp15:
0x25c: {  	s29 =	sadd.s32 $0x14920, s3;
	[sflag:s20] =	ssyncadd.s32 $0xFFFFE000;
	(pc) =	sbr.rel @p3 .LBB2_8-.Ltmp15, $4  }
0x25d: {  	[spmem:s2] =	stream.indirect.scatter.add.f32 [tilespmem:s19], [sflag:$0x2], $0x40, s29, s16, $0xb8;
	[tilespmem:$0x1D8A0] =	vst v63  }
0x25e: {  	_ =	swait.ge [sflag:s12], $0x2000  }
0x25f: {  	[sflag:s12] =	ssyncset.done $0x0  }
0x260: {  	s29 =	sadd.s32 $0x13A20, s3;
	[sflag:s12] =	ssyncadd.s32 $0xFFFFE000  }
0x261: {  	[tilespmem:s19], [sflag:$0x1] =	stream.indirect.gather [spmem:s1], $0x40, s29, s16, $0xb8;
	[tilespmem:$0x1D8A0] =	vst v63  }
0x262: {  	_ =	swait.ge [sflag:s20], $0x2000  }
0x263: {  	[sflag:s20] =	ssyncset.done $0x0  }
0x264: {  	[sflag:s20] =	ssyncadd.s32 $0xFFFFE000  }
0x265: {  	[spmem:s2] =	stream.indirect.scatter.add.f32 [tilespmem:s17], [sflag:$0x2], $0x40, s21, s16, $0xb8;
	[tilespmem:$0x1D8A0] =	vst v63  }
0x266: {  	_ =	swait.ge [sflag:s12], $0x2000  }
0x267: {  	[sflag:s12] =	ssyncset.done $0x0  }
0x268: {  	[sflag:s12] =	ssyncadd.s32 $0xFFFFE000  }
0x269: {  	s6 =	sadd.s32 $0x1, s6;
	_ =	swait.ge [sflag:s20], $0x2000  }
0x26a: {  	p3 =	sne.s32 s6, $0x5;
	[sflag:s20] =	ssyncset.done $0x0  }
.Ltmp16:
0x26b: {  	[sflag:s20] =	ssyncadd.s32 $0xFFFFE000;
	(pc) =	sbr.rel @p3 .LBB2_7-.Ltmp16, $4  }
0x26c: {  	[spmem:s2] =	stream.indirect.scatter.add.f32 [tilespmem:s19], [sflag:$0x2], $0x40, s22, s16, $0xb8;
	[tilespmem:$0x1D8A0] =	vst v63  }
0x26d: {  	_ =	swait.ge [sflag:s12], $0x2000  }
0x26e: {  	[sflag:s12] =	ssyncset.done $0x0  }
0x26f: {  	[sflag:s12] =	ssyncadd.s32 $0xFFFFE000  }
0x270: {  	[bflag:$0x0] =	sbarrier.arrive $0xFFFF  }
0x271: {  	s3 =	rddreg [dreg:$0x8]  }
0x272: {  	[hbm:s3], [sflag:s23] =	dma.local [spmem:s0], $0x2700  }
0x273: {  	_ =	swait.ge [sflag:s12], $0x2700  }
0x274: {  	s3 =	sld [smem:$0x7EA]  }
0x275: {  	[sflag:s12] =	ssyncset.done $0x0  }
0x276: {  	[sflag:s12] =	ssyncadd.s32 $0xFFFFD900  }
0x277: {  	[hbm:s3], [sflag:s23] =	dma.local @!p1 [spmem:s24], $0x100  }
0x278: {  	s3 =	simm.s32 @!p1 $0x2  }
0x279: {  	_ =	swait.ge @!p1 [sflag:s3], $0x100  }
0x27a: {  	[sflag:s3] =	ssyncset.done @!p1 $0x0  }
0x27b: {  	[sflag:s3] =	ssyncadd.s32 @!p1 $0xFFFFFF00  }
0x27c: {  	[bflag:$0x0] =	sbarrier.arrive $0xFFFF  }
0x27d: {  	s5 =	rddreg [dreg:$0x9]  }
0x27e: {  	[spmem:s31], [sflag:s23] =	dma.local [hbm:s5], $0x2700  }
0x27f: {  	_ =	swait.ge [sflag:s12], $0x2700  }
0x280: {  	[sflag:s12] =	ssyncset.done $0x0  }
0x281: {  	s29 =	rddreg [dreg:$0xa];
	[sflag:s12] =	ssyncadd.s32 $0xFFFFD900  }
0x282: {  	[spmem:s0], [sflag:s23] =	dma.local [hbm:s29], $0x2700  }
0x283: {  	_ =	swait.ge [sflag:s12], $0x2700  }
0x284: {  	s5 =	sld [smem:$0x7EB]  }
0x285: {  	[sflag:s12] =	ssyncset.done $0x0  }
0x286: {  	[sflag:s12] =	ssyncadd.s32 $0xFFFFD900  }
0x287: {  	[spmem:s30], [sflag:s23] =	dma.local @!p1 [hbm:s5], $0x100  }
0x288: {  	_ =	swait.ge @!p1 [sflag:s3], $0x100  }
0x289: {  	s5 =	sld [smem:$0x7EC]  }
0x28a: {  	[sflag:s3] =	ssyncset.done @!p1 $0x0  }
0x28b: {  	[sflag:s3] =	ssyncadd.s32 @!p1 $0xFFFFFF00  }
0x28c: {  	[spmem:s24], [sflag:s23] =	dma.local @!p1 [hbm:s5], $0x100  }
0x28d: {  	_ =	swait.ge @!p1 [sflag:s3], $0x100  }
0x28e: {  	[sflag:s3] =	ssyncset.done @!p1 $0x0  }
0x28f: {  	[sflag:s3] =	ssyncadd.s32 @!p1 $0xFFFFFF00  }
0x290: {  	s6 =	simm.s32 $0x0;
	s5 =	simm.s32 $0x0;
	[bflag:$0x0] =	sbarrier.arrive $0xFFFF  }
.LBB2_11:
0x291: {  	s3 =	sshll.u32 s6, $0xC  }
0x292: {  	s3 =	sadd.s32 s11, s3  }
0x293: {  	s3 =	sshrl.u32 s3, $0x3  }
0x294: {  	s28 =	sadd.s32 s25, s3  }
0x295: {  	[tilespmem:s14], [sflag:$0x2] =	stream.linear.gather [hbm4b:s28+s5], $0x1000, $0x38;
	[tilespmem:$0x1D8A0] =	vst v63  }
0x296: {  	_ =	swait.ge [sflag:s12], $0x1000  }
0x297: {  	[sflag:s12] =	ssyncset.done $0x0  }
0x298: {  	s3 =	sadd.s32 s26, s3;
	[sflag:s12] =	ssyncadd.s32 $0xFFFFF000  }
0x299: {  	[tilespmem:s15], [sflag:$0x2] =	stream.linear.gather [hbm4b:s3+s5], $0x1000, $0x38;
	[tilespmem:$0x1D8A0] =	vst v63  }
0x29a: {  	_ =	swait.ge [sflag:s12], $0x1000  }
0x29b: {  	[sflag:s12] =	ssyncset.done $0x0  }
0x29c: {  	[sflag:s12] =	ssyncadd.s32 $0xFFFFF000  }
0x29d: {  	[tilespmem:s17], [sflag:$0x1] =	stream.indirect.gather [spmem:s1], $0x40, s14, s16, $0xb8;
	[tilespmem:$0x1D8A0] =	vst v63  }
0x29e: {  	_ = 	snop  }
0x29f: {  	[tilespmem:s19], [sflag:$0x1] =	stream.indirect.gather [spmem:s1], $0x40, s18, s16, $0xb8;
	[tilespmem:$0x1D8A0] =	vst v63  }
0x2a0: {  	_ =	swait.ge [sflag:s20], $0x2000  }
0x2a1: {  	[sflag:s20] =	ssyncset.done $0x0  }
0x2a2: {  	s3 =	simm.s32 $0x148A0;
	[sflag:s20] =	ssyncadd.s32 $0xFFFFE000  }
0x2a3: {  	[spmem:s2] =	stream.indirect.scatter.add.f32 [tilespmem:s17], [sflag:$0x2], $0x40, s3, s16, $0xb8;
	[tilespmem:$0x1D8A0] =	vst v63  }
0x2a4: {  	_ =	swait.ge [sflag:s12], $0x2000  }
0x2a5: {  	[sflag:s12] =	ssyncset.done $0x0  }
0x2a6: {  	s3 =	simm.s32 $0x139A0;
	[sflag:s12] =	ssyncadd.s32 $0xFFFFE000  }
0x2a7: {  	[tilespmem:s17], [sflag:$0x1] =	stream.indirect.gather [spmem:s1], $0x40, s3, s16, $0xb8;
	[tilespmem:$0x1D8A0] =	vst v63  }
0x2a8: {  	_ =	swait.ge [sflag:s20], $0x2000  }
0x2a9: {  	[sflag:s20] =	ssyncset.done $0x0  }
0x2aa: {  	s3 =	simm.s32 $0x14920;
	[sflag:s20] =	ssyncadd.s32 $0xFFFFE000  }
0x2ab: {  	[spmem:s2] =	stream.indirect.scatter.add.f32 [tilespmem:s19], [sflag:$0x2], $0x40, s3, s16, $0xb8;
	[tilespmem:$0x1D8A0] =	vst v63  }
0x2ac: {  	_ =	swait.ge [sflag:s12], $0x2000  }
0x2ad: {  	[sflag:s12] =	ssyncset.done $0x0  }
0x2ae: {  	s29 =	simm.s32 $0x13A20;
	s28 =	simm.s32 $0x400;
	[sflag:s12] =	ssyncadd.s32 $0xFFFFE000  }
.LBB2_12:
0x2af: {  	[tilespmem:s19], [sflag:$0x1] =	stream.indirect.gather [spmem:s1], $0x40, s29, s16, $0xb8;
	[tilespmem:$0x1D8A0] =	vst v63  }
0x2b0: {  	s3 =	smov.u32 s28  }
0x2b1: {  	p3 =	sne.s32 s28, $0x3800;
	s28 =	sadd.s32 $0x400, s28;
	_ =	swait.ge [sflag:s20], $0x2000  }
0x2b2: {  	s3 =	sshra.s32 s3, $0x2;
	[sflag:s20] =	ssyncset.done $0x0  }
0x2b3: {  	s29 =	sadd.s32 $0x148A0, s3;
	[sflag:s20] =	ssyncadd.s32 $0xFFFFE000  }
0x2b4: {  	[spmem:s2] =	stream.indirect.scatter.add.f32 [tilespmem:s17], [sflag:$0x2], $0x40, s29, s16, $0xb8;
	[tilespmem:$0x1D8A0] =	vst v63  }
0x2b5: {  	_ =	swait.ge [sflag:s12], $0x2000  }
0x2b6: {  	[sflag:s12] =	ssyncset.done $0x0  }
0x2b7: {  	s29 =	sadd.s32 $0x139A0, s3;
	[sflag:s12] =	ssyncadd.s32 $0xFFFFE000  }
0x2b8: {  	[tilespmem:s17], [sflag:$0x1] =	stream.indirect.gather [spmem:s1], $0x40, s29, s16, $0xb8;
	[tilespmem:$0x1D8A0] =	vst v63  }
0x2b9: {  	_ =	swait.ge [sflag:s20], $0x2000  }
0x2ba: {  	[sflag:s20] =	ssyncset.done $0x0  }
.Ltmp17:
0x2bb: {  	s29 =	sadd.s32 $0x14920, s3;
	[sflag:s20] =	ssyncadd.s32 $0xFFFFE000;
	(pc) =	sbr.rel @p3 .LBB2_12-.Ltmp17, $4  }
0x2bc: {  	[spmem:s2] =	stream.indirect.scatter.add.f32 [tilespmem:s19], [sflag:$0x2], $0x40, s29, s16, $0xb8;
	[tilespmem:$0x1D8A0] =	vst v63  }
0x2bd: {  	_ =	swait.ge [sflag:s12], $0x2000  }
0x2be: {  	[sflag:s12] =	ssyncset.done $0x0  }
0x2bf: {  	s29 =	sadd.s32 $0x13A20, s3;
	[sflag:s12] =	ssyncadd.s32 $0xFFFFE000  }
0x2c0: {  	[tilespmem:s19], [sflag:$0x1] =	stream.indirect.gather [spmem:s1], $0x40, s29, s16, $0xb8;
	[tilespmem:$0x1D8A0] =	vst v63  }
0x2c1: {  	_ =	swait.ge [sflag:s20], $0x2000  }
0x2c2: {  	[sflag:s20] =	ssyncset.done $0x0  }
0x2c3: {  	[sflag:s20] =	ssyncadd.s32 $0xFFFFE000  }
0x2c4: {  	[spmem:s2] =	stream.indirect.scatter.add.f32 [tilespmem:s17], [sflag:$0x2], $0x40, s21, s16, $0xb8;
	[tilespmem:$0x1D8A0] =	vst v63  }
0x2c5: {  	_ =	swait.ge [sflag:s12], $0x2000  }
0x2c6: {  	[sflag:s12] =	ssyncset.done $0x0  }
0x2c7: {  	[sflag:s12] =	ssyncadd.s32 $0xFFFFE000  }
0x2c8: {  	s6 =	sadd.s32 $0x1, s6;
	_ =	swait.ge [sflag:s20], $0x2000  }
0x2c9: {  	p3 =	sne.s32 s6, $0x5;
	[sflag:s20] =	ssyncset.done $0x0  }
.Ltmp18:
0x2ca: {  	[sflag:s20] =	ssyncadd.s32 $0xFFFFE000;
	(pc) =	sbr.rel @p3 .LBB2_11-.Ltmp18, $4  }
0x2cb: {  	[spmem:s2] =	stream.indirect.scatter.add.f32 [tilespmem:s19], [sflag:$0x2], $0x40, s22, s16, $0xb8;
	[tilespmem:$0x1D8A0] =	vst v63  }
0x2cc: {  	_ =	swait.ge [sflag:s12], $0x2000  }
0x2cd: {  	[sflag:s12] =	ssyncset.done $0x0  }
0x2ce: {  	[sflag:s12] =	ssyncadd.s32 $0xFFFFE000  }
0x2cf: {  	[bflag:$0x0] =	sbarrier.arrive $0xFFFF  }
0x2d0: {  	s3 =	rddreg [dreg:$0xb]  }
0x2d1: {  	[hbm:s3], [sflag:s23] =	dma.local [spmem:s0], $0x2700  }
0x2d2: {  	_ =	swait.ge [sflag:s12], $0x2700  }
0x2d3: {  	s3 =	sld [smem:$0x7ED]  }
0x2d4: {  	[sflag:s12] =	ssyncset.done $0x0  }
0x2d5: {  	[sflag:s12] =	ssyncadd.s32 $0xFFFFD900  }
0x2d6: {  	[hbm:s3], [sflag:s23] =	dma.local @!p1 [spmem:s24], $0x100  }
0x2d7: {  	s3 =	simm.s32 @!p1 $0x2  }
0x2d8: {  	_ =	swait.ge @!p1 [sflag:s3], $0x100  }
0x2d9: {  	[sflag:s3] =	ssyncset.done @!p1 $0x0  }
0x2da: {  	[sflag:s3] =	ssyncadd.s32 @!p1 $0xFFFFFF00  }
0x2db: {  	[bflag:$0x0] =	sbarrier.arrive $0xFFFF  }
0x2dc: {  	s5 =	rddreg [dreg:$0xc]  }
0x2dd: {  	[spmem:s31], [sflag:s23] =	dma.local [hbm:s5], $0x2700  }
0x2de: {  	_ =	swait.ge [sflag:s12], $0x2700  }
0x2df: {  	[sflag:s12] =	ssyncset.done $0x0  }
0x2e0: {  	s31 =	rddreg [dreg:$0xd];
	[sflag:s12] =	ssyncadd.s32 $0xFFFFD900  }
0x2e1: {  	[spmem:s0], [sflag:s23] =	dma.local [hbm:s31], $0x2700  }
0x2e2: {  	_ =	swait.ge [sflag:s12], $0x2700  }
0x2e3: {  	s5 =	sld [smem:$0x7EE]  }
0x2e4: {  	[sflag:s12] =	ssyncset.done $0x0  }
0x2e5: {  	[sflag:s12] =	ssyncadd.s32 $0xFFFFD900  }
0x2e6: {  	[spmem:s30], [sflag:s23] =	dma.local @!p1 [hbm:s5], $0x100  }
0x2e7: {  	_ =	swait.ge @!p1 [sflag:s3], $0x100  }
0x2e8: {  	s5 =	sld [smem:$0x7EF]  }
0x2e9: {  	[sflag:s3] =	ssyncset.done @!p1 $0x0  }
0x2ea: {  	[sflag:s3] =	ssyncadd.s32 @!p1 $0xFFFFFF00  }
0x2eb: {  	[spmem:s24], [sflag:s23] =	dma.local @!p1 [hbm:s5], $0x100  }
0x2ec: {  	_ =	swait.ge @!p1 [sflag:s3], $0x100  }
0x2ed: {  	[sflag:s3] =	ssyncset.done @!p1 $0x0  }
0x2ee: {  	[sflag:s3] =	ssyncadd.s32 @!p1 $0xFFFFFF00  }
0x2ef: {  	s6 =	simm.s32 $0x0;
	s5 =	simm.s32 $0x0;
	[bflag:$0x0] =	sbarrier.arrive $0xFFFF  }
.LBB2_15:
0x2f0: {  	s3 =	sshll.u32 s6, $0xC  }
0x2f1: {  	s3 =	sadd.s32 s11, s3  }
0x2f2: {  	s3 =	sshrl.u32 s3, $0x3  }
0x2f3: {  	s24 =	sadd.s32 s25, s3  }
0x2f4: {  	[tilespmem:s14], [sflag:$0x2] =	stream.linear.gather [hbm4b:s24+s5], $0x1000, $0x38;
	[tilespmem:$0x1D8A0] =	vst v63  }
0x2f5: {  	_ =	swait.ge [sflag:s12], $0x1000  }
0x2f6: {  	[sflag:s12] =	ssyncset.done $0x0  }
0x2f7: {  	s3 =	sadd.s32 s26, s3;
	[sflag:s12] =	ssyncadd.s32 $0xFFFFF000  }
0x2f8: {  	[tilespmem:s15], [sflag:$0x2] =	stream.linear.gather [hbm4b:s3+s5], $0x1000, $0x38;
	[tilespmem:$0x1D8A0] =	vst v63  }
0x2f9: {  	_ =	swait.ge [sflag:s12], $0x1000  }
0x2fa: {  	[sflag:s12] =	ssyncset.done $0x0  }
0x2fb: {  	[sflag:s12] =	ssyncadd.s32 $0xFFFFF000  }
0x2fc: {  	[tilespmem:s17], [sflag:$0x1] =	stream.indirect.gather [spmem:s1], $0x40, s14, s16, $0xb8;
	[tilespmem:$0x1D8A0] =	vst v63  }
0x2fd: {  	_ = 	snop  }
0x2fe: {  	[tilespmem:s19], [sflag:$0x1] =	stream.indirect.gather [spmem:s1], $0x40, s18, s16, $0xb8;
	[tilespmem:$0x1D8A0] =	vst v63  }
0x2ff: {  	_ =	swait.ge [sflag:s20], $0x2000  }
0x300: {  	[sflag:s20] =	ssyncset.done $0x0  }
0x301: {  	s29 =	simm.s32 $0x148A0;
	[sflag:s20] =	ssyncadd.s32 $0xFFFFE000  }
0x302: {  	[spmem:s2] =	stream.indirect.scatter.add.f32 [tilespmem:s17], [sflag:$0x2], $0x40, s29, s16, $0xb8;
	[tilespmem:$0x1D8A0] =	vst v63  }
0x303: {  	_ =	swait.ge [sflag:s12], $0x2000  }
0x304: {  	[sflag:s12] =	ssyncset.done $0x0  }
0x305: {  	s30 =	simm.s32 $0x139A0;
	[sflag:s12] =	ssyncadd.s32 $0xFFFFE000  }
0x306: {  	[tilespmem:s17], [sflag:$0x1] =	stream.indirect.gather [spmem:s1], $0x40, s30, s16, $0xb8;
	[tilespmem:$0x1D8A0] =	vst v63  }
0x307: {  	_ =	swait.ge [sflag:s20], $0x2000  }
0x308: {  	[sflag:s20] =	ssyncset.done $0x0  }
0x309: {  	s31 =	simm.s32 $0x14920;
	[sflag:s20] =	ssyncadd.s32 $0xFFFFE000  }
0x30a: {  	[spmem:s2] =	stream.indirect.scatter.add.f32 [tilespmem:s19], [sflag:$0x2], $0x40, s31, s16, $0xb8;
	[tilespmem:$0x1D8A0] =	vst v63  }
0x30b: {  	_ =	swait.ge [sflag:s12], $0x2000  }
0x30c: {  	[sflag:s12] =	ssyncset.done $0x0  }
0x30d: {  	s28 =	simm.s32 $0x13A20;
	s24 =	simm.s32 $0x400;
	[sflag:s12] =	ssyncadd.s32 $0xFFFFE000  }
.LBB2_16:
0x30e: {  	[tilespmem:s19], [sflag:$0x1] =	stream.indirect.gather [spmem:s1], $0x40, s28, s16, $0xb8;
	[tilespmem:$0x1D8A0] =	vst v63  }
0x30f: {  	s3 =	smov.u32 s24  }
0x310: {  	p3 =	sne.s32 s24, $0x3800;
	s24 =	sadd.s32 $0x400, s24;
	_ =	swait.ge [sflag:s20], $0x2000  }
0x311: {  	s3 =	sshra.s32 s3, $0x2;
	[sflag:s20] =	ssyncset.done $0x0  }
0x312: {  	s28 =	sadd.s32 $0x148A0, s3;
	[sflag:s20] =	ssyncadd.s32 $0xFFFFE000  }
0x313: {  	[spmem:s2] =	stream.indirect.scatter.add.f32 [tilespmem:s17], [sflag:$0x2], $0x40, s28, s16, $0xb8;
	[tilespmem:$0x1D8A0] =	vst v63  }
0x314: {  	_ =	swait.ge [sflag:s12], $0x2000  }
0x315: {  	[sflag:s12] =	ssyncset.done $0x0  }
0x316: {  	s28 =	sadd.s32 $0x139A0, s3;
	[sflag:s12] =	ssyncadd.s32 $0xFFFFE000  }
0x317: {  	[tilespmem:s17], [sflag:$0x1] =	stream.indirect.gather [spmem:s1], $0x40, s28, s16, $0xb8;
	[tilespmem:$0x1D8A0] =	vst v63  }
0x318: {  	_ =	swait.ge [sflag:s20], $0x2000  }
0x319: {  	[sflag:s20] =	ssyncset.done $0x0  }
.Ltmp19:
0x31a: {  	s28 =	sadd.s32 $0x14920, s3;
	[sflag:s20] =	ssyncadd.s32 $0xFFFFE000;
	(pc) =	sbr.rel @p3 .LBB2_16-.Ltmp19, $4  }
0x31b: {  	[spmem:s2] =	stream.indirect.scatter.add.f32 [tilespmem:s19], [sflag:$0x2], $0x40, s28, s16, $0xb8;
	[tilespmem:$0x1D8A0] =	vst v63  }
0x31c: {  	_ =	swait.ge [sflag:s12], $0x2000  }
0x31d: {  	[sflag:s12] =	ssyncset.done $0x0  }
0x31e: {  	s28 =	sadd.s32 $0x13A20, s3;
	[sflag:s12] =	ssyncadd.s32 $0xFFFFE000  }
0x31f: {  	[tilespmem:s19], [sflag:$0x1] =	stream.indirect.gather [spmem:s1], $0x40, s28, s16, $0xb8;
	[tilespmem:$0x1D8A0] =	vst v63  }
0x320: {  	_ =	swait.ge [sflag:s20], $0x2000  }
0x321: {  	[sflag:s20] =	ssyncset.done $0x0  }
0x322: {  	[sflag:s20] =	ssyncadd.s32 $0xFFFFE000  }
0x323: {  	[spmem:s2] =	stream.indirect.scatter.add.f32 [tilespmem:s17], [sflag:$0x2], $0x40, s21, s16, $0xb8;
	[tilespmem:$0x1D8A0] =	vst v63  }
0x324: {  	_ =	swait.ge [sflag:s12], $0x2000  }
0x325: {  	[sflag:s12] =	ssyncset.done $0x0  }
0x326: {  	[sflag:s12] =	ssyncadd.s32 $0xFFFFE000  }
0x327: {  	s6 =	sadd.s32 $0x1, s6;
	_ =	swait.ge [sflag:s20], $0x2000  }
0x328: {  	p3 =	sne.s32 s6, $0x5;
	[sflag:s20] =	ssyncset.done $0x0  }
.Ltmp20:
0x329: {  	[sflag:s20] =	ssyncadd.s32 $0xFFFFE000;
	(pc) =	sbr.rel @p3 .LBB2_15-.Ltmp20, $4  }
0x32a: {  	[spmem:s2] =	stream.indirect.scatter.add.f32 [tilespmem:s19], [sflag:$0x2], $0x40, s22, s16, $0xb8;
	[tilespmem:$0x1D8A0] =	vst v63  }
0x32b: {  	_ =	swait.ge [sflag:s12], $0x2000  }
0x32c: {  	[sflag:s12] =	ssyncset.done $0x0  }
0x32d: {  	[sflag:s12] =	ssyncadd.s32 $0xFFFFE000  }
0x32e: {  	[bflag:$0x0] =	sbarrier.arrive $0xFFFF  }
0x32f: {  	s3 =	sld [smem:$0x7FC];
	_ =	sdelay $0x2  }
0x330: {  	[hbm:s3], [sflag:s23] =	dma.local [spmem:s0], $0x2700  }
.Ltmp21:
0x331: {  	_ = 	snop;
	(pc) =	sbr.rel @!p2 .LBB2_37-.Ltmp21, $4  }
.Ltmp22:
0x332: {  	_ = 	snop;
	(pc) =	sbr.rel @p2 .LBB2_36-.Ltmp22, $4  }
0x333: {  	_ =	swait.ge [sflag:s12], $0x2700  }
0x334: {  	[sflag:s12] =	ssyncset.done $0x0  }
0x335: {  	s0 =	rddreg [dreg:$0x1a];
	[sflag:s12] =	ssyncadd.s32 $0xFFFFD900  }
0x336: {  	_ = 	snop  }
.LBB2_38:
0x337: {  	_ =	sfence.sel $0x180000  }
0x338: {  	[bflag:$0x0] =	sbarrier.arrive $0xFFFF  }
0x339: {  	_ =	strace $0x90000047  }
0x33a: {  	[bflag:$0x2] =	sbarrier.arrive $0xFFFF  }
0x33b: {  	s0 =	rddreg [dreg:$0x5]  }
0x33c: {  	s0 =	sadd.s32 @!p1 $0x100000, s0  }
0x33d: {  	[sflag:s0] =	ssyncadd.tile.s32 @!p1 $0x1;
	_ =	shalt  }
.Lfunc_end2:
_tile_overlayer_lowered:
.L_overlay_start_2:
0x33e: {  	(tag) =	ssettag $0x2  }
0x33f: {  	s0 =	rddreg [dreg:$0x0];
	s2 =	stileid.u32  }
0x340: {  	s1 =	rddreg [dreg:$0x1];
	p0 =	sne.s32 s2, $0x0  }
0x341: {  	s3 =	rddreg [dreg:$0x2];
	[bflag:$0x3] =	sbarrier.arrive $0xFFFF;
	s2 =	simm.s32 @!p0 $0x1C02  }
0x342: {  	[timem:s3], [sflag:s2] =	dma.local @!p0 [hbm:s0], s1  }
0x343: {  	s0 =	simm.s32 @!p0 $0x2  }
0x344: {  	_ =	swait.ge @!p0 [sflag:s0], s1  }
0x345: {  	s1 =	ssub.s32 @!p0 $0x0, s1;
	[sflag:s0] =	ssyncset.done @!p0 $0x0  }
0x346: {  	[sflag:s0] =	ssyncadd.s32 @!p0 s1  }
0x347: {  	[bflag:$0x3] =	sbarrier.arrive $0xFFFF  }
0x348: {  	_ =	shalt  }

</sc_bundles>
